<compile_context>
chip_gen: v7x
topology: tpu7x:2x2x1
jax: 0.10.2.dev20260603
libtpu: 0.0.44.dev20260713+nightly
codegen_flags: <defaults>
</compile_context>

<pallas_src>
import dataclasses
import functools

import jax
import jax.numpy as jnp
from jax import lax
from jax.experimental import pallas as pl
from jax.experimental.pallas import tpu as pltpu
from jax.experimental.pallas import tpu_sc as plsc

_N = 10000
_E = 160000
_NSUB = 16
_NCORE = 2
_CH = 128


def _matmul_halves(x, W, Rb):
    N, K = x.shape
    F2 = W.shape[1] // 2

    def body(x_ref, w_ref, o_ref):
        o_ref[0] = jnp.dot(x_ref[...], w_ref[...],
                           preferred_element_type=jnp.float32)

    return pl.pallas_call(
        body,
        grid=(2, N // Rb),
        in_specs=[pl.BlockSpec((Rb, K), lambda h, r: (r, 0)),
                  pl.BlockSpec((K, F2), lambda h, r: (0, h))],
        out_specs=pl.BlockSpec((1, Rb, F2), lambda h, r: (h, r, 0)),
        out_shape=jax.ShapeDtypeStruct((2, N, F2), jnp.float32),
    )(x, W)


def _relu_matmul(agg, b, W, Rb):
    _, N, K2 = agg.shape
    F = W.shape[1]

    def body(a_ref, b_ref, w_ref, o_ref):
        h0 = jnp.maximum(a_ref[0] + b_ref[0], 0.0)
        h1 = jnp.maximum(a_ref[1] + b_ref[1], 0.0)
        w = w_ref[...]
        o_ref[...] = (jnp.dot(h0, w[:K2], preferred_element_type=jnp.float32)
                      + jnp.dot(h1, w[K2:], preferred_element_type=jnp.float32))

    return pl.pallas_call(
        body,
        grid=(N // Rb,),
        in_specs=[pl.BlockSpec((2, Rb, K2), lambda r: (0, r, 0)),
                  pl.BlockSpec((2, 1, K2), lambda r: (0, 0, 0)),
                  pl.BlockSpec((2 * K2, F), lambda r: (0, 0))],
        out_specs=pl.BlockSpec((Rb, F), lambda r: (r, 0)),
        out_shape=jax.ShapeDtypeStruct((N, F), jnp.float32),
    )(agg, b.reshape(2, 1, K2), W)


def _combine_bias(parts, b, Rb):
    _, N, F = parts.shape

    def body(a_ref, b_ref, o_ref):
        o_ref[...] = a_ref[0] + a_ref[1] + b_ref[...]

    return pl.pallas_call(
        body,
        grid=(N // Rb,),
        in_specs=[pl.BlockSpec((2, Rb, F), lambda r: (0, r, 0)),
                  pl.BlockSpec((1, F), lambda r: (0, 0))],
        out_specs=pl.BlockSpec((Rb, F), lambda r: (r, 0)),
        out_shape=jax.ShapeDtypeStruct((N, F), jnp.float32),
    )(parts, b.reshape(1, F))


def _sc_spmm(sup, sw, dst, feature_split):
    n_sup_rows, F2 = sup.shape
    mesh = plsc.VectorSubcoreMesh(core_axis_name="c", subcore_axis_name="s")
    n_chunks = _E // _CH
    chunks_per_core = n_chunks // _NCORE
    rows_per_sub = 624
    tail_base = _NSUB * rows_per_sub
    tail_rows = _N - tail_base

    total = n_chunks if feature_split else chunks_per_core
    max_slots = (total + _NSUB - 1) // _NSUB
    pairs = (max_slots + 1) // 2

    cp = pltpu.CompilerParams()
    if "needs_layout_passes" in pltpu.CompilerParams.__dataclass_fields__:
        cp = dataclasses.replace(cp, needs_layout_passes=False)

    @functools.partial(
        pl.kernel,
        mesh=mesh,
        compiler_params=cp,
        out_type=jax.ShapeDtypeStruct((2, _N, F2), jnp.float32),
        scratch_types=[
            pltpu.VMEM((2 * _CH,), jnp.int32),
            pltpu.VMEM((_CH,), jnp.int32),
            pltpu.VMEM((_CH,), jnp.int32),
            pltpu.VMEM((_CH, F2), jnp.float32),
            pltpu.VMEM((2 * _CH,), jnp.int32),
            pltpu.VMEM((_CH,), jnp.int32),
            pltpu.VMEM((_CH,), jnp.int32),
            pltpu.VMEM((_CH, F2), jnp.float32),
            pltpu.VMEM((_CH, F2), jnp.float32),
            pltpu.VMEM_SHARED((_N, F2), jnp.float32),
            pltpu.SemaphoreType.DMA,
            pltpu.SemaphoreType.DMA,
            pltpu.SemaphoreType.DMA,
            pltpu.SemaphoreType.DMA,
            pltpu.SemaphoreType.DMA,
            pltpu.SemaphoreType.DMA,
        ],
    )
    def k(sup_hbm, sw_hbm, dst_hbm, out_hbm,
          sw_a, dst_a, dsts_a, rows_a, sw_b, dst_b, dsts_b, rows_b,
          zbuf, acc_sh, gsem_a, gsem_b, isem_a, isem_b, ssem_a, ssem_b):
        c = lax.axis_index("c")
        s = lax.axis_index("s")
        sets = ((sw_a, dst_a, dsts_a, rows_a, gsem_a, isem_a, ssem_a),
                (sw_b, dst_b, dsts_b, rows_b, gsem_b, isem_b, ssem_b))
        chunk0 = 0 if feature_split else c * chunks_per_core

        def in_range(slot):
            return s + slot * _NSUB < total

        def idx_copies(slot, st):
            sw_v, dst_v, dsts_v, rows_v, gsem, isem, ssem = st
            ci = chunk0 + s + slot * _NSUB
            sbase = pl.multiple_of(ci * (2 * _CH), 2 * _CH)
            ebase = pl.multiple_of(ci * _CH, _CH)
            return (pltpu.make_async_copy(sw_hbm.at[pl.ds(sbase, 2 * _CH)],
                                          sw_v, isem),
                    pltpu.make_async_copy(dst_hbm.at[pl.ds(ebase, _CH)],
                                          dst_v, isem))

        def idx_issue(slot, st):
            for cp in idx_copies(slot, st):
                cp.start()

        def scatter_copy(st):
            sw_v, dst_v, dsts_v, rows_v, gsem, isem, ssem = st
            return pltpu.make_async_copy(rows_v, acc_sh.at[dsts_v], ssem)

        def gather_issue(slot, st, drain):
            sw_v, dst_v, dsts_v, rows_v, gsem, isem, ssem = st

            if drain is not False:
                @pl.when(drain)
                def _():
                    scatter_copy(st).wait()

            for cp in idx_copies(slot, st):
                cp.wait()
            if feature_split:
                roff = c * _N

                @pl.loop(0, _CH, step=16)
                def _(i):
                    sw_v[pl.ds(i, 16)] = sw_v[pl.ds(i, 16)] + roff

            pltpu.make_async_copy(sup_hbm.at[sw_v.at[pl.ds(0, _CH)]],
                                  rows_v, gsem).start()

        def process(st):
            sw_v, dst_v, dsts_v, rows_v, gsem, isem, ssem = st
            pltpu.make_async_copy(sup_hbm.at[sw_v.at[pl.ds(0, _CH)]],
                                  rows_v, gsem).wait()

            @pl.loop(0, _CH, step=16)
            def _(g):
                dsts_v[pl.ds(g, 16)] = dst_v[pl.ds(g, 16)]
                wvec = plsc.bitcast(sw_v[pl.ds(_CH + g, 16)], jnp.float32)
                for j in range(16):
                    wj = wvec.at[jnp.full((16,), j, jnp.int32)].get(
                        mode="promise_in_bounds")

                    @pl.loop(0, F2, step=16)
                    def _(f):
                        rows_v[g + j, pl.ds(f, 16)] = (
                            rows_v[g + j, pl.ds(f, 16)] * wj)

            scatter_copy(st).start(add=True)

        @pl.when(in_range(0))
        def _():
            idx_issue(0, sets[0])

        @pl.when(in_range(1))
        def _():
            idx_issue(1, sets[1])

        @pl.loop(0, _CH)
        def _(r):
            @pl.loop(0, F2, step=16)
            def _(f):
                zbuf[r, pl.ds(f, 16)] = jnp.zeros((16,), jnp.float32)

        @pl.when(in_range(0))
        def _():
            gather_issue(0, sets[0], False)

        base_row = pl.multiple_of(s * rows_per_sub, 8)
        off = 0
        while off < rows_per_sub:
            sz = min(_CH, rows_per_sub - off)
            pltpu.sync_copy(zbuf.at[pl.ds(0, sz)],
                            acc_sh.at[pl.ds(base_row + off, sz)])
            off += sz

        @pl.when(s == _NSUB - 1)
        def _():
            pltpu.sync_copy(zbuf.at[pl.ds(0, tail_rows)],
                            acc_sh.at[pl.ds(tail_base, tail_rows)])

        plsc.subcore_barrier()

        @pl.loop(0, pairs)
        def _(kk):
            for p in (0, 1):
                slot = 2 * kk + p

                @pl.when(in_range(slot + 1))
                def _():
                    gather_issue(slot + 1, sets[1 - p], slot + 1 >= 2)

                @pl.when(in_range(slot))
                def _():
                    process(sets[p])

                @pl.when(in_range(slot + 2))
                def _():
                    idx_issue(slot + 2, sets[p])

        for q in (0, 1):
            @pl.when(in_range(q))
            def _():
                scatter_copy(sets[q]).wait()

        plsc.subcore_barrier()
        pltpu.sync_copy(acc_sh.at[pl.ds(base_row, rows_per_sub)],
                        out_hbm.at[c].at[pl.ds(base_row, rows_per_sub)])

        @pl.when(s == _NSUB - 1)
        def _():
            pltpu.sync_copy(acc_sh.at[pl.ds(tail_base, tail_rows)],
                            out_hbm.at[c].at[pl.ds(tail_base, tail_rows)])

    return k(sup, sw, dst)


def kernel(x, edge_index, edge_weight, W1, b1, W2, b2):
    src = edge_index[0]
    dst = edge_index[1]
    n_chunks = _E // _CH
    w_i32 = jax.lax.bitcast_convert_type(edge_weight, jnp.int32)
    sw = jnp.concatenate([src.reshape(n_chunks, _CH),
                          w_i32.reshape(n_chunks, _CH)], axis=1).reshape(-1)
    sup1 = _matmul_halves(x, W1, 1000)
    agg1 = _sc_spmm(sup1.reshape(2 * _N, 128), sw, dst,
                    feature_split=True)
    sup2 = _relu_matmul(agg1, b1, W2, 1000)
    agg2 = _sc_spmm(sup2, sw, dst,
                    feature_split=False)
    logits = _combine_bias(agg2, b2, 1000)
    return (logits, logits)

# --- scband reference (transcript-rebuilt; emitter-appended) ---
"""Pipeline reference for scband-fed-gcn-38817914421906 (READ-ONLY COPY).

The authoritative reference and input builder live on the scoring server;
editing this copy changes nothing except your own understanding.
"""

import jax, jax.numpy as jnp
import numpy as np

N, E, F_IN, F_HID, F_OUT = 10000, 160000, 256, 256, 128


def setup_inputs(seed: int = 0) -> dict:
    key = jax.random.key(seed)
    ks = jax.random.split(key, 8)
    x = jax.random.normal(ks[0], (N, F_IN), dtype=jnp.float32)
    edge_index = jax.random.randint(ks[1], (2, E), 0, N, dtype=jnp.int32)
    edge_weight = jax.random.uniform(ks[2], (E,), dtype=jnp.float32)
    # GraphConvolution params, init like torch reset_parameters: uniform(-stdv, stdv), bias zeros
    stdv1 = 1.0 / (F_HID ** 0.5)
    W1 = jax.random.uniform(ks[3], (F_IN, F_HID), minval=-stdv1, maxval=stdv1, dtype=jnp.float32)
    b1 = jnp.zeros((F_HID,), dtype=jnp.float32)
    stdv2 = 1.0 / (F_OUT ** 0.5)
    W2 = jax.random.uniform(ks[4], (F_HID, F_OUT), minval=-stdv2, maxval=stdv2, dtype=jnp.float32)
    b2 = jnp.zeros((F_OUT,), dtype=jnp.float32)
    return {"x": x, "edge_index": edge_index, "edge_weight": edge_weight,
            "W1": W1, "b1": b1, "W2": W2, "b2": b2}


def _gcn_layer(x, src, dst, edge_weight, W, b, n_nodes):
    # support = x @ W ; output = spmm(adj, support) + b
    support = x @ W
    msg = support[src] * edge_weight[:, None]
    out = jax.ops.segment_sum(msg, dst, num_segments=n_nodes)
    return out + b


def reference(x, edge_index, edge_weight, W1, b1, W2, b2):
    # FedGCN.forward with nlayer=2, eval mode (dropout is identity).
    src = edge_index[0]
    dst = edge_index[1]
    h = _gcn_layer(x, src, dst, edge_weight, W1, b1, N)
    h = jax.nn.relu(h)
    logits = _gcn_layer(h, src, dst, edge_weight, W2, b2, N)
    return (logits, logits)

if __name__ == "__main__":
    import jax
    _d = setup_inputs()
    print(jax.jit(kernel)(*tuple(_d.values())))

</pallas_src>

<mosaic_0001>
#map = affine_map<(d0, d1) -> (0, 0)>
#map1 = affine_map<(d0, d1) -> (0)>
#map2 = affine_map<(d0, d1) -> (0, 0, 0)>
module attributes {stable_mosaic.version = 14 : i64} {
  func.func @k(%arg0: i32, %arg1: i32, %arg2: memref<10000x128xf32, #tpu.memory_space<hbm>>, %arg3: memref<320000xi32, #tpu.memory_space<hbm>>, %arg4: memref<160000xi32, #tpu.memory_space<hbm>>, %arg5: memref<2x10000x128xf32, #tpu.memory_space<hbm>>, %arg6: memref<256xi32, #tpu.memory_space<vmem>>, %arg7: memref<128xi32, #tpu.memory_space<vmem>>, %arg8: memref<128xi32, #tpu.memory_space<vmem>>, %arg9: memref<128x128xf32, #tpu.memory_space<vmem>>, %arg10: memref<256xi32, #tpu.memory_space<vmem>>, %arg11: memref<128xi32, #tpu.memory_space<vmem>>, %arg12: memref<128xi32, #tpu.memory_space<vmem>>, %arg13: memref<128x128xf32, #tpu.memory_space<vmem>>, %arg14: memref<128x128xf32, #tpu.memory_space<vmem>>, %arg15: memref<10000x128xf32, #tpu.memory_space<vmem_shared>>, %arg16: memref<!tpu.dma_semaphore, #tpu.memory_space<semaphore_mem>>, %arg17: memref<!tpu.dma_semaphore, #tpu.memory_space<semaphore_mem>>, %arg18: memref<!tpu.dma_semaphore, #tpu.memory_space<semaphore_mem>>, %arg19: memref<!tpu.dma_semaphore, #tpu.memory_space<semaphore_mem>>, %arg20: memref<!tpu.dma_semaphore, #tpu.memory_space<semaphore_mem>>, %arg21: memref<!tpu.dma_semaphore, #tpu.memory_space<semaphore_mem>>) attributes {dimension_semantics = [#tpu.dimension_semantics<core_parallel>, #tpu.dimension_semantics<subcore_parallel>], iteration_bounds = array<i64: 2, 16>, scalar_prefetch = 0 : i64, scratch_operands = 16 : i64, tpu.core_type = #tpu.core_type<sc_vector_subcore>, window_params = [{transform_indices = #map}, {transform_indices = #map1}, {transform_indices = #map1}, {transform_indices = #map2}]} {
    %mul3A = arith.constant 625 : i32
    %mul3A_0 = arith.muli %arg0, %mul3A : i32
    %add3A = arith.constant 0 : i32
    %add3A_1 = arith.addi %arg1, %add3A : i32
    %lt3A = arith.constant 625 : i32
    %lt3A_2 = arith.cmpi slt, %add3A_1, %lt3A : i32
    %convert_element_type3A = arith.extui %lt3A_2 : i1 to i32
    %cond3A = arith.constant 0 : i32
    %cond3A_3 = arith.cmpi ne, %convert_element_type3A, %cond3A : i32
    scf.if %cond3A_3 {
      %add3A_63 = arith.addi %mul3A_0, %arg1 : i32
      %add3A_64 = arith.constant 0 : i32
      %add3A_65 = arith.addi %add3A_63, %add3A_64 : i32
      %mul3A_66 = arith.constant 256 : i32
      %mul3A_67 = arith.muli %add3A_65, %mul3A_66 : i32
      %multiple_of3A_68 = tpu.assume_multiple %mul3A_67, 256 : i32
      %mul3A_69 = arith.constant 128 : i32
      %mul3A_70 = arith.muli %add3A_65, %mul3A_69 : i32
      %multiple_of3A_71 = tpu.assume_multiple %mul3A_70, 128 : i32
      %dma_start3A = tpu.memref_slice %arg3[%multiple_of3A_68] : memref<320000xi32, #tpu.memory_space<hbm>> -> memref<256xi32, #tpu.memory_space<hbm>>
      %dma_start3A_72 = tpu.memref_slice %arg3[%multiple_of3A_68] : memref<320000xi32, #tpu.memory_space<hbm>> -> memref<256xi32, #tpu.memory_space<hbm>>
      tpu.enqueue_dma source(%dma_start3A_72 : memref<256xi32, #tpu.memory_space<hbm>>) target(%arg6 : memref<256xi32, #tpu.memory_space<vmem>>) target_semaphore(%arg18 : memref<!tpu.dma_semaphore, #tpu.memory_space<semaphore_mem>>)
      %dma_start3A_73 = tpu.memref_slice %arg4[%multiple_of3A_71] : memref<160000xi32, #tpu.memory_space<hbm>> -> memref<128xi32, #tpu.memory_space<hbm>>
      %dma_start3A_74 = tpu.memref_slice %arg4[%multiple_of3A_71] : memref<160000xi32, #tpu.memory_space<hbm>> -> memref<128xi32, #tpu.memory_space<hbm>>
      tpu.enqueue_dma source(%dma_start3A_74 : memref<128xi32, #tpu.memory_space<hbm>>) target(%arg7 : memref<128xi32, #tpu.memory_space<vmem>>) target_semaphore(%arg18 : memref<!tpu.dma_semaphore, #tpu.memory_space<semaphore_mem>>)
    } else {
    }
    %add3A_4 = arith.constant 16 : i32
    %add3A_5 = arith.addi %arg1, %add3A_4 : i32
    %lt3A_6 = arith.constant 625 : i32
    %lt3A_7 = arith.cmpi slt, %add3A_5, %lt3A_6 : i32
    %convert_element_type3A_8 = arith.extui %lt3A_7 : i1 to i32
    %cond3A_9 = arith.constant 0 : i32
    %cond3A_10 = arith.cmpi ne, %convert_element_type3A_8, %cond3A_9 : i32
    scf.if %cond3A_10 {
      %add3A_63 = arith.addi %mul3A_0, %arg1 : i32
      %add3A_64 = arith.constant 16 : i32
      %add3A_65 = arith.addi %add3A_63, %add3A_64 : i32
      %mul3A_66 = arith.constant 256 : i32
      %mul3A_67 = arith.muli %add3A_65, %mul3A_66 : i32
      %multiple_of3A_68 = tpu.assume_multiple %mul3A_67, 256 : i32
      %mul3A_69 = arith.constant 128 : i32
      %mul3A_70 = arith.muli %add3A_65, %mul3A_69 : i32
      %multiple_of3A_71 = tpu.assume_multiple %mul3A_70, 128 : i32
      %dma_start3A = tpu.memref_slice %arg3[%multiple_of3A_68] : memref<320000xi32, #tpu.memory_space<hbm>> -> memref<256xi32, #tpu.memory_space<hbm>>
      %dma_start3A_72 = tpu.memref_slice %arg3[%multiple_of3A_68] : memref<320000xi32, #tpu.memory_space<hbm>> -> memref<256xi32, #tpu.memory_space<hbm>>
      tpu.enqueue_dma source(%dma_start3A_72 : memref<256xi32, #tpu.memory_space<hbm>>) target(%arg10 : memref<256xi32, #tpu.memory_space<vmem>>) target_semaphore(%arg19 : memref<!tpu.dma_semaphore, #tpu.memory_space<semaphore_mem>>)
      %dma_start3A_73 = tpu.memref_slice %arg4[%multiple_of3A_71] : memref<160000xi32, #tpu.memory_space<hbm>> -> memref<128xi32, #tpu.memory_space<hbm>>
      %dma_start3A_74 = tpu.memref_slice %arg4[%multiple_of3A_71] : memref<160000xi32, #tpu.memory_space<hbm>> -> memref<128xi32, #tpu.memory_space<hbm>>
      tpu.enqueue_dma source(%dma_start3A_74 : memref<128xi32, #tpu.memory_space<hbm>>) target(%arg11 : memref<128xi32, #tpu.memory_space<vmem>>) target_semaphore(%arg19 : memref<!tpu.dma_semaphore, #tpu.memory_space<semaphore_mem>>)
    } else {
    }
    %scan3A = arith.constant 0 : i32
    %scan3A_11 = arith.constant 128 : i32
    %scan3A_12 = arith.addi %scan3A, %scan3A_11 : i32
    %scan3A_13 = arith.constant 1 : i32
    scf.for %scan3A_63 = %scan3A to %scan3A_12 step %scan3A_13  : i32 {
      %mul3A_64 = arith.constant 1 : i32
      %mul3A_65 = arith.muli %scan3A_63, %mul3A_64 : i32
      %add3A_66 = arith.constant 0 : i32
      %add3A_67 = arith.addi %add3A_66, %mul3A_65 : i32
      %scan3A_68 = arith.constant 0 : i32
      %scan3A_69 = arith.constant 8 : i32
      %scan3A_70 = arith.addi %scan3A_68, %scan3A_69 : i32
      %scan3A_71 = arith.constant 1 : i32
      scf.for %scan3A_73 = %scan3A_68 to %scan3A_70 step %scan3A_71  : i32 {
        %mul3A_74 = arith.constant 16 : i32
        %mul3A_75 = arith.muli %scan3A_73, %mul3A_74 : i32
        %add3A_76 = arith.constant 0 : i32
        %add3A_77 = arith.addi %add3A_76, %mul3A_75 : i32
        %broadcast_in_dim3A = arith.constant 0.000000e+00 : f32
        %broadcast_in_dim3A_78 = vector.broadcast %broadcast_in_dim3A : f32 to vector<16xf32>
        %swap3A = arith.index_cast %add3A_67 : i32 to index
        %swap3A_79 = arith.index_cast %add3A_77 : i32 to index
        %swap3A_80 = tpu.vector_load %arg14[%swap3A, %swap3A_79] {strides = array<i32>} : memref<128x128xf32, #tpu.memory_space<vmem>>, vector<16xf32>,
        tpu.vector_store %arg14[%swap3A, %swap3A_79], %broadcast_in_dim3A_78 {strides = array<i32>} : memref<128x128xf32, #tpu.memory_space<vmem>>, vector<16xf32>,
      }
      %scan3A_72 = arith.constant 8 : i32
    }
    %scan3A_14 = arith.constant 128 : i32
    %add3A_15 = arith.constant 0 : i32
    %add3A_16 = arith.addi %arg1, %add3A_15 : i32
    %lt3A_17 = arith.constant 625 : i32
    %lt3A_18 = arith.cmpi slt, %add3A_16, %lt3A_17 : i32
    %convert_element_type3A_19 = arith.extui %lt3A_18 : i1 to i32
    %cond3A_20 = arith.constant 0 : i32
    %cond3A_21 = arith.cmpi ne, %convert_element_type3A_19, %cond3A_20 : i32
    scf.if %cond3A_21 {
      %add3A_63 = arith.addi %mul3A_0, %arg1 : i32
      %add3A_64 = arith.constant 0 : i32
      %add3A_65 = arith.addi %add3A_63, %add3A_64 : i32
      %mul3A_66 = arith.constant 256 : i32
      %mul3A_67 = arith.muli %add3A_65, %mul3A_66 : i32
      %multiple_of3A_68 = tpu.assume_multiple %mul3A_67, 256 : i32
      %mul3A_69 = arith.constant 128 : i32
      %mul3A_70 = arith.muli %add3A_65, %mul3A_69 : i32
      %multiple_of3A_71 = tpu.assume_multiple %mul3A_70, 128 : i32
      %dma_wait3A = tpu.memref_slice %arg3[%multiple_of3A_68] : memref<320000xi32, #tpu.memory_space<hbm>> -> memref<256xi32, #tpu.memory_space<hbm>>
      %dma_wait3A_72 = tpu.memref_slice %arg3[%multiple_of3A_68] : memref<320000xi32, #tpu.memory_space<hbm>> -> memref<256xi32, #tpu.memory_space<hbm>>
      tpu.wait_dma2 semaphore(%arg18 : memref<!tpu.dma_semaphore, #tpu.memory_space<semaphore_mem>>) src(%dma_wait3A_72 : memref<256xi32, #tpu.memory_space<hbm>>) dst(%arg6 : memref<256xi32, #tpu.memory_space<vmem>>)
      %dma_wait3A_73 = tpu.memref_slice %arg4[%multiple_of3A_71] : memref<160000xi32, #tpu.memory_space<hbm>> -> memref<128xi32, #tpu.memory_space<hbm>>
      %dma_wait3A_74 = tpu.memref_slice %arg4[%multiple_of3A_71] : memref<160000xi32, #tpu.memory_space<hbm>> -> memref<128xi32, #tpu.memory_space<hbm>>
      tpu.wait_dma2 semaphore(%arg18 : memref<!tpu.dma_semaphore, #tpu.memory_space<semaphore_mem>>) src(%dma_wait3A_74 : memref<128xi32, #tpu.memory_space<hbm>>) dst(%arg7 : memref<128xi32, #tpu.memory_space<vmem>>)
      %dma_start3A = arith.constant 0 : i32
      %dma_start3A_75 = tpu.memref_slice %arg6[%dma_start3A] : memref<256xi32, #tpu.memory_space<vmem>> -> memref<128xi32, #tpu.memory_space<vmem>>
      %dma_start3A_76 = arith.constant 0 : i32
      %dma_start3A_77 = arith.constant 0 : i32
      %dma_start3A_78 = tpu.memref_slice %arg2[%dma_start3A_76, %dma_start3A_77] : memref<10000x128xf32, #tpu.memory_space<hbm>> -> memref<10000x128xf32, #tpu.memory_space<hbm>>
      tpu.enqueue_indirect_dma source(%dma_start3A_78 : memref<10000x128xf32, #tpu.memory_space<hbm>>) target(%arg9 : memref<128x128xf32, #tpu.memory_space<vmem>>) offsets(%dma_start3A_75 : memref<128xi32, #tpu.memory_space<vmem>>) semaphore(%arg16 : memref<!tpu.dma_semaphore, #tpu.memory_space<semaphore_mem>>)
    } else {
    }
    %mul3A_22 = arith.constant 624 : i32
    %mul3A_23 = arith.muli %arg1, %mul3A_22 : i32
    %multiple_of3A = tpu.assume_multiple %mul3A_23, 8 : i32
    %add3A_24 = arith.constant 0 : i32
    %add3A_25 = arith.addi %multiple_of3A, %add3A_24 : i32
    "tpu.region"() ({
      %run_scoped3A = tpu.sem_alloc : memref<!tpu.dma_semaphore, #tpu.memory_space<semaphore_mem>>
      %dma_start3A = arith.constant 0 : i32
      %dma_start3A_63 = arith.constant 0 : i32
      %dma_start3A_64 = tpu.memref_slice %arg14[%dma_start3A, %dma_start3A_63] : memref<128x128xf32, #tpu.memory_space<vmem>> -> memref<128x128xf32, #tpu.memory_space<vmem>>
      %dma_start3A_65 = arith.constant 0 : i32
      %dma_start3A_66 = tpu.memref_slice %arg15[%add3A_25, %dma_start3A_65] : memref<10000x128xf32, #tpu.memory_space<vmem_shared>> -> memref<128x128xf32, #tpu.memory_space<vmem_shared>>
      %dma_start3A_67 = arith.constant 0 : i32
      %dma_start3A_68 = tpu.memref_slice %arg15[%add3A_25, %dma_start3A_67] : memref<10000x128xf32, #tpu.memory_space<vmem_shared>> -> memref<128x128xf32, #tpu.memory_space<vmem_shared>>
      %dma_start3A_69 = arith.constant 0 : i32
      %dma_start3A_70 = arith.constant 0 : i32
      %dma_start3A_71 = tpu.memref_slice %arg14[%dma_start3A_69, %dma_start3A_70] : memref<128x128xf32, #tpu.memory_space<vmem>> -> memref<128x128xf32, #tpu.memory_space<vmem>>
      tpu.enqueue_dma source(%dma_start3A_71 : memref<128x128xf32, #tpu.memory_space<vmem>>) target(%dma_start3A_68 : memref<128x128xf32, #tpu.memory_space<vmem_shared>>) target_semaphore(%run_scoped3A : memref<!tpu.dma_semaphore, #tpu.memory_space<semaphore_mem>>)
      %dma_wait3A = arith.constant 0 : i32
      %dma_wait3A_72 = arith.constant 0 : i32
      %dma_wait3A_73 = tpu.memref_slice %arg14[%dma_wait3A, %dma_wait3A_72] : memref<128x128xf32, #tpu.memory_space<vmem>> -> memref<128x128xf32, #tpu.memory_space<vmem>>
      %dma_wait3A_74 = arith.constant 0 : i32
      %dma_wait3A_75 = tpu.memref_slice %arg15[%add3A_25, %dma_wait3A_74] : memref<10000x128xf32, #tpu.memory_space<vmem_shared>> -> memref<128x128xf32, #tpu.memory_space<vmem_shared>>
      %dma_wait3A_76 = arith.constant 0 : i32
      %dma_wait3A_77 = tpu.memref_slice %arg15[%add3A_25, %dma_wait3A_76] : memref<10000x128xf32, #tpu.memory_space<vmem_shared>> -> memref<128x128xf32, #tpu.memory_space<vmem_shared>>
      %dma_wait3A_78 = arith.constant 0 : i32
      %dma_wait3A_79 = arith.constant 0 : i32
      %dma_wait3A_80 = tpu.memref_slice %arg14[%dma_wait3A_78, %dma_wait3A_79] : memref<128x128xf32, #tpu.memory_space<vmem>> -> memref<128x128xf32, #tpu.memory_space<vmem>>
      tpu.wait_dma2 semaphore(%run_scoped3A : memref<!tpu.dma_semaphore, #tpu.memory_space<semaphore_mem>>) src(%dma_wait3A_80 : memref<128x128xf32, #tpu.memory_space<vmem>>) dst(%dma_wait3A_77 : memref<128x128xf32, #tpu.memory_space<vmem_shared>>)
      tpu.yield
    }) : () -> ()
    %add3A_26 = arith.constant 128 : i32
    %add3A_27 = arith.addi %multiple_of3A, %add3A_26 : i32
    "tpu.region"() ({
      %run_scoped3A = tpu.sem_alloc : memref<!tpu.dma_semaphore, #tpu.memory_space<semaphore_mem>>
      %dma_start3A = arith.constant 0 : i32
      %dma_start3A_63 = arith.constant 0 : i32
      %dma_start3A_64 = tpu.memref_slice %arg14[%dma_start3A, %dma_start3A_63] : memref<128x128xf32, #tpu.memory_space<vmem>> -> memref<128x128xf32, #tpu.memory_space<vmem>>
      %dma_start3A_65 = arith.constant 0 : i32
      %dma_start3A_66 = tpu.memref_slice %arg15[%add3A_27, %dma_start3A_65] : memref<10000x128xf32, #tpu.memory_space<vmem_shared>> -> memref<128x128xf32, #tpu.memory_space<vmem_shared>>
      %dma_start3A_67 = arith.constant 0 : i32
      %dma_start3A_68 = tpu.memref_slice %arg15[%add3A_27, %dma_start3A_67] : memref<10000x128xf32, #tpu.memory_space<vmem_shared>> -> memref<128x128xf32, #tpu.memory_space<vmem_shared>>
      %dma_start3A_69 = arith.constant 0 : i32
      %dma_start3A_70 = arith.constant 0 : i32
      %dma_start3A_71 = tpu.memref_slice %arg14[%dma_start3A_69, %dma_start3A_70] : memref<128x128xf32, #tpu.memory_space<vmem>> -> memref<128x128xf32, #tpu.memory_space<vmem>>
      tpu.enqueue_dma source(%dma_start3A_71 : memref<128x128xf32, #tpu.memory_space<vmem>>) target(%dma_start3A_68 : memref<128x128xf32, #tpu.memory_space<vmem_shared>>) target_semaphore(%run_scoped3A : memref<!tpu.dma_semaphore, #tpu.memory_space<semaphore_mem>>)
      %dma_wait3A = arith.constant 0 : i32
      %dma_wait3A_72 = arith.constant 0 : i32
      %dma_wait3A_73 = tpu.memref_slice %arg14[%dma_wait3A, %dma_wait3A_72] : memref<128x128xf32, #tpu.memory_space<vmem>> -> memref<128x128xf32, #tpu.memory_space<vmem>>
      %dma_wait3A_74 = arith.constant 0 : i32
      %dma_wait3A_75 = tpu.memref_slice %arg15[%add3A_27, %dma_wait3A_74] : memref<10000x128xf32, #tpu.memory_space<vmem_shared>> -> memref<128x128xf32, #tpu.memory_space<vmem_shared>>
      %dma_wait3A_76 = arith.constant 0 : i32
      %dma_wait3A_77 = tpu.memref_slice %arg15[%add3A_27, %dma_wait3A_76] : memref<10000x128xf32, #tpu.memory_space<vmem_shared>> -> memref<128x128xf32, #tpu.memory_space<vmem_shared>>
      %dma_wait3A_78 = arith.constant 0 : i32
      %dma_wait3A_79 = arith.constant 0 : i32
      %dma_wait3A_80 = tpu.memref_slice %arg14[%dma_wait3A_78, %dma_wait3A_79] : memref<128x128xf32, #tpu.memory_space<vmem>> -> memref<128x128xf32, #tpu.memory_space<vmem>>
      tpu.wait_dma2 semaphore(%run_scoped3A : memref<!tpu.dma_semaphore, #tpu.memory_space<semaphore_mem>>) src(%dma_wait3A_80 : memref<128x128xf32, #tpu.memory_space<vmem>>) dst(%dma_wait3A_77 : memref<128x128xf32, #tpu.memory_space<vmem_shared>>)
      tpu.yield
    }) : () -> ()
    %add3A_28 = arith.constant 256 : i32
    %add3A_29 = arith.addi %multiple_of3A, %add3A_28 : i32
    "tpu.region"() ({
      %run_scoped3A = tpu.sem_alloc : memref<!tpu.dma_semaphore, #tpu.memory_space<semaphore_mem>>
      %dma_start3A = arith.constant 0 : i32
      %dma_start3A_63 = arith.constant 0 : i32
      %dma_start3A_64 = tpu.memref_slice %arg14[%dma_start3A, %dma_start3A_63] : memref<128x128xf32, #tpu.memory_space<vmem>> -> memref<128x128xf32, #tpu.memory_space<vmem>>
      %dma_start3A_65 = arith.constant 0 : i32
      %dma_start3A_66 = tpu.memref_slice %arg15[%add3A_29, %dma_start3A_65] : memref<10000x128xf32, #tpu.memory_space<vmem_shared>> -> memref<128x128xf32, #tpu.memory_space<vmem_shared>>
      %dma_start3A_67 = arith.constant 0 : i32
      %dma_start3A_68 = tpu.memref_slice %arg15[%add3A_29, %dma_start3A_67] : memref<10000x128xf32, #tpu.memory_space<vmem_shared>> -> memref<128x128xf32, #tpu.memory_space<vmem_shared>>
      %dma_start3A_69 = arith.constant 0 : i32
      %dma_start3A_70 = arith.constant 0 : i32
      %dma_start3A_71 = tpu.memref_slice %arg14[%dma_start3A_69, %dma_start3A_70] : memref<128x128xf32, #tpu.memory_space<vmem>> -> memref<128x128xf32, #tpu.memory_space<vmem>>
      tpu.enqueue_dma source(%dma_start3A_71 : memref<128x128xf32, #tpu.memory_space<vmem>>) target(%dma_start3A_68 : memref<128x128xf32, #tpu.memory_space<vmem_shared>>) target_semaphore(%run_scoped3A : memref<!tpu.dma_semaphore, #tpu.memory_space<semaphore_mem>>)
      %dma_wait3A = arith.constant 0 : i32
      %dma_wait3A_72 = arith.constant 0 : i32
      %dma_wait3A_73 = tpu.memref_slice %arg14[%dma_wait3A, %dma_wait3A_72] : memref<128x128xf32, #tpu.memory_space<vmem>> -> memref<128x128xf32, #tpu.memory_space<vmem>>
      %dma_wait3A_74 = arith.constant 0 : i32
      %dma_wait3A_75 = tpu.memref_slice %arg15[%add3A_29, %dma_wait3A_74] : memref<10000x128xf32, #tpu.memory_space<vmem_shared>> -> memref<128x128xf32, #tpu.memory_space<vmem_shared>>
      %dma_wait3A_76 = arith.constant 0 : i32
      %dma_wait3A_77 = tpu.memref_slice %arg15[%add3A_29, %dma_wait3A_76] : memref<10000x128xf32, #tpu.memory_space<vmem_shared>> -> memref<128x128xf32, #tpu.memory_space<vmem_shared>>
      %dma_wait3A_78 = arith.constant 0 : i32
      %dma_wait3A_79 = arith.constant 0 : i32
      %dma_wait3A_80 = tpu.memref_slice %arg14[%dma_wait3A_78, %dma_wait3A_79] : memref<128x128xf32, #tpu.memory_space<vmem>> -> memref<128x128xf32, #tpu.memory_space<vmem>>
      tpu.wait_dma2 semaphore(%run_scoped3A : memref<!tpu.dma_semaphore, #tpu.memory_space<semaphore_mem>>) src(%dma_wait3A_80 : memref<128x128xf32, #tpu.memory_space<vmem>>) dst(%dma_wait3A_77 : memref<128x128xf32, #tpu.memory_space<vmem_shared>>)
      tpu.yield
    }) : () -> ()
    %add3A_30 = arith.constant 384 : i32
    %add3A_31 = arith.addi %multiple_of3A, %add3A_30 : i32
    "tpu.region"() ({
      %run_scoped3A = tpu.sem_alloc : memref<!tpu.dma_semaphore, #tpu.memory_space<semaphore_mem>>
      %dma_start3A = arith.constant 0 : i32
      %dma_start3A_63 = arith.constant 0 : i32
      %dma_start3A_64 = tpu.memref_slice %arg14[%dma_start3A, %dma_start3A_63] : memref<128x128xf32, #tpu.memory_space<vmem>> -> memref<128x128xf32, #tpu.memory_space<vmem>>
      %dma_start3A_65 = arith.constant 0 : i32
      %dma_start3A_66 = tpu.memref_slice %arg15[%add3A_31, %dma_start3A_65] : memref<10000x128xf32, #tpu.memory_space<vmem_shared>> -> memref<128x128xf32, #tpu.memory_space<vmem_shared>>
      %dma_start3A_67 = arith.constant 0 : i32
      %dma_start3A_68 = tpu.memref_slice %arg15[%add3A_31, %dma_start3A_67] : memref<10000x128xf32, #tpu.memory_space<vmem_shared>> -> memref<128x128xf32, #tpu.memory_space<vmem_shared>>
      %dma_start3A_69 = arith.constant 0 : i32
      %dma_start3A_70 = arith.constant 0 : i32
      %dma_start3A_71 = tpu.memref_slice %arg14[%dma_start3A_69, %dma_start3A_70] : memref<128x128xf32, #tpu.memory_space<vmem>> -> memref<128x128xf32, #tpu.memory_space<vmem>>
      tpu.enqueue_dma source(%dma_start3A_71 : memref<128x128xf32, #tpu.memory_space<vmem>>) target(%dma_start3A_68 : memref<128x128xf32, #tpu.memory_space<vmem_shared>>) target_semaphore(%run_scoped3A : memref<!tpu.dma_semaphore, #tpu.memory_space<semaphore_mem>>)
      %dma_wait3A = arith.constant 0 : i32
      %dma_wait3A_72 = arith.constant 0 : i32
      %dma_wait3A_73 = tpu.memref_slice %arg14[%dma_wait3A, %dma_wait3A_72] : memref<128x128xf32, #tpu.memory_space<vmem>> -> memref<128x128xf32, #tpu.memory_space<vmem>>
      %dma_wait3A_74 = arith.constant 0 : i32
      %dma_wait3A_75 = tpu.memref_slice %arg15[%add3A_31, %dma_wait3A_74] : memref<10000x128xf32, #tpu.memory_space<vmem_shared>> -> memref<128x128xf32, #tpu.memory_space<vmem_shared>>
      %dma_wait3A_76 = arith.constant 0 : i32
      %dma_wait3A_77 = tpu.memref_slice %arg15[%add3A_31, %dma_wait3A_76] : memref<10000x128xf32, #tpu.memory_space<vmem_shared>> -> memref<128x128xf32, #tpu.memory_space<vmem_shared>>
      %dma_wait3A_78 = arith.constant 0 : i32
      %dma_wait3A_79 = arith.constant 0 : i32
      %dma_wait3A_80 = tpu.memref_slice %arg14[%dma_wait3A_78, %dma_wait3A_79] : memref<128x128xf32, #tpu.memory_space<vmem>> -> memref<128x128xf32, #tpu.memory_space<vmem>>
      tpu.wait_dma2 semaphore(%run_scoped3A : memref<!tpu.dma_semaphore, #tpu.memory_space<semaphore_mem>>) src(%dma_wait3A_80 : memref<128x128xf32, #tpu.memory_space<vmem>>) dst(%dma_wait3A_77 : memref<128x128xf32, #tpu.memory_space<vmem_shared>>)
      tpu.yield
    }) : () -> ()
    %add3A_32 = arith.constant 512 : i32
    %add3A_33 = arith.addi %multiple_of3A, %add3A_32 : i32
    "tpu.region"() ({
      %run_scoped3A = tpu.sem_alloc : memref<!tpu.dma_semaphore, #tpu.memory_space<semaphore_mem>>
      %dma_start3A = arith.constant 0 : i32
      %dma_start3A_63 = arith.constant 0 : i32
      %dma_start3A_64 = tpu.memref_slice %arg14[%dma_start3A, %dma_start3A_63] : memref<128x128xf32, #tpu.memory_space<vmem>> -> memref<112x128xf32, #tpu.memory_space<vmem>>
      %dma_start3A_65 = arith.constant 0 : i32
      %dma_start3A_66 = tpu.memref_slice %arg15[%add3A_33, %dma_start3A_65] : memref<10000x128xf32, #tpu.memory_space<vmem_shared>> -> memref<112x128xf32, #tpu.memory_space<vmem_shared>>
      %dma_start3A_67 = arith.constant 0 : i32
      %dma_start3A_68 = tpu.memref_slice %arg15[%add3A_33, %dma_start3A_67] : memref<10000x128xf32, #tpu.memory_space<vmem_shared>> -> memref<112x128xf32, #tpu.memory_space<vmem_shared>>
      %dma_start3A_69 = arith.constant 0 : i32
      %dma_start3A_70 = arith.constant 0 : i32
      %dma_start3A_71 = tpu.memref_slice %arg14[%dma_start3A_69, %dma_start3A_70] : memref<128x128xf32, #tpu.memory_space<vmem>> -> memref<112x128xf32, #tpu.memory_space<vmem>>
      tpu.enqueue_dma source(%dma_start3A_71 : memref<112x128xf32, #tpu.memory_space<vmem>>) target(%dma_start3A_68 : memref<112x128xf32, #tpu.memory_space<vmem_shared>>) target_semaphore(%run_scoped3A : memref<!tpu.dma_semaphore, #tpu.memory_space<semaphore_mem>>)
      %dma_wait3A = arith.constant 0 : i32
      %dma_wait3A_72 = arith.constant 0 : i32
      %dma_wait3A_73 = tpu.memref_slice %arg14[%dma_wait3A, %dma_wait3A_72] : memref<128x128xf32, #tpu.memory_space<vmem>> -> memref<112x128xf32, #tpu.memory_space<vmem>>
      %dma_wait3A_74 = arith.constant 0 : i32
      %dma_wait3A_75 = tpu.memref_slice %arg15[%add3A_33, %dma_wait3A_74] : memref<10000x128xf32, #tpu.memory_space<vmem_shared>> -> memref<112x128xf32, #tpu.memory_space<vmem_shared>>
      %dma_wait3A_76 = arith.constant 0 : i32
      %dma_wait3A_77 = tpu.memref_slice %arg15[%add3A_33, %dma_wait3A_76] : memref<10000x128xf32, #tpu.memory_space<vmem_shared>> -> memref<112x128xf32, #tpu.memory_space<vmem_shared>>
      %dma_wait3A_78 = arith.constant 0 : i32
      %dma_wait3A_79 = arith.constant 0 : i32
      %dma_wait3A_80 = tpu.memref_slice %arg14[%dma_wait3A_78, %dma_wait3A_79] : memref<128x128xf32, #tpu.memory_space<vmem>> -> memref<112x128xf32, #tpu.memory_space<vmem>>
      tpu.wait_dma2 semaphore(%run_scoped3A : memref<!tpu.dma_semaphore, #tpu.memory_space<semaphore_mem>>) src(%dma_wait3A_80 : memref<112x128xf32, #tpu.memory_space<vmem>>) dst(%dma_wait3A_77 : memref<112x128xf32, #tpu.memory_space<vmem_shared>>)
      tpu.yield
    }) : () -> ()
    %eq3A = arith.constant 15 : i32
    %eq3A_34 = arith.cmpi eq, %arg1, %eq3A : i32
    %convert_element_type3A_35 = arith.extui %eq3A_34 : i1 to i32
    %cond3A_36 = arith.constant 0 : i32
    %cond3A_37 = arith.cmpi ne, %convert_element_type3A_35, %cond3A_36 : i32
    scf.if %cond3A_37 {
      "tpu.region"() ({
        %run_scoped3A = tpu.sem_alloc : memref<!tpu.dma_semaphore, #tpu.memory_space<semaphore_mem>>
        %dma_start3A = arith.constant 0 : i32
        %dma_start3A_63 = arith.constant 0 : i32
        %dma_start3A_64 = tpu.memref_slice %arg14[%dma_start3A, %dma_start3A_63] : memref<128x128xf32, #tpu.memory_space<vmem>> -> memref<16x128xf32, #tpu.memory_space<vmem>>
        %dma_start3A_65 = arith.constant 9984 : i32
        %dma_start3A_66 = arith.constant 0 : i32
        %dma_start3A_67 = tpu.memref_slice %arg15[%dma_start3A_65, %dma_start3A_66] : memref<10000x128xf32, #tpu.memory_space<vmem_shared>> -> memref<16x128xf32, #tpu.memory_space<vmem_shared>>
        %dma_start3A_68 = arith.constant 9984 : i32
        %dma_start3A_69 = arith.constant 0 : i32
        %dma_start3A_70 = tpu.memref_slice %arg15[%dma_start3A_68, %dma_start3A_69] : memref<10000x128xf32, #tpu.memory_space<vmem_shared>> -> memref<16x128xf32, #tpu.memory_space<vmem_shared>>
        %dma_start3A_71 = arith.constant 0 : i32
        %dma_start3A_72 = arith.constant 0 : i32
        %dma_start3A_73 = tpu.memref_slice %arg14[%dma_start3A_71, %dma_start3A_72] : memref<128x128xf32, #tpu.memory_space<vmem>> -> memref<16x128xf32, #tpu.memory_space<vmem>>
        tpu.enqueue_dma source(%dma_start3A_73 : memref<16x128xf32, #tpu.memory_space<vmem>>) target(%dma_start3A_70 : memref<16x128xf32, #tpu.memory_space<vmem_shared>>) target_semaphore(%run_scoped3A : memref<!tpu.dma_semaphore, #tpu.memory_space<semaphore_mem>>)
        %dma_wait3A = arith.constant 0 : i32
        %dma_wait3A_74 = arith.constant 0 : i32
        %dma_wait3A_75 = tpu.memref_slice %arg14[%dma_wait3A, %dma_wait3A_74] : memref<128x128xf32, #tpu.memory_space<vmem>> -> memref<16x128xf32, #tpu.memory_space<vmem>>
        %dma_wait3A_76 = arith.constant 9984 : i32
        %dma_wait3A_77 = arith.constant 0 : i32
        %dma_wait3A_78 = tpu.memref_slice %arg15[%dma_wait3A_76, %dma_wait3A_77] : memref<10000x128xf32, #tpu.memory_space<vmem_shared>> -> memref<16x128xf32, #tpu.memory_space<vmem_shared>>
        %dma_wait3A_79 = arith.constant 9984 : i32
        %dma_wait3A_80 = arith.constant 0 : i32
        %dma_wait3A_81 = tpu.memref_slice %arg15[%dma_wait3A_79, %dma_wait3A_80] : memref<10000x128xf32, #tpu.memory_space<vmem_shared>> -> memref<16x128xf32, #tpu.memory_space<vmem_shared>>
        %dma_wait3A_82 = arith.constant 0 : i32
        %dma_wait3A_83 = arith.constant 0 : i32
        %dma_wait3A_84 = tpu.memref_slice %arg14[%dma_wait3A_82, %dma_wait3A_83] : memref<128x128xf32, #tpu.memory_space<vmem>> -> memref<16x128xf32, #tpu.memory_space<vmem>>
        tpu.wait_dma2 semaphore(%run_scoped3A : memref<!tpu.dma_semaphore, #tpu.memory_space<semaphore_mem>>) src(%dma_wait3A_84 : memref<16x128xf32, #tpu.memory_space<vmem>>) dst(%dma_wait3A_81 : memref<16x128xf32, #tpu.memory_space<vmem_shared>>)
        tpu.yield
      }) : () -> ()
    } else {
    }
    %barrier3A = arith.constant 0 : index
    tpu.barrier barrier_id(%barrier3A)
    %scan3A_38 = arith.constant 0 : i32
    %scan3A_39 = arith.constant 20 : i32
    %scan3A_40 = arith.addi %scan3A_38, %scan3A_39 : i32
    %scan3A_41 = arith.constant 1 : i32
    scf.for %scan3A_63 = %scan3A_38 to %scan3A_40 step %scan3A_41  : i32 {
      %mul3A_64 = arith.constant 1 : i32
      %mul3A_65 = arith.muli %scan3A_63, %mul3A_64 : i32
      %add3A_66 = arith.constant 0 : i32
      %add3A_67 = arith.addi %add3A_66, %mul3A_65 : i32
      %mul3A_68 = arith.constant 2 : i32
      %mul3A_69 = arith.muli %mul3A_68, %add3A_67 : i32
      %add3A_70 = arith.constant 0 : i32
      %add3A_71 = arith.addi %mul3A_69, %add3A_70 : i32
      %add3A_72 = arith.constant 1 : i32
      %add3A_73 = arith.addi %add3A_71, %add3A_72 : i32
      %mul3A_74 = arith.constant 16 : i32
      %mul3A_75 = arith.muli %add3A_73, %mul3A_74 : i32
      %add3A_76 = arith.addi %arg1, %mul3A_75 : i32
      %lt3A_77 = arith.constant 625 : i32
      %lt3A_78 = arith.cmpi slt, %add3A_76, %lt3A_77 : i32
      %convert_element_type3A_79 = arith.extui %lt3A_78 : i1 to i32
      %cond3A_80 = arith.constant 0 : i32
      %cond3A_81 = arith.cmpi ne, %convert_element_type3A_79, %cond3A_80 : i32
      scf.if %cond3A_81 {
        %add3A_132 = arith.constant 1 : i32
        %add3A_133 = arith.addi %add3A_71, %add3A_132 : i32
        %add3A_134 = arith.constant 1 : i32
        %add3A_135 = arith.addi %add3A_71, %add3A_134 : i32
        %ge3A = arith.constant 2 : i32
        %ge3A_136 = arith.cmpi sge, %add3A_135, %ge3A : i32
        %convert_element_type3A_137 = arith.extui %ge3A_136 : i1 to i32
        %cond3A_138 = arith.constant 0 : i32
        %cond3A_139 = arith.cmpi ne, %convert_element_type3A_137, %cond3A_138 : i32
        scf.if %cond3A_139 {
          %dma_wait3A_157 = arith.constant 0 : i32
          %dma_wait3A_158 = arith.constant 0 : i32
          %dma_wait3A_159 = tpu.memref_slice %arg15[%dma_wait3A_157, %dma_wait3A_158] : memref<10000x128xf32, #tpu.memory_space<vmem_shared>> -> memref<10000x128xf32, #tpu.memory_space<vmem_shared>>
          tpu.wait_indirect_dma semaphore(%arg21 : memref<!tpu.dma_semaphore, #tpu.memory_space<semaphore_mem>>) src(%arg13 : memref<128x128xf32, #tpu.memory_space<vmem>>) dst(%dma_wait3A_159 : memref<10000x128xf32, #tpu.memory_space<vmem_shared>>)
        } else {
        }
        %add3A_140 = arith.addi %mul3A_0, %arg1 : i32
        %mul3A_141 = arith.constant 16 : i32
        %mul3A_142 = arith.muli %add3A_133, %mul3A_141 : i32
        %add3A_143 = arith.addi %add3A_140, %mul3A_142 : i32
        %mul3A_144 = arith.constant 256 : i32
        %mul3A_145 = arith.muli %add3A_143, %mul3A_144 : i32
        %multiple_of3A_146 = tpu.assume_multiple %mul3A_145, 256 : i32
        %mul3A_147 = arith.constant 128 : i32
        %mul3A_148 = arith.muli %add3A_143, %mul3A_147 : i32
        %multiple_of3A_149 = tpu.assume_multiple %mul3A_148, 128 : i32
        %dma_wait3A = tpu.memref_slice %arg3[%multiple_of3A_146] : memref<320000xi32, #tpu.memory_space<hbm>> -> memref<256xi32, #tpu.memory_space<hbm>>
        %dma_wait3A_150 = tpu.memref_slice %arg3[%multiple_of3A_146] : memref<320000xi32, #tpu.memory_space<hbm>> -> memref<256xi32, #tpu.memory_space<hbm>>
        tpu.wait_dma2 semaphore(%arg19 : memref<!tpu.dma_semaphore, #tpu.memory_space<semaphore_mem>>) src(%dma_wait3A_150 : memref<256xi32, #tpu.memory_space<hbm>>) dst(%arg10 : memref<256xi32, #tpu.memory_space<vmem>>)
        %dma_wait3A_151 = tpu.memref_slice %arg4[%multiple_of3A_149] : memref<160000xi32, #tpu.memory_space<hbm>> -> memref<128xi32, #tpu.memory_space<hbm>>
        %dma_wait3A_152 = tpu.memref_slice %arg4[%multiple_of3A_149] : memref<160000xi32, #tpu.memory_space<hbm>> -> memref<128xi32, #tpu.memory_space<hbm>>
        tpu.wait_dma2 semaphore(%arg19 : memref<!tpu.dma_semaphore, #tpu.memory_space<semaphore_mem>>) src(%dma_wait3A_152 : memref<128xi32, #tpu.memory_space<hbm>>) dst(%arg11 : memref<128xi32, #tpu.memory_space<vmem>>)
        %dma_start3A = arith.constant 0 : i32
        %dma_start3A_153 = tpu.memref_slice %arg10[%dma_start3A] : memref<256xi32, #tpu.memory_space<vmem>> -> memref<128xi32, #tpu.memory_space<vmem>>
        %dma_start3A_154 = arith.constant 0 : i32
        %dma_start3A_155 = arith.constant 0 : i32
        %dma_start3A_156 = tpu.memref_slice %arg2[%dma_start3A_154, %dma_start3A_155] : memref<10000x128xf32, #tpu.memory_space<hbm>> -> memref<10000x128xf32, #tpu.memory_space<hbm>>
        tpu.enqueue_indirect_dma source(%dma_start3A_156 : memref<10000x128xf32, #tpu.memory_space<hbm>>) target(%arg13 : memref<128x128xf32, #tpu.memory_space<vmem>>) offsets(%dma_start3A_153 : memref<128xi32, #tpu.memory_space<vmem>>) semaphore(%arg17 : memref<!tpu.dma_semaphore, #tpu.memory_space<semaphore_mem>>)
      } else {
      }
      %mul3A_82 = arith.constant 16 : i32
      %mul3A_83 = arith.muli %add3A_71, %mul3A_82 : i32
      %add3A_84 = arith.addi %arg1, %mul3A_83 : i32
      %lt3A_85 = arith.constant 625 : i32
      %lt3A_86 = arith.cmpi slt, %add3A_84, %lt3A_85 : i32
      %convert_element_type3A_87 = arith.extui %lt3A_86 : i1 to i32
      %cond3A_88 = arith.constant 0 : i32
      %cond3A_89 = arith.cmpi ne, %convert_element_type3A_87, %cond3A_88 : i32
      scf.if %cond3A_89 {
        %dma_wait3A = arith.constant 0 : i32
        %dma_wait3A_132 = tpu.memref_slice %arg6[%dma_wait3A] : memref<256xi32, #tpu.memory_space<vmem>> -> memref<128xi32, #tpu.memory_space<vmem>>
        %dma_wait3A_133 = arith.constant 0 : i32
        %dma_wait3A_134 = arith.constant 0 : i32
        %dma_wait3A_135 = tpu.memref_slice %arg2[%dma_wait3A_133, %dma_wait3A_134] : memref<10000x128xf32, #tpu.memory_space<hbm>> -> memref<10000x128xf32, #tpu.memory_space<hbm>>
        tpu.wait_indirect_dma semaphore(%arg16 : memref<!tpu.dma_semaphore, #tpu.memory_space<semaphore_mem>>) src(%dma_wait3A_135 : memref<10000x128xf32, #tpu.memory_space<hbm>>) dst(%arg9 : memref<128x128xf32, #tpu.memory_space<vmem>>)
        %scan3A_136 = arith.constant 0 : i32
        %scan3A_137 = arith.constant 8 : i32
        %scan3A_138 = arith.addi %scan3A_136, %scan3A_137 : i32
        %scan3A_139 = arith.constant 1 : i32
        scf.for %scan3A_143 = %scan3A_136 to %scan3A_138 step %scan3A_139  : i32 {
          %mul3A_144 = arith.constant 16 : i32
          %mul3A_145 = arith.muli %scan3A_143, %mul3A_144 : i32
          %add3A_146 = arith.constant 0 : i32
          %add3A_147 = arith.addi %add3A_146, %mul3A_145 : i32
          %get3A = arith.index_cast %add3A_147 : i32 to index
          %get3A_148 = tpu.vector_load %arg7[%get3A] {strides = array<i32>} : memref<128xi32, #tpu.memory_space<vmem>>, vector<16xi32>,
          %swap3A = arith.index_cast %add3A_147 : i32 to index
          %swap3A_149 = tpu.vector_load %arg8[%swap3A] {strides = array<i32>} : memref<128xi32, #tpu.memory_space<vmem>>, vector<16xi32>,
          tpu.vector_store %arg8[%swap3A], %get3A_148 {strides = array<i32>} : memref<128xi32, #tpu.memory_space<vmem>>, vector<16xi32>,
          %add3A_150 = arith.constant 128 : i32
          %add3A_151 = arith.addi %add3A_150, %add3A_147 : i32
          %get3A_152 = arith.index_cast %add3A_151 : i32 to index
          %get3A_153 = tpu.vector_load %arg6[%get3A_152] {strides = array<i32>} : memref<256xi32, #tpu.memory_space<vmem>>, vector<16xi32>,
          %bitcast3A = vector.bitcast %get3A_153 : vector<16xi32> to vector<16xf32>
          %broadcast_in_dim3A = arith.constant 0 : i32
          %broadcast_in_dim3A_154 = vector.broadcast %broadcast_in_dim3A : i32 to vector<16xi32>
          %lt3A_155 = arith.constant 0 : i32
          %lt3A_156 = vector.broadcast %lt3A_155 : i32 to vector<16xi32>
          %lt3A_157 = arith.cmpi slt, %broadcast_in_dim3A_154, %lt3A_156 : vector<16xi32>
          %add3A_158 = arith.constant 16 : i32
          %add3A_159 = vector.broadcast %add3A_158 : i32 to vector<16xi32>
          %add3A_160 = arith.addi %broadcast_in_dim3A_154, %add3A_159 : vector<16xi32>
          %select_n3A = arith.select %lt3A_157, %add3A_160, %broadcast_in_dim3A_154 : vector<16xi1>, vector<16xi32>
          %broadcast_in_dim3A_161 = vector.shape_cast %select_n3A : vector<16xi32> to vector<16x1xi32>
          %gather3A = vector.shape_cast %broadcast_in_dim3A_161 : vector<16x1xi32> to vector<16xi32>
          %gather3A_162 = tpu.dynamic_gather %bitcast3A[%gather3A] in [0] : vector<16xf32>, vector<16xi32> -> vector<16xf32>
          %scan3A_163 = arith.constant 0 : i32
          %scan3A_164 = arith.constant 8 : i32
          %scan3A_165 = arith.addi %scan3A_163, %scan3A_164 : i32
          %scan3A_166 = arith.constant 1 : i32
          scf.for %scan3A_423 = %scan3A_163 to %scan3A_165 step %scan3A_166  : i32 {
            %mul3A_424 = arith.constant 16 : i32
            %mul3A_425 = arith.muli %scan3A_423, %mul3A_424 : i32
            %add3A_426 = arith.constant 0 : i32
            %add3A_427 = arith.addi %add3A_426, %mul3A_425 : i32
            %add3A_428 = arith.constant 0 : i32
            %add3A_429 = arith.addi %add3A_147, %add3A_428 : i32
            %get3A_430 = arith.index_cast %add3A_429 : i32 to index
            %get3A_431 = arith.index_cast %add3A_427 : i32 to index
            %get3A_432 = tpu.vector_load %arg9[%get3A_430, %get3A_431] {strides = array<i32>} : memref<128x128xf32, #tpu.memory_space<vmem>>, vector<16xf32>,
            %mul3A_433 = arith.mulf %get3A_432, %gather3A_162 : vector<16xf32>
            %add3A_434 = arith.constant 0 : i32
            %add3A_435 = arith.addi %add3A_147, %add3A_434 : i32
            %swap3A_436 = arith.index_cast %add3A_435 : i32 to index
            %swap3A_437 = arith.index_cast %add3A_427 : i32 to index
            %swap3A_438 = tpu.vector_load %arg9[%swap3A_436, %swap3A_437] {strides = array<i32>} : memref<128x128xf32, #tpu.memory_space<vmem>>, vector<16xf32>,
            tpu.vector_store %arg9[%swap3A_436, %swap3A_437], %mul3A_433 {strides = array<i32>} : memref<128x128xf32, #tpu.memory_space<vmem>>, vector<16xf32>,
          }
          %scan3A_167 = arith.constant 8 : i32
          %broadcast_in_dim3A_168 = arith.constant 1 : i32
          %broadcast_in_dim3A_169 = vector.broadcast %broadcast_in_dim3A_168 : i32 to vector<16xi32>
          %lt3A_170 = arith.constant 0 : i32
          %lt3A_171 = vector.broadcast %lt3A_170 : i32 to vector<16xi32>
          %lt3A_172 = arith.cmpi slt, %broadcast_in_dim3A_169, %lt3A_171 : vector<16xi32>
          %add3A_173 = arith.constant 16 : i32
          %add3A_174 = vector.broadcast %add3A_173 : i32 to vector<16xi32>
          %add3A_175 = arith.addi %broadcast_in_dim3A_169, %add3A_174 : vector<16xi32>
          %select_n3A_176 = arith.select %lt3A_172, %add3A_175, %broadcast_in_dim3A_169 : vector<16xi1>, vector<16xi32>
          %broadcast_in_dim3A_177 = vector.shape_cast %select_n3A_176 : vector<16xi32> to vector<16x1xi32>
          %gather3A_178 = vector.shape_cast %broadcast_in_dim3A_177 : vector<16x1xi32> to vector<16xi32>
          %gather3A_179 = tpu.dynamic_gather %bitcast3A[%gather3A_178] in [0] : vector<16xf32>, vector<16xi32> -> vector<16xf32>
          %scan3A_180 = arith.constant 0 : i32
          %scan3A_181 = arith.constant 8 : i32
          %scan3A_182 = arith.addi %scan3A_180, %scan3A_181 : i32
          %scan3A_183 = arith.constant 1 : i32
          scf.for %scan3A_423 = %scan3A_180 to %scan3A_182 step %scan3A_183  : i32 {
            %mul3A_424 = arith.constant 16 : i32
            %mul3A_425 = arith.muli %scan3A_423, %mul3A_424 : i32
            %add3A_426 = arith.constant 0 : i32
            %add3A_427 = arith.addi %add3A_426, %mul3A_425 : i32
            %add3A_428 = arith.constant 1 : i32
            %add3A_429 = arith.addi %add3A_147, %add3A_428 : i32
            %get3A_430 = arith.index_cast %add3A_429 : i32 to index
            %get3A_431 = arith.index_cast %add3A_427 : i32 to index
            %get3A_432 = tpu.vector_load %arg9[%get3A_430, %get3A_431] {strides = array<i32>} : memref<128x128xf32, #tpu.memory_space<vmem>>, vector<16xf32>,
            %mul3A_433 = arith.mulf %get3A_432, %gather3A_179 : vector<16xf32>
            %add3A_434 = arith.constant 1 : i32
            %add3A_435 = arith.addi %add3A_147, %add3A_434 : i32
            %swap3A_436 = arith.index_cast %add3A_435 : i32 to index
            %swap3A_437 = arith.index_cast %add3A_427 : i32 to index
            %swap3A_438 = tpu.vector_load %arg9[%swap3A_436, %swap3A_437] {strides = array<i32>} : memref<128x128xf32, #tpu.memory_space<vmem>>, vector<16xf32>,
            tpu.vector_store %arg9[%swap3A_436, %swap3A_437], %mul3A_433 {strides = array<i32>} : memref<128x128xf32, #tpu.memory_space<vmem>>, vector<16xf32>,
          }
          %scan3A_184 = arith.constant 8 : i32
          %broadcast_in_dim3A_185 = arith.constant 2 : i32
          %broadcast_in_dim3A_186 = vector.broadcast %broadcast_in_dim3A_185 : i32 to vector<16xi32>
          %lt3A_187 = arith.constant 0 : i32
          %lt3A_188 = vector.broadcast %lt3A_187 : i32 to vector<16xi32>
          %lt3A_189 = arith.cmpi slt, %broadcast_in_dim3A_186, %lt3A_188 : vector<16xi32>
          %add3A_190 = arith.constant 16 : i32
          %add3A_191 = vector.broadcast %add3A_190 : i32 to vector<16xi32>
          %add3A_192 = arith.addi %broadcast_in_dim3A_186, %add3A_191 : vector<16xi32>
          %select_n3A_193 = arith.select %lt3A_189, %add3A_192, %broadcast_in_dim3A_186 : vector<16xi1>, vector<16xi32>
          %broadcast_in_dim3A_194 = vector.shape_cast %select_n3A_193 : vector<16xi32> to vector<16x1xi32>
          %gather3A_195 = vector.shape_cast %broadcast_in_dim3A_194 : vector<16x1xi32> to vector<16xi32>
          %gather3A_196 = tpu.dynamic_gather %bitcast3A[%gather3A_195] in [0] : vector<16xf32>, vector<16xi32> -> vector<16xf32>
          %scan3A_197 = arith.constant 0 : i32
          %scan3A_198 = arith.constant 8 : i32
          %scan3A_199 = arith.addi %scan3A_197, %scan3A_198 : i32
          %scan3A_200 = arith.constant 1 : i32
          scf.for %scan3A_423 = %scan3A_197 to %scan3A_199 step %scan3A_200  : i32 {
            %mul3A_424 = arith.constant 16 : i32
            %mul3A_425 = arith.muli %scan3A_423, %mul3A_424 : i32
            %add3A_426 = arith.constant 0 : i32
            %add3A_427 = arith.addi %add3A_426, %mul3A_425 : i32
            %add3A_428 = arith.constant 2 : i32
            %add3A_429 = arith.addi %add3A_147, %add3A_428 : i32
            %get3A_430 = arith.index_cast %add3A_429 : i32 to index
            %get3A_431 = arith.index_cast %add3A_427 : i32 to index
            %get3A_432 = tpu.vector_load %arg9[%get3A_430, %get3A_431] {strides = array<i32>} : memref<128x128xf32, #tpu.memory_space<vmem>>, vector<16xf32>,
            %mul3A_433 = arith.mulf %get3A_432, %gather3A_196 : vector<16xf32>
            %add3A_434 = arith.constant 2 : i32
            %add3A_435 = arith.addi %add3A_147, %add3A_434 : i32
            %swap3A_436 = arith.index_cast %add3A_435 : i32 to index
            %swap3A_437 = arith.index_cast %add3A_427 : i32 to index
            %swap3A_438 = tpu.vector_load %arg9[%swap3A_436, %swap3A_437] {strides = array<i32>} : memref<128x128xf32, #tpu.memory_space<vmem>>, vector<16xf32>,
            tpu.vector_store %arg9[%swap3A_436, %swap3A_437], %mul3A_433 {strides = array<i32>} : memref<128x128xf32, #tpu.memory_space<vmem>>, vector<16xf32>,
          }
          %scan3A_201 = arith.constant 8 : i32
          %broadcast_in_dim3A_202 = arith.constant 3 : i32
          %broadcast_in_dim3A_203 = vector.broadcast %broadcast_in_dim3A_202 : i32 to vector<16xi32>
          %lt3A_204 = arith.constant 0 : i32
          %lt3A_205 = vector.broadcast %lt3A_204 : i32 to vector<16xi32>
          %lt3A_206 = arith.cmpi slt, %broadcast_in_dim3A_203, %lt3A_205 : vector<16xi32>
          %add3A_207 = arith.constant 16 : i32
          %add3A_208 = vector.broadcast %add3A_207 : i32 to vector<16xi32>
          %add3A_209 = arith.addi %broadcast_in_dim3A_203, %add3A_208 : vector<16xi32>
          %select_n3A_210 = arith.select %lt3A_206, %add3A_209, %broadcast_in_dim3A_203 : vector<16xi1>, vector<16xi32>
          %broadcast_in_dim3A_211 = vector.shape_cast %select_n3A_210 : vector<16xi32> to vector<16x1xi32>
          %gather3A_212 = vector.shape_cast %broadcast_in_dim3A_211 : vector<16x1xi32> to vector<16xi32>
          %gather3A_213 = tpu.dynamic_gather %bitcast3A[%gather3A_212] in [0] : vector<16xf32>, vector<16xi32> -> vector<16xf32>
          %scan3A_214 = arith.constant 0 : i32
          %scan3A_215 = arith.constant 8 : i32
          %scan3A_216 = arith.addi %scan3A_214, %scan3A_215 : i32
          %scan3A_217 = arith.constant 1 : i32
          scf.for %scan3A_423 = %scan3A_214 to %scan3A_216 step %scan3A_217  : i32 {
            %mul3A_424 = arith.constant 16 : i32
            %mul3A_425 = arith.muli %scan3A_423, %mul3A_424 : i32
            %add3A_426 = arith.constant 0 : i32
            %add3A_427 = arith.addi %add3A_426, %mul3A_425 : i32
            %add3A_428 = arith.constant 3 : i32
            %add3A_429 = arith.addi %add3A_147, %add3A_428 : i32
            %get3A_430 = arith.index_cast %add3A_429 : i32 to index
            %get3A_431 = arith.index_cast %add3A_427 : i32 to index
            %get3A_432 = tpu.vector_load %arg9[%get3A_430, %get3A_431] {strides = array<i32>} : memref<128x128xf32, #tpu.memory_space<vmem>>, vector<16xf32>,
            %mul3A_433 = arith.mulf %get3A_432, %gather3A_213 : vector<16xf32>
            %add3A_434 = arith.constant 3 : i32
            %add3A_435 = arith.addi %add3A_147, %add3A_434 : i32
            %swap3A_436 = arith.index_cast %add3A_435 : i32 to index
            %swap3A_437 = arith.index_cast %add3A_427 : i32 to index
            %swap3A_438 = tpu.vector_load %arg9[%swap3A_436, %swap3A_437] {strides = array<i32>} : memref<128x128xf32, #tpu.memory_space<vmem>>, vector<16xf32>,
            tpu.vector_store %arg9[%swap3A_436, %swap3A_437], %mul3A_433 {strides = array<i32>} : memref<128x128xf32, #tpu.memory_space<vmem>>, vector<16xf32>,
          }
          %scan3A_218 = arith.constant 8 : i32
          %broadcast_in_dim3A_219 = arith.constant 4 : i32
          %broadcast_in_dim3A_220 = vector.broadcast %broadcast_in_dim3A_219 : i32 to vector<16xi32>
          %lt3A_221 = arith.constant 0 : i32
          %lt3A_222 = vector.broadcast %lt3A_221 : i32 to vector<16xi32>
          %lt3A_223 = arith.cmpi slt, %broadcast_in_dim3A_220, %lt3A_222 : vector<16xi32>
          %add3A_224 = arith.constant 16 : i32
          %add3A_225 = vector.broadcast %add3A_224 : i32 to vector<16xi32>
          %add3A_226 = arith.addi %broadcast_in_dim3A_220, %add3A_225 : vector<16xi32>
          %select_n3A_227 = arith.select %lt3A_223, %add3A_226, %broadcast_in_dim3A_220 : vector<16xi1>, vector<16xi32>
          %broadcast_in_dim3A_228 = vector.shape_cast %select_n3A_227 : vector<16xi32> to vector<16x1xi32>
          %gather3A_229 = vector.shape_cast %broadcast_in_dim3A_228 : vector<16x1xi32> to vector<16xi32>
          %gather3A_230 = tpu.dynamic_gather %bitcast3A[%gather3A_229] in [0] : vector<16xf32>, vector<16xi32> -> vector<16xf32>
          %scan3A_231 = arith.constant 0 : i32
          %scan3A_232 = arith.constant 8 : i32
          %scan3A_233 = arith.addi %scan3A_231, %scan3A_232 : i32
          %scan3A_234 = arith.constant 1 : i32
          scf.for %scan3A_423 = %scan3A_231 to %scan3A_233 step %scan3A_234  : i32 {
            %mul3A_424 = arith.constant 16 : i32
            %mul3A_425 = arith.muli %scan3A_423, %mul3A_424 : i32
            %add3A_426 = arith.constant 0 : i32
            %add3A_427 = arith.addi %add3A_426, %mul3A_425 : i32
            %add3A_428 = arith.constant 4 : i32
            %add3A_429 = arith.addi %add3A_147, %add3A_428 : i32
            %get3A_430 = arith.index_cast %add3A_429 : i32 to index
            %get3A_431 = arith.index_cast %add3A_427 : i32 to index
            %get3A_432 = tpu.vector_load %arg9[%get3A_430, %get3A_431] {strides = array<i32>} : memref<128x128xf32, #tpu.memory_space<vmem>>, vector<16xf32>,
            %mul3A_433 = arith.mulf %get3A_432, %gather3A_230 : vector<16xf32>
            %add3A_434 = arith.constant 4 : i32
            %add3A_435 = arith.addi %add3A_147, %add3A_434 : i32
            %swap3A_436 = arith.index_cast %add3A_435 : i32 to index
            %swap3A_437 = arith.index_cast %add3A_427 : i32 to index
            %swap3A_438 = tpu.vector_load %arg9[%swap3A_436, %swap3A_437] {strides = array<i32>} : memref<128x128xf32, #tpu.memory_space<vmem>>, vector<16xf32>,
            tpu.vector_store %arg9[%swap3A_436, %swap3A_437], %mul3A_433 {strides = array<i32>} : memref<128x128xf32, #tpu.memory_space<vmem>>, vector<16xf32>,
          }
          %scan3A_235 = arith.constant 8 : i32
          %broadcast_in_dim3A_236 = arith.constant 5 : i32
          %broadcast_in_dim3A_237 = vector.broadcast %broadcast_in_dim3A_236 : i32 to vector<16xi32>
          %lt3A_238 = arith.constant 0 : i32
          %lt3A_239 = vector.broadcast %lt3A_238 : i32 to vector<16xi32>
          %lt3A_240 = arith.cmpi slt, %broadcast_in_dim3A_237, %lt3A_239 : vector<16xi32>
          %add3A_241 = arith.constant 16 : i32
          %add3A_242 = vector.broadcast %add3A_241 : i32 to vector<16xi32>
          %add3A_243 = arith.addi %broadcast_in_dim3A_237, %add3A_242 : vector<16xi32>
          %select_n3A_244 = arith.select %lt3A_240, %add3A_243, %broadcast_in_dim3A_237 : vector<16xi1>, vector<16xi32>
          %broadcast_in_dim3A_245 = vector.shape_cast %select_n3A_244 : vector<16xi32> to vector<16x1xi32>
          %gather3A_246 = vector.shape_cast %broadcast_in_dim3A_245 : vector<16x1xi32> to vector<16xi32>
          %gather3A_247 = tpu.dynamic_gather %bitcast3A[%gather3A_246] in [0] : vector<16xf32>, vector<16xi32> -> vector<16xf32>
          %scan3A_248 = arith.constant 0 : i32
          %scan3A_249 = arith.constant 8 : i32
          %scan3A_250 = arith.addi %scan3A_248, %scan3A_249 : i32
          %scan3A_251 = arith.constant 1 : i32
          scf.for %scan3A_423 = %scan3A_248 to %scan3A_250 step %scan3A_251  : i32 {
            %mul3A_424 = arith.constant 16 : i32
            %mul3A_425 = arith.muli %scan3A_423, %mul3A_424 : i32
            %add3A_426 = arith.constant 0 : i32
            %add3A_427 = arith.addi %add3A_426, %mul3A_425 : i32
            %add3A_428 = arith.constant 5 : i32
            %add3A_429 = arith.addi %add3A_147, %add3A_428 : i32
            %get3A_430 = arith.index_cast %add3A_429 : i32 to index
            %get3A_431 = arith.index_cast %add3A_427 : i32 to index
            %get3A_432 = tpu.vector_load %arg9[%get3A_430, %get3A_431] {strides = array<i32>} : memref<128x128xf32, #tpu.memory_space<vmem>>, vector<16xf32>,
            %mul3A_433 = arith.mulf %get3A_432, %gather3A_247 : vector<16xf32>
            %add3A_434 = arith.constant 5 : i32
            %add3A_435 = arith.addi %add3A_147, %add3A_434 : i32
            %swap3A_436 = arith.index_cast %add3A_435 : i32 to index
            %swap3A_437 = arith.index_cast %add3A_427 : i32 to index
            %swap3A_438 = tpu.vector_load %arg9[%swap3A_436, %swap3A_437] {strides = array<i32>} : memref<128x128xf32, #tpu.memory_space<vmem>>, vector<16xf32>,
            tpu.vector_store %arg9[%swap3A_436, %swap3A_437], %mul3A_433 {strides = array<i32>} : memref<128x128xf32, #tpu.memory_space<vmem>>, vector<16xf32>,
          }
          %scan3A_252 = arith.constant 8 : i32
          %broadcast_in_dim3A_253 = arith.constant 6 : i32
          %broadcast_in_dim3A_254 = vector.broadcast %broadcast_in_dim3A_253 : i32 to vector<16xi32>
          %lt3A_255 = arith.constant 0 : i32
          %lt3A_256 = vector.broadcast %lt3A_255 : i32 to vector<16xi32>
          %lt3A_257 = arith.cmpi slt, %broadcast_in_dim3A_254, %lt3A_256 : vector<16xi32>
          %add3A_258 = arith.constant 16 : i32
          %add3A_259 = vector.broadcast %add3A_258 : i32 to vector<16xi32>
          %add3A_260 = arith.addi %broadcast_in_dim3A_254, %add3A_259 : vector<16xi32>
          %select_n3A_261 = arith.select %lt3A_257, %add3A_260, %broadcast_in_dim3A_254 : vector<16xi1>, vector<16xi32>
          %broadcast_in_dim3A_262 = vector.shape_cast %select_n3A_261 : vector<16xi32> to vector<16x1xi32>
          %gather3A_263 = vector.shape_cast %broadcast_in_dim3A_262 : vector<16x1xi32> to vector<16xi32>
          %gather3A_264 = tpu.dynamic_gather %bitcast3A[%gather3A_263] in [0] : vector<16xf32>, vector<16xi32> -> vector<16xf32>
          %scan3A_265 = arith.constant 0 : i32
          %scan3A_266 = arith.constant 8 : i32
          %scan3A_267 = arith.addi %scan3A_265, %scan3A_266 : i32
          %scan3A_268 = arith.constant 1 : i32
          scf.for %scan3A_423 = %scan3A_265 to %scan3A_267 step %scan3A_268  : i32 {
            %mul3A_424 = arith.constant 16 : i32
            %mul3A_425 = arith.muli %scan3A_423, %mul3A_424 : i32
            %add3A_426 = arith.constant 0 : i32
            %add3A_427 = arith.addi %add3A_426, %mul3A_425 : i32
            %add3A_428 = arith.constant 6 : i32
            %add3A_429 = arith.addi %add3A_147, %add3A_428 : i32
            %get3A_430 = arith.index_cast %add3A_429 : i32 to index
            %get3A_431 = arith.index_cast %add3A_427 : i32 to index
            %get3A_432 = tpu.vector_load %arg9[%get3A_430, %get3A_431] {strides = array<i32>} : memref<128x128xf32, #tpu.memory_space<vmem>>, vector<16xf32>,
            %mul3A_433 = arith.mulf %get3A_432, %gather3A_264 : vector<16xf32>
            %add3A_434 = arith.constant 6 : i32
            %add3A_435 = arith.addi %add3A_147, %add3A_434 : i32
            %swap3A_436 = arith.index_cast %add3A_435 : i32 to index
            %swap3A_437 = arith.index_cast %add3A_427 : i32 to index
            %swap3A_438 = tpu.vector_load %arg9[%swap3A_436, %swap3A_437] {strides = array<i32>} : memref<128x128xf32, #tpu.memory_space<vmem>>, vector<16xf32>,
            tpu.vector_store %arg9[%swap3A_436, %swap3A_437], %mul3A_433 {strides = array<i32>} : memref<128x128xf32, #tpu.memory_space<vmem>>, vector<16xf32>,
          }
          %scan3A_269 = arith.constant 8 : i32
          %broadcast_in_dim3A_270 = arith.constant 7 : i32
          %broadcast_in_dim3A_271 = vector.broadcast %broadcast_in_dim3A_270 : i32 to vector<16xi32>
          %lt3A_272 = arith.constant 0 : i32
          %lt3A_273 = vector.broadcast %lt3A_272 : i32 to vector<16xi32>
          %lt3A_274 = arith.cmpi slt, %broadcast_in_dim3A_271, %lt3A_273 : vector<16xi32>
          %add3A_275 = arith.constant 16 : i32
          %add3A_276 = vector.broadcast %add3A_275 : i32 to vector<16xi32>
          %add3A_277 = arith.addi %broadcast_in_dim3A_271, %add3A_276 : vector<16xi32>
          %select_n3A_278 = arith.select %lt3A_274, %add3A_277, %broadcast_in_dim3A_271 : vector<16xi1>, vector<16xi32>
          %broadcast_in_dim3A_279 = vector.shape_cast %select_n3A_278 : vector<16xi32> to vector<16x1xi32>
          %gather3A_280 = vector.shape_cast %broadcast_in_dim3A_279 : vector<16x1xi32> to vector<16xi32>
          %gather3A_281 = tpu.dynamic_gather %bitcast3A[%gather3A_280] in [0] : vector<16xf32>, vector<16xi32> -> vector<16xf32>
          %scan3A_282 = arith.constant 0 : i32
          %scan3A_283 = arith.constant 8 : i32
          %scan3A_284 = arith.addi %scan3A_282, %scan3A_283 : i32
          %scan3A_285 = arith.constant 1 : i32
          scf.for %scan3A_423 = %scan3A_282 to %scan3A_284 step %scan3A_285  : i32 {
            %mul3A_424 = arith.constant 16 : i32
            %mul3A_425 = arith.muli %scan3A_423, %mul3A_424 : i32
            %add3A_426 = arith.constant 0 : i32
            %add3A_427 = arith.addi %add3A_426, %mul3A_425 : i32
            %add3A_428 = arith.constant 7 : i32
            %add3A_429 = arith.addi %add3A_147, %add3A_428 : i32
            %get3A_430 = arith.index_cast %add3A_429 : i32 to index
            %get3A_431 = arith.index_cast %add3A_427 : i32 to index
            %get3A_432 = tpu.vector_load %arg9[%get3A_430, %get3A_431] {strides = array<i32>} : memref<128x128xf32, #tpu.memory_space<vmem>>, vector<16xf32>,
            %mul3A_433 = arith.mulf %get3A_432, %gather3A_281 : vector<16xf32>
            %add3A_434 = arith.constant 7 : i32
            %add3A_435 = arith.addi %add3A_147, %add3A_434 : i32
            %swap3A_436 = arith.index_cast %add3A_435 : i32 to index
            %swap3A_437 = arith.index_cast %add3A_427 : i32 to index
            %swap3A_438 = tpu.vector_load %arg9[%swap3A_436, %swap3A_437] {strides = array<i32>} : memref<128x128xf32, #tpu.memory_space<vmem>>, vector<16xf32>,
            tpu.vector_store %arg9[%swap3A_436, %swap3A_437], %mul3A_433 {strides = array<i32>} : memref<128x128xf32, #tpu.memory_space<vmem>>, vector<16xf32>,
          }
          %scan3A_286 = arith.constant 8 : i32
          %broadcast_in_dim3A_287 = arith.constant 8 : i32
          %broadcast_in_dim3A_288 = vector.broadcast %broadcast_in_dim3A_287 : i32 to vector<16xi32>
          %lt3A_289 = arith.constant 0 : i32
          %lt3A_290 = vector.broadcast %lt3A_289 : i32 to vector<16xi32>
          %lt3A_291 = arith.cmpi slt, %broadcast_in_dim3A_288, %lt3A_290 : vector<16xi32>
          %add3A_292 = arith.constant 16 : i32
          %add3A_293 = vector.broadcast %add3A_292 : i32 to vector<16xi32>
          %add3A_294 = arith.addi %broadcast_in_dim3A_288, %add3A_293 : vector<16xi32>
          %select_n3A_295 = arith.select %lt3A_291, %add3A_294, %broadcast_in_dim3A_288 : vector<16xi1>, vector<16xi32>
          %broadcast_in_dim3A_296 = vector.shape_cast %select_n3A_295 : vector<16xi32> to vector<16x1xi32>
          %gather3A_297 = vector.shape_cast %broadcast_in_dim3A_296 : vector<16x1xi32> to vector<16xi32>
          %gather3A_298 = tpu.dynamic_gather %bitcast3A[%gather3A_297] in [0] : vector<16xf32>, vector<16xi32> -> vector<16xf32>
          %scan3A_299 = arith.constant 0 : i32
          %scan3A_300 = arith.constant 8 : i32
          %scan3A_301 = arith.addi %scan3A_299, %scan3A_300 : i32
          %scan3A_302 = arith.constant 1 : i32
          scf.for %scan3A_423 = %scan3A_299 to %scan3A_301 step %scan3A_302  : i32 {
            %mul3A_424 = arith.constant 16 : i32
            %mul3A_425 = arith.muli %scan3A_423, %mul3A_424 : i32
            %add3A_426 = arith.constant 0 : i32
            %add3A_427 = arith.addi %add3A_426, %mul3A_425 : i32
            %add3A_428 = arith.constant 8 : i32
            %add3A_429 = arith.addi %add3A_147, %add3A_428 : i32
            %get3A_430 = arith.index_cast %add3A_429 : i32 to index
            %get3A_431 = arith.index_cast %add3A_427 : i32 to index
            %get3A_432 = tpu.vector_load %arg9[%get3A_430, %get3A_431] {strides = array<i32>} : memref<128x128xf32, #tpu.memory_space<vmem>>, vector<16xf32>,
            %mul3A_433 = arith.mulf %get3A_432, %gather3A_298 : vector<16xf32>
            %add3A_434 = arith.constant 8 : i32
            %add3A_435 = arith.addi %add3A_147, %add3A_434 : i32
            %swap3A_436 = arith.index_cast %add3A_435 : i32 to index
            %swap3A_437 = arith.index_cast %add3A_427 : i32 to index
            %swap3A_438 = tpu.vector_load %arg9[%swap3A_436, %swap3A_437] {strides = array<i32>} : memref<128x128xf32, #tpu.memory_space<vmem>>, vector<16xf32>,
            tpu.vector_store %arg9[%swap3A_436, %swap3A_437], %mul3A_433 {strides = array<i32>} : memref<128x128xf32, #tpu.memory_space<vmem>>, vector<16xf32>,
          }
          %scan3A_303 = arith.constant 8 : i32
          %broadcast_in_dim3A_304 = arith.constant 9 : i32
          %broadcast_in_dim3A_305 = vector.broadcast %broadcast_in_dim3A_304 : i32 to vector<16xi32>
          %lt3A_306 = arith.constant 0 : i32
          %lt3A_307 = vector.broadcast %lt3A_306 : i32 to vector<16xi32>
          %lt3A_308 = arith.cmpi slt, %broadcast_in_dim3A_305, %lt3A_307 : vector<16xi32>
          %add3A_309 = arith.constant 16 : i32
          %add3A_310 = vector.broadcast %add3A_309 : i32 to vector<16xi32>
          %add3A_311 = arith.addi %broadcast_in_dim3A_305, %add3A_310 : vector<16xi32>
          %select_n3A_312 = arith.select %lt3A_308, %add3A_311, %broadcast_in_dim3A_305 : vector<16xi1>, vector<16xi32>
          %broadcast_in_dim3A_313 = vector.shape_cast %select_n3A_312 : vector<16xi32> to vector<16x1xi32>
          %gather3A_314 = vector.shape_cast %broadcast_in_dim3A_313 : vector<16x1xi32> to vector<16xi32>
          %gather3A_315 = tpu.dynamic_gather %bitcast3A[%gather3A_314] in [0] : vector<16xf32>, vector<16xi32> -> vector<16xf32>
          %scan3A_316 = arith.constant 0 : i32
          %scan3A_317 = arith.constant 8 : i32
          %scan3A_318 = arith.addi %scan3A_316, %scan3A_317 : i32
          %scan3A_319 = arith.constant 1 : i32
          scf.for %scan3A_423 = %scan3A_316 to %scan3A_318 step %scan3A_319  : i32 {
            %mul3A_424 = arith.constant 16 : i32
            %mul3A_425 = arith.muli %scan3A_423, %mul3A_424 : i32
            %add3A_426 = arith.constant 0 : i32
            %add3A_427 = arith.addi %add3A_426, %mul3A_425 : i32
            %add3A_428 = arith.constant 9 : i32
            %add3A_429 = arith.addi %add3A_147, %add3A_428 : i32
            %get3A_430 = arith.index_cast %add3A_429 : i32 to index
            %get3A_431 = arith.index_cast %add3A_427 : i32 to index
            %get3A_432 = tpu.vector_load %arg9[%get3A_430, %get3A_431] {strides = array<i32>} : memref<128x128xf32, #tpu.memory_space<vmem>>, vector<16xf32>,
            %mul3A_433 = arith.mulf %get3A_432, %gather3A_315 : vector<16xf32>
            %add3A_434 = arith.constant 9 : i32
            %add3A_435 = arith.addi %add3A_147, %add3A_434 : i32
            %swap3A_436 = arith.index_cast %add3A_435 : i32 to index
            %swap3A_437 = arith.index_cast %add3A_427 : i32 to index
            %swap3A_438 = tpu.vector_load %arg9[%swap3A_436, %swap3A_437] {strides = array<i32>} : memref<128x128xf32, #tpu.memory_space<vmem>>, vector<16xf32>,
            tpu.vector_store %arg9[%swap3A_436, %swap3A_437], %mul3A_433 {strides = array<i32>} : memref<128x128xf32, #tpu.memory_space<vmem>>, vector<16xf32>,
          }
          %scan3A_320 = arith.constant 8 : i32
          %broadcast_in_dim3A_321 = arith.constant 10 : i32
          %broadcast_in_dim3A_322 = vector.broadcast %broadcast_in_dim3A_321 : i32 to vector<16xi32>
          %lt3A_323 = arith.constant 0 : i32
          %lt3A_324 = vector.broadcast %lt3A_323 : i32 to vector<16xi32>
          %lt3A_325 = arith.cmpi slt, %broadcast_in_dim3A_322, %lt3A_324 : vector<16xi32>
          %add3A_326 = arith.constant 16 : i32
          %add3A_327 = vector.broadcast %add3A_326 : i32 to vector<16xi32>
          %add3A_328 = arith.addi %broadcast_in_dim3A_322, %add3A_327 : vector<16xi32>
          %select_n3A_329 = arith.select %lt3A_325, %add3A_328, %broadcast_in_dim3A_322 : vector<16xi1>, vector<16xi32>
          %broadcast_in_dim3A_330 = vector.shape_cast %select_n3A_329 : vector<16xi32> to vector<16x1xi32>
          %gather3A_331 = vector.shape_cast %broadcast_in_dim3A_330 : vector<16x1xi32> to vector<16xi32>
          %gather3A_332 = tpu.dynamic_gather %bitcast3A[%gather3A_331] in [0] : vector<16xf32>, vector<16xi32> -> vector<16xf32>
          %scan3A_333 = arith.constant 0 : i32
          %scan3A_334 = arith.constant 8 : i32
          %scan3A_335 = arith.addi %scan3A_333, %scan3A_334 : i32
          %scan3A_336 = arith.constant 1 : i32
          scf.for %scan3A_423 = %scan3A_333 to %scan3A_335 step %scan3A_336  : i32 {
            %mul3A_424 = arith.constant 16 : i32
            %mul3A_425 = arith.muli %scan3A_423, %mul3A_424 : i32
            %add3A_426 = arith.constant 0 : i32
            %add3A_427 = arith.addi %add3A_426, %mul3A_425 : i32
            %add3A_428 = arith.constant 10 : i32
            %add3A_429 = arith.addi %add3A_147, %add3A_428 : i32
            %get3A_430 = arith.index_cast %add3A_429 : i32 to index
            %get3A_431 = arith.index_cast %add3A_427 : i32 to index
            %get3A_432 = tpu.vector_load %arg9[%get3A_430, %get3A_431] {strides = array<i32>} : memref<128x128xf32, #tpu.memory_space<vmem>>, vector<16xf32>,
            %mul3A_433 = arith.mulf %get3A_432, %gather3A_332 : vector<16xf32>
            %add3A_434 = arith.constant 10 : i32
            %add3A_435 = arith.addi %add3A_147, %add3A_434 : i32
            %swap3A_436 = arith.index_cast %add3A_435 : i32 to index
            %swap3A_437 = arith.index_cast %add3A_427 : i32 to index
            %swap3A_438 = tpu.vector_load %arg9[%swap3A_436, %swap3A_437] {strides = array<i32>} : memref<128x128xf32, #tpu.memory_space<vmem>>, vector<16xf32>,
            tpu.vector_store %arg9[%swap3A_436, %swap3A_437], %mul3A_433 {strides = array<i32>} : memref<128x128xf32, #tpu.memory_space<vmem>>, vector<16xf32>,
          }
          %scan3A_337 = arith.constant 8 : i32
          %broadcast_in_dim3A_338 = arith.constant 11 : i32
          %broadcast_in_dim3A_339 = vector.broadcast %broadcast_in_dim3A_338 : i32 to vector<16xi32>
          %lt3A_340 = arith.constant 0 : i32
          %lt3A_341 = vector.broadcast %lt3A_340 : i32 to vector<16xi32>
          %lt3A_342 = arith.cmpi slt, %broadcast_in_dim3A_339, %lt3A_341 : vector<16xi32>
          %add3A_343 = arith.constant 16 : i32
          %add3A_344 = vector.broadcast %add3A_343 : i32 to vector<16xi32>
          %add3A_345 = arith.addi %broadcast_in_dim3A_339, %add3A_344 : vector<16xi32>
          %select_n3A_346 = arith.select %lt3A_342, %add3A_345, %broadcast_in_dim3A_339 : vector<16xi1>, vector<16xi32>
          %broadcast_in_dim3A_347 = vector.shape_cast %select_n3A_346 : vector<16xi32> to vector<16x1xi32>
          %gather3A_348 = vector.shape_cast %broadcast_in_dim3A_347 : vector<16x1xi32> to vector<16xi32>
          %gather3A_349 = tpu.dynamic_gather %bitcast3A[%gather3A_348] in [0] : vector<16xf32>, vector<16xi32> -> vector<16xf32>
          %scan3A_350 = arith.constant 0 : i32
          %scan3A_351 = arith.constant 8 : i32
          %scan3A_352 = arith.addi %scan3A_350, %scan3A_351 : i32
          %scan3A_353 = arith.constant 1 : i32
          scf.for %scan3A_423 = %scan3A_350 to %scan3A_352 step %scan3A_353  : i32 {
            %mul3A_424 = arith.constant 16 : i32
            %mul3A_425 = arith.muli %scan3A_423, %mul3A_424 : i32
            %add3A_426 = arith.constant 0 : i32
            %add3A_427 = arith.addi %add3A_426, %mul3A_425 : i32
            %add3A_428 = arith.constant 11 : i32
            %add3A_429 = arith.addi %add3A_147, %add3A_428 : i32
            %get3A_430 = arith.index_cast %add3A_429 : i32 to index
            %get3A_431 = arith.index_cast %add3A_427 : i32 to index
            %get3A_432 = tpu.vector_load %arg9[%get3A_430, %get3A_431] {strides = array<i32>} : memref<128x128xf32, #tpu.memory_space<vmem>>, vector<16xf32>,
            %mul3A_433 = arith.mulf %get3A_432, %gather3A_349 : vector<16xf32>
            %add3A_434 = arith.constant 11 : i32
            %add3A_435 = arith.addi %add3A_147, %add3A_434 : i32
            %swap3A_436 = arith.index_cast %add3A_435 : i32 to index
            %swap3A_437 = arith.index_cast %add3A_427 : i32 to index
            %swap3A_438 = tpu.vector_load %arg9[%swap3A_436, %swap3A_437] {strides = array<i32>} : memref<128x128xf32, #tpu.memory_space<vmem>>, vector<16xf32>,
            tpu.vector_store %arg9[%swap3A_436, %swap3A_437], %mul3A_433 {strides = array<i32>} : memref<128x128xf32, #tpu.memory_space<vmem>>, vector<16xf32>,
          }
          %scan3A_354 = arith.constant 8 : i32
          %broadcast_in_dim3A_355 = arith.constant 12 : i32
          %broadcast_in_dim3A_356 = vector.broadcast %broadcast_in_dim3A_355 : i32 to vector<16xi32>
          %lt3A_357 = arith.constant 0 : i32
          %lt3A_358 = vector.broadcast %lt3A_357 : i32 to vector<16xi32>
          %lt3A_359 = arith.cmpi slt, %broadcast_in_dim3A_356, %lt3A_358 : vector<16xi32>
          %add3A_360 = arith.constant 16 : i32
          %add3A_361 = vector.broadcast %add3A_360 : i32 to vector<16xi32>
          %add3A_362 = arith.addi %broadcast_in_dim3A_356, %add3A_361 : vector<16xi32>
          %select_n3A_363 = arith.select %lt3A_359, %add3A_362, %broadcast_in_dim3A_356 : vector<16xi1>, vector<16xi32>
          %broadcast_in_dim3A_364 = vector.shape_cast %select_n3A_363 : vector<16xi32> to vector<16x1xi32>
          %gather3A_365 = vector.shape_cast %broadcast_in_dim3A_364 : vector<16x1xi32> to vector<16xi32>
          %gather3A_366 = tpu.dynamic_gather %bitcast3A[%gather3A_365] in [0] : vector<16xf32>, vector<16xi32> -> vector<16xf32>
          %scan3A_367 = arith.constant 0 : i32
          %scan3A_368 = arith.constant 8 : i32
          %scan3A_369 = arith.addi %scan3A_367, %scan3A_368 : i32
          %scan3A_370 = arith.constant 1 : i32
          scf.for %scan3A_423 = %scan3A_367 to %scan3A_369 step %scan3A_370  : i32 {
            %mul3A_424 = arith.constant 16 : i32
            %mul3A_425 = arith.muli %scan3A_423, %mul3A_424 : i32
            %add3A_426 = arith.constant 0 : i32
            %add3A_427 = arith.addi %add3A_426, %mul3A_425 : i32
            %add3A_428 = arith.constant 12 : i32
            %add3A_429 = arith.addi %add3A_147, %add3A_428 : i32
            %get3A_430 = arith.index_cast %add3A_429 : i32 to index
            %get3A_431 = arith.index_cast %add3A_427 : i32 to index
            %get3A_432 = tpu.vector_load %arg9[%get3A_430, %get3A_431] {strides = array<i32>} : memref<128x128xf32, #tpu.memory_space<vmem>>, vector<16xf32>,
            %mul3A_433 = arith.mulf %get3A_432, %gather3A_366 : vector<16xf32>
            %add3A_434 = arith.constant 12 : i32
            %add3A_435 = arith.addi %add3A_147, %add3A_434 : i32
            %swap3A_436 = arith.index_cast %add3A_435 : i32 to index
            %swap3A_437 = arith.index_cast %add3A_427 : i32 to index
            %swap3A_438 = tpu.vector_load %arg9[%swap3A_436, %swap3A_437] {strides = array<i32>} : memref<128x128xf32, #tpu.memory_space<vmem>>, vector<16xf32>,
            tpu.vector_store %arg9[%swap3A_436, %swap3A_437], %mul3A_433 {strides = array<i32>} : memref<128x128xf32, #tpu.memory_space<vmem>>, vector<16xf32>,
          }
          %scan3A_371 = arith.constant 8 : i32
          %broadcast_in_dim3A_372 = arith.constant 13 : i32
          %broadcast_in_dim3A_373 = vector.broadcast %broadcast_in_dim3A_372 : i32 to vector<16xi32>
          %lt3A_374 = arith.constant 0 : i32
          %lt3A_375 = vector.broadcast %lt3A_374 : i32 to vector<16xi32>
          %lt3A_376 = arith.cmpi slt, %broadcast_in_dim3A_373, %lt3A_375 : vector<16xi32>
          %add3A_377 = arith.constant 16 : i32
          %add3A_378 = vector.broadcast %add3A_377 : i32 to vector<16xi32>
          %add3A_379 = arith.addi %broadcast_in_dim3A_373, %add3A_378 : vector<16xi32>
          %select_n3A_380 = arith.select %lt3A_376, %add3A_379, %broadcast_in_dim3A_373 : vector<16xi1>, vector<16xi32>
          %broadcast_in_dim3A_381 = vector.shape_cast %select_n3A_380 : vector<16xi32> to vector<16x1xi32>
          %gather3A_382 = vector.shape_cast %broadcast_in_dim3A_381 : vector<16x1xi32> to vector<16xi32>
          %gather3A_383 = tpu.dynamic_gather %bitcast3A[%gather3A_382] in [0] : vector<16xf32>, vector<16xi32> -> vector<16xf32>
          %scan3A_384 = arith.constant 0 : i32
          %scan3A_385 = arith.constant 8 : i32
          %scan3A_386 = arith.addi %scan3A_384, %scan3A_385 : i32
          %scan3A_387 = arith.constant 1 : i32
          scf.for %scan3A_423 = %scan3A_384 to %scan3A_386 step %scan3A_387  : i32 {
            %mul3A_424 = arith.constant 16 : i32
            %mul3A_425 = arith.muli %scan3A_423, %mul3A_424 : i32
            %add3A_426 = arith.constant 0 : i32
            %add3A_427 = arith.addi %add3A_426, %mul3A_425 : i32
            %add3A_428 = arith.constant 13 : i32
            %add3A_429 = arith.addi %add3A_147, %add3A_428 : i32
            %get3A_430 = arith.index_cast %add3A_429 : i32 to index
            %get3A_431 = arith.index_cast %add3A_427 : i32 to index
            %get3A_432 = tpu.vector_load %arg9[%get3A_430, %get3A_431] {strides = array<i32>} : memref<128x128xf32, #tpu.memory_space<vmem>>, vector<16xf32>,
            %mul3A_433 = arith.mulf %get3A_432, %gather3A_383 : vector<16xf32>
            %add3A_434 = arith.constant 13 : i32
            %add3A_435 = arith.addi %add3A_147, %add3A_434 : i32
            %swap3A_436 = arith.index_cast %add3A_435 : i32 to index
            %swap3A_437 = arith.index_cast %add3A_427 : i32 to index
            %swap3A_438 = tpu.vector_load %arg9[%swap3A_436, %swap3A_437] {strides = array<i32>} : memref<128x128xf32, #tpu.memory_space<vmem>>, vector<16xf32>,
            tpu.vector_store %arg9[%swap3A_436, %swap3A_437], %mul3A_433 {strides = array<i32>} : memref<128x128xf32, #tpu.memory_space<vmem>>, vector<16xf32>,
          }
          %scan3A_388 = arith.constant 8 : i32
          %broadcast_in_dim3A_389 = arith.constant 14 : i32
          %broadcast_in_dim3A_390 = vector.broadcast %broadcast_in_dim3A_389 : i32 to vector<16xi32>
          %lt3A_391 = arith.constant 0 : i32
          %lt3A_392 = vector.broadcast %lt3A_391 : i32 to vector<16xi32>
          %lt3A_393 = arith.cmpi slt, %broadcast_in_dim3A_390, %lt3A_392 : vector<16xi32>
          %add3A_394 = arith.constant 16 : i32
          %add3A_395 = vector.broadcast %add3A_394 : i32 to vector<16xi32>
          %add3A_396 = arith.addi %broadcast_in_dim3A_390, %add3A_395 : vector<16xi32>
          %select_n3A_397 = arith.select %lt3A_393, %add3A_396, %broadcast_in_dim3A_390 : vector<16xi1>, vector<16xi32>
          %broadcast_in_dim3A_398 = vector.shape_cast %select_n3A_397 : vector<16xi32> to vector<16x1xi32>
          %gather3A_399 = vector.shape_cast %broadcast_in_dim3A_398 : vector<16x1xi32> to vector<16xi32>
          %gather3A_400 = tpu.dynamic_gather %bitcast3A[%gather3A_399] in [0] : vector<16xf32>, vector<16xi32> -> vector<16xf32>
          %scan3A_401 = arith.constant 0 : i32
          %scan3A_402 = arith.constant 8 : i32
          %scan3A_403 = arith.addi %scan3A_401, %scan3A_402 : i32
          %scan3A_404 = arith.constant 1 : i32
          scf.for %scan3A_423 = %scan3A_401 to %scan3A_403 step %scan3A_404  : i32 {
            %mul3A_424 = arith.constant 16 : i32
            %mul3A_425 = arith.muli %scan3A_423, %mul3A_424 : i32
            %add3A_426 = arith.constant 0 : i32
            %add3A_427 = arith.addi %add3A_426, %mul3A_425 : i32
            %add3A_428 = arith.constant 14 : i32
            %add3A_429 = arith.addi %add3A_147, %add3A_428 : i32
            %get3A_430 = arith.index_cast %add3A_429 : i32 to index
            %get3A_431 = arith.index_cast %add3A_427 : i32 to index
            %get3A_432 = tpu.vector_load %arg9[%get3A_430, %get3A_431] {strides = array<i32>} : memref<128x128xf32, #tpu.memory_space<vmem>>, vector<16xf32>,
            %mul3A_433 = arith.mulf %get3A_432, %gather3A_400 : vector<16xf32>
            %add3A_434 = arith.constant 14 : i32
            %add3A_435 = arith.addi %add3A_147, %add3A_434 : i32
            %swap3A_436 = arith.index_cast %add3A_435 : i32 to index
            %swap3A_437 = arith.index_cast %add3A_427 : i32 to index
            %swap3A_438 = tpu.vector_load %arg9[%swap3A_436, %swap3A_437] {strides = array<i32>} : memref<128x128xf32, #tpu.memory_space<vmem>>, vector<16xf32>,
            tpu.vector_store %arg9[%swap3A_436, %swap3A_437], %mul3A_433 {strides = array<i32>} : memref<128x128xf32, #tpu.memory_space<vmem>>, vector<16xf32>,
          }
          %scan3A_405 = arith.constant 8 : i32
          %broadcast_in_dim3A_406 = arith.constant 15 : i32
          %broadcast_in_dim3A_407 = vector.broadcast %broadcast_in_dim3A_406 : i32 to vector<16xi32>
          %lt3A_408 = arith.constant 0 : i32
          %lt3A_409 = vector.broadcast %lt3A_408 : i32 to vector<16xi32>
          %lt3A_410 = arith.cmpi slt, %broadcast_in_dim3A_407, %lt3A_409 : vector<16xi32>
          %add3A_411 = arith.constant 16 : i32
          %add3A_412 = vector.broadcast %add3A_411 : i32 to vector<16xi32>
          %add3A_413 = arith.addi %broadcast_in_dim3A_407, %add3A_412 : vector<16xi32>
          %select_n3A_414 = arith.select %lt3A_410, %add3A_413, %broadcast_in_dim3A_407 : vector<16xi1>, vector<16xi32>
          %broadcast_in_dim3A_415 = vector.shape_cast %select_n3A_414 : vector<16xi32> to vector<16x1xi32>
          %gather3A_416 = vector.shape_cast %broadcast_in_dim3A_415 : vector<16x1xi32> to vector<16xi32>
          %gather3A_417 = tpu.dynamic_gather %bitcast3A[%gather3A_416] in [0] : vector<16xf32>, vector<16xi32> -> vector<16xf32>
          %scan3A_418 = arith.constant 0 : i32
          %scan3A_419 = arith.constant 8 : i32
          %scan3A_420 = arith.addi %scan3A_418, %scan3A_419 : i32
          %scan3A_421 = arith.constant 1 : i32
          scf.for %scan3A_423 = %scan3A_418 to %scan3A_420 step %scan3A_421  : i32 {
            %mul3A_424 = arith.constant 16 : i32
            %mul3A_425 = arith.muli %scan3A_423, %mul3A_424 : i32
            %add3A_426 = arith.constant 0 : i32
            %add3A_427 = arith.addi %add3A_426, %mul3A_425 : i32
            %add3A_428 = arith.constant 15 : i32
            %add3A_429 = arith.addi %add3A_147, %add3A_428 : i32
            %get3A_430 = arith.index_cast %add3A_429 : i32 to index
            %get3A_431 = arith.index_cast %add3A_427 : i32 to index
            %get3A_432 = tpu.vector_load %arg9[%get3A_430, %get3A_431] {strides = array<i32>} : memref<128x128xf32, #tpu.memory_space<vmem>>, vector<16xf32>,
            %mul3A_433 = arith.mulf %get3A_432, %gather3A_417 : vector<16xf32>
            %add3A_434 = arith.constant 15 : i32
            %add3A_435 = arith.addi %add3A_147, %add3A_434 : i32
            %swap3A_436 = arith.index_cast %add3A_435 : i32 to index
            %swap3A_437 = arith.index_cast %add3A_427 : i32 to index
            %swap3A_438 = tpu.vector_load %arg9[%swap3A_436, %swap3A_437] {strides = array<i32>} : memref<128x128xf32, #tpu.memory_space<vmem>>, vector<16xf32>,
            tpu.vector_store %arg9[%swap3A_436, %swap3A_437], %mul3A_433 {strides = array<i32>} : memref<128x128xf32, #tpu.memory_space<vmem>>, vector<16xf32>,
          }
          %scan3A_422 = arith.constant 8 : i32
        }
        %scan3A_140 = arith.constant 8 : i32
        %dma_start3A = arith.constant 0 : i32
        %dma_start3A_141 = arith.constant 0 : i32
        %dma_start3A_142 = tpu.memref_slice %arg15[%dma_start3A, %dma_start3A_141] : memref<10000x128xf32, #tpu.memory_space<vmem_shared>> -> memref<10000x128xf32, #tpu.memory_space<vmem_shared>>
        tpu.enqueue_indirect_dma source(%arg9 : memref<128x128xf32, #tpu.memory_space<vmem>>) target(%dma_start3A_142 : memref<10000x128xf32, #tpu.memory_space<vmem_shared>>) offsets(%arg8 : memref<128xi32, #tpu.memory_space<vmem>>) semaphore(%arg20 : memref<!tpu.dma_semaphore, #tpu.memory_space<semaphore_mem>>) {add = true}
      } else {
      }
      %add3A_90 = arith.constant 2 : i32
      %add3A_91 = arith.addi %add3A_71, %add3A_90 : i32
      %mul3A_92 = arith.constant 16 : i32
      %mul3A_93 = arith.muli %add3A_91, %mul3A_92 : i32
      %add3A_94 = arith.addi %arg1, %mul3A_93 : i32
      %lt3A_95 = arith.constant 625 : i32
      %lt3A_96 = arith.cmpi slt, %add3A_94, %lt3A_95 : i32
      %convert_element_type3A_97 = arith.extui %lt3A_96 : i1 to i32
      %cond3A_98 = arith.constant 0 : i32
      %cond3A_99 = arith.cmpi ne, %convert_element_type3A_97, %cond3A_98 : i32
      scf.if %cond3A_99 {
        %add3A_132 = arith.constant 2 : i32
        %add3A_133 = arith.addi %add3A_71, %add3A_132 : i32
        %add3A_134 = arith.addi %mul3A_0, %arg1 : i32
        %mul3A_135 = arith.constant 16 : i32
        %mul3A_136 = arith.muli %add3A_133, %mul3A_135 : i32
        %add3A_137 = arith.addi %add3A_134, %mul3A_136 : i32
        %mul3A_138 = arith.constant 256 : i32
        %mul3A_139 = arith.muli %add3A_137, %mul3A_138 : i32
        %multiple_of3A_140 = tpu.assume_multiple %mul3A_139, 256 : i32
        %mul3A_141 = arith.constant 128 : i32
        %mul3A_142 = arith.muli %add3A_137, %mul3A_141 : i32
        %multiple_of3A_143 = tpu.assume_multiple %mul3A_142, 128 : i32
        %dma_start3A = tpu.memref_slice %arg3[%multiple_of3A_140] : memref<320000xi32, #tpu.memory_space<hbm>> -> memref<256xi32, #tpu.memory_space<hbm>>
        %dma_start3A_144 = tpu.memref_slice %arg3[%multiple_of3A_140] : memref<320000xi32, #tpu.memory_space<hbm>> -> memref<256xi32, #tpu.memory_space<hbm>>
        tpu.enqueue_dma source(%dma_start3A_144 : memref<256xi32, #tpu.memory_space<hbm>>) target(%arg6 : memref<256xi32, #tpu.memory_space<vmem>>) target_semaphore(%arg18 : memref<!tpu.dma_semaphore, #tpu.memory_space<semaphore_mem>>)
        %dma_start3A_145 = tpu.memref_slice %arg4[%multiple_of3A_143] : memref<160000xi32, #tpu.memory_space<hbm>> -> memref<128xi32, #tpu.memory_space<hbm>>
        %dma_start3A_146 = tpu.memref_slice %arg4[%multiple_of3A_143] : memref<160000xi32, #tpu.memory_space<hbm>> -> memref<128xi32, #tpu.memory_space<hbm>>
        tpu.enqueue_dma source(%dma_start3A_146 : memref<128xi32, #tpu.memory_space<hbm>>) target(%arg7 : memref<128xi32, #tpu.memory_space<vmem>>) target_semaphore(%arg18 : memref<!tpu.dma_semaphore, #tpu.memory_space<semaphore_mem>>)
      } else {
      }
      %mul3A_100 = arith.constant 2 : i32
      %mul3A_101 = arith.muli %mul3A_100, %add3A_67 : i32
      %add3A_102 = arith.constant 1 : i32
      %add3A_103 = arith.addi %mul3A_101, %add3A_102 : i32
      %add3A_104 = arith.constant 1 : i32
      %add3A_105 = arith.addi %add3A_103, %add3A_104 : i32
      %mul3A_106 = arith.constant 16 : i32
      %mul3A_107 = arith.muli %add3A_105, %mul3A_106 : i32
      %add3A_108 = arith.addi %arg1, %mul3A_107 : i32
      %lt3A_109 = arith.constant 625 : i32
      %lt3A_110 = arith.cmpi slt, %add3A_108, %lt3A_109 : i32
      %convert_element_type3A_111 = arith.extui %lt3A_110 : i1 to i32
      %cond3A_112 = arith.constant 0 : i32
      %cond3A_113 = arith.cmpi ne, %convert_element_type3A_111, %cond3A_112 : i32
      scf.if %cond3A_113 {
        %add3A_132 = arith.constant 1 : i32
        %add3A_133 = arith.addi %add3A_103, %add3A_132 : i32
        %add3A_134 = arith.constant 1 : i32
        %add3A_135 = arith.addi %add3A_103, %add3A_134 : i32
        %ge3A = arith.constant 2 : i32
        %ge3A_136 = arith.cmpi sge, %add3A_135, %ge3A : i32
        %convert_element_type3A_137 = arith.extui %ge3A_136 : i1 to i32
        %cond3A_138 = arith.constant 0 : i32
        %cond3A_139 = arith.cmpi ne, %convert_element_type3A_137, %cond3A_138 : i32
        scf.if %cond3A_139 {
          %dma_wait3A_157 = arith.constant 0 : i32
          %dma_wait3A_158 = arith.constant 0 : i32
          %dma_wait3A_159 = tpu.memref_slice %arg15[%dma_wait3A_157, %dma_wait3A_158] : memref<10000x128xf32, #tpu.memory_space<vmem_shared>> -> memref<10000x128xf32, #tpu.memory_space<vmem_shared>>
          tpu.wait_indirect_dma semaphore(%arg20 : memref<!tpu.dma_semaphore, #tpu.memory_space<semaphore_mem>>) src(%arg9 : memref<128x128xf32, #tpu.memory_space<vmem>>) dst(%dma_wait3A_159 : memref<10000x128xf32, #tpu.memory_space<vmem_shared>>)
        } else {
        }
        %add3A_140 = arith.addi %mul3A_0, %arg1 : i32
        %mul3A_141 = arith.constant 16 : i32
        %mul3A_142 = arith.muli %add3A_133, %mul3A_141 : i32
        %add3A_143 = arith.addi %add3A_140, %mul3A_142 : i32
        %mul3A_144 = arith.constant 256 : i32
        %mul3A_145 = arith.muli %add3A_143, %mul3A_144 : i32
        %multiple_of3A_146 = tpu.assume_multiple %mul3A_145, 256 : i32
        %mul3A_147 = arith.constant 128 : i32
        %mul3A_148 = arith.muli %add3A_143, %mul3A_147 : i32
        %multiple_of3A_149 = tpu.assume_multiple %mul3A_148, 128 : i32
        %dma_wait3A = tpu.memref_slice %arg3[%multiple_of3A_146] : memref<320000xi32, #tpu.memory_space<hbm>> -> memref<256xi32, #tpu.memory_space<hbm>>
        %dma_wait3A_150 = tpu.memref_slice %arg3[%multiple_of3A_146] : memref<320000xi32, #tpu.memory_space<hbm>> -> memref<256xi32, #tpu.memory_space<hbm>>
        tpu.wait_dma2 semaphore(%arg18 : memref<!tpu.dma_semaphore, #tpu.memory_space<semaphore_mem>>) src(%dma_wait3A_150 : memref<256xi32, #tpu.memory_space<hbm>>) dst(%arg6 : memref<256xi32, #tpu.memory_space<vmem>>)
        %dma_wait3A_151 = tpu.memref_slice %arg4[%multiple_of3A_149] : memref<160000xi32, #tpu.memory_space<hbm>> -> memref<128xi32, #tpu.memory_space<hbm>>
        %dma_wait3A_152 = tpu.memref_slice %arg4[%multiple_of3A_149] : memref<160000xi32, #tpu.memory_space<hbm>> -> memref<128xi32, #tpu.memory_space<hbm>>
        tpu.wait_dma2 semaphore(%arg18 : memref<!tpu.dma_semaphore, #tpu.memory_space<semaphore_mem>>) src(%dma_wait3A_152 : memref<128xi32, #tpu.memory_space<hbm>>) dst(%arg7 : memref<128xi32, #tpu.memory_space<vmem>>)
        %dma_start3A = arith.constant 0 : i32
        %dma_start3A_153 = tpu.memref_slice %arg6[%dma_start3A] : memref<256xi32, #tpu.memory_space<vmem>> -> memref<128xi32, #tpu.memory_space<vmem>>
        %dma_start3A_154 = arith.constant 0 : i32
        %dma_start3A_155 = arith.constant 0 : i32
        %dma_start3A_156 = tpu.memref_slice %arg2[%dma_start3A_154, %dma_start3A_155] : memref<10000x128xf32, #tpu.memory_space<hbm>> -> memref<10000x128xf32, #tpu.memory_space<hbm>>
        tpu.enqueue_indirect_dma source(%dma_start3A_156 : memref<10000x128xf32, #tpu.memory_space<hbm>>) target(%arg9 : memref<128x128xf32, #tpu.memory_space<vmem>>) offsets(%dma_start3A_153 : memref<128xi32, #tpu.memory_space<vmem>>) semaphore(%arg16 : memref<!tpu.dma_semaphore, #tpu.memory_space<semaphore_mem>>)
      } else {
      }
      %mul3A_114 = arith.constant 16 : i32
      %mul3A_115 = arith.muli %add3A_103, %mul3A_114 : i32
      %add3A_116 = arith.addi %arg1, %mul3A_115 : i32
      %lt3A_117 = arith.constant 625 : i32
      %lt3A_118 = arith.cmpi slt, %add3A_116, %lt3A_117 : i32
      %convert_element_type3A_119 = arith.extui %lt3A_118 : i1 to i32
      %cond3A_120 = arith.constant 0 : i32
      %cond3A_121 = arith.cmpi ne, %convert_element_type3A_119, %cond3A_120 : i32
      scf.if %cond3A_121 {
        %dma_wait3A = arith.constant 0 : i32
        %dma_wait3A_132 = tpu.memref_slice %arg10[%dma_wait3A] : memref<256xi32, #tpu.memory_space<vmem>> -> memref<128xi32, #tpu.memory_space<vmem>>
        %dma_wait3A_133 = arith.constant 0 : i32
        %dma_wait3A_134 = arith.constant 0 : i32
        %dma_wait3A_135 = tpu.memref_slice %arg2[%dma_wait3A_133, %dma_wait3A_134] : memref<10000x128xf32, #tpu.memory_space<hbm>> -> memref<10000x128xf32, #tpu.memory_space<hbm>>
        tpu.wait_indirect_dma semaphore(%arg17 : memref<!tpu.dma_semaphore, #tpu.memory_space<semaphore_mem>>) src(%dma_wait3A_135 : memref<10000x128xf32, #tpu.memory_space<hbm>>) dst(%arg13 : memref<128x128xf32, #tpu.memory_space<vmem>>)
        %scan3A_136 = arith.constant 0 : i32
        %scan3A_137 = arith.constant 8 : i32
        %scan3A_138 = arith.addi %scan3A_136, %scan3A_137 : i32
        %scan3A_139 = arith.constant 1 : i32
        scf.for %scan3A_143 = %scan3A_136 to %scan3A_138 step %scan3A_139  : i32 {
          %mul3A_144 = arith.constant 16 : i32
          %mul3A_145 = arith.muli %scan3A_143, %mul3A_144 : i32
          %add3A_146 = arith.constant 0 : i32
          %add3A_147 = arith.addi %add3A_146, %mul3A_145 : i32
          %get3A = arith.index_cast %add3A_147 : i32 to index
          %get3A_148 = tpu.vector_load %arg11[%get3A] {strides = array<i32>} : memref<128xi32, #tpu.memory_space<vmem>>, vector<16xi32>,
          %swap3A = arith.index_cast %add3A_147 : i32 to index
          %swap3A_149 = tpu.vector_load %arg12[%swap3A] {strides = array<i32>} : memref<128xi32, #tpu.memory_space<vmem>>, vector<16xi32>,
          tpu.vector_store %arg12[%swap3A], %get3A_148 {strides = array<i32>} : memref<128xi32, #tpu.memory_space<vmem>>, vector<16xi32>,
          %add3A_150 = arith.constant 128 : i32
          %add3A_151 = arith.addi %add3A_150, %add3A_147 : i32
          %get3A_152 = arith.index_cast %add3A_151 : i32 to index
          %get3A_153 = tpu.vector_load %arg10[%get3A_152] {strides = array<i32>} : memref<256xi32, #tpu.memory_space<vmem>>, vector<16xi32>,
          %bitcast3A = vector.bitcast %get3A_153 : vector<16xi32> to vector<16xf32>
          %broadcast_in_dim3A = arith.constant 0 : i32
          %broadcast_in_dim3A_154 = vector.broadcast %broadcast_in_dim3A : i32 to vector<16xi32>
          %lt3A_155 = arith.constant 0 : i32
          %lt3A_156 = vector.broadcast %lt3A_155 : i32 to vector<16xi32>
          %lt3A_157 = arith.cmpi slt, %broadcast_in_dim3A_154, %lt3A_156 : vector<16xi32>
          %add3A_158 = arith.constant 16 : i32
          %add3A_159 = vector.broadcast %add3A_158 : i32 to vector<16xi32>
          %add3A_160 = arith.addi %broadcast_in_dim3A_154, %add3A_159 : vector<16xi32>
          %select_n3A = arith.select %lt3A_157, %add3A_160, %broadcast_in_dim3A_154 : vector<16xi1>, vector<16xi32>
          %broadcast_in_dim3A_161 = vector.shape_cast %select_n3A : vector<16xi32> to vector<16x1xi32>
          %gather3A = vector.shape_cast %broadcast_in_dim3A_161 : vector<16x1xi32> to vector<16xi32>
          %gather3A_162 = tpu.dynamic_gather %bitcast3A[%gather3A] in [0] : vector<16xf32>, vector<16xi32> -> vector<16xf32>
          %scan3A_163 = arith.constant 0 : i32
          %scan3A_164 = arith.constant 8 : i32
          %scan3A_165 = arith.addi %scan3A_163, %scan3A_164 : i32
          %scan3A_166 = arith.constant 1 : i32
          scf.for %scan3A_423 = %scan3A_163 to %scan3A_165 step %scan3A_166  : i32 {
            %mul3A_424 = arith.constant 16 : i32
            %mul3A_425 = arith.muli %scan3A_423, %mul3A_424 : i32
            %add3A_426 = arith.constant 0 : i32
            %add3A_427 = arith.addi %add3A_426, %mul3A_425 : i32
            %add3A_428 = arith.constant 0 : i32
            %add3A_429 = arith.addi %add3A_147, %add3A_428 : i32
            %get3A_430 = arith.index_cast %add3A_429 : i32 to index
            %get3A_431 = arith.index_cast %add3A_427 : i32 to index
            %get3A_432 = tpu.vector_load %arg13[%get3A_430, %get3A_431] {strides = array<i32>} : memref<128x128xf32, #tpu.memory_space<vmem>>, vector<16xf32>,
            %mul3A_433 = arith.mulf %get3A_432, %gather3A_162 : vector<16xf32>
            %add3A_434 = arith.constant 0 : i32
            %add3A_435 = arith.addi %add3A_147, %add3A_434 : i32
            %swap3A_436 = arith.index_cast %add3A_435 : i32 to index
            %swap3A_437 = arith.index_cast %add3A_427 : i32 to index
            %swap3A_438 = tpu.vector_load %arg13[%swap3A_436, %swap3A_437] {strides = array<i32>} : memref<128x128xf32, #tpu.memory_space<vmem>>, vector<16xf32>,
            tpu.vector_store %arg13[%swap3A_436, %swap3A_437], %mul3A_433 {strides = array<i32>} : memref<128x128xf32, #tpu.memory_space<vmem>>, vector<16xf32>,
          }
          %scan3A_167 = arith.constant 8 : i32
          %broadcast_in_dim3A_168 = arith.constant 1 : i32
          %broadcast_in_dim3A_169 = vector.broadcast %broadcast_in_dim3A_168 : i32 to vector<16xi32>
          %lt3A_170 = arith.constant 0 : i32
          %lt3A_171 = vector.broadcast %lt3A_170 : i32 to vector<16xi32>
          %lt3A_172 = arith.cmpi slt, %broadcast_in_dim3A_169, %lt3A_171 : vector<16xi32>
          %add3A_173 = arith.constant 16 : i32
          %add3A_174 = vector.broadcast %add3A_173 : i32 to vector<16xi32>
          %add3A_175 = arith.addi %broadcast_in_dim3A_169, %add3A_174 : vector<16xi32>
          %select_n3A_176 = arith.select %lt3A_172, %add3A_175, %broadcast_in_dim3A_169 : vector<16xi1>, vector<16xi32>
          %broadcast_in_dim3A_177 = vector.shape_cast %select_n3A_176 : vector<16xi32> to vector<16x1xi32>
          %gather3A_178 = vector.shape_cast %broadcast_in_dim3A_177 : vector<16x1xi32> to vector<16xi32>
          %gather3A_179 = tpu.dynamic_gather %bitcast3A[%gather3A_178] in [0] : vector<16xf32>, vector<16xi32> -> vector<16xf32>
          %scan3A_180 = arith.constant 0 : i32
          %scan3A_181 = arith.constant 8 : i32
          %scan3A_182 = arith.addi %scan3A_180, %scan3A_181 : i32
          %scan3A_183 = arith.constant 1 : i32
          scf.for %scan3A_423 = %scan3A_180 to %scan3A_182 step %scan3A_183  : i32 {
            %mul3A_424 = arith.constant 16 : i32
            %mul3A_425 = arith.muli %scan3A_423, %mul3A_424 : i32
            %add3A_426 = arith.constant 0 : i32
            %add3A_427 = arith.addi %add3A_426, %mul3A_425 : i32
            %add3A_428 = arith.constant 1 : i32
            %add3A_429 = arith.addi %add3A_147, %add3A_428 : i32
            %get3A_430 = arith.index_cast %add3A_429 : i32 to index
            %get3A_431 = arith.index_cast %add3A_427 : i32 to index
            %get3A_432 = tpu.vector_load %arg13[%get3A_430, %get3A_431] {strides = array<i32>} : memref<128x128xf32, #tpu.memory_space<vmem>>, vector<16xf32>,
            %mul3A_433 = arith.mulf %get3A_432, %gather3A_179 : vector<16xf32>
            %add3A_434 = arith.constant 1 : i32
            %add3A_435 = arith.addi %add3A_147, %add3A_434 : i32
            %swap3A_436 = arith.index_cast %add3A_435 : i32 to index
            %swap3A_437 = arith.index_cast %add3A_427 : i32 to index
            %swap3A_438 = tpu.vector_load %arg13[%swap3A_436, %swap3A_437] {strides = array<i32>} : memref<128x128xf32, #tpu.memory_space<vmem>>, vector<16xf32>,
            tpu.vector_store %arg13[%swap3A_436, %swap3A_437], %mul3A_433 {strides = array<i32>} : memref<128x128xf32, #tpu.memory_space<vmem>>, vector<16xf32>,
          }
          %scan3A_184 = arith.constant 8 : i32
          %broadcast_in_dim3A_185 = arith.constant 2 : i32
          %broadcast_in_dim3A_186 = vector.broadcast %broadcast_in_dim3A_185 : i32 to vector<16xi32>
          %lt3A_187 = arith.constant 0 : i32
          %lt3A_188 = vector.broadcast %lt3A_187 : i32 to vector<16xi32>
          %lt3A_189 = arith.cmpi slt, %broadcast_in_dim3A_186, %lt3A_188 : vector<16xi32>
          %add3A_190 = arith.constant 16 : i32
          %add3A_191 = vector.broadcast %add3A_190 : i32 to vector<16xi32>
          %add3A_192 = arith.addi %broadcast_in_dim3A_186, %add3A_191 : vector<16xi32>
          %select_n3A_193 = arith.select %lt3A_189, %add3A_192, %broadcast_in_dim3A_186 : vector<16xi1>, vector<16xi32>
          %broadcast_in_dim3A_194 = vector.shape_cast %select_n3A_193 : vector<16xi32> to vector<16x1xi32>
          %gather3A_195 = vector.shape_cast %broadcast_in_dim3A_194 : vector<16x1xi32> to vector<16xi32>
          %gather3A_196 = tpu.dynamic_gather %bitcast3A[%gather3A_195] in [0] : vector<16xf32>, vector<16xi32> -> vector<16xf32>
          %scan3A_197 = arith.constant 0 : i32
          %scan3A_198 = arith.constant 8 : i32
          %scan3A_199 = arith.addi %scan3A_197, %scan3A_198 : i32
          %scan3A_200 = arith.constant 1 : i32
          scf.for %scan3A_423 = %scan3A_197 to %scan3A_199 step %scan3A_200  : i32 {
            %mul3A_424 = arith.constant 16 : i32
            %mul3A_425 = arith.muli %scan3A_423, %mul3A_424 : i32
            %add3A_426 = arith.constant 0 : i32
            %add3A_427 = arith.addi %add3A_426, %mul3A_425 : i32
            %add3A_428 = arith.constant 2 : i32
            %add3A_429 = arith.addi %add3A_147, %add3A_428 : i32
            %get3A_430 = arith.index_cast %add3A_429 : i32 to index
            %get3A_431 = arith.index_cast %add3A_427 : i32 to index
            %get3A_432 = tpu.vector_load %arg13[%get3A_430, %get3A_431] {strides = array<i32>} : memref<128x128xf32, #tpu.memory_space<vmem>>, vector<16xf32>,
            %mul3A_433 = arith.mulf %get3A_432, %gather3A_196 : vector<16xf32>
            %add3A_434 = arith.constant 2 : i32
            %add3A_435 = arith.addi %add3A_147, %add3A_434 : i32
            %swap3A_436 = arith.index_cast %add3A_435 : i32 to index
            %swap3A_437 = arith.index_cast %add3A_427 : i32 to index
            %swap3A_438 = tpu.vector_load %arg13[%swap3A_436, %swap3A_437] {strides = array<i32>} : memref<128x128xf32, #tpu.memory_space<vmem>>, vector<16xf32>,
            tpu.vector_store %arg13[%swap3A_436, %swap3A_437], %mul3A_433 {strides = array<i32>} : memref<128x128xf32, #tpu.memory_space<vmem>>, vector<16xf32>,
          }
          %scan3A_201 = arith.constant 8 : i32
          %broadcast_in_dim3A_202 = arith.constant 3 : i32
          %broadcast_in_dim3A_203 = vector.broadcast %broadcast_in_dim3A_202 : i32 to vector<16xi32>
          %lt3A_204 = arith.constant 0 : i32
          %lt3A_205 = vector.broadcast %lt3A_204 : i32 to vector<16xi32>
          %lt3A_206 = arith.cmpi slt, %broadcast_in_dim3A_203, %lt3A_205 : vector<16xi32>
          %add3A_207 = arith.constant 16 : i32
          %add3A_208 = vector.broadcast %add3A_207 : i32 to vector<16xi32>
          %add3A_209 = arith.addi %broadcast_in_dim3A_203, %add3A_208 : vector<16xi32>
          %select_n3A_210 = arith.select %lt3A_206, %add3A_209, %broadcast_in_dim3A_203 : vector<16xi1>, vector<16xi32>
          %broadcast_in_dim3A_211 = vector.shape_cast %select_n3A_210 : vector<16xi32> to vector<16x1xi32>
          %gather3A_212 = vector.shape_cast %broadcast_in_dim3A_211 : vector<16x1xi32> to vector<16xi32>
          %gather3A_213 = tpu.dynamic_gather %bitcast3A[%gather3A_212] in [0] : vector<16xf32>, vector<16xi32> -> vector<16xf32>
          %scan3A_214 = arith.constant 0 : i32
          %scan3A_215 = arith.constant 8 : i32
          %scan3A_216 = arith.addi %scan3A_214, %scan3A_215 : i32
          %scan3A_217 = arith.constant 1 : i32
          scf.for %scan3A_423 = %scan3A_214 to %scan3A_216 step %scan3A_217  : i32 {
            %mul3A_424 = arith.constant 16 : i32
            %mul3A_425 = arith.muli %scan3A_423, %mul3A_424 : i32
            %add3A_426 = arith.constant 0 : i32
            %add3A_427 = arith.addi %add3A_426, %mul3A_425 : i32
            %add3A_428 = arith.constant 3 : i32
            %add3A_429 = arith.addi %add3A_147, %add3A_428 : i32
            %get3A_430 = arith.index_cast %add3A_429 : i32 to index
            %get3A_431 = arith.index_cast %add3A_427 : i32 to index
            %get3A_432 = tpu.vector_load %arg13[%get3A_430, %get3A_431] {strides = array<i32>} : memref<128x128xf32, #tpu.memory_space<vmem>>, vector<16xf32>,
            %mul3A_433 = arith.mulf %get3A_432, %gather3A_213 : vector<16xf32>
            %add3A_434 = arith.constant 3 : i32
            %add3A_435 = arith.addi %add3A_147, %add3A_434 : i32
            %swap3A_436 = arith.index_cast %add3A_435 : i32 to index
            %swap3A_437 = arith.index_cast %add3A_427 : i32 to index
            %swap3A_438 = tpu.vector_load %arg13[%swap3A_436, %swap3A_437] {strides = array<i32>} : memref<128x128xf32, #tpu.memory_space<vmem>>, vector<16xf32>,
            tpu.vector_store %arg13[%swap3A_436, %swap3A_437], %mul3A_433 {strides = array<i32>} : memref<128x128xf32, #tpu.memory_space<vmem>>, vector<16xf32>,
          }
          %scan3A_218 = arith.constant 8 : i32
          %broadcast_in_dim3A_219 = arith.constant 4 : i32
          %broadcast_in_dim3A_220 = vector.broadcast %broadcast_in_dim3A_219 : i32 to vector<16xi32>
          %lt3A_221 = arith.constant 0 : i32
          %lt3A_222 = vector.broadcast %lt3A_221 : i32 to vector<16xi32>
          %lt3A_223 = arith.cmpi slt, %broadcast_in_dim3A_220, %lt3A_222 : vector<16xi32>
          %add3A_224 = arith.constant 16 : i32
          %add3A_225 = vector.broadcast %add3A_224 : i32 to vector<16xi32>
          %add3A_226 = arith.addi %broadcast_in_dim3A_220, %add3A_225 : vector<16xi32>
          %select_n3A_227 = arith.select %lt3A_223, %add3A_226, %broadcast_in_dim3A_220 : vector<16xi1>, vector<16xi32>
          %broadcast_in_dim3A_228 = vector.shape_cast %select_n3A_227 : vector<16xi32> to vector<16x1xi32>
          %gather3A_229 = vector.shape_cast %broadcast_in_dim3A_228 : vector<16x1xi32> to vector<16xi32>
          %gather3A_230 = tpu.dynamic_gather %bitcast3A[%gather3A_229] in [0] : vector<16xf32>, vector<16xi32> -> vector<16xf32>
          %scan3A_231 = arith.constant 0 : i32
          %scan3A_232 = arith.constant 8 : i32
          %scan3A_233 = arith.addi %scan3A_231, %scan3A_232 : i32
          %scan3A_234 = arith.constant 1 : i32
          scf.for %scan3A_423 = %scan3A_231 to %scan3A_233 step %scan3A_234  : i32 {
            %mul3A_424 = arith.constant 16 : i32
            %mul3A_425 = arith.muli %scan3A_423, %mul3A_424 : i32
            %add3A_426 = arith.constant 0 : i32
            %add3A_427 = arith.addi %add3A_426, %mul3A_425 : i32
            %add3A_428 = arith.constant 4 : i32
            %add3A_429 = arith.addi %add3A_147, %add3A_428 : i32
            %get3A_430 = arith.index_cast %add3A_429 : i32 to index
            %get3A_431 = arith.index_cast %add3A_427 : i32 to index
            %get3A_432 = tpu.vector_load %arg13[%get3A_430, %get3A_431] {strides = array<i32>} : memref<128x128xf32, #tpu.memory_space<vmem>>, vector<16xf32>,
            %mul3A_433 = arith.mulf %get3A_432, %gather3A_230 : vector<16xf32>
            %add3A_434 = arith.constant 4 : i32
            %add3A_435 = arith.addi %add3A_147, %add3A_434 : i32
            %swap3A_436 = arith.index_cast %add3A_435 : i32 to index
            %swap3A_437 = arith.index_cast %add3A_427 : i32 to index
            %swap3A_438 = tpu.vector_load %arg13[%swap3A_436, %swap3A_437] {strides = array<i32>} : memref<128x128xf32, #tpu.memory_space<vmem>>, vector<16xf32>,
            tpu.vector_store %arg13[%swap3A_436, %swap3A_437], %mul3A_433 {strides = array<i32>} : memref<128x128xf32, #tpu.memory_space<vmem>>, vector<16xf32>,
          }
          %scan3A_235 = arith.constant 8 : i32
          %broadcast_in_dim3A_236 = arith.constant 5 : i32
          %broadcast_in_dim3A_237 = vector.broadcast %broadcast_in_dim3A_236 : i32 to vector<16xi32>
          %lt3A_238 = arith.constant 0 : i32
          %lt3A_239 = vector.broadcast %lt3A_238 : i32 to vector<16xi32>
          %lt3A_240 = arith.cmpi slt, %broadcast_in_dim3A_237, %lt3A_239 : vector<16xi32>
          %add3A_241 = arith.constant 16 : i32
          %add3A_242 = vector.broadcast %add3A_241 : i32 to vector<16xi32>
          %add3A_243 = arith.addi %broadcast_in_dim3A_237, %add3A_242 : vector<16xi32>
          %select_n3A_244 = arith.select %lt3A_240, %add3A_243, %broadcast_in_dim3A_237 : vector<16xi1>, vector<16xi32>
          %broadcast_in_dim3A_245 = vector.shape_cast %select_n3A_244 : vector<16xi32> to vector<16x1xi32>
          %gather3A_246 = vector.shape_cast %broadcast_in_dim3A_245 : vector<16x1xi32> to vector<16xi32>
          %gather3A_247 = tpu.dynamic_gather %bitcast3A[%gather3A_246] in [0] : vector<16xf32>, vector<16xi32> -> vector<16xf32>
          %scan3A_248 = arith.constant 0 : i32
          %scan3A_249 = arith.constant 8 : i32
          %scan3A_250 = arith.addi %scan3A_248, %scan3A_249 : i32
          %scan3A_251 = arith.constant 1 : i32
          scf.for %scan3A_423 = %scan3A_248 to %scan3A_250 step %scan3A_251  : i32 {
            %mul3A_424 = arith.constant 16 : i32
            %mul3A_425 = arith.muli %scan3A_423, %mul3A_424 : i32
            %add3A_426 = arith.constant 0 : i32
            %add3A_427 = arith.addi %add3A_426, %mul3A_425 : i32
            %add3A_428 = arith.constant 5 : i32
            %add3A_429 = arith.addi %add3A_147, %add3A_428 : i32
            %get3A_430 = arith.index_cast %add3A_429 : i32 to index
            %get3A_431 = arith.index_cast %add3A_427 : i32 to index
            %get3A_432 = tpu.vector_load %arg13[%get3A_430, %get3A_431] {strides = array<i32>} : memref<128x128xf32, #tpu.memory_space<vmem>>, vector<16xf32>,
            %mul3A_433 = arith.mulf %get3A_432, %gather3A_247 : vector<16xf32>
            %add3A_434 = arith.constant 5 : i32
            %add3A_435 = arith.addi %add3A_147, %add3A_434 : i32
            %swap3A_436 = arith.index_cast %add3A_435 : i32 to index
            %swap3A_437 = arith.index_cast %add3A_427 : i32 to index
            %swap3A_438 = tpu.vector_load %arg13[%swap3A_436, %swap3A_437] {strides = array<i32>} : memref<128x128xf32, #tpu.memory_space<vmem>>, vector<16xf32>,
            tpu.vector_store %arg13[%swap3A_436, %swap3A_437], %mul3A_433 {strides = array<i32>} : memref<128x128xf32, #tpu.memory_space<vmem>>, vector<16xf32>,
          }
          %scan3A_252 = arith.constant 8 : i32
          %broadcast_in_dim3A_253 = arith.constant 6 : i32
          %broadcast_in_dim3A_254 = vector.broadcast %broadcast_in_dim3A_253 : i32 to vector<16xi32>
          %lt3A_255 = arith.constant 0 : i32
          %lt3A_256 = vector.broadcast %lt3A_255 : i32 to vector<16xi32>
          %lt3A_257 = arith.cmpi slt, %broadcast_in_dim3A_254, %lt3A_256 : vector<16xi32>
          %add3A_258 = arith.constant 16 : i32
          %add3A_259 = vector.broadcast %add3A_258 : i32 to vector<16xi32>
          %add3A_260 = arith.addi %broadcast_in_dim3A_254, %add3A_259 : vector<16xi32>
          %select_n3A_261 = arith.select %lt3A_257, %add3A_260, %broadcast_in_dim3A_254 : vector<16xi1>, vector<16xi32>
          %broadcast_in_dim3A_262 = vector.shape_cast %select_n3A_261 : vector<16xi32> to vector<16x1xi32>
          %gather3A_263 = vector.shape_cast %broadcast_in_dim3A_262 : vector<16x1xi32> to vector<16xi32>
          %gather3A_264 = tpu.dynamic_gather %bitcast3A[%gather3A_263] in [0] : vector<16xf32>, vector<16xi32> -> vector<16xf32>
          %scan3A_265 = arith.constant 0 : i32
          %scan3A_266 = arith.constant 8 : i32
          %scan3A_267 = arith.addi %scan3A_265, %scan3A_266 : i32
          %scan3A_268 = arith.constant 1 : i32
          scf.for %scan3A_423 = %scan3A_265 to %scan3A_267 step %scan3A_268  : i32 {
            %mul3A_424 = arith.constant 16 : i32
            %mul3A_425 = arith.muli %scan3A_423, %mul3A_424 : i32
            %add3A_426 = arith.constant 0 : i32
            %add3A_427 = arith.addi %add3A_426, %mul3A_425 : i32
            %add3A_428 = arith.constant 6 : i32
            %add3A_429 = arith.addi %add3A_147, %add3A_428 : i32
            %get3A_430 = arith.index_cast %add3A_429 : i32 to index
            %get3A_431 = arith.index_cast %add3A_427 : i32 to index
            %get3A_432 = tpu.vector_load %arg13[%get3A_430, %get3A_431] {strides = array<i32>} : memref<128x128xf32, #tpu.memory_space<vmem>>, vector<16xf32>,
            %mul3A_433 = arith.mulf %get3A_432, %gather3A_264 : vector<16xf32>
            %add3A_434 = arith.constant 6 : i32
            %add3A_435 = arith.addi %add3A_147, %add3A_434 : i32
            %swap3A_436 = arith.index_cast %add3A_435 : i32 to index
            %swap3A_437 = arith.index_cast %add3A_427 : i32 to index
            %swap3A_438 = tpu.vector_load %arg13[%swap3A_436, %swap3A_437] {strides = array<i32>} : memref<128x128xf32, #tpu.memory_space<vmem>>, vector<16xf32>,
            tpu.vector_store %arg13[%swap3A_436, %swap3A_437], %mul3A_433 {strides = array<i32>} : memref<128x128xf32, #tpu.memory_space<vmem>>, vector<16xf32>,
          }
          %scan3A_269 = arith.constant 8 : i32
          %broadcast_in_dim3A_270 = arith.constant 7 : i32
          %broadcast_in_dim3A_271 = vector.broadcast %broadcast_in_dim3A_270 : i32 to vector<16xi32>
          %lt3A_272 = arith.constant 0 : i32
          %lt3A_273 = vector.broadcast %lt3A_272 : i32 to vector<16xi32>
          %lt3A_274 = arith.cmpi slt, %broadcast_in_dim3A_271, %lt3A_273 : vector<16xi32>
          %add3A_275 = arith.constant 16 : i32
          %add3A_276 = vector.broadcast %add3A_275 : i32 to vector<16xi32>
          %add3A_277 = arith.addi %broadcast_in_dim3A_271, %add3A_276 : vector<16xi32>
          %select_n3A_278 = arith.select %lt3A_274, %add3A_277, %broadcast_in_dim3A_271 : vector<16xi1>, vector<16xi32>
          %broadcast_in_dim3A_279 = vector.shape_cast %select_n3A_278 : vector<16xi32> to vector<16x1xi32>
          %gather3A_280 = vector.shape_cast %broadcast_in_dim3A_279 : vector<16x1xi32> to vector<16xi32>
          %gather3A_281 = tpu.dynamic_gather %bitcast3A[%gather3A_280] in [0] : vector<16xf32>, vector<16xi32> -> vector<16xf32>
          %scan3A_282 = arith.constant 0 : i32
          %scan3A_283 = arith.constant 8 : i32
          %scan3A_284 = arith.addi %scan3A_282, %scan3A_283 : i32
          %scan3A_285 = arith.constant 1 : i32
          scf.for %scan3A_423 = %scan3A_282 to %scan3A_284 step %scan3A_285  : i32 {
            %mul3A_424 = arith.constant 16 : i32
            %mul3A_425 = arith.muli %scan3A_423, %mul3A_424 : i32
            %add3A_426 = arith.constant 0 : i32
            %add3A_427 = arith.addi %add3A_426, %mul3A_425 : i32
            %add3A_428 = arith.constant 7 : i32
            %add3A_429 = arith.addi %add3A_147, %add3A_428 : i32
            %get3A_430 = arith.index_cast %add3A_429 : i32 to index
            %get3A_431 = arith.index_cast %add3A_427 : i32 to index
            %get3A_432 = tpu.vector_load %arg13[%get3A_430, %get3A_431] {strides = array<i32>} : memref<128x128xf32, #tpu.memory_space<vmem>>, vector<16xf32>,
            %mul3A_433 = arith.mulf %get3A_432, %gather3A_281 : vector<16xf32>
            %add3A_434 = arith.constant 7 : i32
            %add3A_435 = arith.addi %add3A_147, %add3A_434 : i32
            %swap3A_436 = arith.index_cast %add3A_435 : i32 to index
            %swap3A_437 = arith.index_cast %add3A_427 : i32 to index
            %swap3A_438 = tpu.vector_load %arg13[%swap3A_436, %swap3A_437] {strides = array<i32>} : memref<128x128xf32, #tpu.memory_space<vmem>>, vector<16xf32>,
            tpu.vector_store %arg13[%swap3A_436, %swap3A_437], %mul3A_433 {strides = array<i32>} : memref<128x128xf32, #tpu.memory_space<vmem>>, vector<16xf32>,
          }
          %scan3A_286 = arith.constant 8 : i32
          %broadcast_in_dim3A_287 = arith.constant 8 : i32
          %broadcast_in_dim3A_288 = vector.broadcast %broadcast_in_dim3A_287 : i32 to vector<16xi32>
          %lt3A_289 = arith.constant 0 : i32
          %lt3A_290 = vector.broadcast %lt3A_289 : i32 to vector<16xi32>
          %lt3A_291 = arith.cmpi slt, %broadcast_in_dim3A_288, %lt3A_290 : vector<16xi32>
          %add3A_292 = arith.constant 16 : i32
          %add3A_293 = vector.broadcast %add3A_292 : i32 to vector<16xi32>
          %add3A_294 = arith.addi %broadcast_in_dim3A_288, %add3A_293 : vector<16xi32>
          %select_n3A_295 = arith.select %lt3A_291, %add3A_294, %broadcast_in_dim3A_288 : vector<16xi1>, vector<16xi32>
          %broadcast_in_dim3A_296 = vector.shape_cast %select_n3A_295 : vector<16xi32> to vector<16x1xi32>
          %gather3A_297 = vector.shape_cast %broadcast_in_dim3A_296 : vector<16x1xi32> to vector<16xi32>
          %gather3A_298 = tpu.dynamic_gather %bitcast3A[%gather3A_297] in [0] : vector<16xf32>, vector<16xi32> -> vector<16xf32>
          %scan3A_299 = arith.constant 0 : i32
          %scan3A_300 = arith.constant 8 : i32
          %scan3A_301 = arith.addi %scan3A_299, %scan3A_300 : i32
          %scan3A_302 = arith.constant 1 : i32
          scf.for %scan3A_423 = %scan3A_299 to %scan3A_301 step %scan3A_302  : i32 {
            %mul3A_424 = arith.constant 16 : i32
            %mul3A_425 = arith.muli %scan3A_423, %mul3A_424 : i32
            %add3A_426 = arith.constant 0 : i32
            %add3A_427 = arith.addi %add3A_426, %mul3A_425 : i32
            %add3A_428 = arith.constant 8 : i32
            %add3A_429 = arith.addi %add3A_147, %add3A_428 : i32
            %get3A_430 = arith.index_cast %add3A_429 : i32 to index
            %get3A_431 = arith.index_cast %add3A_427 : i32 to index
            %get3A_432 = tpu.vector_load %arg13[%get3A_430, %get3A_431] {strides = array<i32>} : memref<128x128xf32, #tpu.memory_space<vmem>>, vector<16xf32>,
            %mul3A_433 = arith.mulf %get3A_432, %gather3A_298 : vector<16xf32>
            %add3A_434 = arith.constant 8 : i32
            %add3A_435 = arith.addi %add3A_147, %add3A_434 : i32
            %swap3A_436 = arith.index_cast %add3A_435 : i32 to index
            %swap3A_437 = arith.index_cast %add3A_427 : i32 to index
            %swap3A_438 = tpu.vector_load %arg13[%swap3A_436, %swap3A_437] {strides = array<i32>} : memref<128x128xf32, #tpu.memory_space<vmem>>, vector<16xf32>,
            tpu.vector_store %arg13[%swap3A_436, %swap3A_437], %mul3A_433 {strides = array<i32>} : memref<128x128xf32, #tpu.memory_space<vmem>>, vector<16xf32>,
          }
          %scan3A_303 = arith.constant 8 : i32
          %broadcast_in_dim3A_304 = arith.constant 9 : i32
          %broadcast_in_dim3A_305 = vector.broadcast %broadcast_in_dim3A_304 : i32 to vector<16xi32>
          %lt3A_306 = arith.constant 0 : i32
          %lt3A_307 = vector.broadcast %lt3A_306 : i32 to vector<16xi32>
          %lt3A_308 = arith.cmpi slt, %broadcast_in_dim3A_305, %lt3A_307 : vector<16xi32>
          %add3A_309 = arith.constant 16 : i32
          %add3A_310 = vector.broadcast %add3A_309 : i32 to vector<16xi32>
          %add3A_311 = arith.addi %broadcast_in_dim3A_305, %add3A_310 : vector<16xi32>
          %select_n3A_312 = arith.select %lt3A_308, %add3A_311, %broadcast_in_dim3A_305 : vector<16xi1>, vector<16xi32>
          %broadcast_in_dim3A_313 = vector.shape_cast %select_n3A_312 : vector<16xi32> to vector<16x1xi32>
          %gather3A_314 = vector.shape_cast %broadcast_in_dim3A_313 : vector<16x1xi32> to vector<16xi32>
          %gather3A_315 = tpu.dynamic_gather %bitcast3A[%gather3A_314] in [0] : vector<16xf32>, vector<16xi32> -> vector<16xf32>
          %scan3A_316 = arith.constant 0 : i32
          %scan3A_317 = arith.constant 8 : i32
          %scan3A_318 = arith.addi %scan3A_316, %scan3A_317 : i32
          %scan3A_319 = arith.constant 1 : i32
          scf.for %scan3A_423 = %scan3A_316 to %scan3A_318 step %scan3A_319  : i32 {
            %mul3A_424 = arith.constant 16 : i32
            %mul3A_425 = arith.muli %scan3A_423, %mul3A_424 : i32
            %add3A_426 = arith.constant 0 : i32
            %add3A_427 = arith.addi %add3A_426, %mul3A_425 : i32
            %add3A_428 = arith.constant 9 : i32
            %add3A_429 = arith.addi %add3A_147, %add3A_428 : i32
            %get3A_430 = arith.index_cast %add3A_429 : i32 to index
            %get3A_431 = arith.index_cast %add3A_427 : i32 to index
            %get3A_432 = tpu.vector_load %arg13[%get3A_430, %get3A_431] {strides = array<i32>} : memref<128x128xf32, #tpu.memory_space<vmem>>, vector<16xf32>,
            %mul3A_433 = arith.mulf %get3A_432, %gather3A_315 : vector<16xf32>
            %add3A_434 = arith.constant 9 : i32
            %add3A_435 = arith.addi %add3A_147, %add3A_434 : i32
            %swap3A_436 = arith.index_cast %add3A_435 : i32 to index
            %swap3A_437 = arith.index_cast %add3A_427 : i32 to index
            %swap3A_438 = tpu.vector_load %arg13[%swap3A_436, %swap3A_437] {strides = array<i32>} : memref<128x128xf32, #tpu.memory_space<vmem>>, vector<16xf32>,
            tpu.vector_store %arg13[%swap3A_436, %swap3A_437], %mul3A_433 {strides = array<i32>} : memref<128x128xf32, #tpu.memory_space<vmem>>, vector<16xf32>,
          }
          %scan3A_320 = arith.constant 8 : i32
          %broadcast_in_dim3A_321 = arith.constant 10 : i32
          %broadcast_in_dim3A_322 = vector.broadcast %broadcast_in_dim3A_321 : i32 to vector<16xi32>
          %lt3A_323 = arith.constant 0 : i32
          %lt3A_324 = vector.broadcast %lt3A_323 : i32 to vector<16xi32>
          %lt3A_325 = arith.cmpi slt, %broadcast_in_dim3A_322, %lt3A_324 : vector<16xi32>
          %add3A_326 = arith.constant 16 : i32
          %add3A_327 = vector.broadcast %add3A_326 : i32 to vector<16xi32>
          %add3A_328 = arith.addi %broadcast_in_dim3A_322, %add3A_327 : vector<16xi32>
          %select_n3A_329 = arith.select %lt3A_325, %add3A_328, %broadcast_in_dim3A_322 : vector<16xi1>, vector<16xi32>
          %broadcast_in_dim3A_330 = vector.shape_cast %select_n3A_329 : vector<16xi32> to vector<16x1xi32>
          %gather3A_331 = vector.shape_cast %broadcast_in_dim3A_330 : vector<16x1xi32> to vector<16xi32>
          %gather3A_332 = tpu.dynamic_gather %bitcast3A[%gather3A_331] in [0] : vector<16xf32>, vector<16xi32> -> vector<16xf32>
          %scan3A_333 = arith.constant 0 : i32
          %scan3A_334 = arith.constant 8 : i32
          %scan3A_335 = arith.addi %scan3A_333, %scan3A_334 : i32
          %scan3A_336 = arith.constant 1 : i32
          scf.for %scan3A_423 = %scan3A_333 to %scan3A_335 step %scan3A_336  : i32 {
            %mul3A_424 = arith.constant 16 : i32
            %mul3A_425 = arith.muli %scan3A_423, %mul3A_424 : i32
            %add3A_426 = arith.constant 0 : i32
            %add3A_427 = arith.addi %add3A_426, %mul3A_425 : i32
            %add3A_428 = arith.constant 10 : i32
            %add3A_429 = arith.addi %add3A_147, %add3A_428 : i32
            %get3A_430 = arith.index_cast %add3A_429 : i32 to index
            %get3A_431 = arith.index_cast %add3A_427 : i32 to index
            %get3A_432 = tpu.vector_load %arg13[%get3A_430, %get3A_431] {strides = array<i32>} : memref<128x128xf32, #tpu.memory_space<vmem>>, vector<16xf32>,
            %mul3A_433 = arith.mulf %get3A_432, %gather3A_332 : vector<16xf32>
            %add3A_434 = arith.constant 10 : i32
            %add3A_435 = arith.addi %add3A_147, %add3A_434 : i32
            %swap3A_436 = arith.index_cast %add3A_435 : i32 to index
            %swap3A_437 = arith.index_cast %add3A_427 : i32 to index
            %swap3A_438 = tpu.vector_load %arg13[%swap3A_436, %swap3A_437] {strides = array<i32>} : memref<128x128xf32, #tpu.memory_space<vmem>>, vector<16xf32>,
            tpu.vector_store %arg13[%swap3A_436, %swap3A_437], %mul3A_433 {strides = array<i32>} : memref<128x128xf32, #tpu.memory_space<vmem>>, vector<16xf32>,
          }
          %scan3A_337 = arith.constant 8 : i32
          %broadcast_in_dim3A_338 = arith.constant 11 : i32
          %broadcast_in_dim3A_339 = vector.broadcast %broadcast_in_dim3A_338 : i32 to vector<16xi32>
          %lt3A_340 = arith.constant 0 : i32
          %lt3A_341 = vector.broadcast %lt3A_340 : i32 to vector<16xi32>
          %lt3A_342 = arith.cmpi slt, %broadcast_in_dim3A_339, %lt3A_341 : vector<16xi32>
          %add3A_343 = arith.constant 16 : i32
          %add3A_344 = vector.broadcast %add3A_343 : i32 to vector<16xi32>
          %add3A_345 = arith.addi %broadcast_in_dim3A_339, %add3A_344 : vector<16xi32>
          %select_n3A_346 = arith.select %lt3A_342, %add3A_345, %broadcast_in_dim3A_339 : vector<16xi1>, vector<16xi32>
          %broadcast_in_dim3A_347 = vector.shape_cast %select_n3A_346 : vector<16xi32> to vector<16x1xi32>
          %gather3A_348 = vector.shape_cast %broadcast_in_dim3A_347 : vector<16x1xi32> to vector<16xi32>
          %gather3A_349 = tpu.dynamic_gather %bitcast3A[%gather3A_348] in [0] : vector<16xf32>, vector<16xi32> -> vector<16xf32>
          %scan3A_350 = arith.constant 0 : i32
          %scan3A_351 = arith.constant 8 : i32
          %scan3A_352 = arith.addi %scan3A_350, %scan3A_351 : i32
          %scan3A_353 = arith.constant 1 : i32
          scf.for %scan3A_423 = %scan3A_350 to %scan3A_352 step %scan3A_353  : i32 {
            %mul3A_424 = arith.constant 16 : i32
            %mul3A_425 = arith.muli %scan3A_423, %mul3A_424 : i32
            %add3A_426 = arith.constant 0 : i32
            %add3A_427 = arith.addi %add3A_426, %mul3A_425 : i32
            %add3A_428 = arith.constant 11 : i32
            %add3A_429 = arith.addi %add3A_147, %add3A_428 : i32
            %get3A_430 = arith.index_cast %add3A_429 : i32 to index
            %get3A_431 = arith.index_cast %add3A_427 : i32 to index
            %get3A_432 = tpu.vector_load %arg13[%get3A_430, %get3A_431] {strides = array<i32>} : memref<128x128xf32, #tpu.memory_space<vmem>>, vector<16xf32>,
            %mul3A_433 = arith.mulf %get3A_432, %gather3A_349 : vector<16xf32>
            %add3A_434 = arith.constant 11 : i32
            %add3A_435 = arith.addi %add3A_147, %add3A_434 : i32
            %swap3A_436 = arith.index_cast %add3A_435 : i32 to index
            %swap3A_437 = arith.index_cast %add3A_427 : i32 to index
            %swap3A_438 = tpu.vector_load %arg13[%swap3A_436, %swap3A_437] {strides = array<i32>} : memref<128x128xf32, #tpu.memory_space<vmem>>, vector<16xf32>,
            tpu.vector_store %arg13[%swap3A_436, %swap3A_437], %mul3A_433 {strides = array<i32>} : memref<128x128xf32, #tpu.memory_space<vmem>>, vector<16xf32>,
          }
          %scan3A_354 = arith.constant 8 : i32
          %broadcast_in_dim3A_355 = arith.constant 12 : i32
          %broadcast_in_dim3A_356 = vector.broadcast %broadcast_in_dim3A_355 : i32 to vector<16xi32>
          %lt3A_357 = arith.constant 0 : i32
          %lt3A_358 = vector.broadcast %lt3A_357 : i32 to vector<16xi32>
          %lt3A_359 = arith.cmpi slt, %broadcast_in_dim3A_356, %lt3A_358 : vector<16xi32>
          %add3A_360 = arith.constant 16 : i32
          %add3A_361 = vector.broadcast %add3A_360 : i32 to vector<16xi32>
          %add3A_362 = arith.addi %broadcast_in_dim3A_356, %add3A_361 : vector<16xi32>
          %select_n3A_363 = arith.select %lt3A_359, %add3A_362, %broadcast_in_dim3A_356 : vector<16xi1>, vector<16xi32>
          %broadcast_in_dim3A_364 = vector.shape_cast %select_n3A_363 : vector<16xi32> to vector<16x1xi32>
          %gather3A_365 = vector.shape_cast %broadcast_in_dim3A_364 : vector<16x1xi32> to vector<16xi32>
          %gather3A_366 = tpu.dynamic_gather %bitcast3A[%gather3A_365] in [0] : vector<16xf32>, vector<16xi32> -> vector<16xf32>
          %scan3A_367 = arith.constant 0 : i32
          %scan3A_368 = arith.constant 8 : i32
          %scan3A_369 = arith.addi %scan3A_367, %scan3A_368 : i32
          %scan3A_370 = arith.constant 1 : i32
          scf.for %scan3A_423 = %scan3A_367 to %scan3A_369 step %scan3A_370  : i32 {
            %mul3A_424 = arith.constant 16 : i32
            %mul3A_425 = arith.muli %scan3A_423, %mul3A_424 : i32
            %add3A_426 = arith.constant 0 : i32
            %add3A_427 = arith.addi %add3A_426, %mul3A_425 : i32
            %add3A_428 = arith.constant 12 : i32
            %add3A_429 = arith.addi %add3A_147, %add3A_428 : i32
            %get3A_430 = arith.index_cast %add3A_429 : i32 to index
            %get3A_431 = arith.index_cast %add3A_427 : i32 to index
            %get3A_432 = tpu.vector_load %arg13[%get3A_430, %get3A_431] {strides = array<i32>} : memref<128x128xf32, #tpu.memory_space<vmem>>, vector<16xf32>,
            %mul3A_433 = arith.mulf %get3A_432, %gather3A_366 : vector<16xf32>
            %add3A_434 = arith.constant 12 : i32
            %add3A_435 = arith.addi %add3A_147, %add3A_434 : i32
            %swap3A_436 = arith.index_cast %add3A_435 : i32 to index
            %swap3A_437 = arith.index_cast %add3A_427 : i32 to index
            %swap3A_438 = tpu.vector_load %arg13[%swap3A_436, %swap3A_437] {strides = array<i32>} : memref<128x128xf32, #tpu.memory_space<vmem>>, vector<16xf32>,
            tpu.vector_store %arg13[%swap3A_436, %swap3A_437], %mul3A_433 {strides = array<i32>} : memref<128x128xf32, #tpu.memory_space<vmem>>, vector<16xf32>,
          }
          %scan3A_371 = arith.constant 8 : i32
          %broadcast_in_dim3A_372 = arith.constant 13 : i32
          %broadcast_in_dim3A_373 = vector.broadcast %broadcast_in_dim3A_372 : i32 to vector<16xi32>
          %lt3A_374 = arith.constant 0 : i32
          %lt3A_375 = vector.broadcast %lt3A_374 : i32 to vector<16xi32>
          %lt3A_376 = arith.cmpi slt, %broadcast_in_dim3A_373, %lt3A_375 : vector<16xi32>
          %add3A_377 = arith.constant 16 : i32
          %add3A_378 = vector.broadcast %add3A_377 : i32 to vector<16xi32>
          %add3A_379 = arith.addi %broadcast_in_dim3A_373, %add3A_378 : vector<16xi32>
          %select_n3A_380 = arith.select %lt3A_376, %add3A_379, %broadcast_in_dim3A_373 : vector<16xi1>, vector<16xi32>
          %broadcast_in_dim3A_381 = vector.shape_cast %select_n3A_380 : vector<16xi32> to vector<16x1xi32>
          %gather3A_382 = vector.shape_cast %broadcast_in_dim3A_381 : vector<16x1xi32> to vector<16xi32>
          %gather3A_383 = tpu.dynamic_gather %bitcast3A[%gather3A_382] in [0] : vector<16xf32>, vector<16xi32> -> vector<16xf32>
          %scan3A_384 = arith.constant 0 : i32
          %scan3A_385 = arith.constant 8 : i32
          %scan3A_386 = arith.addi %scan3A_384, %scan3A_385 : i32
          %scan3A_387 = arith.constant 1 : i32
          scf.for %scan3A_423 = %scan3A_384 to %scan3A_386 step %scan3A_387  : i32 {
            %mul3A_424 = arith.constant 16 : i32
            %mul3A_425 = arith.muli %scan3A_423, %mul3A_424 : i32
            %add3A_426 = arith.constant 0 : i32
            %add3A_427 = arith.addi %add3A_426, %mul3A_425 : i32
            %add3A_428 = arith.constant 13 : i32
            %add3A_429 = arith.addi %add3A_147, %add3A_428 : i32
            %get3A_430 = arith.index_cast %add3A_429 : i32 to index
            %get3A_431 = arith.index_cast %add3A_427 : i32 to index
            %get3A_432 = tpu.vector_load %arg13[%get3A_430, %get3A_431] {strides = array<i32>} : memref<128x128xf32, #tpu.memory_space<vmem>>, vector<16xf32>,
            %mul3A_433 = arith.mulf %get3A_432, %gather3A_383 : vector<16xf32>
            %add3A_434 = arith.constant 13 : i32
            %add3A_435 = arith.addi %add3A_147, %add3A_434 : i32
            %swap3A_436 = arith.index_cast %add3A_435 : i32 to index
            %swap3A_437 = arith.index_cast %add3A_427 : i32 to index
            %swap3A_438 = tpu.vector_load %arg13[%swap3A_436, %swap3A_437] {strides = array<i32>} : memref<128x128xf32, #tpu.memory_space<vmem>>, vector<16xf32>,
            tpu.vector_store %arg13[%swap3A_436, %swap3A_437], %mul3A_433 {strides = array<i32>} : memref<128x128xf32, #tpu.memory_space<vmem>>, vector<16xf32>,
          }
          %scan3A_388 = arith.constant 8 : i32
          %broadcast_in_dim3A_389 = arith.constant 14 : i32
          %broadcast_in_dim3A_390 = vector.broadcast %broadcast_in_dim3A_389 : i32 to vector<16xi32>
          %lt3A_391 = arith.constant 0 : i32
          %lt3A_392 = vector.broadcast %lt3A_391 : i32 to vector<16xi32>
          %lt3A_393 = arith.cmpi slt, %broadcast_in_dim3A_390, %lt3A_392 : vector<16xi32>
          %add3A_394 = arith.constant 16 : i32
          %add3A_395 = vector.broadcast %add3A_394 : i32 to vector<16xi32>
          %add3A_396 = arith.addi %broadcast_in_dim3A_390, %add3A_395 : vector<16xi32>
          %select_n3A_397 = arith.select %lt3A_393, %add3A_396, %broadcast_in_dim3A_390 : vector<16xi1>, vector<16xi32>
          %broadcast_in_dim3A_398 = vector.shape_cast %select_n3A_397 : vector<16xi32> to vector<16x1xi32>
          %gather3A_399 = vector.shape_cast %broadcast_in_dim3A_398 : vector<16x1xi32> to vector<16xi32>
          %gather3A_400 = tpu.dynamic_gather %bitcast3A[%gather3A_399] in [0] : vector<16xf32>, vector<16xi32> -> vector<16xf32>
          %scan3A_401 = arith.constant 0 : i32
          %scan3A_402 = arith.constant 8 : i32
          %scan3A_403 = arith.addi %scan3A_401, %scan3A_402 : i32
          %scan3A_404 = arith.constant 1 : i32
          scf.for %scan3A_423 = %scan3A_401 to %scan3A_403 step %scan3A_404  : i32 {
            %mul3A_424 = arith.constant 16 : i32
            %mul3A_425 = arith.muli %scan3A_423, %mul3A_424 : i32
            %add3A_426 = arith.constant 0 : i32
            %add3A_427 = arith.addi %add3A_426, %mul3A_425 : i32
            %add3A_428 = arith.constant 14 : i32
            %add3A_429 = arith.addi %add3A_147, %add3A_428 : i32
            %get3A_430 = arith.index_cast %add3A_429 : i32 to index
            %get3A_431 = arith.index_cast %add3A_427 : i32 to index
            %get3A_432 = tpu.vector_load %arg13[%get3A_430, %get3A_431] {strides = array<i32>} : memref<128x128xf32, #tpu.memory_space<vmem>>, vector<16xf32>,
            %mul3A_433 = arith.mulf %get3A_432, %gather3A_400 : vector<16xf32>
            %add3A_434 = arith.constant 14 : i32
            %add3A_435 = arith.addi %add3A_147, %add3A_434 : i32
            %swap3A_436 = arith.index_cast %add3A_435 : i32 to index
            %swap3A_437 = arith.index_cast %add3A_427 : i32 to index
            %swap3A_438 = tpu.vector_load %arg13[%swap3A_436, %swap3A_437] {strides = array<i32>} : memref<128x128xf32, #tpu.memory_space<vmem>>, vector<16xf32>,
            tpu.vector_store %arg13[%swap3A_436, %swap3A_437], %mul3A_433 {strides = array<i32>} : memref<128x128xf32, #tpu.memory_space<vmem>>, vector<16xf32>,
          }
          %scan3A_405 = arith.constant 8 : i32
          %broadcast_in_dim3A_406 = arith.constant 15 : i32
          %broadcast_in_dim3A_407 = vector.broadcast %broadcast_in_dim3A_406 : i32 to vector<16xi32>
          %lt3A_408 = arith.constant 0 : i32
          %lt3A_409 = vector.broadcast %lt3A_408 : i32 to vector<16xi32>
          %lt3A_410 = arith.cmpi slt, %broadcast_in_dim3A_407, %lt3A_409 : vector<16xi32>
          %add3A_411 = arith.constant 16 : i32
          %add3A_412 = vector.broadcast %add3A_411 : i32 to vector<16xi32>
          %add3A_413 = arith.addi %broadcast_in_dim3A_407, %add3A_412 : vector<16xi32>
          %select_n3A_414 = arith.select %lt3A_410, %add3A_413, %broadcast_in_dim3A_407 : vector<16xi1>, vector<16xi32>
          %broadcast_in_dim3A_415 = vector.shape_cast %select_n3A_414 : vector<16xi32> to vector<16x1xi32>
          %gather3A_416 = vector.shape_cast %broadcast_in_dim3A_415 : vector<16x1xi32> to vector<16xi32>
          %gather3A_417 = tpu.dynamic_gather %bitcast3A[%gather3A_416] in [0] : vector<16xf32>, vector<16xi32> -> vector<16xf32>
          %scan3A_418 = arith.constant 0 : i32
          %scan3A_419 = arith.constant 8 : i32
          %scan3A_420 = arith.addi %scan3A_418, %scan3A_419 : i32
          %scan3A_421 = arith.constant 1 : i32
          scf.for %scan3A_423 = %scan3A_418 to %scan3A_420 step %scan3A_421  : i32 {
            %mul3A_424 = arith.constant 16 : i32
            %mul3A_425 = arith.muli %scan3A_423, %mul3A_424 : i32
            %add3A_426 = arith.constant 0 : i32
            %add3A_427 = arith.addi %add3A_426, %mul3A_425 : i32
            %add3A_428 = arith.constant 15 : i32
            %add3A_429 = arith.addi %add3A_147, %add3A_428 : i32
            %get3A_430 = arith.index_cast %add3A_429 : i32 to index
            %get3A_431 = arith.index_cast %add3A_427 : i32 to index
            %get3A_432 = tpu.vector_load %arg13[%get3A_430, %get3A_431] {strides = array<i32>} : memref<128x128xf32, #tpu.memory_space<vmem>>, vector<16xf32>,
            %mul3A_433 = arith.mulf %get3A_432, %gather3A_417 : vector<16xf32>
            %add3A_434 = arith.constant 15 : i32
            %add3A_435 = arith.addi %add3A_147, %add3A_434 : i32
            %swap3A_436 = arith.index_cast %add3A_435 : i32 to index
            %swap3A_437 = arith.index_cast %add3A_427 : i32 to index
            %swap3A_438 = tpu.vector_load %arg13[%swap3A_436, %swap3A_437] {strides = array<i32>} : memref<128x128xf32, #tpu.memory_space<vmem>>, vector<16xf32>,
            tpu.vector_store %arg13[%swap3A_436, %swap3A_437], %mul3A_433 {strides = array<i32>} : memref<128x128xf32, #tpu.memory_space<vmem>>, vector<16xf32>,
          }
          %scan3A_422 = arith.constant 8 : i32
        }
        %scan3A_140 = arith.constant 8 : i32
        %dma_start3A = arith.constant 0 : i32
        %dma_start3A_141 = arith.constant 0 : i32
        %dma_start3A_142 = tpu.memref_slice %arg15[%dma_start3A, %dma_start3A_141] : memref<10000x128xf32, #tpu.memory_space<vmem_shared>> -> memref<10000x128xf32, #tpu.memory_space<vmem_shared>>
        tpu.enqueue_indirect_dma source(%arg13 : memref<128x128xf32, #tpu.memory_space<vmem>>) target(%dma_start3A_142 : memref<10000x128xf32, #tpu.memory_space<vmem_shared>>) offsets(%arg12 : memref<128xi32, #tpu.memory_space<vmem>>) semaphore(%arg21 : memref<!tpu.dma_semaphore, #tpu.memory_space<semaphore_mem>>) {add = true}
      } else {
      }
      %add3A_122 = arith.constant 2 : i32
      %add3A_123 = arith.addi %add3A_103, %add3A_122 : i32
      %mul3A_124 = arith.constant 16 : i32
      %mul3A_125 = arith.muli %add3A_123, %mul3A_124 : i32
      %add3A_126 = arith.addi %arg1, %mul3A_125 : i32
      %lt3A_127 = arith.constant 625 : i32
      %lt3A_128 = arith.cmpi slt, %add3A_126, %lt3A_127 : i32
      %convert_element_type3A_129 = arith.extui %lt3A_128 : i1 to i32
      %cond3A_130 = arith.constant 0 : i32
      %cond3A_131 = arith.cmpi ne, %convert_element_type3A_129, %cond3A_130 : i32
      scf.if %cond3A_131 {
        %add3A_132 = arith.constant 2 : i32
        %add3A_133 = arith.addi %add3A_103, %add3A_132 : i32
        %add3A_134 = arith.addi %mul3A_0, %arg1 : i32
        %mul3A_135 = arith.constant 16 : i32
        %mul3A_136 = arith.muli %add3A_133, %mul3A_135 : i32
        %add3A_137 = arith.addi %add3A_134, %mul3A_136 : i32
        %mul3A_138 = arith.constant 256 : i32
        %mul3A_139 = arith.muli %add3A_137, %mul3A_138 : i32
        %multiple_of3A_140 = tpu.assume_multiple %mul3A_139, 256 : i32
        %mul3A_141 = arith.constant 128 : i32
        %mul3A_142 = arith.muli %add3A_137, %mul3A_141 : i32
        %multiple_of3A_143 = tpu.assume_multiple %mul3A_142, 128 : i32
        %dma_start3A = tpu.memref_slice %arg3[%multiple_of3A_140] : memref<320000xi32, #tpu.memory_space<hbm>> -> memref<256xi32, #tpu.memory_space<hbm>>
        %dma_start3A_144 = tpu.memref_slice %arg3[%multiple_of3A_140] : memref<320000xi32, #tpu.memory_space<hbm>> -> memref<256xi32, #tpu.memory_space<hbm>>
        tpu.enqueue_dma source(%dma_start3A_144 : memref<256xi32, #tpu.memory_space<hbm>>) target(%arg10 : memref<256xi32, #tpu.memory_space<vmem>>) target_semaphore(%arg19 : memref<!tpu.dma_semaphore, #tpu.memory_space<semaphore_mem>>)
        %dma_start3A_145 = tpu.memref_slice %arg4[%multiple_of3A_143] : memref<160000xi32, #tpu.memory_space<hbm>> -> memref<128xi32, #tpu.memory_space<hbm>>
        %dma_start3A_146 = tpu.memref_slice %arg4[%multiple_of3A_143] : memref<160000xi32, #tpu.memory_space<hbm>> -> memref<128xi32, #tpu.memory_space<hbm>>
        tpu.enqueue_dma source(%dma_start3A_146 : memref<128xi32, #tpu.memory_space<hbm>>) target(%arg11 : memref<128xi32, #tpu.memory_space<vmem>>) target_semaphore(%arg19 : memref<!tpu.dma_semaphore, #tpu.memory_space<semaphore_mem>>)
      } else {
      }
    }
    %scan3A_42 = arith.constant 20 : i32
    %add3A_43 = arith.constant 0 : i32
    %add3A_44 = arith.addi %arg1, %add3A_43 : i32
    %lt3A_45 = arith.constant 625 : i32
    %lt3A_46 = arith.cmpi slt, %add3A_44, %lt3A_45 : i32
    %convert_element_type3A_47 = arith.extui %lt3A_46 : i1 to i32
    %cond3A_48 = arith.constant 0 : i32
    %cond3A_49 = arith.cmpi ne, %convert_element_type3A_47, %cond3A_48 : i32
    scf.if %cond3A_49 {
      %dma_wait3A = arith.constant 0 : i32
      %dma_wait3A_63 = arith.constant 0 : i32
      %dma_wait3A_64 = tpu.memref_slice %arg15[%dma_wait3A, %dma_wait3A_63] : memref<10000x128xf32, #tpu.memory_space<vmem_shared>> -> memref<10000x128xf32, #tpu.memory_space<vmem_shared>>
      tpu.wait_indirect_dma semaphore(%arg20 : memref<!tpu.dma_semaphore, #tpu.memory_space<semaphore_mem>>) src(%arg9 : memref<128x128xf32, #tpu.memory_space<vmem>>) dst(%dma_wait3A_64 : memref<10000x128xf32, #tpu.memory_space<vmem_shared>>)
    } else {
    }
    %add3A_50 = arith.constant 16 : i32
    %add3A_51 = arith.addi %arg1, %add3A_50 : i32
    %lt3A_52 = arith.constant 625 : i32
    %lt3A_53 = arith.cmpi slt, %add3A_51, %lt3A_52 : i32
    %convert_element_type3A_54 = arith.extui %lt3A_53 : i1 to i32
    %cond3A_55 = arith.constant 0 : i32
    %cond3A_56 = arith.cmpi ne, %convert_element_type3A_54, %cond3A_55 : i32
    scf.if %cond3A_56 {
      %dma_wait3A = arith.constant 0 : i32
      %dma_wait3A_63 = arith.constant 0 : i32
      %dma_wait3A_64 = tpu.memref_slice %arg15[%dma_wait3A, %dma_wait3A_63] : memref<10000x128xf32, #tpu.memory_space<vmem_shared>> -> memref<10000x128xf32, #tpu.memory_space<vmem_shared>>
      tpu.wait_indirect_dma semaphore(%arg21 : memref<!tpu.dma_semaphore, #tpu.memory_space<semaphore_mem>>) src(%arg13 : memref<128x128xf32, #tpu.memory_space<vmem>>) dst(%dma_wait3A_64 : memref<10000x128xf32, #tpu.memory_space<vmem_shared>>)
    } else {
    }
    %barrier3A_57 = arith.constant 0 : index
    tpu.barrier barrier_id(%barrier3A_57)
    "tpu.region"() ({
      %run_scoped3A = tpu.sem_alloc : memref<!tpu.dma_semaphore, #tpu.memory_space<semaphore_mem>>
      %dma_start3A = arith.constant 0 : i32
      %dma_start3A_63 = arith.constant 0 : i32
      %dma_start3A_64 = tpu.memref_slice %arg5[%arg0, %dma_start3A, %dma_start3A_63] : memref<2x10000x128xf32, #tpu.memory_space<hbm>> -> memref<1x10000x128xf32, #tpu.memory_space<hbm>>
      %dma_start3A_65 = tpu.memref_squeeze %dma_start3A_64 : memref<1x10000x128xf32, #tpu.memory_space<hbm>> -> memref<10000x128xf32, #tpu.memory_space<hbm>>
      %dma_start3A_66 = arith.constant 0 : i32
      %dma_start3A_67 = tpu.memref_slice %dma_start3A_65[%multiple_of3A, %dma_start3A_66] : memref<10000x128xf32, #tpu.memory_space<hbm>> -> memref<624x128xf32, #tpu.memory_space<hbm>>
      %dma_start3A_68 = arith.constant 0 : i32
      %dma_start3A_69 = tpu.memref_slice %arg15[%multiple_of3A, %dma_start3A_68] : memref<10000x128xf32, #tpu.memory_space<vmem_shared>> -> memref<624x128xf32, #tpu.memory_space<vmem_shared>>
      tpu.enqueue_dma source(%dma_start3A_69 : memref<624x128xf32, #tpu.memory_space<vmem_shared>>) target(%dma_start3A_67 : memref<624x128xf32, #tpu.memory_space<hbm>>) target_semaphore(%run_scoped3A : memref<!tpu.dma_semaphore, #tpu.memory_space<semaphore_mem>>)
      %dma_wait3A = arith.constant 0 : i32
      %dma_wait3A_70 = arith.constant 0 : i32
      %dma_wait3A_71 = tpu.memref_slice %arg5[%arg0, %dma_wait3A, %dma_wait3A_70] : memref<2x10000x128xf32, #tpu.memory_space<hbm>> -> memref<1x10000x128xf32, #tpu.memory_space<hbm>>
      %dma_wait3A_72 = tpu.memref_squeeze %dma_wait3A_71 : memref<1x10000x128xf32, #tpu.memory_space<hbm>> -> memref<10000x128xf32, #tpu.memory_space<hbm>>
      %dma_wait3A_73 = arith.constant 0 : i32
      %dma_wait3A_74 = tpu.memref_slice %dma_wait3A_72[%multiple_of3A, %dma_wait3A_73] : memref<10000x128xf32, #tpu.memory_space<hbm>> -> memref<624x128xf32, #tpu.memory_space<hbm>>
      %dma_wait3A_75 = arith.constant 0 : i32
      %dma_wait3A_76 = tpu.memref_slice %arg15[%multiple_of3A, %dma_wait3A_75] : memref<10000x128xf32, #tpu.memory_space<vmem_shared>> -> memref<624x128xf32, #tpu.memory_space<vmem_shared>>
      tpu.wait_dma2 semaphore(%run_scoped3A : memref<!tpu.dma_semaphore, #tpu.memory_space<semaphore_mem>>) src(%dma_wait3A_76 : memref<624x128xf32, #tpu.memory_space<vmem_shared>>) dst(%dma_wait3A_74 : memref<624x128xf32, #tpu.memory_space<hbm>>)
      tpu.yield
    }) : () -> ()
    %eq3A_58 = arith.constant 15 : i32
    %eq3A_59 = arith.cmpi eq, %arg1, %eq3A_58 : i32
    %convert_element_type3A_60 = arith.extui %eq3A_59 : i1 to i32
    %cond3A_61 = arith.constant 0 : i32
    %cond3A_62 = arith.cmpi ne, %convert_element_type3A_60, %cond3A_61 : i32
    scf.if %cond3A_62 {
      "tpu.region"() ({
        %run_scoped3A = tpu.sem_alloc : memref<!tpu.dma_semaphore, #tpu.memory_space<semaphore_mem>>
        %dma_start3A = arith.constant 0 : i32
        %dma_start3A_63 = arith.constant 0 : i32
        %dma_start3A_64 = tpu.memref_slice %arg5[%arg0, %dma_start3A, %dma_start3A_63] : memref<2x10000x128xf32, #tpu.memory_space<hbm>> -> memref<1x10000x128xf32, #tpu.memory_space<hbm>>
        %dma_start3A_65 = tpu.memref_squeeze %dma_start3A_64 : memref<1x10000x128xf32, #tpu.memory_space<hbm>> -> memref<10000x128xf32, #tpu.memory_space<hbm>>
        %dma_start3A_66 = arith.constant 9984 : i32
        %dma_start3A_67 = arith.constant 0 : i32
        %dma_start3A_68 = tpu.memref_slice %dma_start3A_65[%dma_start3A_66, %dma_start3A_67] : memref<10000x128xf32, #tpu.memory_space<hbm>> -> memref<16x128xf32, #tpu.memory_space<hbm>>
        %dma_start3A_69 = arith.constant 9984 : i32
        %dma_start3A_70 = arith.constant 0 : i32
        %dma_start3A_71 = tpu.memref_slice %arg15[%dma_start3A_69, %dma_start3A_70] : memref<10000x128xf32, #tpu.memory_space<vmem_shared>> -> memref<16x128xf32, #tpu.memory_space<vmem_shared>>
        tpu.enqueue_dma source(%dma_start3A_71 : memref<16x128xf32, #tpu.memory_space<vmem_shared>>) target(%dma_start3A_68 : memref<16x128xf32, #tpu.memory_space<hbm>>) target_semaphore(%run_scoped3A : memref<!tpu.dma_semaphore, #tpu.memory_space<semaphore_mem>>)
        %dma_wait3A = arith.constant 0 : i32
        %dma_wait3A_72 = arith.constant 0 : i32
        %dma_wait3A_73 = tpu.memref_slice %arg5[%arg0, %dma_wait3A, %dma_wait3A_72] : memref<2x10000x128xf32, #tpu.memory_space<hbm>> -> memref<1x10000x128xf32, #tpu.memory_space<hbm>>
        %dma_wait3A_74 = tpu.memref_squeeze %dma_wait3A_73 : memref<1x10000x128xf32, #tpu.memory_space<hbm>> -> memref<10000x128xf32, #tpu.memory_space<hbm>>
        %dma_wait3A_75 = arith.constant 9984 : i32
        %dma_wait3A_76 = arith.constant 0 : i32
        %dma_wait3A_77 = tpu.memref_slice %dma_wait3A_74[%dma_wait3A_75, %dma_wait3A_76] : memref<10000x128xf32, #tpu.memory_space<hbm>> -> memref<16x128xf32, #tpu.memory_space<hbm>>
        %dma_wait3A_78 = arith.constant 9984 : i32
        %dma_wait3A_79 = arith.constant 0 : i32
        %dma_wait3A_80 = tpu.memref_slice %arg15[%dma_wait3A_78, %dma_wait3A_79] : memref<10000x128xf32, #tpu.memory_space<vmem_shared>> -> memref<16x128xf32, #tpu.memory_space<vmem_shared>>
        tpu.wait_dma2 semaphore(%run_scoped3A : memref<!tpu.dma_semaphore, #tpu.memory_space<semaphore_mem>>) src(%dma_wait3A_80 : memref<16x128xf32, #tpu.memory_space<vmem_shared>>) dst(%dma_wait3A_77 : memref<16x128xf32, #tpu.memory_space<hbm>>)
        tpu.yield
      }) : () -> ()
    } else {
    }
    return
  }
}

#map = affine_map<(d0, d1) -> (0, 0)>
#map1 = affine_map<(d0, d1) -> (0)>
#map2 = affine_map<(d0, d1) -> (0, 0, 0)>
module attributes {stable_mosaic.version = 14 : i64} {
  func.func @k(%arg0: i32, %arg1: i32, %arg2: memref<20000x128xf32, #tpu.memory_space<hbm>>, %arg3: memref<320000xi32, #tpu.memory_space<hbm>>, %arg4: memref<160000xi32, #tpu.memory_space<hbm>>, %arg5: memref<2x10000x128xf32, #tpu.memory_space<hbm>>, %arg6: memref<256xi32, #tpu.memory_space<vmem>>, %arg7: memref<128xi32, #tpu.memory_space<vmem>>, %arg8: memref<128xi32, #tpu.memory_space<vmem>>, %arg9: memref<128x128xf32, #tpu.memory_space<vmem>>, %arg10: memref<256xi32, #tpu.memory_space<vmem>>, %arg11: memref<128xi32, #tpu.memory_space<vmem>>, %arg12: memref<128xi32, #tpu.memory_space<vmem>>, %arg13: memref<128x128xf32, #tpu.memory_space<vmem>>, %arg14: memref<128x128xf32, #tpu.memory_space<vmem>>, %arg15: memref<10000x128xf32, #tpu.memory_space<vmem_shared>>, %arg16: memref<!tpu.dma_semaphore, #tpu.memory_space<semaphore_mem>>, %arg17: memref<!tpu.dma_semaphore, #tpu.memory_space<semaphore_mem>>, %arg18: memref<!tpu.dma_semaphore, #tpu.memory_space<semaphore_mem>>, %arg19: memref<!tpu.dma_semaphore, #tpu.memory_space<semaphore_mem>>, %arg20: memref<!tpu.dma_semaphore, #tpu.memory_space<semaphore_mem>>, %arg21: memref<!tpu.dma_semaphore, #tpu.memory_space<semaphore_mem>>) attributes {dimension_semantics = [#tpu.dimension_semantics<core_parallel>, #tpu.dimension_semantics<subcore_parallel>], iteration_bounds = array<i64: 2, 16>, scalar_prefetch = 0 : i64, scratch_operands = 16 : i64, tpu.core_type = #tpu.core_type<sc_vector_subcore>, window_params = [{transform_indices = #map}, {transform_indices = #map1}, {transform_indices = #map1}, {transform_indices = #map2}]} {
    %add3A = arith.constant 0 : i32
    %add3A_0 = arith.addi %arg1, %add3A : i32
    %lt3A = arith.constant 1250 : i32
    %lt3A_1 = arith.cmpi slt, %add3A_0, %lt3A : i32
    %convert_element_type3A = arith.extui %lt3A_1 : i1 to i32
    %cond3A = arith.constant 0 : i32
    %cond3A_2 = arith.cmpi ne, %convert_element_type3A, %cond3A : i32
    scf.if %cond3A_2 {
      %add3A_61 = arith.constant 0 : i32
      %add3A_62 = arith.addi %add3A_61, %arg1 : i32
      %add3A_63 = arith.constant 0 : i32
      %add3A_64 = arith.addi %add3A_62, %add3A_63 : i32
      %mul3A_65 = arith.constant 256 : i32
      %mul3A_66 = arith.muli %add3A_64, %mul3A_65 : i32
      %multiple_of3A_67 = tpu.assume_multiple %mul3A_66, 256 : i32
      %mul3A_68 = arith.constant 128 : i32
      %mul3A_69 = arith.muli %add3A_64, %mul3A_68 : i32
      %multiple_of3A_70 = tpu.assume_multiple %mul3A_69, 128 : i32
      %dma_start3A = tpu.memref_slice %arg3[%multiple_of3A_67] : memref<320000xi32, #tpu.memory_space<hbm>> -> memref<256xi32, #tpu.memory_space<hbm>>
      %dma_start3A_71 = tpu.memref_slice %arg3[%multiple_of3A_67] : memref<320000xi32, #tpu.memory_space<hbm>> -> memref<256xi32, #tpu.memory_space<hbm>>
      tpu.enqueue_dma source(%dma_start3A_71 : memref<256xi32, #tpu.memory_space<hbm>>) target(%arg6 : memref<256xi32, #tpu.memory_space<vmem>>) target_semaphore(%arg18 : memref<!tpu.dma_semaphore, #tpu.memory_space<semaphore_mem>>)
      %dma_start3A_72 = tpu.memref_slice %arg4[%multiple_of3A_70] : memref<160000xi32, #tpu.memory_space<hbm>> -> memref<128xi32, #tpu.memory_space<hbm>>
      %dma_start3A_73 = tpu.memref_slice %arg4[%multiple_of3A_70] : memref<160000xi32, #tpu.memory_space<hbm>> -> memref<128xi32, #tpu.memory_space<hbm>>
      tpu.enqueue_dma source(%dma_start3A_73 : memref<128xi32, #tpu.memory_space<hbm>>) target(%arg7 : memref<128xi32, #tpu.memory_space<vmem>>) target_semaphore(%arg18 : memref<!tpu.dma_semaphore, #tpu.memory_space<semaphore_mem>>)
    } else {
    }
    %add3A_3 = arith.constant 16 : i32
    %add3A_4 = arith.addi %arg1, %add3A_3 : i32
    %lt3A_5 = arith.constant 1250 : i32
    %lt3A_6 = arith.cmpi slt, %add3A_4, %lt3A_5 : i32
    %convert_element_type3A_7 = arith.extui %lt3A_6 : i1 to i32
    %cond3A_8 = arith.constant 0 : i32
    %cond3A_9 = arith.cmpi ne, %convert_element_type3A_7, %cond3A_8 : i32
    scf.if %cond3A_9 {
      %add3A_61 = arith.constant 0 : i32
      %add3A_62 = arith.addi %add3A_61, %arg1 : i32
      %add3A_63 = arith.constant 16 : i32
      %add3A_64 = arith.addi %add3A_62, %add3A_63 : i32
      %mul3A_65 = arith.constant 256 : i32
      %mul3A_66 = arith.muli %add3A_64, %mul3A_65 : i32
      %multiple_of3A_67 = tpu.assume_multiple %mul3A_66, 256 : i32
      %mul3A_68 = arith.constant 128 : i32
      %mul3A_69 = arith.muli %add3A_64, %mul3A_68 : i32
      %multiple_of3A_70 = tpu.assume_multiple %mul3A_69, 128 : i32
      %dma_start3A = tpu.memref_slice %arg3[%multiple_of3A_67] : memref<320000xi32, #tpu.memory_space<hbm>> -> memref<256xi32, #tpu.memory_space<hbm>>
      %dma_start3A_71 = tpu.memref_slice %arg3[%multiple_of3A_67] : memref<320000xi32, #tpu.memory_space<hbm>> -> memref<256xi32, #tpu.memory_space<hbm>>
      tpu.enqueue_dma source(%dma_start3A_71 : memref<256xi32, #tpu.memory_space<hbm>>) target(%arg10 : memref<256xi32, #tpu.memory_space<vmem>>) target_semaphore(%arg19 : memref<!tpu.dma_semaphore, #tpu.memory_space<semaphore_mem>>)
      %dma_start3A_72 = tpu.memref_slice %arg4[%multiple_of3A_70] : memref<160000xi32, #tpu.memory_space<hbm>> -> memref<128xi32, #tpu.memory_space<hbm>>
      %dma_start3A_73 = tpu.memref_slice %arg4[%multiple_of3A_70] : memref<160000xi32, #tpu.memory_space<hbm>> -> memref<128xi32, #tpu.memory_space<hbm>>
      tpu.enqueue_dma source(%dma_start3A_73 : memref<128xi32, #tpu.memory_space<hbm>>) target(%arg11 : memref<128xi32, #tpu.memory_space<vmem>>) target_semaphore(%arg19 : memref<!tpu.dma_semaphore, #tpu.memory_space<semaphore_mem>>)
    } else {
    }
    %scan3A = arith.constant 0 : i32
    %scan3A_10 = arith.constant 128 : i32
    %scan3A_11 = arith.addi %scan3A, %scan3A_10 : i32
    %scan3A_12 = arith.constant 1 : i32
    scf.for %scan3A_61 = %scan3A to %scan3A_11 step %scan3A_12  : i32 {
      %mul3A_62 = arith.constant 1 : i32
      %mul3A_63 = arith.muli %scan3A_61, %mul3A_62 : i32
      %add3A_64 = arith.constant 0 : i32
      %add3A_65 = arith.addi %add3A_64, %mul3A_63 : i32
      %scan3A_66 = arith.constant 0 : i32
      %scan3A_67 = arith.constant 8 : i32
      %scan3A_68 = arith.addi %scan3A_66, %scan3A_67 : i32
      %scan3A_69 = arith.constant 1 : i32
      scf.for %scan3A_71 = %scan3A_66 to %scan3A_68 step %scan3A_69  : i32 {
        %mul3A_72 = arith.constant 16 : i32
        %mul3A_73 = arith.muli %scan3A_71, %mul3A_72 : i32
        %add3A_74 = arith.constant 0 : i32
        %add3A_75 = arith.addi %add3A_74, %mul3A_73 : i32
        %broadcast_in_dim3A = arith.constant 0.000000e+00 : f32
        %broadcast_in_dim3A_76 = vector.broadcast %broadcast_in_dim3A : f32 to vector<16xf32>
        %swap3A = arith.index_cast %add3A_65 : i32 to index
        %swap3A_77 = arith.index_cast %add3A_75 : i32 to index
        %swap3A_78 = tpu.vector_load %arg14[%swap3A, %swap3A_77] {strides = array<i32>} : memref<128x128xf32, #tpu.memory_space<vmem>>, vector<16xf32>,
        tpu.vector_store %arg14[%swap3A, %swap3A_77], %broadcast_in_dim3A_76 {strides = array<i32>} : memref<128x128xf32, #tpu.memory_space<vmem>>, vector<16xf32>,
      }
      %scan3A_70 = arith.constant 8 : i32
    }
    %scan3A_13 = arith.constant 128 : i32
    %add3A_14 = arith.constant 0 : i32
    %add3A_15 = arith.addi %arg1, %add3A_14 : i32
    %lt3A_16 = arith.constant 1250 : i32
    %lt3A_17 = arith.cmpi slt, %add3A_15, %lt3A_16 : i32
    %convert_element_type3A_18 = arith.extui %lt3A_17 : i1 to i32
    %cond3A_19 = arith.constant 0 : i32
    %cond3A_20 = arith.cmpi ne, %convert_element_type3A_18, %cond3A_19 : i32
    scf.if %cond3A_20 {
      %add3A_61 = arith.constant 0 : i32
      %add3A_62 = arith.addi %add3A_61, %arg1 : i32
      %add3A_63 = arith.constant 0 : i32
      %add3A_64 = arith.addi %add3A_62, %add3A_63 : i32
      %mul3A_65 = arith.constant 256 : i32
      %mul3A_66 = arith.muli %add3A_64, %mul3A_65 : i32
      %multiple_of3A_67 = tpu.assume_multiple %mul3A_66, 256 : i32
      %mul3A_68 = arith.constant 128 : i32
      %mul3A_69 = arith.muli %add3A_64, %mul3A_68 : i32
      %multiple_of3A_70 = tpu.assume_multiple %mul3A_69, 128 : i32
      %dma_wait3A = tpu.memref_slice %arg3[%multiple_of3A_67] : memref<320000xi32, #tpu.memory_space<hbm>> -> memref<256xi32, #tpu.memory_space<hbm>>
      %dma_wait3A_71 = tpu.memref_slice %arg3[%multiple_of3A_67] : memref<320000xi32, #tpu.memory_space<hbm>> -> memref<256xi32, #tpu.memory_space<hbm>>
      tpu.wait_dma2 semaphore(%arg18 : memref<!tpu.dma_semaphore, #tpu.memory_space<semaphore_mem>>) src(%dma_wait3A_71 : memref<256xi32, #tpu.memory_space<hbm>>) dst(%arg6 : memref<256xi32, #tpu.memory_space<vmem>>)
      %dma_wait3A_72 = tpu.memref_slice %arg4[%multiple_of3A_70] : memref<160000xi32, #tpu.memory_space<hbm>> -> memref<128xi32, #tpu.memory_space<hbm>>
      %dma_wait3A_73 = tpu.memref_slice %arg4[%multiple_of3A_70] : memref<160000xi32, #tpu.memory_space<hbm>> -> memref<128xi32, #tpu.memory_space<hbm>>
      tpu.wait_dma2 semaphore(%arg18 : memref<!tpu.dma_semaphore, #tpu.memory_space<semaphore_mem>>) src(%dma_wait3A_73 : memref<128xi32, #tpu.memory_space<hbm>>) dst(%arg7 : memref<128xi32, #tpu.memory_space<vmem>>)
      %mul3A_74 = arith.constant 10000 : i32
      %mul3A_75 = arith.muli %arg0, %mul3A_74 : i32
      %scan3A_76 = arith.constant 0 : i32
      %scan3A_77 = arith.constant 8 : i32
      %scan3A_78 = arith.addi %scan3A_76, %scan3A_77 : i32
      %scan3A_79 = arith.constant 1 : i32
      scf.for %scan3A_85 = %scan3A_76 to %scan3A_78 step %scan3A_79  : i32 {
        %mul3A_86 = arith.constant 16 : i32
        %mul3A_87 = arith.muli %scan3A_85, %mul3A_86 : i32
        %add3A_88 = arith.constant 0 : i32
        %add3A_89 = arith.addi %add3A_88, %mul3A_87 : i32
        %get3A = arith.index_cast %add3A_89 : i32 to index
        %get3A_90 = tpu.vector_load %arg6[%get3A] {strides = array<i32>} : memref<256xi32, #tpu.memory_space<vmem>>, vector<16xi32>,
        %add3A_91 = vector.broadcast %mul3A_75 : i32 to vector<16xi32>
        %add3A_92 = arith.addi %get3A_90, %add3A_91 : vector<16xi32>
        %swap3A = arith.index_cast %add3A_89 : i32 to index
        %swap3A_93 = tpu.vector_load %arg6[%swap3A] {strides = array<i32>} : memref<256xi32, #tpu.memory_space<vmem>>, vector<16xi32>,
        tpu.vector_store %arg6[%swap3A], %add3A_92 {strides = array<i32>} : memref<256xi32, #tpu.memory_space<vmem>>, vector<16xi32>,
      }
      %scan3A_80 = arith.constant 8 : i32
      %dma_start3A = arith.constant 0 : i32
      %dma_start3A_81 = tpu.memref_slice %arg6[%dma_start3A] : memref<256xi32, #tpu.memory_space<vmem>> -> memref<128xi32, #tpu.memory_space<vmem>>
      %dma_start3A_82 = arith.constant 0 : i32
      %dma_start3A_83 = arith.constant 0 : i32
      %dma_start3A_84 = tpu.memref_slice %arg2[%dma_start3A_82, %dma_start3A_83] : memref<20000x128xf32, #tpu.memory_space<hbm>> -> memref<20000x128xf32, #tpu.memory_space<hbm>>
      tpu.enqueue_indirect_dma source(%dma_start3A_84 : memref<20000x128xf32, #tpu.memory_space<hbm>>) target(%arg9 : memref<128x128xf32, #tpu.memory_space<vmem>>) offsets(%dma_start3A_81 : memref<128xi32, #tpu.memory_space<vmem>>) semaphore(%arg16 : memref<!tpu.dma_semaphore, #tpu.memory_space<semaphore_mem>>)
    } else {
    }
    %mul3A = arith.constant 624 : i32
    %mul3A_21 = arith.muli %arg1, %mul3A : i32
    %multiple_of3A = tpu.assume_multiple %mul3A_21, 8 : i32
    %add3A_22 = arith.constant 0 : i32
    %add3A_23 = arith.addi %multiple_of3A, %add3A_22 : i32
    "tpu.region"() ({
      %run_scoped3A = tpu.sem_alloc : memref<!tpu.dma_semaphore, #tpu.memory_space<semaphore_mem>>
      %dma_start3A = arith.constant 0 : i32
      %dma_start3A_61 = arith.constant 0 : i32
      %dma_start3A_62 = tpu.memref_slice %arg14[%dma_start3A, %dma_start3A_61] : memref<128x128xf32, #tpu.memory_space<vmem>> -> memref<128x128xf32, #tpu.memory_space<vmem>>
      %dma_start3A_63 = arith.constant 0 : i32
      %dma_start3A_64 = tpu.memref_slice %arg15[%add3A_23, %dma_start3A_63] : memref<10000x128xf32, #tpu.memory_space<vmem_shared>> -> memref<128x128xf32, #tpu.memory_space<vmem_shared>>
      %dma_start3A_65 = arith.constant 0 : i32
      %dma_start3A_66 = tpu.memref_slice %arg15[%add3A_23, %dma_start3A_65] : memref<10000x128xf32, #tpu.memory_space<vmem_shared>> -> memref<128x128xf32, #tpu.memory_space<vmem_shared>>
      %dma_start3A_67 = arith.constant 0 : i32
      %dma_start3A_68 = arith.constant 0 : i32
      %dma_start3A_69 = tpu.memref_slice %arg14[%dma_start3A_67, %dma_start3A_68] : memref<128x128xf32, #tpu.memory_space<vmem>> -> memref<128x128xf32, #tpu.memory_space<vmem>>
      tpu.enqueue_dma source(%dma_start3A_69 : memref<128x128xf32, #tpu.memory_space<vmem>>) target(%dma_start3A_66 : memref<128x128xf32, #tpu.memory_space<vmem_shared>>) target_semaphore(%run_scoped3A : memref<!tpu.dma_semaphore, #tpu.memory_space<semaphore_mem>>)
      %dma_wait3A = arith.constant 0 : i32
      %dma_wait3A_70 = arith.constant 0 : i32
      %dma_wait3A_71 = tpu.memref_slice %arg14[%dma_wait3A, %dma_wait3A_70] : memref<128x128xf32, #tpu.memory_space<vmem>> -> memref<128x128xf32, #tpu.memory_space<vmem>>
      %dma_wait3A_72 = arith.constant 0 : i32
      %dma_wait3A_73 = tpu.memref_slice %arg15[%add3A_23, %dma_wait3A_72] : memref<10000x128xf32, #tpu.memory_space<vmem_shared>> -> memref<128x128xf32, #tpu.memory_space<vmem_shared>>
      %dma_wait3A_74 = arith.constant 0 : i32
      %dma_wait3A_75 = tpu.memref_slice %arg15[%add3A_23, %dma_wait3A_74] : memref<10000x128xf32, #tpu.memory_space<vmem_shared>> -> memref<128x128xf32, #tpu.memory_space<vmem_shared>>
      %dma_wait3A_76 = arith.constant 0 : i32
      %dma_wait3A_77 = arith.constant 0 : i32
      %dma_wait3A_78 = tpu.memref_slice %arg14[%dma_wait3A_76, %dma_wait3A_77] : memref<128x128xf32, #tpu.memory_space<vmem>> -> memref<128x128xf32, #tpu.memory_space<vmem>>
      tpu.wait_dma2 semaphore(%run_scoped3A : memref<!tpu.dma_semaphore, #tpu.memory_space<semaphore_mem>>) src(%dma_wait3A_78 : memref<128x128xf32, #tpu.memory_space<vmem>>) dst(%dma_wait3A_75 : memref<128x128xf32, #tpu.memory_space<vmem_shared>>)
      tpu.yield
    }) : () -> ()
    %add3A_24 = arith.constant 128 : i32
    %add3A_25 = arith.addi %multiple_of3A, %add3A_24 : i32
    "tpu.region"() ({
      %run_scoped3A = tpu.sem_alloc : memref<!tpu.dma_semaphore, #tpu.memory_space<semaphore_mem>>
      %dma_start3A = arith.constant 0 : i32
      %dma_start3A_61 = arith.constant 0 : i32
      %dma_start3A_62 = tpu.memref_slice %arg14[%dma_start3A, %dma_start3A_61] : memref<128x128xf32, #tpu.memory_space<vmem>> -> memref<128x128xf32, #tpu.memory_space<vmem>>
      %dma_start3A_63 = arith.constant 0 : i32
      %dma_start3A_64 = tpu.memref_slice %arg15[%add3A_25, %dma_start3A_63] : memref<10000x128xf32, #tpu.memory_space<vmem_shared>> -> memref<128x128xf32, #tpu.memory_space<vmem_shared>>
      %dma_start3A_65 = arith.constant 0 : i32
      %dma_start3A_66 = tpu.memref_slice %arg15[%add3A_25, %dma_start3A_65] : memref<10000x128xf32, #tpu.memory_space<vmem_shared>> -> memref<128x128xf32, #tpu.memory_space<vmem_shared>>
      %dma_start3A_67 = arith.constant 0 : i32
      %dma_start3A_68 = arith.constant 0 : i32
      %dma_start3A_69 = tpu.memref_slice %arg14[%dma_start3A_67, %dma_start3A_68] : memref<128x128xf32, #tpu.memory_space<vmem>> -> memref<128x128xf32, #tpu.memory_space<vmem>>
      tpu.enqueue_dma source(%dma_start3A_69 : memref<128x128xf32, #tpu.memory_space<vmem>>) target(%dma_start3A_66 : memref<128x128xf32, #tpu.memory_space<vmem_shared>>) target_semaphore(%run_scoped3A : memref<!tpu.dma_semaphore, #tpu.memory_space<semaphore_mem>>)
      %dma_wait3A = arith.constant 0 : i32
      %dma_wait3A_70 = arith.constant 0 : i32
      %dma_wait3A_71 = tpu.memref_slice %arg14[%dma_wait3A, %dma_wait3A_70] : memref<128x128xf32, #tpu.memory_space<vmem>> -> memref<128x128xf32, #tpu.memory_space<vmem>>
      %dma_wait3A_72 = arith.constant 0 : i32
      %dma_wait3A_73 = tpu.memref_slice %arg15[%add3A_25, %dma_wait3A_72] : memref<10000x128xf32, #tpu.memory_space<vmem_shared>> -> memref<128x128xf32, #tpu.memory_space<vmem_shared>>
      %dma_wait3A_74 = arith.constant 0 : i32
      %dma_wait3A_75 = tpu.memref_slice %arg15[%add3A_25, %dma_wait3A_74] : memref<10000x128xf32, #tpu.memory_space<vmem_shared>> -> memref<128x128xf32, #tpu.memory_space<vmem_shared>>
      %dma_wait3A_76 = arith.constant 0 : i32
      %dma_wait3A_77 = arith.constant 0 : i32
      %dma_wait3A_78 = tpu.memref_slice %arg14[%dma_wait3A_76, %dma_wait3A_77] : memref<128x128xf32, #tpu.memory_space<vmem>> -> memref<128x128xf32, #tpu.memory_space<vmem>>
      tpu.wait_dma2 semaphore(%run_scoped3A : memref<!tpu.dma_semaphore, #tpu.memory_space<semaphore_mem>>) src(%dma_wait3A_78 : memref<128x128xf32, #tpu.memory_space<vmem>>) dst(%dma_wait3A_75 : memref<128x128xf32, #tpu.memory_space<vmem_shared>>)
      tpu.yield
    }) : () -> ()
    %add3A_26 = arith.constant 256 : i32
    %add3A_27 = arith.addi %multiple_of3A, %add3A_26 : i32
    "tpu.region"() ({
      %run_scoped3A = tpu.sem_alloc : memref<!tpu.dma_semaphore, #tpu.memory_space<semaphore_mem>>
      %dma_start3A = arith.constant 0 : i32
      %dma_start3A_61 = arith.constant 0 : i32
      %dma_start3A_62 = tpu.memref_slice %arg14[%dma_start3A, %dma_start3A_61] : memref<128x128xf32, #tpu.memory_space<vmem>> -> memref<128x128xf32, #tpu.memory_space<vmem>>
      %dma_start3A_63 = arith.constant 0 : i32
      %dma_start3A_64 = tpu.memref_slice %arg15[%add3A_27, %dma_start3A_63] : memref<10000x128xf32, #tpu.memory_space<vmem_shared>> -> memref<128x128xf32, #tpu.memory_space<vmem_shared>>
      %dma_start3A_65 = arith.constant 0 : i32
      %dma_start3A_66 = tpu.memref_slice %arg15[%add3A_27, %dma_start3A_65] : memref<10000x128xf32, #tpu.memory_space<vmem_shared>> -> memref<128x128xf32, #tpu.memory_space<vmem_shared>>
      %dma_start3A_67 = arith.constant 0 : i32
      %dma_start3A_68 = arith.constant 0 : i32
      %dma_start3A_69 = tpu.memref_slice %arg14[%dma_start3A_67, %dma_start3A_68] : memref<128x128xf32, #tpu.memory_space<vmem>> -> memref<128x128xf32, #tpu.memory_space<vmem>>
      tpu.enqueue_dma source(%dma_start3A_69 : memref<128x128xf32, #tpu.memory_space<vmem>>) target(%dma_start3A_66 : memref<128x128xf32, #tpu.memory_space<vmem_shared>>) target_semaphore(%run_scoped3A : memref<!tpu.dma_semaphore, #tpu.memory_space<semaphore_mem>>)
      %dma_wait3A = arith.constant 0 : i32
      %dma_wait3A_70 = arith.constant 0 : i32
      %dma_wait3A_71 = tpu.memref_slice %arg14[%dma_wait3A, %dma_wait3A_70] : memref<128x128xf32, #tpu.memory_space<vmem>> -> memref<128x128xf32, #tpu.memory_space<vmem>>
      %dma_wait3A_72 = arith.constant 0 : i32
      %dma_wait3A_73 = tpu.memref_slice %arg15[%add3A_27, %dma_wait3A_72] : memref<10000x128xf32, #tpu.memory_space<vmem_shared>> -> memref<128x128xf32, #tpu.memory_space<vmem_shared>>
      %dma_wait3A_74 = arith.constant 0 : i32
      %dma_wait3A_75 = tpu.memref_slice %arg15[%add3A_27, %dma_wait3A_74] : memref<10000x128xf32, #tpu.memory_space<vmem_shared>> -> memref<128x128xf32, #tpu.memory_space<vmem_shared>>
      %dma_wait3A_76 = arith.constant 0 : i32
      %dma_wait3A_77 = arith.constant 0 : i32
      %dma_wait3A_78 = tpu.memref_slice %arg14[%dma_wait3A_76, %dma_wait3A_77] : memref<128x128xf32, #tpu.memory_space<vmem>> -> memref<128x128xf32, #tpu.memory_space<vmem>>
      tpu.wait_dma2 semaphore(%run_scoped3A : memref<!tpu.dma_semaphore, #tpu.memory_space<semaphore_mem>>) src(%dma_wait3A_78 : memref<128x128xf32, #tpu.memory_space<vmem>>) dst(%dma_wait3A_75 : memref<128x128xf32, #tpu.memory_space<vmem_shared>>)
      tpu.yield
    }) : () -> ()
    %add3A_28 = arith.constant 384 : i32
    %add3A_29 = arith.addi %multiple_of3A, %add3A_28 : i32
    "tpu.region"() ({
      %run_scoped3A = tpu.sem_alloc : memref<!tpu.dma_semaphore, #tpu.memory_space<semaphore_mem>>
      %dma_start3A = arith.constant 0 : i32
      %dma_start3A_61 = arith.constant 0 : i32
      %dma_start3A_62 = tpu.memref_slice %arg14[%dma_start3A, %dma_start3A_61] : memref<128x128xf32, #tpu.memory_space<vmem>> -> memref<128x128xf32, #tpu.memory_space<vmem>>
      %dma_start3A_63 = arith.constant 0 : i32
      %dma_start3A_64 = tpu.memref_slice %arg15[%add3A_29, %dma_start3A_63] : memref<10000x128xf32, #tpu.memory_space<vmem_shared>> -> memref<128x128xf32, #tpu.memory_space<vmem_shared>>
      %dma_start3A_65 = arith.constant 0 : i32
      %dma_start3A_66 = tpu.memref_slice %arg15[%add3A_29, %dma_start3A_65] : memref<10000x128xf32, #tpu.memory_space<vmem_shared>> -> memref<128x128xf32, #tpu.memory_space<vmem_shared>>
      %dma_start3A_67 = arith.constant 0 : i32
      %dma_start3A_68 = arith.constant 0 : i32
      %dma_start3A_69 = tpu.memref_slice %arg14[%dma_start3A_67, %dma_start3A_68] : memref<128x128xf32, #tpu.memory_space<vmem>> -> memref<128x128xf32, #tpu.memory_space<vmem>>
      tpu.enqueue_dma source(%dma_start3A_69 : memref<128x128xf32, #tpu.memory_space<vmem>>) target(%dma_start3A_66 : memref<128x128xf32, #tpu.memory_space<vmem_shared>>) target_semaphore(%run_scoped3A : memref<!tpu.dma_semaphore, #tpu.memory_space<semaphore_mem>>)
      %dma_wait3A = arith.constant 0 : i32
      %dma_wait3A_70 = arith.constant 0 : i32
      %dma_wait3A_71 = tpu.memref_slice %arg14[%dma_wait3A, %dma_wait3A_70] : memref<128x128xf32, #tpu.memory_space<vmem>> -> memref<128x128xf32, #tpu.memory_space<vmem>>
      %dma_wait3A_72 = arith.constant 0 : i32
      %dma_wait3A_73 = tpu.memref_slice %arg15[%add3A_29, %dma_wait3A_72] : memref<10000x128xf32, #tpu.memory_space<vmem_shared>> -> memref<128x128xf32, #tpu.memory_space<vmem_shared>>
      %dma_wait3A_74 = arith.constant 0 : i32
      %dma_wait3A_75 = tpu.memref_slice %arg15[%add3A_29, %dma_wait3A_74] : memref<10000x128xf32, #tpu.memory_space<vmem_shared>> -> memref<128x128xf32, #tpu.memory_space<vmem_shared>>
      %dma_wait3A_76 = arith.constant 0 : i32
      %dma_wait3A_77 = arith.constant 0 : i32
      %dma_wait3A_78 = tpu.memref_slice %arg14[%dma_wait3A_76, %dma_wait3A_77] : memref<128x128xf32, #tpu.memory_space<vmem>> -> memref<128x128xf32, #tpu.memory_space<vmem>>
      tpu.wait_dma2 semaphore(%run_scoped3A : memref<!tpu.dma_semaphore, #tpu.memory_space<semaphore_mem>>) src(%dma_wait3A_78 : memref<128x128xf32, #tpu.memory_space<vmem>>) dst(%dma_wait3A_75 : memref<128x128xf32, #tpu.memory_space<vmem_shared>>)
      tpu.yield
    }) : () -> ()
    %add3A_30 = arith.constant 512 : i32
    %add3A_31 = arith.addi %multiple_of3A, %add3A_30 : i32
    "tpu.region"() ({
      %run_scoped3A = tpu.sem_alloc : memref<!tpu.dma_semaphore, #tpu.memory_space<semaphore_mem>>
      %dma_start3A = arith.constant 0 : i32
      %dma_start3A_61 = arith.constant 0 : i32
      %dma_start3A_62 = tpu.memref_slice %arg14[%dma_start3A, %dma_start3A_61] : memref<128x128xf32, #tpu.memory_space<vmem>> -> memref<112x128xf32, #tpu.memory_space<vmem>>
      %dma_start3A_63 = arith.constant 0 : i32
      %dma_start3A_64 = tpu.memref_slice %arg15[%add3A_31, %dma_start3A_63] : memref<10000x128xf32, #tpu.memory_space<vmem_shared>> -> memref<112x128xf32, #tpu.memory_space<vmem_shared>>
      %dma_start3A_65 = arith.constant 0 : i32
      %dma_start3A_66 = tpu.memref_slice %arg15[%add3A_31, %dma_start3A_65] : memref<10000x128xf32, #tpu.memory_space<vmem_shared>> -> memref<112x128xf32, #tpu.memory_space<vmem_shared>>
      %dma_start3A_67 = arith.constant 0 : i32
      %dma_start3A_68 = arith.constant 0 : i32
      %dma_start3A_69 = tpu.memref_slice %arg14[%dma_start3A_67, %dma_start3A_68] : memref<128x128xf32, #tpu.memory_space<vmem>> -> memref<112x128xf32, #tpu.memory_space<vmem>>
      tpu.enqueue_dma source(%dma_start3A_69 : memref<112x128xf32, #tpu.memory_space<vmem>>) target(%dma_start3A_66 : memref<112x128xf32, #tpu.memory_space<vmem_shared>>) target_semaphore(%run_scoped3A : memref<!tpu.dma_semaphore, #tpu.memory_space<semaphore_mem>>)
      %dma_wait3A = arith.constant 0 : i32
      %dma_wait3A_70 = arith.constant 0 : i32
      %dma_wait3A_71 = tpu.memref_slice %arg14[%dma_wait3A, %dma_wait3A_70] : memref<128x128xf32, #tpu.memory_space<vmem>> -> memref<112x128xf32, #tpu.memory_space<vmem>>
      %dma_wait3A_72 = arith.constant 0 : i32
      %dma_wait3A_73 = tpu.memref_slice %arg15[%add3A_31, %dma_wait3A_72] : memref<10000x128xf32, #tpu.memory_space<vmem_shared>> -> memref<112x128xf32, #tpu.memory_space<vmem_shared>>
      %dma_wait3A_74 = arith.constant 0 : i32
      %dma_wait3A_75 = tpu.memref_slice %arg15[%add3A_31, %dma_wait3A_74] : memref<10000x128xf32, #tpu.memory_space<vmem_shared>> -> memref<112x128xf32, #tpu.memory_space<vmem_shared>>
      %dma_wait3A_76 = arith.constant 0 : i32
      %dma_wait3A_77 = arith.constant 0 : i32
      %dma_wait3A_78 = tpu.memref_slice %arg14[%dma_wait3A_76, %dma_wait3A_77] : memref<128x128xf32, #tpu.memory_space<vmem>> -> memref<112x128xf32, #tpu.memory_space<vmem>>
      tpu.wait_dma2 semaphore(%run_scoped3A : memref<!tpu.dma_semaphore, #tpu.memory_space<semaphore_mem>>) src(%dma_wait3A_78 : memref<112x128xf32, #tpu.memory_space<vmem>>) dst(%dma_wait3A_75 : memref<112x128xf32, #tpu.memory_space<vmem_shared>>)
      tpu.yield
    }) : () -> ()
    %eq3A = arith.constant 15 : i32
    %eq3A_32 = arith.cmpi eq, %arg1, %eq3A : i32
    %convert_element_type3A_33 = arith.extui %eq3A_32 : i1 to i32
    %cond3A_34 = arith.constant 0 : i32
    %cond3A_35 = arith.cmpi ne, %convert_element_type3A_33, %cond3A_34 : i32
    scf.if %cond3A_35 {
      "tpu.region"() ({
        %run_scoped3A = tpu.sem_alloc : memref<!tpu.dma_semaphore, #tpu.memory_space<semaphore_mem>>
        %dma_start3A = arith.constant 0 : i32
        %dma_start3A_61 = arith.constant 0 : i32
        %dma_start3A_62 = tpu.memref_slice %arg14[%dma_start3A, %dma_start3A_61] : memref<128x128xf32, #tpu.memory_space<vmem>> -> memref<16x128xf32, #tpu.memory_space<vmem>>
        %dma_start3A_63 = arith.constant 9984 : i32
        %dma_start3A_64 = arith.constant 0 : i32
        %dma_start3A_65 = tpu.memref_slice %arg15[%dma_start3A_63, %dma_start3A_64] : memref<10000x128xf32, #tpu.memory_space<vmem_shared>> -> memref<16x128xf32, #tpu.memory_space<vmem_shared>>
        %dma_start3A_66 = arith.constant 9984 : i32
        %dma_start3A_67 = arith.constant 0 : i32
        %dma_start3A_68 = tpu.memref_slice %arg15[%dma_start3A_66, %dma_start3A_67] : memref<10000x128xf32, #tpu.memory_space<vmem_shared>> -> memref<16x128xf32, #tpu.memory_space<vmem_shared>>
        %dma_start3A_69 = arith.constant 0 : i32
        %dma_start3A_70 = arith.constant 0 : i32
        %dma_start3A_71 = tpu.memref_slice %arg14[%dma_start3A_69, %dma_start3A_70] : memref<128x128xf32, #tpu.memory_space<vmem>> -> memref<16x128xf32, #tpu.memory_space<vmem>>
        tpu.enqueue_dma source(%dma_start3A_71 : memref<16x128xf32, #tpu.memory_space<vmem>>) target(%dma_start3A_68 : memref<16x128xf32, #tpu.memory_space<vmem_shared>>) target_semaphore(%run_scoped3A : memref<!tpu.dma_semaphore, #tpu.memory_space<semaphore_mem>>)
        %dma_wait3A = arith.constant 0 : i32
        %dma_wait3A_72 = arith.constant 0 : i32
        %dma_wait3A_73 = tpu.memref_slice %arg14[%dma_wait3A, %dma_wait3A_72] : memref<128x128xf32, #tpu.memory_space<vmem>> -> memref<16x128xf32, #tpu.memory_space<vmem>>
        %dma_wait3A_74 = arith.constant 9984 : i32
        %dma_wait3A_75 = arith.constant 0 : i32
        %dma_wait3A_76 = tpu.memref_slice %arg15[%dma_wait3A_74, %dma_wait3A_75] : memref<10000x128xf32, #tpu.memory_space<vmem_shared>> -> memref<16x128xf32, #tpu.memory_space<vmem_shared>>
        %dma_wait3A_77 = arith.constant 9984 : i32
        %dma_wait3A_78 = arith.constant 0 : i32
        %dma_wait3A_79 = tpu.memref_slice %arg15[%dma_wait3A_77, %dma_wait3A_78] : memref<10000x128xf32, #tpu.memory_space<vmem_shared>> -> memref<16x128xf32, #tpu.memory_space<vmem_shared>>
        %dma_wait3A_80 = arith.constant 0 : i32
        %dma_wait3A_81 = arith.constant 0 : i32
        %dma_wait3A_82 = tpu.memref_slice %arg14[%dma_wait3A_80, %dma_wait3A_81] : memref<128x128xf32, #tpu.memory_space<vmem>> -> memref<16x128xf32, #tpu.memory_space<vmem>>
        tpu.wait_dma2 semaphore(%run_scoped3A : memref<!tpu.dma_semaphore, #tpu.memory_space<semaphore_mem>>) src(%dma_wait3A_82 : memref<16x128xf32, #tpu.memory_space<vmem>>) dst(%dma_wait3A_79 : memref<16x128xf32, #tpu.memory_space<vmem_shared>>)
        tpu.yield
      }) : () -> ()
    } else {
    }
    %barrier3A = arith.constant 0 : index
    tpu.barrier barrier_id(%barrier3A)
    %scan3A_36 = arith.constant 0 : i32
    %scan3A_37 = arith.constant 40 : i32
    %scan3A_38 = arith.addi %scan3A_36, %scan3A_37 : i32
    %scan3A_39 = arith.constant 1 : i32
    scf.for %scan3A_61 = %scan3A_36 to %scan3A_38 step %scan3A_39  : i32 {
      %mul3A_62 = arith.constant 1 : i32
      %mul3A_63 = arith.muli %scan3A_61, %mul3A_62 : i32
      %add3A_64 = arith.constant 0 : i32
      %add3A_65 = arith.addi %add3A_64, %mul3A_63 : i32
      %mul3A_66 = arith.constant 2 : i32
      %mul3A_67 = arith.muli %mul3A_66, %add3A_65 : i32
      %add3A_68 = arith.constant 0 : i32
      %add3A_69 = arith.addi %mul3A_67, %add3A_68 : i32
      %add3A_70 = arith.constant 1 : i32
      %add3A_71 = arith.addi %add3A_69, %add3A_70 : i32
      %mul3A_72 = arith.constant 16 : i32
      %mul3A_73 = arith.muli %add3A_71, %mul3A_72 : i32
      %add3A_74 = arith.addi %arg1, %mul3A_73 : i32
      %lt3A_75 = arith.constant 1250 : i32
      %lt3A_76 = arith.cmpi slt, %add3A_74, %lt3A_75 : i32
      %convert_element_type3A_77 = arith.extui %lt3A_76 : i1 to i32
      %cond3A_78 = arith.constant 0 : i32
      %cond3A_79 = arith.cmpi ne, %convert_element_type3A_77, %cond3A_78 : i32
      scf.if %cond3A_79 {
        %add3A_130 = arith.constant 1 : i32
        %add3A_131 = arith.addi %add3A_69, %add3A_130 : i32
        %add3A_132 = arith.constant 1 : i32
        %add3A_133 = arith.addi %add3A_69, %add3A_132 : i32
        %ge3A = arith.constant 2 : i32
        %ge3A_134 = arith.cmpi sge, %add3A_133, %ge3A : i32
        %convert_element_type3A_135 = arith.extui %ge3A_134 : i1 to i32
        %cond3A_136 = arith.constant 0 : i32
        %cond3A_137 = arith.cmpi ne, %convert_element_type3A_135, %cond3A_136 : i32
        scf.if %cond3A_137 {
          %dma_wait3A_163 = arith.constant 0 : i32
          %dma_wait3A_164 = arith.constant 0 : i32
          %dma_wait3A_165 = tpu.memref_slice %arg15[%dma_wait3A_163, %dma_wait3A_164] : memref<10000x128xf32, #tpu.memory_space<vmem_shared>> -> memref<10000x128xf32, #tpu.memory_space<vmem_shared>>
          tpu.wait_indirect_dma semaphore(%arg21 : memref<!tpu.dma_semaphore, #tpu.memory_space<semaphore_mem>>) src(%arg13 : memref<128x128xf32, #tpu.memory_space<vmem>>) dst(%dma_wait3A_165 : memref<10000x128xf32, #tpu.memory_space<vmem_shared>>)
        } else {
        }
        %add3A_138 = arith.constant 0 : i32
        %add3A_139 = arith.addi %add3A_138, %arg1 : i32
        %mul3A_140 = arith.constant 16 : i32
        %mul3A_141 = arith.muli %add3A_131, %mul3A_140 : i32
        %add3A_142 = arith.addi %add3A_139, %mul3A_141 : i32
        %mul3A_143 = arith.constant 256 : i32
        %mul3A_144 = arith.muli %add3A_142, %mul3A_143 : i32
        %multiple_of3A_145 = tpu.assume_multiple %mul3A_144, 256 : i32
        %mul3A_146 = arith.constant 128 : i32
        %mul3A_147 = arith.muli %add3A_142, %mul3A_146 : i32
        %multiple_of3A_148 = tpu.assume_multiple %mul3A_147, 128 : i32
        %dma_wait3A = tpu.memref_slice %arg3[%multiple_of3A_145] : memref<320000xi32, #tpu.memory_space<hbm>> -> memref<256xi32, #tpu.memory_space<hbm>>
        %dma_wait3A_149 = tpu.memref_slice %arg3[%multiple_of3A_145] : memref<320000xi32, #tpu.memory_space<hbm>> -> memref<256xi32, #tpu.memory_space<hbm>>
        tpu.wait_dma2 semaphore(%arg19 : memref<!tpu.dma_semaphore, #tpu.memory_space<semaphore_mem>>) src(%dma_wait3A_149 : memref<256xi32, #tpu.memory_space<hbm>>) dst(%arg10 : memref<256xi32, #tpu.memory_space<vmem>>)
        %dma_wait3A_150 = tpu.memref_slice %arg4[%multiple_of3A_148] : memref<160000xi32, #tpu.memory_space<hbm>> -> memref<128xi32, #tpu.memory_space<hbm>>
        %dma_wait3A_151 = tpu.memref_slice %arg4[%multiple_of3A_148] : memref<160000xi32, #tpu.memory_space<hbm>> -> memref<128xi32, #tpu.memory_space<hbm>>
        tpu.wait_dma2 semaphore(%arg19 : memref<!tpu.dma_semaphore, #tpu.memory_space<semaphore_mem>>) src(%dma_wait3A_151 : memref<128xi32, #tpu.memory_space<hbm>>) dst(%arg11 : memref<128xi32, #tpu.memory_space<vmem>>)
        %mul3A_152 = arith.constant 10000 : i32
        %mul3A_153 = arith.muli %arg0, %mul3A_152 : i32
        %scan3A_154 = arith.constant 0 : i32
        %scan3A_155 = arith.constant 8 : i32
        %scan3A_156 = arith.addi %scan3A_154, %scan3A_155 : i32
        %scan3A_157 = arith.constant 1 : i32
        scf.for %scan3A_163 = %scan3A_154 to %scan3A_156 step %scan3A_157  : i32 {
          %mul3A_164 = arith.constant 16 : i32
          %mul3A_165 = arith.muli %scan3A_163, %mul3A_164 : i32
          %add3A_166 = arith.constant 0 : i32
          %add3A_167 = arith.addi %add3A_166, %mul3A_165 : i32
          %get3A = arith.index_cast %add3A_167 : i32 to index
          %get3A_168 = tpu.vector_load %arg10[%get3A] {strides = array<i32>} : memref<256xi32, #tpu.memory_space<vmem>>, vector<16xi32>,
          %add3A_169 = vector.broadcast %mul3A_153 : i32 to vector<16xi32>
          %add3A_170 = arith.addi %get3A_168, %add3A_169 : vector<16xi32>
          %swap3A = arith.index_cast %add3A_167 : i32 to index
          %swap3A_171 = tpu.vector_load %arg10[%swap3A] {strides = array<i32>} : memref<256xi32, #tpu.memory_space<vmem>>, vector<16xi32>,
          tpu.vector_store %arg10[%swap3A], %add3A_170 {strides = array<i32>} : memref<256xi32, #tpu.memory_space<vmem>>, vector<16xi32>,
        }
        %scan3A_158 = arith.constant 8 : i32
        %dma_start3A = arith.constant 0 : i32
        %dma_start3A_159 = tpu.memref_slice %arg10[%dma_start3A] : memref<256xi32, #tpu.memory_space<vmem>> -> memref<128xi32, #tpu.memory_space<vmem>>
        %dma_start3A_160 = arith.constant 0 : i32
        %dma_start3A_161 = arith.constant 0 : i32
        %dma_start3A_162 = tpu.memref_slice %arg2[%dma_start3A_160, %dma_start3A_161] : memref<20000x128xf32, #tpu.memory_space<hbm>> -> memref<20000x128xf32, #tpu.memory_space<hbm>>
        tpu.enqueue_indirect_dma source(%dma_start3A_162 : memref<20000x128xf32, #tpu.memory_space<hbm>>) target(%arg13 : memref<128x128xf32, #tpu.memory_space<vmem>>) offsets(%dma_start3A_159 : memref<128xi32, #tpu.memory_space<vmem>>) semaphore(%arg17 : memref<!tpu.dma_semaphore, #tpu.memory_space<semaphore_mem>>)
      } else {
      }
      %mul3A_80 = arith.constant 16 : i32
      %mul3A_81 = arith.muli %add3A_69, %mul3A_80 : i32
      %add3A_82 = arith.addi %arg1, %mul3A_81 : i32
      %lt3A_83 = arith.constant 1250 : i32
      %lt3A_84 = arith.cmpi slt, %add3A_82, %lt3A_83 : i32
      %convert_element_type3A_85 = arith.extui %lt3A_84 : i1 to i32
      %cond3A_86 = arith.constant 0 : i32
      %cond3A_87 = arith.cmpi ne, %convert_element_type3A_85, %cond3A_86 : i32
      scf.if %cond3A_87 {
        %dma_wait3A = arith.constant 0 : i32
        %dma_wait3A_130 = tpu.memref_slice %arg6[%dma_wait3A] : memref<256xi32, #tpu.memory_space<vmem>> -> memref<128xi32, #tpu.memory_space<vmem>>
        %dma_wait3A_131 = arith.constant 0 : i32
        %dma_wait3A_132 = arith.constant 0 : i32
        %dma_wait3A_133 = tpu.memref_slice %arg2[%dma_wait3A_131, %dma_wait3A_132] : memref<20000x128xf32, #tpu.memory_space<hbm>> -> memref<20000x128xf32, #tpu.memory_space<hbm>>
        tpu.wait_indirect_dma semaphore(%arg16 : memref<!tpu.dma_semaphore, #tpu.memory_space<semaphore_mem>>) src(%dma_wait3A_133 : memref<20000x128xf32, #tpu.memory_space<hbm>>) dst(%arg9 : memref<128x128xf32, #tpu.memory_space<vmem>>)
        %scan3A_134 = arith.constant 0 : i32
        %scan3A_135 = arith.constant 8 : i32
        %scan3A_136 = arith.addi %scan3A_134, %scan3A_135 : i32
        %scan3A_137 = arith.constant 1 : i32
        scf.for %scan3A_141 = %scan3A_134 to %scan3A_136 step %scan3A_137  : i32 {
          %mul3A_142 = arith.constant 16 : i32
          %mul3A_143 = arith.muli %scan3A_141, %mul3A_142 : i32
          %add3A_144 = arith.constant 0 : i32
          %add3A_145 = arith.addi %add3A_144, %mul3A_143 : i32
          %get3A = arith.index_cast %add3A_145 : i32 to index
          %get3A_146 = tpu.vector_load %arg7[%get3A] {strides = array<i32>} : memref<128xi32, #tpu.memory_space<vmem>>, vector<16xi32>,
          %swap3A = arith.index_cast %add3A_145 : i32 to index
          %swap3A_147 = tpu.vector_load %arg8[%swap3A] {strides = array<i32>} : memref<128xi32, #tpu.memory_space<vmem>>, vector<16xi32>,
          tpu.vector_store %arg8[%swap3A], %get3A_146 {strides = array<i32>} : memref<128xi32, #tpu.memory_space<vmem>>, vector<16xi32>,
          %add3A_148 = arith.constant 128 : i32
          %add3A_149 = arith.addi %add3A_148, %add3A_145 : i32
          %get3A_150 = arith.index_cast %add3A_149 : i32 to index
          %get3A_151 = tpu.vector_load %arg6[%get3A_150] {strides = array<i32>} : memref<256xi32, #tpu.memory_space<vmem>>, vector<16xi32>,
          %bitcast3A = vector.bitcast %get3A_151 : vector<16xi32> to vector<16xf32>
          %broadcast_in_dim3A = arith.constant 0 : i32
          %broadcast_in_dim3A_152 = vector.broadcast %broadcast_in_dim3A : i32 to vector<16xi32>
          %lt3A_153 = arith.constant 0 : i32
          %lt3A_154 = vector.broadcast %lt3A_153 : i32 to vector<16xi32>
          %lt3A_155 = arith.cmpi slt, %broadcast_in_dim3A_152, %lt3A_154 : vector<16xi32>
          %add3A_156 = arith.constant 16 : i32
          %add3A_157 = vector.broadcast %add3A_156 : i32 to vector<16xi32>
          %add3A_158 = arith.addi %broadcast_in_dim3A_152, %add3A_157 : vector<16xi32>
          %select_n3A = arith.select %lt3A_155, %add3A_158, %broadcast_in_dim3A_152 : vector<16xi1>, vector<16xi32>
          %broadcast_in_dim3A_159 = vector.shape_cast %select_n3A : vector<16xi32> to vector<16x1xi32>
          %gather3A = vector.shape_cast %broadcast_in_dim3A_159 : vector<16x1xi32> to vector<16xi32>
          %gather3A_160 = tpu.dynamic_gather %bitcast3A[%gather3A] in [0] : vector<16xf32>, vector<16xi32> -> vector<16xf32>
          %scan3A_161 = arith.constant 0 : i32
          %scan3A_162 = arith.constant 8 : i32
          %scan3A_163 = arith.addi %scan3A_161, %scan3A_162 : i32
          %scan3A_164 = arith.constant 1 : i32
          scf.for %scan3A_421 = %scan3A_161 to %scan3A_163 step %scan3A_164  : i32 {
            %mul3A_422 = arith.constant 16 : i32
            %mul3A_423 = arith.muli %scan3A_421, %mul3A_422 : i32
            %add3A_424 = arith.constant 0 : i32
            %add3A_425 = arith.addi %add3A_424, %mul3A_423 : i32
            %add3A_426 = arith.constant 0 : i32
            %add3A_427 = arith.addi %add3A_145, %add3A_426 : i32
            %get3A_428 = arith.index_cast %add3A_427 : i32 to index
            %get3A_429 = arith.index_cast %add3A_425 : i32 to index
            %get3A_430 = tpu.vector_load %arg9[%get3A_428, %get3A_429] {strides = array<i32>} : memref<128x128xf32, #tpu.memory_space<vmem>>, vector<16xf32>,
            %mul3A_431 = arith.mulf %get3A_430, %gather3A_160 : vector<16xf32>
            %add3A_432 = arith.constant 0 : i32
            %add3A_433 = arith.addi %add3A_145, %add3A_432 : i32
            %swap3A_434 = arith.index_cast %add3A_433 : i32 to index
            %swap3A_435 = arith.index_cast %add3A_425 : i32 to index
            %swap3A_436 = tpu.vector_load %arg9[%swap3A_434, %swap3A_435] {strides = array<i32>} : memref<128x128xf32, #tpu.memory_space<vmem>>, vector<16xf32>,
            tpu.vector_store %arg9[%swap3A_434, %swap3A_435], %mul3A_431 {strides = array<i32>} : memref<128x128xf32, #tpu.memory_space<vmem>>, vector<16xf32>,
          }
          %scan3A_165 = arith.constant 8 : i32
          %broadcast_in_dim3A_166 = arith.constant 1 : i32
          %broadcast_in_dim3A_167 = vector.broadcast %broadcast_in_dim3A_166 : i32 to vector<16xi32>
          %lt3A_168 = arith.constant 0 : i32
          %lt3A_169 = vector.broadcast %lt3A_168 : i32 to vector<16xi32>
          %lt3A_170 = arith.cmpi slt, %broadcast_in_dim3A_167, %lt3A_169 : vector<16xi32>
          %add3A_171 = arith.constant 16 : i32
          %add3A_172 = vector.broadcast %add3A_171 : i32 to vector<16xi32>
          %add3A_173 = arith.addi %broadcast_in_dim3A_167, %add3A_172 : vector<16xi32>
          %select_n3A_174 = arith.select %lt3A_170, %add3A_173, %broadcast_in_dim3A_167 : vector<16xi1>, vector<16xi32>
          %broadcast_in_dim3A_175 = vector.shape_cast %select_n3A_174 : vector<16xi32> to vector<16x1xi32>
          %gather3A_176 = vector.shape_cast %broadcast_in_dim3A_175 : vector<16x1xi32> to vector<16xi32>
          %gather3A_177 = tpu.dynamic_gather %bitcast3A[%gather3A_176] in [0] : vector<16xf32>, vector<16xi32> -> vector<16xf32>
          %scan3A_178 = arith.constant 0 : i32
          %scan3A_179 = arith.constant 8 : i32
          %scan3A_180 = arith.addi %scan3A_178, %scan3A_179 : i32
          %scan3A_181 = arith.constant 1 : i32
          scf.for %scan3A_421 = %scan3A_178 to %scan3A_180 step %scan3A_181  : i32 {
            %mul3A_422 = arith.constant 16 : i32
            %mul3A_423 = arith.muli %scan3A_421, %mul3A_422 : i32
            %add3A_424 = arith.constant 0 : i32
            %add3A_425 = arith.addi %add3A_424, %mul3A_423 : i32
            %add3A_426 = arith.constant 1 : i32
            %add3A_427 = arith.addi %add3A_145, %add3A_426 : i32
            %get3A_428 = arith.index_cast %add3A_427 : i32 to index
            %get3A_429 = arith.index_cast %add3A_425 : i32 to index
            %get3A_430 = tpu.vector_load %arg9[%get3A_428, %get3A_429] {strides = array<i32>} : memref<128x128xf32, #tpu.memory_space<vmem>>, vector<16xf32>,
            %mul3A_431 = arith.mulf %get3A_430, %gather3A_177 : vector<16xf32>
            %add3A_432 = arith.constant 1 : i32
            %add3A_433 = arith.addi %add3A_145, %add3A_432 : i32
            %swap3A_434 = arith.index_cast %add3A_433 : i32 to index
            %swap3A_435 = arith.index_cast %add3A_425 : i32 to index
            %swap3A_436 = tpu.vector_load %arg9[%swap3A_434, %swap3A_435] {strides = array<i32>} : memref<128x128xf32, #tpu.memory_space<vmem>>, vector<16xf32>,
            tpu.vector_store %arg9[%swap3A_434, %swap3A_435], %mul3A_431 {strides = array<i32>} : memref<128x128xf32, #tpu.memory_space<vmem>>, vector<16xf32>,
          }
          %scan3A_182 = arith.constant 8 : i32
          %broadcast_in_dim3A_183 = arith.constant 2 : i32
          %broadcast_in_dim3A_184 = vector.broadcast %broadcast_in_dim3A_183 : i32 to vector<16xi32>
          %lt3A_185 = arith.constant 0 : i32
          %lt3A_186 = vector.broadcast %lt3A_185 : i32 to vector<16xi32>
          %lt3A_187 = arith.cmpi slt, %broadcast_in_dim3A_184, %lt3A_186 : vector<16xi32>
          %add3A_188 = arith.constant 16 : i32
          %add3A_189 = vector.broadcast %add3A_188 : i32 to vector<16xi32>
          %add3A_190 = arith.addi %broadcast_in_dim3A_184, %add3A_189 : vector<16xi32>
          %select_n3A_191 = arith.select %lt3A_187, %add3A_190, %broadcast_in_dim3A_184 : vector<16xi1>, vector<16xi32>
          %broadcast_in_dim3A_192 = vector.shape_cast %select_n3A_191 : vector<16xi32> to vector<16x1xi32>
          %gather3A_193 = vector.shape_cast %broadcast_in_dim3A_192 : vector<16x1xi32> to vector<16xi32>
          %gather3A_194 = tpu.dynamic_gather %bitcast3A[%gather3A_193] in [0] : vector<16xf32>, vector<16xi32> -> vector<16xf32>
          %scan3A_195 = arith.constant 0 : i32
          %scan3A_196 = arith.constant 8 : i32
          %scan3A_197 = arith.addi %scan3A_195, %scan3A_196 : i32
          %scan3A_198 = arith.constant 1 : i32
          scf.for %scan3A_421 = %scan3A_195 to %scan3A_197 step %scan3A_198  : i32 {
            %mul3A_422 = arith.constant 16 : i32
            %mul3A_423 = arith.muli %scan3A_421, %mul3A_422 : i32
            %add3A_424 = arith.constant 0 : i32
            %add3A_425 = arith.addi %add3A_424, %mul3A_423 : i32
            %add3A_426 = arith.constant 2 : i32
            %add3A_427 = arith.addi %add3A_145, %add3A_426 : i32
            %get3A_428 = arith.index_cast %add3A_427 : i32 to index
            %get3A_429 = arith.index_cast %add3A_425 : i32 to index
            %get3A_430 = tpu.vector_load %arg9[%get3A_428, %get3A_429] {strides = array<i32>} : memref<128x128xf32, #tpu.memory_space<vmem>>, vector<16xf32>,
            %mul3A_431 = arith.mulf %get3A_430, %gather3A_194 : vector<16xf32>
            %add3A_432 = arith.constant 2 : i32
            %add3A_433 = arith.addi %add3A_145, %add3A_432 : i32
            %swap3A_434 = arith.index_cast %add3A_433 : i32 to index
            %swap3A_435 = arith.index_cast %add3A_425 : i32 to index
            %swap3A_436 = tpu.vector_load %arg9[%swap3A_434, %swap3A_435] {strides = array<i32>} : memref<128x128xf32, #tpu.memory_space<vmem>>, vector<16xf32>,
            tpu.vector_store %arg9[%swap3A_434, %swap3A_435], %mul3A_431 {strides = array<i32>} : memref<128x128xf32, #tpu.memory_space<vmem>>, vector<16xf32>,
          }
          %scan3A_199 = arith.constant 8 : i32
          %broadcast_in_dim3A_200 = arith.constant 3 : i32
          %broadcast_in_dim3A_201 = vector.broadcast %broadcast_in_dim3A_200 : i32 to vector<16xi32>
          %lt3A_202 = arith.constant 0 : i32
          %lt3A_203 = vector.broadcast %lt3A_202 : i32 to vector<16xi32>
          %lt3A_204 = arith.cmpi slt, %broadcast_in_dim3A_201, %lt3A_203 : vector<16xi32>
          %add3A_205 = arith.constant 16 : i32
          %add3A_206 = vector.broadcast %add3A_205 : i32 to vector<16xi32>
          %add3A_207 = arith.addi %broadcast_in_dim3A_201, %add3A_206 : vector<16xi32>
          %select_n3A_208 = arith.select %lt3A_204, %add3A_207, %broadcast_in_dim3A_201 : vector<16xi1>, vector<16xi32>
          %broadcast_in_dim3A_209 = vector.shape_cast %select_n3A_208 : vector<16xi32> to vector<16x1xi32>
          %gather3A_210 = vector.shape_cast %broadcast_in_dim3A_209 : vector<16x1xi32> to vector<16xi32>
          %gather3A_211 = tpu.dynamic_gather %bitcast3A[%gather3A_210] in [0] : vector<16xf32>, vector<16xi32> -> vector<16xf32>
          %scan3A_212 = arith.constant 0 : i32
          %scan3A_213 = arith.constant 8 : i32
          %scan3A_214 = arith.addi %scan3A_212, %scan3A_213 : i32
          %scan3A_215 = arith.constant 1 : i32
          scf.for %scan3A_421 = %scan3A_212 to %scan3A_214 step %scan3A_215  : i32 {
            %mul3A_422 = arith.constant 16 : i32
            %mul3A_423 = arith.muli %scan3A_421, %mul3A_422 : i32
            %add3A_424 = arith.constant 0 : i32
            %add3A_425 = arith.addi %add3A_424, %mul3A_423 : i32
            %add3A_426 = arith.constant 3 : i32
            %add3A_427 = arith.addi %add3A_145, %add3A_426 : i32
            %get3A_428 = arith.index_cast %add3A_427 : i32 to index
            %get3A_429 = arith.index_cast %add3A_425 : i32 to index
            %get3A_430 = tpu.vector_load %arg9[%get3A_428, %get3A_429] {strides = array<i32>} : memref<128x128xf32, #tpu.memory_space<vmem>>, vector<16xf32>,
            %mul3A_431 = arith.mulf %get3A_430, %gather3A_211 : vector<16xf32>
            %add3A_432 = arith.constant 3 : i32
            %add3A_433 = arith.addi %add3A_145, %add3A_432 : i32
            %swap3A_434 = arith.index_cast %add3A_433 : i32 to index
            %swap3A_435 = arith.index_cast %add3A_425 : i32 to index
            %swap3A_436 = tpu.vector_load %arg9[%swap3A_434, %swap3A_435] {strides = array<i32>} : memref<128x128xf32, #tpu.memory_space<vmem>>, vector<16xf32>,
            tpu.vector_store %arg9[%swap3A_434, %swap3A_435], %mul3A_431 {strides = array<i32>} : memref<128x128xf32, #tpu.memory_space<vmem>>, vector<16xf32>,
          }
          %scan3A_216 = arith.constant 8 : i32
          %broadcast_in_dim3A_217 = arith.constant 4 : i32
          %broadcast_in_dim3A_218 = vector.broadcast %broadcast_in_dim3A_217 : i32 to vector<16xi32>
          %lt3A_219 = arith.constant 0 : i32
          %lt3A_220 = vector.broadcast %lt3A_219 : i32 to vector<16xi32>
          %lt3A_221 = arith.cmpi slt, %broadcast_in_dim3A_218, %lt3A_220 : vector<16xi32>
          %add3A_222 = arith.constant 16 : i32
          %add3A_223 = vector.broadcast %add3A_222 : i32 to vector<16xi32>
          %add3A_224 = arith.addi %broadcast_in_dim3A_218, %add3A_223 : vector<16xi32>
          %select_n3A_225 = arith.select %lt3A_221, %add3A_224, %broadcast_in_dim3A_218 : vector<16xi1>, vector<16xi32>
          %broadcast_in_dim3A_226 = vector.shape_cast %select_n3A_225 : vector<16xi32> to vector<16x1xi32>
          %gather3A_227 = vector.shape_cast %broadcast_in_dim3A_226 : vector<16x1xi32> to vector<16xi32>
          %gather3A_228 = tpu.dynamic_gather %bitcast3A[%gather3A_227] in [0] : vector<16xf32>, vector<16xi32> -> vector<16xf32>
          %scan3A_229 = arith.constant 0 : i32
          %scan3A_230 = arith.constant 8 : i32
          %scan3A_231 = arith.addi %scan3A_229, %scan3A_230 : i32
          %scan3A_232 = arith.constant 1 : i32
          scf.for %scan3A_421 = %scan3A_229 to %scan3A_231 step %scan3A_232  : i32 {
            %mul3A_422 = arith.constant 16 : i32
            %mul3A_423 = arith.muli %scan3A_421, %mul3A_422 : i32
            %add3A_424 = arith.constant 0 : i32
            %add3A_425 = arith.addi %add3A_424, %mul3A_423 : i32
            %add3A_426 = arith.constant 4 : i32
            %add3A_427 = arith.addi %add3A_145, %add3A_426 : i32
            %get3A_428 = arith.index_cast %add3A_427 : i32 to index
            %get3A_429 = arith.index_cast %add3A_425 : i32 to index
            %get3A_430 = tpu.vector_load %arg9[%get3A_428, %get3A_429] {strides = array<i32>} : memref<128x128xf32, #tpu.memory_space<vmem>>, vector<16xf32>,
            %mul3A_431 = arith.mulf %get3A_430, %gather3A_228 : vector<16xf32>
            %add3A_432 = arith.constant 4 : i32
            %add3A_433 = arith.addi %add3A_145, %add3A_432 : i32
            %swap3A_434 = arith.index_cast %add3A_433 : i32 to index
            %swap3A_435 = arith.index_cast %add3A_425 : i32 to index
            %swap3A_436 = tpu.vector_load %arg9[%swap3A_434, %swap3A_435] {strides = array<i32>} : memref<128x128xf32, #tpu.memory_space<vmem>>, vector<16xf32>,
            tpu.vector_store %arg9[%swap3A_434, %swap3A_435], %mul3A_431 {strides = array<i32>} : memref<128x128xf32, #tpu.memory_space<vmem>>, vector<16xf32>,
          }
          %scan3A_233 = arith.constant 8 : i32
          %broadcast_in_dim3A_234 = arith.constant 5 : i32
          %broadcast_in_dim3A_235 = vector.broadcast %broadcast_in_dim3A_234 : i32 to vector<16xi32>
          %lt3A_236 = arith.constant 0 : i32
          %lt3A_237 = vector.broadcast %lt3A_236 : i32 to vector<16xi32>
          %lt3A_238 = arith.cmpi slt, %broadcast_in_dim3A_235, %lt3A_237 : vector<16xi32>
          %add3A_239 = arith.constant 16 : i32
          %add3A_240 = vector.broadcast %add3A_239 : i32 to vector<16xi32>
          %add3A_241 = arith.addi %broadcast_in_dim3A_235, %add3A_240 : vector<16xi32>
          %select_n3A_242 = arith.select %lt3A_238, %add3A_241, %broadcast_in_dim3A_235 : vector<16xi1>, vector<16xi32>
          %broadcast_in_dim3A_243 = vector.shape_cast %select_n3A_242 : vector<16xi32> to vector<16x1xi32>
          %gather3A_244 = vector.shape_cast %broadcast_in_dim3A_243 : vector<16x1xi32> to vector<16xi32>
          %gather3A_245 = tpu.dynamic_gather %bitcast3A[%gather3A_244] in [0] : vector<16xf32>, vector<16xi32> -> vector<16xf32>
          %scan3A_246 = arith.constant 0 : i32
          %scan3A_247 = arith.constant 8 : i32
          %scan3A_248 = arith.addi %scan3A_246, %scan3A_247 : i32
          %scan3A_249 = arith.constant 1 : i32
          scf.for %scan3A_421 = %scan3A_246 to %scan3A_248 step %scan3A_249  : i32 {
            %mul3A_422 = arith.constant 16 : i32
            %mul3A_423 = arith.muli %scan3A_421, %mul3A_422 : i32
            %add3A_424 = arith.constant 0 : i32
            %add3A_425 = arith.addi %add3A_424, %mul3A_423 : i32
            %add3A_426 = arith.constant 5 : i32
            %add3A_427 = arith.addi %add3A_145, %add3A_426 : i32
            %get3A_428 = arith.index_cast %add3A_427 : i32 to index
            %get3A_429 = arith.index_cast %add3A_425 : i32 to index
            %get3A_430 = tpu.vector_load %arg9[%get3A_428, %get3A_429] {strides = array<i32>} : memref<128x128xf32, #tpu.memory_space<vmem>>, vector<16xf32>,
            %mul3A_431 = arith.mulf %get3A_430, %gather3A_245 : vector<16xf32>
            %add3A_432 = arith.constant 5 : i32
            %add3A_433 = arith.addi %add3A_145, %add3A_432 : i32
            %swap3A_434 = arith.index_cast %add3A_433 : i32 to index
            %swap3A_435 = arith.index_cast %add3A_425 : i32 to index
            %swap3A_436 = tpu.vector_load %arg9[%swap3A_434, %swap3A_435] {strides = array<i32>} : memref<128x128xf32, #tpu.memory_space<vmem>>, vector<16xf32>,
            tpu.vector_store %arg9[%swap3A_434, %swap3A_435], %mul3A_431 {strides = array<i32>} : memref<128x128xf32, #tpu.memory_space<vmem>>, vector<16xf32>,
          }
          %scan3A_250 = arith.constant 8 : i32
          %broadcast_in_dim3A_251 = arith.constant 6 : i32
          %broadcast_in_dim3A_252 = vector.broadcast %broadcast_in_dim3A_251 : i32 to vector<16xi32>
          %lt3A_253 = arith.constant 0 : i32
          %lt3A_254 = vector.broadcast %lt3A_253 : i32 to vector<16xi32>
          %lt3A_255 = arith.cmpi slt, %broadcast_in_dim3A_252, %lt3A_254 : vector<16xi32>
          %add3A_256 = arith.constant 16 : i32
          %add3A_257 = vector.broadcast %add3A_256 : i32 to vector<16xi32>
          %add3A_258 = arith.addi %broadcast_in_dim3A_252, %add3A_257 : vector<16xi32>
          %select_n3A_259 = arith.select %lt3A_255, %add3A_258, %broadcast_in_dim3A_252 : vector<16xi1>, vector<16xi32>
          %broadcast_in_dim3A_260 = vector.shape_cast %select_n3A_259 : vector<16xi32> to vector<16x1xi32>
          %gather3A_261 = vector.shape_cast %broadcast_in_dim3A_260 : vector<16x1xi32> to vector<16xi32>
          %gather3A_262 = tpu.dynamic_gather %bitcast3A[%gather3A_261] in [0] : vector<16xf32>, vector<16xi32> -> vector<16xf32>
          %scan3A_263 = arith.constant 0 : i32
          %scan3A_264 = arith.constant 8 : i32
          %scan3A_265 = arith.addi %scan3A_263, %scan3A_264 : i32
          %scan3A_266 = arith.constant 1 : i32
          scf.for %scan3A_421 = %scan3A_263 to %scan3A_265 step %scan3A_266  : i32 {
            %mul3A_422 = arith.constant 16 : i32
            %mul3A_423 = arith.muli %scan3A_421, %mul3A_422 : i32
            %add3A_424 = arith.constant 0 : i32
            %add3A_425 = arith.addi %add3A_424, %mul3A_423 : i32
            %add3A_426 = arith.constant 6 : i32
            %add3A_427 = arith.addi %add3A_145, %add3A_426 : i32
            %get3A_428 = arith.index_cast %add3A_427 : i32 to index
            %get3A_429 = arith.index_cast %add3A_425 : i32 to index
            %get3A_430 = tpu.vector_load %arg9[%get3A_428, %get3A_429] {strides = array<i32>} : memref<128x128xf32, #tpu.memory_space<vmem>>, vector<16xf32>,
            %mul3A_431 = arith.mulf %get3A_430, %gather3A_262 : vector<16xf32>
            %add3A_432 = arith.constant 6 : i32
            %add3A_433 = arith.addi %add3A_145, %add3A_432 : i32
            %swap3A_434 = arith.index_cast %add3A_433 : i32 to index
            %swap3A_435 = arith.index_cast %add3A_425 : i32 to index
            %swap3A_436 = tpu.vector_load %arg9[%swap3A_434, %swap3A_435] {strides = array<i32>} : memref<128x128xf32, #tpu.memory_space<vmem>>, vector<16xf32>,
            tpu.vector_store %arg9[%swap3A_434, %swap3A_435], %mul3A_431 {strides = array<i32>} : memref<128x128xf32, #tpu.memory_space<vmem>>, vector<16xf32>,
          }
          %scan3A_267 = arith.constant 8 : i32
          %broadcast_in_dim3A_268 = arith.constant 7 : i32
          %broadcast_in_dim3A_269 = vector.broadcast %broadcast_in_dim3A_268 : i32 to vector<16xi32>
          %lt3A_270 = arith.constant 0 : i32
          %lt3A_271 = vector.broadcast %lt3A_270 : i32 to vector<16xi32>
          %lt3A_272 = arith.cmpi slt, %broadcast_in_dim3A_269, %lt3A_271 : vector<16xi32>
          %add3A_273 = arith.constant 16 : i32
          %add3A_274 = vector.broadcast %add3A_273 : i32 to vector<16xi32>
          %add3A_275 = arith.addi %broadcast_in_dim3A_269, %add3A_274 : vector<16xi32>
          %select_n3A_276 = arith.select %lt3A_272, %add3A_275, %broadcast_in_dim3A_269 : vector<16xi1>, vector<16xi32>
          %broadcast_in_dim3A_277 = vector.shape_cast %select_n3A_276 : vector<16xi32> to vector<16x1xi32>
          %gather3A_278 = vector.shape_cast %broadcast_in_dim3A_277 : vector<16x1xi32> to vector<16xi32>
          %gather3A_279 = tpu.dynamic_gather %bitcast3A[%gather3A_278] in [0] : vector<16xf32>, vector<16xi32> -> vector<16xf32>
          %scan3A_280 = arith.constant 0 : i32
          %scan3A_281 = arith.constant 8 : i32
          %scan3A_282 = arith.addi %scan3A_280, %scan3A_281 : i32
          %scan3A_283 = arith.constant 1 : i32
          scf.for %scan3A_421 = %scan3A_280 to %scan3A_282 step %scan3A_283  : i32 {
            %mul3A_422 = arith.constant 16 : i32
            %mul3A_423 = arith.muli %scan3A_421, %mul3A_422 : i32
            %add3A_424 = arith.constant 0 : i32
            %add3A_425 = arith.addi %add3A_424, %mul3A_423 : i32
            %add3A_426 = arith.constant 7 : i32
            %add3A_427 = arith.addi %add3A_145, %add3A_426 : i32
            %get3A_428 = arith.index_cast %add3A_427 : i32 to index
            %get3A_429 = arith.index_cast %add3A_425 : i32 to index
            %get3A_430 = tpu.vector_load %arg9[%get3A_428, %get3A_429] {strides = array<i32>} : memref<128x128xf32, #tpu.memory_space<vmem>>, vector<16xf32>,
            %mul3A_431 = arith.mulf %get3A_430, %gather3A_279 : vector<16xf32>
            %add3A_432 = arith.constant 7 : i32
            %add3A_433 = arith.addi %add3A_145, %add3A_432 : i32
            %swap3A_434 = arith.index_cast %add3A_433 : i32 to index
            %swap3A_435 = arith.index_cast %add3A_425 : i32 to index
            %swap3A_436 = tpu.vector_load %arg9[%swap3A_434, %swap3A_435] {strides = array<i32>} : memref<128x128xf32, #tpu.memory_space<vmem>>, vector<16xf32>,
            tpu.vector_store %arg9[%swap3A_434, %swap3A_435], %mul3A_431 {strides = array<i32>} : memref<128x128xf32, #tpu.memory_space<vmem>>, vector<16xf32>,
          }
          %scan3A_284 = arith.constant 8 : i32
          %broadcast_in_dim3A_285 = arith.constant 8 : i32
          %broadcast_in_dim3A_286 = vector.broadcast %broadcast_in_dim3A_285 : i32 to vector<16xi32>
          %lt3A_287 = arith.constant 0 : i32
          %lt3A_288 = vector.broadcast %lt3A_287 : i32 to vector<16xi32>
          %lt3A_289 = arith.cmpi slt, %broadcast_in_dim3A_286, %lt3A_288 : vector<16xi32>
          %add3A_290 = arith.constant 16 : i32
          %add3A_291 = vector.broadcast %add3A_290 : i32 to vector<16xi32>
          %add3A_292 = arith.addi %broadcast_in_dim3A_286, %add3A_291 : vector<16xi32>
          %select_n3A_293 = arith.select %lt3A_289, %add3A_292, %broadcast_in_dim3A_286 : vector<16xi1>, vector<16xi32>
          %broadcast_in_dim3A_294 = vector.shape_cast %select_n3A_293 : vector<16xi32> to vector<16x1xi32>
          %gather3A_295 = vector.shape_cast %broadcast_in_dim3A_294 : vector<16x1xi32> to vector<16xi32>
          %gather3A_296 = tpu.dynamic_gather %bitcast3A[%gather3A_295] in [0] : vector<16xf32>, vector<16xi32> -> vector<16xf32>
          %scan3A_297 = arith.constant 0 : i32
          %scan3A_298 = arith.constant 8 : i32
          %scan3A_299 = arith.addi %scan3A_297, %scan3A_298 : i32
          %scan3A_300 = arith.constant 1 : i32
          scf.for %scan3A_421 = %scan3A_297 to %scan3A_299 step %scan3A_300  : i32 {
            %mul3A_422 = arith.constant 16 : i32
            %mul3A_423 = arith.muli %scan3A_421, %mul3A_422 : i32
            %add3A_424 = arith.constant 0 : i32
            %add3A_425 = arith.addi %add3A_424, %mul3A_423 : i32
            %add3A_426 = arith.constant 8 : i32
            %add3A_427 = arith.addi %add3A_145, %add3A_426 : i32
            %get3A_428 = arith.index_cast %add3A_427 : i32 to index
            %get3A_429 = arith.index_cast %add3A_425 : i32 to index
            %get3A_430 = tpu.vector_load %arg9[%get3A_428, %get3A_429] {strides = array<i32>} : memref<128x128xf32, #tpu.memory_space<vmem>>, vector<16xf32>,
            %mul3A_431 = arith.mulf %get3A_430, %gather3A_296 : vector<16xf32>
            %add3A_432 = arith.constant 8 : i32
            %add3A_433 = arith.addi %add3A_145, %add3A_432 : i32
            %swap3A_434 = arith.index_cast %add3A_433 : i32 to index
            %swap3A_435 = arith.index_cast %add3A_425 : i32 to index
            %swap3A_436 = tpu.vector_load %arg9[%swap3A_434, %swap3A_435] {strides = array<i32>} : memref<128x128xf32, #tpu.memory_space<vmem>>, vector<16xf32>,
            tpu.vector_store %arg9[%swap3A_434, %swap3A_435], %mul3A_431 {strides = array<i32>} : memref<128x128xf32, #tpu.memory_space<vmem>>, vector<16xf32>,
          }
          %scan3A_301 = arith.constant 8 : i32
          %broadcast_in_dim3A_302 = arith.constant 9 : i32
          %broadcast_in_dim3A_303 = vector.broadcast %broadcast_in_dim3A_302 : i32 to vector<16xi32>
          %lt3A_304 = arith.constant 0 : i32
          %lt3A_305 = vector.broadcast %lt3A_304 : i32 to vector<16xi32>
          %lt3A_306 = arith.cmpi slt, %broadcast_in_dim3A_303, %lt3A_305 : vector<16xi32>
          %add3A_307 = arith.constant 16 : i32
          %add3A_308 = vector.broadcast %add3A_307 : i32 to vector<16xi32>
          %add3A_309 = arith.addi %broadcast_in_dim3A_303, %add3A_308 : vector<16xi32>
          %select_n3A_310 = arith.select %lt3A_306, %add3A_309, %broadcast_in_dim3A_303 : vector<16xi1>, vector<16xi32>
          %broadcast_in_dim3A_311 = vector.shape_cast %select_n3A_310 : vector<16xi32> to vector<16x1xi32>
          %gather3A_312 = vector.shape_cast %broadcast_in_dim3A_311 : vector<16x1xi32> to vector<16xi32>
          %gather3A_313 = tpu.dynamic_gather %bitcast3A[%gather3A_312] in [0] : vector<16xf32>, vector<16xi32> -> vector<16xf32>
          %scan3A_314 = arith.constant 0 : i32
          %scan3A_315 = arith.constant 8 : i32
          %scan3A_316 = arith.addi %scan3A_314, %scan3A_315 : i32
          %scan3A_317 = arith.constant 1 : i32
          scf.for %scan3A_421 = %scan3A_314 to %scan3A_316 step %scan3A_317  : i32 {
            %mul3A_422 = arith.constant 16 : i32
            %mul3A_423 = arith.muli %scan3A_421, %mul3A_422 : i32
            %add3A_424 = arith.constant 0 : i32
            %add3A_425 = arith.addi %add3A_424, %mul3A_423 : i32
            %add3A_426 = arith.constant 9 : i32
            %add3A_427 = arith.addi %add3A_145, %add3A_426 : i32
            %get3A_428 = arith.index_cast %add3A_427 : i32 to index
            %get3A_429 = arith.index_cast %add3A_425 : i32 to index
            %get3A_430 = tpu.vector_load %arg9[%get3A_428, %get3A_429] {strides = array<i32>} : memref<128x128xf32, #tpu.memory_space<vmem>>, vector<16xf32>,
            %mul3A_431 = arith.mulf %get3A_430, %gather3A_313 : vector<16xf32>
            %add3A_432 = arith.constant 9 : i32
            %add3A_433 = arith.addi %add3A_145, %add3A_432 : i32
            %swap3A_434 = arith.index_cast %add3A_433 : i32 to index
            %swap3A_435 = arith.index_cast %add3A_425 : i32 to index
            %swap3A_436 = tpu.vector_load %arg9[%swap3A_434, %swap3A_435] {strides = array<i32>} : memref<128x128xf32, #tpu.memory_space<vmem>>, vector<16xf32>,
            tpu.vector_store %arg9[%swap3A_434, %swap3A_435], %mul3A_431 {strides = array<i32>} : memref<128x128xf32, #tpu.memory_space<vmem>>, vector<16xf32>,
          }
          %scan3A_318 = arith.constant 8 : i32
          %broadcast_in_dim3A_319 = arith.constant 10 : i32
          %broadcast_in_dim3A_320 = vector.broadcast %broadcast_in_dim3A_319 : i32 to vector<16xi32>
          %lt3A_321 = arith.constant 0 : i32
          %lt3A_322 = vector.broadcast %lt3A_321 : i32 to vector<16xi32>
          %lt3A_323 = arith.cmpi slt, %broadcast_in_dim3A_320, %lt3A_322 : vector<16xi32>
          %add3A_324 = arith.constant 16 : i32
          %add3A_325 = vector.broadcast %add3A_324 : i32 to vector<16xi32>
          %add3A_326 = arith.addi %broadcast_in_dim3A_320, %add3A_325 : vector<16xi32>
          %select_n3A_327 = arith.select %lt3A_323, %add3A_326, %broadcast_in_dim3A_320 : vector<16xi1>, vector<16xi32>
          %broadcast_in_dim3A_328 = vector.shape_cast %select_n3A_327 : vector<16xi32> to vector<16x1xi32>
          %gather3A_329 = vector.shape_cast %broadcast_in_dim3A_328 : vector<16x1xi32> to vector<16xi32>
          %gather3A_330 = tpu.dynamic_gather %bitcast3A[%gather3A_329] in [0] : vector<16xf32>, vector<16xi32> -> vector<16xf32>
          %scan3A_331 = arith.constant 0 : i32
          %scan3A_332 = arith.constant 8 : i32
          %scan3A_333 = arith.addi %scan3A_331, %scan3A_332 : i32
          %scan3A_334 = arith.constant 1 : i32
          scf.for %scan3A_421 = %scan3A_331 to %scan3A_333 step %scan3A_334  : i32 {
            %mul3A_422 = arith.constant 16 : i32
            %mul3A_423 = arith.muli %scan3A_421, %mul3A_422 : i32
            %add3A_424 = arith.constant 0 : i32
            %add3A_425 = arith.addi %add3A_424, %mul3A_423 : i32
            %add3A_426 = arith.constant 10 : i32
            %add3A_427 = arith.addi %add3A_145, %add3A_426 : i32
            %get3A_428 = arith.index_cast %add3A_427 : i32 to index
            %get3A_429 = arith.index_cast %add3A_425 : i32 to index
            %get3A_430 = tpu.vector_load %arg9[%get3A_428, %get3A_429] {strides = array<i32>} : memref<128x128xf32, #tpu.memory_space<vmem>>, vector<16xf32>,
            %mul3A_431 = arith.mulf %get3A_430, %gather3A_330 : vector<16xf32>
            %add3A_432 = arith.constant 10 : i32
            %add3A_433 = arith.addi %add3A_145, %add3A_432 : i32
            %swap3A_434 = arith.index_cast %add3A_433 : i32 to index
            %swap3A_435 = arith.index_cast %add3A_425 : i32 to index
            %swap3A_436 = tpu.vector_load %arg9[%swap3A_434, %swap3A_435] {strides = array<i32>} : memref<128x128xf32, #tpu.memory_space<vmem>>, vector<16xf32>,
            tpu.vector_store %arg9[%swap3A_434, %swap3A_435], %mul3A_431 {strides = array<i32>} : memref<128x128xf32, #tpu.memory_space<vmem>>, vector<16xf32>,
          }
          %scan3A_335 = arith.constant 8 : i32
          %broadcast_in_dim3A_336 = arith.constant 11 : i32
          %broadcast_in_dim3A_337 = vector.broadcast %broadcast_in_dim3A_336 : i32 to vector<16xi32>
          %lt3A_338 = arith.constant 0 : i32
          %lt3A_339 = vector.broadcast %lt3A_338 : i32 to vector<16xi32>
          %lt3A_340 = arith.cmpi slt, %broadcast_in_dim3A_337, %lt3A_339 : vector<16xi32>
          %add3A_341 = arith.constant 16 : i32
          %add3A_342 = vector.broadcast %add3A_341 : i32 to vector<16xi32>
          %add3A_343 = arith.addi %broadcast_in_dim3A_337, %add3A_342 : vector<16xi32>
          %select_n3A_344 = arith.select %lt3A_340, %add3A_343, %broadcast_in_dim3A_337 : vector<16xi1>, vector<16xi32>
          %broadcast_in_dim3A_345 = vector.shape_cast %select_n3A_344 : vector<16xi32> to vector<16x1xi32>
          %gather3A_346 = vector.shape_cast %broadcast_in_dim3A_345 : vector<16x1xi32> to vector<16xi32>
          %gather3A_347 = tpu.dynamic_gather %bitcast3A[%gather3A_346] in [0] : vector<16xf32>, vector<16xi32> -> vector<16xf32>
          %scan3A_348 = arith.constant 0 : i32
          %scan3A_349 = arith.constant 8 : i32
          %scan3A_350 = arith.addi %scan3A_348, %scan3A_349 : i32
          %scan3A_351 = arith.constant 1 : i32
          scf.for %scan3A_421 = %scan3A_348 to %scan3A_350 step %scan3A_351  : i32 {
            %mul3A_422 = arith.constant 16 : i32
            %mul3A_423 = arith.muli %scan3A_421, %mul3A_422 : i32
            %add3A_424 = arith.constant 0 : i32
            %add3A_425 = arith.addi %add3A_424, %mul3A_423 : i32
            %add3A_426 = arith.constant 11 : i32
            %add3A_427 = arith.addi %add3A_145, %add3A_426 : i32
            %get3A_428 = arith.index_cast %add3A_427 : i32 to index
            %get3A_429 = arith.index_cast %add3A_425 : i32 to index
            %get3A_430 = tpu.vector_load %arg9[%get3A_428, %get3A_429] {strides = array<i32>} : memref<128x128xf32, #tpu.memory_space<vmem>>, vector<16xf32>,
            %mul3A_431 = arith.mulf %get3A_430, %gather3A_347 : vector<16xf32>
            %add3A_432 = arith.constant 11 : i32
            %add3A_433 = arith.addi %add3A_145, %add3A_432 : i32
            %swap3A_434 = arith.index_cast %add3A_433 : i32 to index
            %swap3A_435 = arith.index_cast %add3A_425 : i32 to index
            %swap3A_436 = tpu.vector_load %arg9[%swap3A_434, %swap3A_435] {strides = array<i32>} : memref<128x128xf32, #tpu.memory_space<vmem>>, vector<16xf32>,
            tpu.vector_store %arg9[%swap3A_434, %swap3A_435], %mul3A_431 {strides = array<i32>} : memref<128x128xf32, #tpu.memory_space<vmem>>, vector<16xf32>,
          }
          %scan3A_352 = arith.constant 8 : i32
          %broadcast_in_dim3A_353 = arith.constant 12 : i32
          %broadcast_in_dim3A_354 = vector.broadcast %broadcast_in_dim3A_353 : i32 to vector<16xi32>
          %lt3A_355 = arith.constant 0 : i32
          %lt3A_356 = vector.broadcast %lt3A_355 : i32 to vector<16xi32>
          %lt3A_357 = arith.cmpi slt, %broadcast_in_dim3A_354, %lt3A_356 : vector<16xi32>
          %add3A_358 = arith.constant 16 : i32
          %add3A_359 = vector.broadcast %add3A_358 : i32 to vector<16xi32>
          %add3A_360 = arith.addi %broadcast_in_dim3A_354, %add3A_359 : vector<16xi32>
          %select_n3A_361 = arith.select %lt3A_357, %add3A_360, %broadcast_in_dim3A_354 : vector<16xi1>, vector<16xi32>
          %broadcast_in_dim3A_362 = vector.shape_cast %select_n3A_361 : vector<16xi32> to vector<16x1xi32>
          %gather3A_363 = vector.shape_cast %broadcast_in_dim3A_362 : vector<16x1xi32> to vector<16xi32>
          %gather3A_364 = tpu.dynamic_gather %bitcast3A[%gather3A_363] in [0] : vector<16xf32>, vector<16xi32> -> vector<16xf32>
          %scan3A_365 = arith.constant 0 : i32
          %scan3A_366 = arith.constant 8 : i32
          %scan3A_367 = arith.addi %scan3A_365, %scan3A_366 : i32
          %scan3A_368 = arith.constant 1 : i32
          scf.for %scan3A_421 = %scan3A_365 to %scan3A_367 step %scan3A_368  : i32 {
            %mul3A_422 = arith.constant 16 : i32
            %mul3A_423 = arith.muli %scan3A_421, %mul3A_422 : i32
            %add3A_424 = arith.constant 0 : i32
            %add3A_425 = arith.addi %add3A_424, %mul3A_423 : i32
            %add3A_426 = arith.constant 12 : i32
            %add3A_427 = arith.addi %add3A_145, %add3A_426 : i32
            %get3A_428 = arith.index_cast %add3A_427 : i32 to index
            %get3A_429 = arith.index_cast %add3A_425 : i32 to index
            %get3A_430 = tpu.vector_load %arg9[%get3A_428, %get3A_429] {strides = array<i32>} : memref<128x128xf32, #tpu.memory_space<vmem>>, vector<16xf32>,
            %mul3A_431 = arith.mulf %get3A_430, %gather3A_364 : vector<16xf32>
            %add3A_432 = arith.constant 12 : i32
            %add3A_433 = arith.addi %add3A_145, %add3A_432 : i32
            %swap3A_434 = arith.index_cast %add3A_433 : i32 to index
            %swap3A_435 = arith.index_cast %add3A_425 : i32 to index
            %swap3A_436 = tpu.vector_load %arg9[%swap3A_434, %swap3A_435] {strides = array<i32>} : memref<128x128xf32, #tpu.memory_space<vmem>>, vector<16xf32>,
            tpu.vector_store %arg9[%swap3A_434, %swap3A_435], %mul3A_431 {strides = array<i32>} : memref<128x128xf32, #tpu.memory_space<vmem>>, vector<16xf32>,
          }
          %scan3A_369 = arith.constant 8 : i32
          %broadcast_in_dim3A_370 = arith.constant 13 : i32
          %broadcast_in_dim3A_371 = vector.broadcast %broadcast_in_dim3A_370 : i32 to vector<16xi32>
          %lt3A_372 = arith.constant 0 : i32
          %lt3A_373 = vector.broadcast %lt3A_372 : i32 to vector<16xi32>
          %lt3A_374 = arith.cmpi slt, %broadcast_in_dim3A_371, %lt3A_373 : vector<16xi32>
          %add3A_375 = arith.constant 16 : i32
          %add3A_376 = vector.broadcast %add3A_375 : i32 to vector<16xi32>
          %add3A_377 = arith.addi %broadcast_in_dim3A_371, %add3A_376 : vector<16xi32>
          %select_n3A_378 = arith.select %lt3A_374, %add3A_377, %broadcast_in_dim3A_371 : vector<16xi1>, vector<16xi32>
          %broadcast_in_dim3A_379 = vector.shape_cast %select_n3A_378 : vector<16xi32> to vector<16x1xi32>
          %gather3A_380 = vector.shape_cast %broadcast_in_dim3A_379 : vector<16x1xi32> to vector<16xi32>
          %gather3A_381 = tpu.dynamic_gather %bitcast3A[%gather3A_380] in [0] : vector<16xf32>, vector<16xi32> -> vector<16xf32>
          %scan3A_382 = arith.constant 0 : i32
          %scan3A_383 = arith.constant 8 : i32
          %scan3A_384 = arith.addi %scan3A_382, %scan3A_383 : i32
          %scan3A_385 = arith.constant 1 : i32
          scf.for %scan3A_421 = %scan3A_382 to %scan3A_384 step %scan3A_385  : i32 {
            %mul3A_422 = arith.constant 16 : i32
            %mul3A_423 = arith.muli %scan3A_421, %mul3A_422 : i32
            %add3A_424 = arith.constant 0 : i32
            %add3A_425 = arith.addi %add3A_424, %mul3A_423 : i32
            %add3A_426 = arith.constant 13 : i32
            %add3A_427 = arith.addi %add3A_145, %add3A_426 : i32
            %get3A_428 = arith.index_cast %add3A_427 : i32 to index
            %get3A_429 = arith.index_cast %add3A_425 : i32 to index
            %get3A_430 = tpu.vector_load %arg9[%get3A_428, %get3A_429] {strides = array<i32>} : memref<128x128xf32, #tpu.memory_space<vmem>>, vector<16xf32>,
            %mul3A_431 = arith.mulf %get3A_430, %gather3A_381 : vector<16xf32>
            %add3A_432 = arith.constant 13 : i32
            %add3A_433 = arith.addi %add3A_145, %add3A_432 : i32
            %swap3A_434 = arith.index_cast %add3A_433 : i32 to index
            %swap3A_435 = arith.index_cast %add3A_425 : i32 to index
            %swap3A_436 = tpu.vector_load %arg9[%swap3A_434, %swap3A_435] {strides = array<i32>} : memref<128x128xf32, #tpu.memory_space<vmem>>, vector<16xf32>,
            tpu.vector_store %arg9[%swap3A_434, %swap3A_435], %mul3A_431 {strides = array<i32>} : memref<128x128xf32, #tpu.memory_space<vmem>>, vector<16xf32>,
          }
          %scan3A_386 = arith.constant 8 : i32
          %broadcast_in_dim3A_387 = arith.constant 14 : i32
          %broadcast_in_dim3A_388 = vector.broadcast %broadcast_in_dim3A_387 : i32 to vector<16xi32>
          %lt3A_389 = arith.constant 0 : i32
          %lt3A_390 = vector.broadcast %lt3A_389 : i32 to vector<16xi32>
          %lt3A_391 = arith.cmpi slt, %broadcast_in_dim3A_388, %lt3A_390 : vector<16xi32>
          %add3A_392 = arith.constant 16 : i32
          %add3A_393 = vector.broadcast %add3A_392 : i32 to vector<16xi32>
          %add3A_394 = arith.addi %broadcast_in_dim3A_388, %add3A_393 : vector<16xi32>
          %select_n3A_395 = arith.select %lt3A_391, %add3A_394, %broadcast_in_dim3A_388 : vector<16xi1>, vector<16xi32>
          %broadcast_in_dim3A_396 = vector.shape_cast %select_n3A_395 : vector<16xi32> to vector<16x1xi32>
          %gather3A_397 = vector.shape_cast %broadcast_in_dim3A_396 : vector<16x1xi32> to vector<16xi32>
          %gather3A_398 = tpu.dynamic_gather %bitcast3A[%gather3A_397] in [0] : vector<16xf32>, vector<16xi32> -> vector<16xf32>
          %scan3A_399 = arith.constant 0 : i32
          %scan3A_400 = arith.constant 8 : i32
          %scan3A_401 = arith.addi %scan3A_399, %scan3A_400 : i32
          %scan3A_402 = arith.constant 1 : i32
          scf.for %scan3A_421 = %scan3A_399 to %scan3A_401 step %scan3A_402  : i32 {
            %mul3A_422 = arith.constant 16 : i32
            %mul3A_423 = arith.muli %scan3A_421, %mul3A_422 : i32
            %add3A_424 = arith.constant 0 : i32
            %add3A_425 = arith.addi %add3A_424, %mul3A_423 : i32
            %add3A_426 = arith.constant 14 : i32
            %add3A_427 = arith.addi %add3A_145, %add3A_426 : i32
            %get3A_428 = arith.index_cast %add3A_427 : i32 to index
            %get3A_429 = arith.index_cast %add3A_425 : i32 to index
            %get3A_430 = tpu.vector_load %arg9[%get3A_428, %get3A_429] {strides = array<i32>} : memref<128x128xf32, #tpu.memory_space<vmem>>, vector<16xf32>,
            %mul3A_431 = arith.mulf %get3A_430, %gather3A_398 : vector<16xf32>
            %add3A_432 = arith.constant 14 : i32
            %add3A_433 = arith.addi %add3A_145, %add3A_432 : i32
            %swap3A_434 = arith.index_cast %add3A_433 : i32 to index
            %swap3A_435 = arith.index_cast %add3A_425 : i32 to index
            %swap3A_436 = tpu.vector_load %arg9[%swap3A_434, %swap3A_435] {strides = array<i32>} : memref<128x128xf32, #tpu.memory_space<vmem>>, vector<16xf32>,
            tpu.vector_store %arg9[%swap3A_434, %swap3A_435], %mul3A_431 {strides = array<i32>} : memref<128x128xf32, #tpu.memory_space<vmem>>, vector<16xf32>,
          }
          %scan3A_403 = arith.constant 8 : i32
          %broadcast_in_dim3A_404 = arith.constant 15 : i32
          %broadcast_in_dim3A_405 = vector.broadcast %broadcast_in_dim3A_404 : i32 to vector<16xi32>
          %lt3A_406 = arith.constant 0 : i32
          %lt3A_407 = vector.broadcast %lt3A_406 : i32 to vector<16xi32>
          %lt3A_408 = arith.cmpi slt, %broadcast_in_dim3A_405, %lt3A_407 : vector<16xi32>
          %add3A_409 = arith.constant 16 : i32
          %add3A_410 = vector.broadcast %add3A_409 : i32 to vector<16xi32>
          %add3A_411 = arith.addi %broadcast_in_dim3A_405, %add3A_410 : vector<16xi32>
          %select_n3A_412 = arith.select %lt3A_408, %add3A_411, %broadcast_in_dim3A_405 : vector<16xi1>, vector<16xi32>
          %broadcast_in_dim3A_413 = vector.shape_cast %select_n3A_412 : vector<16xi32> to vector<16x1xi32>
          %gather3A_414 = vector.shape_cast %broadcast_in_dim3A_413 : vector<16x1xi32> to vector<16xi32>
          %gather3A_415 = tpu.dynamic_gather %bitcast3A[%gather3A_414] in [0] : vector<16xf32>, vector<16xi32> -> vector<16xf32>
          %scan3A_416 = arith.constant 0 : i32
          %scan3A_417 = arith.constant 8 : i32
          %scan3A_418 = arith.addi %scan3A_416, %scan3A_417 : i32
          %scan3A_419 = arith.constant 1 : i32
          scf.for %scan3A_421 = %scan3A_416 to %scan3A_418 step %scan3A_419  : i32 {
            %mul3A_422 = arith.constant 16 : i32
            %mul3A_423 = arith.muli %scan3A_421, %mul3A_422 : i32
            %add3A_424 = arith.constant 0 : i32
            %add3A_425 = arith.addi %add3A_424, %mul3A_423 : i32
            %add3A_426 = arith.constant 15 : i32
            %add3A_427 = arith.addi %add3A_145, %add3A_426 : i32
            %get3A_428 = arith.index_cast %add3A_427 : i32 to index
            %get3A_429 = arith.index_cast %add3A_425 : i32 to index
            %get3A_430 = tpu.vector_load %arg9[%get3A_428, %get3A_429] {strides = array<i32>} : memref<128x128xf32, #tpu.memory_space<vmem>>, vector<16xf32>,
            %mul3A_431 = arith.mulf %get3A_430, %gather3A_415 : vector<16xf32>
            %add3A_432 = arith.constant 15 : i32
            %add3A_433 = arith.addi %add3A_145, %add3A_432 : i32
            %swap3A_434 = arith.index_cast %add3A_433 : i32 to index
            %swap3A_435 = arith.index_cast %add3A_425 : i32 to index
            %swap3A_436 = tpu.vector_load %arg9[%swap3A_434, %swap3A_435] {strides = array<i32>} : memref<128x128xf32, #tpu.memory_space<vmem>>, vector<16xf32>,
            tpu.vector_store %arg9[%swap3A_434, %swap3A_435], %mul3A_431 {strides = array<i32>} : memref<128x128xf32, #tpu.memory_space<vmem>>, vector<16xf32>,
          }
          %scan3A_420 = arith.constant 8 : i32
        }
        %scan3A_138 = arith.constant 8 : i32
        %dma_start3A = arith.constant 0 : i32
        %dma_start3A_139 = arith.constant 0 : i32
        %dma_start3A_140 = tpu.memref_slice %arg15[%dma_start3A, %dma_start3A_139] : memref<10000x128xf32, #tpu.memory_space<vmem_shared>> -> memref<10000x128xf32, #tpu.memory_space<vmem_shared>>
        tpu.enqueue_indirect_dma source(%arg9 : memref<128x128xf32, #tpu.memory_space<vmem>>) target(%dma_start3A_140 : memref<10000x128xf32, #tpu.memory_space<vmem_shared>>) offsets(%arg8 : memref<128xi32, #tpu.memory_space<vmem>>) semaphore(%arg20 : memref<!tpu.dma_semaphore, #tpu.memory_space<semaphore_mem>>) {add = true}
      } else {
      }
      %add3A_88 = arith.constant 2 : i32
      %add3A_89 = arith.addi %add3A_69, %add3A_88 : i32
      %mul3A_90 = arith.constant 16 : i32
      %mul3A_91 = arith.muli %add3A_89, %mul3A_90 : i32
      %add3A_92 = arith.addi %arg1, %mul3A_91 : i32
      %lt3A_93 = arith.constant 1250 : i32
      %lt3A_94 = arith.cmpi slt, %add3A_92, %lt3A_93 : i32
      %convert_element_type3A_95 = arith.extui %lt3A_94 : i1 to i32
      %cond3A_96 = arith.constant 0 : i32
      %cond3A_97 = arith.cmpi ne, %convert_element_type3A_95, %cond3A_96 : i32
      scf.if %cond3A_97 {
        %add3A_130 = arith.constant 2 : i32
        %add3A_131 = arith.addi %add3A_69, %add3A_130 : i32
        %add3A_132 = arith.constant 0 : i32
        %add3A_133 = arith.addi %add3A_132, %arg1 : i32
        %mul3A_134 = arith.constant 16 : i32
        %mul3A_135 = arith.muli %add3A_131, %mul3A_134 : i32
        %add3A_136 = arith.addi %add3A_133, %mul3A_135 : i32
        %mul3A_137 = arith.constant 256 : i32
        %mul3A_138 = arith.muli %add3A_136, %mul3A_137 : i32
        %multiple_of3A_139 = tpu.assume_multiple %mul3A_138, 256 : i32
        %mul3A_140 = arith.constant 128 : i32
        %mul3A_141 = arith.muli %add3A_136, %mul3A_140 : i32
        %multiple_of3A_142 = tpu.assume_multiple %mul3A_141, 128 : i32
        %dma_start3A = tpu.memref_slice %arg3[%multiple_of3A_139] : memref<320000xi32, #tpu.memory_space<hbm>> -> memref<256xi32, #tpu.memory_space<hbm>>
        %dma_start3A_143 = tpu.memref_slice %arg3[%multiple_of3A_139] : memref<320000xi32, #tpu.memory_space<hbm>> -> memref<256xi32, #tpu.memory_space<hbm>>
        tpu.enqueue_dma source(%dma_start3A_143 : memref<256xi32, #tpu.memory_space<hbm>>) target(%arg6 : memref<256xi32, #tpu.memory_space<vmem>>) target_semaphore(%arg18 : memref<!tpu.dma_semaphore, #tpu.memory_space<semaphore_mem>>)
        %dma_start3A_144 = tpu.memref_slice %arg4[%multiple_of3A_142] : memref<160000xi32, #tpu.memory_space<hbm>> -> memref<128xi32, #tpu.memory_space<hbm>>
        %dma_start3A_145 = tpu.memref_slice %arg4[%multiple_of3A_142] : memref<160000xi32, #tpu.memory_space<hbm>> -> memref<128xi32, #tpu.memory_space<hbm>>
        tpu.enqueue_dma source(%dma_start3A_145 : memref<128xi32, #tpu.memory_space<hbm>>) target(%arg7 : memref<128xi32, #tpu.memory_space<vmem>>) target_semaphore(%arg18 : memref<!tpu.dma_semaphore, #tpu.memory_space<semaphore_mem>>)
      } else {
      }
      %mul3A_98 = arith.constant 2 : i32
      %mul3A_99 = arith.muli %mul3A_98, %add3A_65 : i32
      %add3A_100 = arith.constant 1 : i32
      %add3A_101 = arith.addi %mul3A_99, %add3A_100 : i32
      %add3A_102 = arith.constant 1 : i32
      %add3A_103 = arith.addi %add3A_101, %add3A_102 : i32
      %mul3A_104 = arith.constant 16 : i32
      %mul3A_105 = arith.muli %add3A_103, %mul3A_104 : i32
      %add3A_106 = arith.addi %arg1, %mul3A_105 : i32
      %lt3A_107 = arith.constant 1250 : i32
      %lt3A_108 = arith.cmpi slt, %add3A_106, %lt3A_107 : i32
      %convert_element_type3A_109 = arith.extui %lt3A_108 : i1 to i32
      %cond3A_110 = arith.constant 0 : i32
      %cond3A_111 = arith.cmpi ne, %convert_element_type3A_109, %cond3A_110 : i32
      scf.if %cond3A_111 {
        %add3A_130 = arith.constant 1 : i32
        %add3A_131 = arith.addi %add3A_101, %add3A_130 : i32
        %add3A_132 = arith.constant 1 : i32
        %add3A_133 = arith.addi %add3A_101, %add3A_132 : i32
        %ge3A = arith.constant 2 : i32
        %ge3A_134 = arith.cmpi sge, %add3A_133, %ge3A : i32
        %convert_element_type3A_135 = arith.extui %ge3A_134 : i1 to i32
        %cond3A_136 = arith.constant 0 : i32
        %cond3A_137 = arith.cmpi ne, %convert_element_type3A_135, %cond3A_136 : i32
        scf.if %cond3A_137 {
          %dma_wait3A_163 = arith.constant 0 : i32
          %dma_wait3A_164 = arith.constant 0 : i32
          %dma_wait3A_165 = tpu.memref_slice %arg15[%dma_wait3A_163, %dma_wait3A_164] : memref<10000x128xf32, #tpu.memory_space<vmem_shared>> -> memref<10000x128xf32, #tpu.memory_space<vmem_shared>>
          tpu.wait_indirect_dma semaphore(%arg20 : memref<!tpu.dma_semaphore, #tpu.memory_space<semaphore_mem>>) src(%arg9 : memref<128x128xf32, #tpu.memory_space<vmem>>) dst(%dma_wait3A_165 : memref<10000x128xf32, #tpu.memory_space<vmem_shared>>)
        } else {
        }
        %add3A_138 = arith.constant 0 : i32
        %add3A_139 = arith.addi %add3A_138, %arg1 : i32
        %mul3A_140 = arith.constant 16 : i32
        %mul3A_141 = arith.muli %add3A_131, %mul3A_140 : i32
        %add3A_142 = arith.addi %add3A_139, %mul3A_141 : i32
        %mul3A_143 = arith.constant 256 : i32
        %mul3A_144 = arith.muli %add3A_142, %mul3A_143 : i32
        %multiple_of3A_145 = tpu.assume_multiple %mul3A_144, 256 : i32
        %mul3A_146 = arith.constant 128 : i32
        %mul3A_147 = arith.muli %add3A_142, %mul3A_146 : i32
        %multiple_of3A_148 = tpu.assume_multiple %mul3A_147, 128 : i32
        %dma_wait3A = tpu.memref_slice %arg3[%multiple_of3A_145] : memref<320000xi32, #tpu.memory_space<hbm>> -> memref<256xi32, #tpu.memory_space<hbm>>
        %dma_wait3A_149 = tpu.memref_slice %arg3[%multiple_of3A_145] : memref<320000xi32, #tpu.memory_space<hbm>> -> memref<256xi32, #tpu.memory_space<hbm>>
        tpu.wait_dma2 semaphore(%arg18 : memref<!tpu.dma_semaphore, #tpu.memory_space<semaphore_mem>>) src(%dma_wait3A_149 : memref<256xi32, #tpu.memory_space<hbm>>) dst(%arg6 : memref<256xi32, #tpu.memory_space<vmem>>)
        %dma_wait3A_150 = tpu.memref_slice %arg4[%multiple_of3A_148] : memref<160000xi32, #tpu.memory_space<hbm>> -> memref<128xi32, #tpu.memory_space<hbm>>
        %dma_wait3A_151 = tpu.memref_slice %arg4[%multiple_of3A_148] : memref<160000xi32, #tpu.memory_space<hbm>> -> memref<128xi32, #tpu.memory_space<hbm>>
        tpu.wait_dma2 semaphore(%arg18 : memref<!tpu.dma_semaphore, #tpu.memory_space<semaphore_mem>>) src(%dma_wait3A_151 : memref<128xi32, #tpu.memory_space<hbm>>) dst(%arg7 : memref<128xi32, #tpu.memory_space<vmem>>)
        %mul3A_152 = arith.constant 10000 : i32
        %mul3A_153 = arith.muli %arg0, %mul3A_152 : i32
        %scan3A_154 = arith.constant 0 : i32
        %scan3A_155 = arith.constant 8 : i32
        %scan3A_156 = arith.addi %scan3A_154, %scan3A_155 : i32
        %scan3A_157 = arith.constant 1 : i32
        scf.for %scan3A_163 = %scan3A_154 to %scan3A_156 step %scan3A_157  : i32 {
          %mul3A_164 = arith.constant 16 : i32
          %mul3A_165 = arith.muli %scan3A_163, %mul3A_164 : i32
          %add3A_166 = arith.constant 0 : i32
          %add3A_167 = arith.addi %add3A_166, %mul3A_165 : i32
          %get3A = arith.index_cast %add3A_167 : i32 to index
          %get3A_168 = tpu.vector_load %arg6[%get3A] {strides = array<i32>} : memref<256xi32, #tpu.memory_space<vmem>>, vector<16xi32>,
          %add3A_169 = vector.broadcast %mul3A_153 : i32 to vector<16xi32>
          %add3A_170 = arith.addi %get3A_168, %add3A_169 : vector<16xi32>
          %swap3A = arith.index_cast %add3A_167 : i32 to index
          %swap3A_171 = tpu.vector_load %arg6[%swap3A] {strides = array<i32>} : memref<256xi32, #tpu.memory_space<vmem>>, vector<16xi32>,
          tpu.vector_store %arg6[%swap3A], %add3A_170 {strides = array<i32>} : memref<256xi32, #tpu.memory_space<vmem>>, vector<16xi32>,
        }
        %scan3A_158 = arith.constant 8 : i32
        %dma_start3A = arith.constant 0 : i32
        %dma_start3A_159 = tpu.memref_slice %arg6[%dma_start3A] : memref<256xi32, #tpu.memory_space<vmem>> -> memref<128xi32, #tpu.memory_space<vmem>>
        %dma_start3A_160 = arith.constant 0 : i32
        %dma_start3A_161 = arith.constant 0 : i32
        %dma_start3A_162 = tpu.memref_slice %arg2[%dma_start3A_160, %dma_start3A_161] : memref<20000x128xf32, #tpu.memory_space<hbm>> -> memref<20000x128xf32, #tpu.memory_space<hbm>>
        tpu.enqueue_indirect_dma source(%dma_start3A_162 : memref<20000x128xf32, #tpu.memory_space<hbm>>) target(%arg9 : memref<128x128xf32, #tpu.memory_space<vmem>>) offsets(%dma_start3A_159 : memref<128xi32, #tpu.memory_space<vmem>>) semaphore(%arg16 : memref<!tpu.dma_semaphore, #tpu.memory_space<semaphore_mem>>)
      } else {
      }
      %mul3A_112 = arith.constant 16 : i32
      %mul3A_113 = arith.muli %add3A_101, %mul3A_112 : i32
      %add3A_114 = arith.addi %arg1, %mul3A_113 : i32
      %lt3A_115 = arith.constant 1250 : i32
      %lt3A_116 = arith.cmpi slt, %add3A_114, %lt3A_115 : i32
      %convert_element_type3A_117 = arith.extui %lt3A_116 : i1 to i32
      %cond3A_118 = arith.constant 0 : i32
      %cond3A_119 = arith.cmpi ne, %convert_element_type3A_117, %cond3A_118 : i32
      scf.if %cond3A_119 {
        %dma_wait3A = arith.constant 0 : i32
        %dma_wait3A_130 = tpu.memref_slice %arg10[%dma_wait3A] : memref<256xi32, #tpu.memory_space<vmem>> -> memref<128xi32, #tpu.memory_space<vmem>>
        %dma_wait3A_131 = arith.constant 0 : i32
        %dma_wait3A_132 = arith.constant 0 : i32
        %dma_wait3A_133 = tpu.memref_slice %arg2[%dma_wait3A_131, %dma_wait3A_132] : memref<20000x128xf32, #tpu.memory_space<hbm>> -> memref<20000x128xf32, #tpu.memory_space<hbm>>
        tpu.wait_indirect_dma semaphore(%arg17 : memref<!tpu.dma_semaphore, #tpu.memory_space<semaphore_mem>>) src(%dma_wait3A_133 : memref<20000x128xf32, #tpu.memory_space<hbm>>) dst(%arg13 : memref<128x128xf32, #tpu.memory_space<vmem>>)
        %scan3A_134 = arith.constant 0 : i32
        %scan3A_135 = arith.constant 8 : i32
        %scan3A_136 = arith.addi %scan3A_134, %scan3A_135 : i32
        %scan3A_137 = arith.constant 1 : i32
        scf.for %scan3A_141 = %scan3A_134 to %scan3A_136 step %scan3A_137  : i32 {
          %mul3A_142 = arith.constant 16 : i32
          %mul3A_143 = arith.muli %scan3A_141, %mul3A_142 : i32
          %add3A_144 = arith.constant 0 : i32
          %add3A_145 = arith.addi %add3A_144, %mul3A_143 : i32
          %get3A = arith.index_cast %add3A_145 : i32 to index
          %get3A_146 = tpu.vector_load %arg11[%get3A] {strides = array<i32>} : memref<128xi32, #tpu.memory_space<vmem>>, vector<16xi32>,
          %swap3A = arith.index_cast %add3A_145 : i32 to index
          %swap3A_147 = tpu.vector_load %arg12[%swap3A] {strides = array<i32>} : memref<128xi32, #tpu.memory_space<vmem>>, vector<16xi32>,
          tpu.vector_store %arg12[%swap3A], %get3A_146 {strides = array<i32>} : memref<128xi32, #tpu.memory_space<vmem>>, vector<16xi32>,
          %add3A_148 = arith.constant 128 : i32
          %add3A_149 = arith.addi %add3A_148, %add3A_145 : i32
          %get3A_150 = arith.index_cast %add3A_149 : i32 to index
          %get3A_151 = tpu.vector_load %arg10[%get3A_150] {strides = array<i32>} : memref<256xi32, #tpu.memory_space<vmem>>, vector<16xi32>,
          %bitcast3A = vector.bitcast %get3A_151 : vector<16xi32> to vector<16xf32>
          %broadcast_in_dim3A = arith.constant 0 : i32
          %broadcast_in_dim3A_152 = vector.broadcast %broadcast_in_dim3A : i32 to vector<16xi32>
          %lt3A_153 = arith.constant 0 : i32
          %lt3A_154 = vector.broadcast %lt3A_153 : i32 to vector<16xi32>
          %lt3A_155 = arith.cmpi slt, %broadcast_in_dim3A_152, %lt3A_154 : vector<16xi32>
          %add3A_156 = arith.constant 16 : i32
          %add3A_157 = vector.broadcast %add3A_156 : i32 to vector<16xi32>
          %add3A_158 = arith.addi %broadcast_in_dim3A_152, %add3A_157 : vector<16xi32>
          %select_n3A = arith.select %lt3A_155, %add3A_158, %broadcast_in_dim3A_152 : vector<16xi1>, vector<16xi32>
          %broadcast_in_dim3A_159 = vector.shape_cast %select_n3A : vector<16xi32> to vector<16x1xi32>
          %gather3A = vector.shape_cast %broadcast_in_dim3A_159 : vector<16x1xi32> to vector<16xi32>
          %gather3A_160 = tpu.dynamic_gather %bitcast3A[%gather3A] in [0] : vector<16xf32>, vector<16xi32> -> vector<16xf32>
          %scan3A_161 = arith.constant 0 : i32
          %scan3A_162 = arith.constant 8 : i32
          %scan3A_163 = arith.addi %scan3A_161, %scan3A_162 : i32
          %scan3A_164 = arith.constant 1 : i32
          scf.for %scan3A_421 = %scan3A_161 to %scan3A_163 step %scan3A_164  : i32 {
            %mul3A_422 = arith.constant 16 : i32
            %mul3A_423 = arith.muli %scan3A_421, %mul3A_422 : i32
            %add3A_424 = arith.constant 0 : i32
            %add3A_425 = arith.addi %add3A_424, %mul3A_423 : i32
            %add3A_426 = arith.constant 0 : i32
            %add3A_427 = arith.addi %add3A_145, %add3A_426 : i32
            %get3A_428 = arith.index_cast %add3A_427 : i32 to index
            %get3A_429 = arith.index_cast %add3A_425 : i32 to index
            %get3A_430 = tpu.vector_load %arg13[%get3A_428, %get3A_429] {strides = array<i32>} : memref<128x128xf32, #tpu.memory_space<vmem>>, vector<16xf32>,
            %mul3A_431 = arith.mulf %get3A_430, %gather3A_160 : vector<16xf32>
            %add3A_432 = arith.constant 0 : i32
            %add3A_433 = arith.addi %add3A_145, %add3A_432 : i32
            %swap3A_434 = arith.index_cast %add3A_433 : i32 to index
            %swap3A_435 = arith.index_cast %add3A_425 : i32 to index
            %swap3A_436 = tpu.vector_load %arg13[%swap3A_434, %swap3A_435] {strides = array<i32>} : memref<128x128xf32, #tpu.memory_space<vmem>>, vector<16xf32>,
            tpu.vector_store %arg13[%swap3A_434, %swap3A_435], %mul3A_431 {strides = array<i32>} : memref<128x128xf32, #tpu.memory_space<vmem>>, vector<16xf32>,
          }
          %scan3A_165 = arith.constant 8 : i32
          %broadcast_in_dim3A_166 = arith.constant 1 : i32
          %broadcast_in_dim3A_167 = vector.broadcast %broadcast_in_dim3A_166 : i32 to vector<16xi32>
          %lt3A_168 = arith.constant 0 : i32
          %lt3A_169 = vector.broadcast %lt3A_168 : i32 to vector<16xi32>
          %lt3A_170 = arith.cmpi slt, %broadcast_in_dim3A_167, %lt3A_169 : vector<16xi32>
          %add3A_171 = arith.constant 16 : i32
          %add3A_172 = vector.broadcast %add3A_171 : i32 to vector<16xi32>
          %add3A_173 = arith.addi %broadcast_in_dim3A_167, %add3A_172 : vector<16xi32>
          %select_n3A_174 = arith.select %lt3A_170, %add3A_173, %broadcast_in_dim3A_167 : vector<16xi1>, vector<16xi32>
          %broadcast_in_dim3A_175 = vector.shape_cast %select_n3A_174 : vector<16xi32> to vector<16x1xi32>
          %gather3A_176 = vector.shape_cast %broadcast_in_dim3A_175 : vector<16x1xi32> to vector<16xi32>
          %gather3A_177 = tpu.dynamic_gather %bitcast3A[%gather3A_176] in [0] : vector<16xf32>, vector<16xi32> -> vector<16xf32>
          %scan3A_178 = arith.constant 0 : i32
          %scan3A_179 = arith.constant 8 : i32
          %scan3A_180 = arith.addi %scan3A_178, %scan3A_179 : i32
          %scan3A_181 = arith.constant 1 : i32
          scf.for %scan3A_421 = %scan3A_178 to %scan3A_180 step %scan3A_181  : i32 {
            %mul3A_422 = arith.constant 16 : i32
            %mul3A_423 = arith.muli %scan3A_421, %mul3A_422 : i32
            %add3A_424 = arith.constant 0 : i32
            %add3A_425 = arith.addi %add3A_424, %mul3A_423 : i32
            %add3A_426 = arith.constant 1 : i32
            %add3A_427 = arith.addi %add3A_145, %add3A_426 : i32
            %get3A_428 = arith.index_cast %add3A_427 : i32 to index
            %get3A_429 = arith.index_cast %add3A_425 : i32 to index
            %get3A_430 = tpu.vector_load %arg13[%get3A_428, %get3A_429] {strides = array<i32>} : memref<128x128xf32, #tpu.memory_space<vmem>>, vector<16xf32>,
            %mul3A_431 = arith.mulf %get3A_430, %gather3A_177 : vector<16xf32>
            %add3A_432 = arith.constant 1 : i32
            %add3A_433 = arith.addi %add3A_145, %add3A_432 : i32
            %swap3A_434 = arith.index_cast %add3A_433 : i32 to index
            %swap3A_435 = arith.index_cast %add3A_425 : i32 to index
            %swap3A_436 = tpu.vector_load %arg13[%swap3A_434, %swap3A_435] {strides = array<i32>} : memref<128x128xf32, #tpu.memory_space<vmem>>, vector<16xf32>,
            tpu.vector_store %arg13[%swap3A_434, %swap3A_435], %mul3A_431 {strides = array<i32>} : memref<128x128xf32, #tpu.memory_space<vmem>>, vector<16xf32>,
          }
          %scan3A_182 = arith.constant 8 : i32
          %broadcast_in_dim3A_183 = arith.constant 2 : i32
          %broadcast_in_dim3A_184 = vector.broadcast %broadcast_in_dim3A_183 : i32 to vector<16xi32>
          %lt3A_185 = arith.constant 0 : i32
          %lt3A_186 = vector.broadcast %lt3A_185 : i32 to vector<16xi32>
          %lt3A_187 = arith.cmpi slt, %broadcast_in_dim3A_184, %lt3A_186 : vector<16xi32>
          %add3A_188 = arith.constant 16 : i32
          %add3A_189 = vector.broadcast %add3A_188 : i32 to vector<16xi32>
          %add3A_190 = arith.addi %broadcast_in_dim3A_184, %add3A_189 : vector<16xi32>
          %select_n3A_191 = arith.select %lt3A_187, %add3A_190, %broadcast_in_dim3A_184 : vector<16xi1>, vector<16xi32>
          %broadcast_in_dim3A_192 = vector.shape_cast %select_n3A_191 : vector<16xi32> to vector<16x1xi32>
          %gather3A_193 = vector.shape_cast %broadcast_in_dim3A_192 : vector<16x1xi32> to vector<16xi32>
          %gather3A_194 = tpu.dynamic_gather %bitcast3A[%gather3A_193] in [0] : vector<16xf32>, vector<16xi32> -> vector<16xf32>
          %scan3A_195 = arith.constant 0 : i32
          %scan3A_196 = arith.constant 8 : i32
          %scan3A_197 = arith.addi %scan3A_195, %scan3A_196 : i32
          %scan3A_198 = arith.constant 1 : i32
          scf.for %scan3A_421 = %scan3A_195 to %scan3A_197 step %scan3A_198  : i32 {
            %mul3A_422 = arith.constant 16 : i32
            %mul3A_423 = arith.muli %scan3A_421, %mul3A_422 : i32
            %add3A_424 = arith.constant 0 : i32
            %add3A_425 = arith.addi %add3A_424, %mul3A_423 : i32
            %add3A_426 = arith.constant 2 : i32
            %add3A_427 = arith.addi %add3A_145, %add3A_426 : i32
            %get3A_428 = arith.index_cast %add3A_427 : i32 to index
            %get3A_429 = arith.index_cast %add3A_425 : i32 to index
            %get3A_430 = tpu.vector_load %arg13[%get3A_428, %get3A_429] {strides = array<i32>} : memref<128x128xf32, #tpu.memory_space<vmem>>, vector<16xf32>,
            %mul3A_431 = arith.mulf %get3A_430, %gather3A_194 : vector<16xf32>
            %add3A_432 = arith.constant 2 : i32
            %add3A_433 = arith.addi %add3A_145, %add3A_432 : i32
            %swap3A_434 = arith.index_cast %add3A_433 : i32 to index
            %swap3A_435 = arith.index_cast %add3A_425 : i32 to index
            %swap3A_436 = tpu.vector_load %arg13[%swap3A_434, %swap3A_435] {strides = array<i32>} : memref<128x128xf32, #tpu.memory_space<vmem>>, vector<16xf32>,
            tpu.vector_store %arg13[%swap3A_434, %swap3A_435], %mul3A_431 {strides = array<i32>} : memref<128x128xf32, #tpu.memory_space<vmem>>, vector<16xf32>,
          }
          %scan3A_199 = arith.constant 8 : i32
          %broadcast_in_dim3A_200 = arith.constant 3 : i32
          %broadcast_in_dim3A_201 = vector.broadcast %broadcast_in_dim3A_200 : i32 to vector<16xi32>
          %lt3A_202 = arith.constant 0 : i32
          %lt3A_203 = vector.broadcast %lt3A_202 : i32 to vector<16xi32>
          %lt3A_204 = arith.cmpi slt, %broadcast_in_dim3A_201, %lt3A_203 : vector<16xi32>
          %add3A_205 = arith.constant 16 : i32
          %add3A_206 = vector.broadcast %add3A_205 : i32 to vector<16xi32>
          %add3A_207 = arith.addi %broadcast_in_dim3A_201, %add3A_206 : vector<16xi32>
          %select_n3A_208 = arith.select %lt3A_204, %add3A_207, %broadcast_in_dim3A_201 : vector<16xi1>, vector<16xi32>
          %broadcast_in_dim3A_209 = vector.shape_cast %select_n3A_208 : vector<16xi32> to vector<16x1xi32>
          %gather3A_210 = vector.shape_cast %broadcast_in_dim3A_209 : vector<16x1xi32> to vector<16xi32>
          %gather3A_211 = tpu.dynamic_gather %bitcast3A[%gather3A_210] in [0] : vector<16xf32>, vector<16xi32> -> vector<16xf32>
          %scan3A_212 = arith.constant 0 : i32
          %scan3A_213 = arith.constant 8 : i32
          %scan3A_214 = arith.addi %scan3A_212, %scan3A_213 : i32
          %scan3A_215 = arith.constant 1 : i32
          scf.for %scan3A_421 = %scan3A_212 to %scan3A_214 step %scan3A_215  : i32 {
            %mul3A_422 = arith.constant 16 : i32
            %mul3A_423 = arith.muli %scan3A_421, %mul3A_422 : i32
            %add3A_424 = arith.constant 0 : i32
            %add3A_425 = arith.addi %add3A_424, %mul3A_423 : i32
            %add3A_426 = arith.constant 3 : i32
            %add3A_427 = arith.addi %add3A_145, %add3A_426 : i32
            %get3A_428 = arith.index_cast %add3A_427 : i32 to index
            %get3A_429 = arith.index_cast %add3A_425 : i32 to index
            %get3A_430 = tpu.vector_load %arg13[%get3A_428, %get3A_429] {strides = array<i32>} : memref<128x128xf32, #tpu.memory_space<vmem>>, vector<16xf32>,
            %mul3A_431 = arith.mulf %get3A_430, %gather3A_211 : vector<16xf32>
            %add3A_432 = arith.constant 3 : i32
            %add3A_433 = arith.addi %add3A_145, %add3A_432 : i32
            %swap3A_434 = arith.index_cast %add3A_433 : i32 to index
            %swap3A_435 = arith.index_cast %add3A_425 : i32 to index
            %swap3A_436 = tpu.vector_load %arg13[%swap3A_434, %swap3A_435] {strides = array<i32>} : memref<128x128xf32, #tpu.memory_space<vmem>>, vector<16xf32>,
            tpu.vector_store %arg13[%swap3A_434, %swap3A_435], %mul3A_431 {strides = array<i32>} : memref<128x128xf32, #tpu.memory_space<vmem>>, vector<16xf32>,
          }
          %scan3A_216 = arith.constant 8 : i32
          %broadcast_in_dim3A_217 = arith.constant 4 : i32
          %broadcast_in_dim3A_218 = vector.broadcast %broadcast_in_dim3A_217 : i32 to vector<16xi32>
          %lt3A_219 = arith.constant 0 : i32
          %lt3A_220 = vector.broadcast %lt3A_219 : i32 to vector<16xi32>
          %lt3A_221 = arith.cmpi slt, %broadcast_in_dim3A_218, %lt3A_220 : vector<16xi32>
          %add3A_222 = arith.constant 16 : i32
          %add3A_223 = vector.broadcast %add3A_222 : i32 to vector<16xi32>
          %add3A_224 = arith.addi %broadcast_in_dim3A_218, %add3A_223 : vector<16xi32>
          %select_n3A_225 = arith.select %lt3A_221, %add3A_224, %broadcast_in_dim3A_218 : vector<16xi1>, vector<16xi32>
          %broadcast_in_dim3A_226 = vector.shape_cast %select_n3A_225 : vector<16xi32> to vector<16x1xi32>
          %gather3A_227 = vector.shape_cast %broadcast_in_dim3A_226 : vector<16x1xi32> to vector<16xi32>
          %gather3A_228 = tpu.dynamic_gather %bitcast3A[%gather3A_227] in [0] : vector<16xf32>, vector<16xi32> -> vector<16xf32>
          %scan3A_229 = arith.constant 0 : i32
          %scan3A_230 = arith.constant 8 : i32
          %scan3A_231 = arith.addi %scan3A_229, %scan3A_230 : i32
          %scan3A_232 = arith.constant 1 : i32
          scf.for %scan3A_421 = %scan3A_229 to %scan3A_231 step %scan3A_232  : i32 {
            %mul3A_422 = arith.constant 16 : i32
            %mul3A_423 = arith.muli %scan3A_421, %mul3A_422 : i32
            %add3A_424 = arith.constant 0 : i32
            %add3A_425 = arith.addi %add3A_424, %mul3A_423 : i32
            %add3A_426 = arith.constant 4 : i32
            %add3A_427 = arith.addi %add3A_145, %add3A_426 : i32
            %get3A_428 = arith.index_cast %add3A_427 : i32 to index
            %get3A_429 = arith.index_cast %add3A_425 : i32 to index
            %get3A_430 = tpu.vector_load %arg13[%get3A_428, %get3A_429] {strides = array<i32>} : memref<128x128xf32, #tpu.memory_space<vmem>>, vector<16xf32>,
            %mul3A_431 = arith.mulf %get3A_430, %gather3A_228 : vector<16xf32>
            %add3A_432 = arith.constant 4 : i32
            %add3A_433 = arith.addi %add3A_145, %add3A_432 : i32
            %swap3A_434 = arith.index_cast %add3A_433 : i32 to index
            %swap3A_435 = arith.index_cast %add3A_425 : i32 to index
            %swap3A_436 = tpu.vector_load %arg13[%swap3A_434, %swap3A_435] {strides = array<i32>} : memref<128x128xf32, #tpu.memory_space<vmem>>, vector<16xf32>,
            tpu.vector_store %arg13[%swap3A_434, %swap3A_435], %mul3A_431 {strides = array<i32>} : memref<128x128xf32, #tpu.memory_space<vmem>>, vector<16xf32>,
          }
          %scan3A_233 = arith.constant 8 : i32
          %broadcast_in_dim3A_234 = arith.constant 5 : i32
          %broadcast_in_dim3A_235 = vector.broadcast %broadcast_in_dim3A_234 : i32 to vector<16xi32>
          %lt3A_236 = arith.constant 0 : i32
          %lt3A_237 = vector.broadcast %lt3A_236 : i32 to vector<16xi32>
          %lt3A_238 = arith.cmpi slt, %broadcast_in_dim3A_235, %lt3A_237 : vector<16xi32>
          %add3A_239 = arith.constant 16 : i32
          %add3A_240 = vector.broadcast %add3A_239 : i32 to vector<16xi32>
          %add3A_241 = arith.addi %broadcast_in_dim3A_235, %add3A_240 : vector<16xi32>
          %select_n3A_242 = arith.select %lt3A_238, %add3A_241, %broadcast_in_dim3A_235 : vector<16xi1>, vector<16xi32>
          %broadcast_in_dim3A_243 = vector.shape_cast %select_n3A_242 : vector<16xi32> to vector<16x1xi32>
          %gather3A_244 = vector.shape_cast %broadcast_in_dim3A_243 : vector<16x1xi32> to vector<16xi32>
          %gather3A_245 = tpu.dynamic_gather %bitcast3A[%gather3A_244] in [0] : vector<16xf32>, vector<16xi32> -> vector<16xf32>
          %scan3A_246 = arith.constant 0 : i32
          %scan3A_247 = arith.constant 8 : i32
          %scan3A_248 = arith.addi %scan3A_246, %scan3A_247 : i32
          %scan3A_249 = arith.constant 1 : i32
          scf.for %scan3A_421 = %scan3A_246 to %scan3A_248 step %scan3A_249  : i32 {
            %mul3A_422 = arith.constant 16 : i32
            %mul3A_423 = arith.muli %scan3A_421, %mul3A_422 : i32
            %add3A_424 = arith.constant 0 : i32
            %add3A_425 = arith.addi %add3A_424, %mul3A_423 : i32
            %add3A_426 = arith.constant 5 : i32
            %add3A_427 = arith.addi %add3A_145, %add3A_426 : i32
            %get3A_428 = arith.index_cast %add3A_427 : i32 to index
            %get3A_429 = arith.index_cast %add3A_425 : i32 to index
            %get3A_430 = tpu.vector_load %arg13[%get3A_428, %get3A_429] {strides = array<i32>} : memref<128x128xf32, #tpu.memory_space<vmem>>, vector<16xf32>,
            %mul3A_431 = arith.mulf %get3A_430, %gather3A_245 : vector<16xf32>
            %add3A_432 = arith.constant 5 : i32
            %add3A_433 = arith.addi %add3A_145, %add3A_432 : i32
            %swap3A_434 = arith.index_cast %add3A_433 : i32 to index
            %swap3A_435 = arith.index_cast %add3A_425 : i32 to index
            %swap3A_436 = tpu.vector_load %arg13[%swap3A_434, %swap3A_435] {strides = array<i32>} : memref<128x128xf32, #tpu.memory_space<vmem>>, vector<16xf32>,
            tpu.vector_store %arg13[%swap3A_434, %swap3A_435], %mul3A_431 {strides = array<i32>} : memref<128x128xf32, #tpu.memory_space<vmem>>, vector<16xf32>,
          }
          %scan3A_250 = arith.constant 8 : i32
          %broadcast_in_dim3A_251 = arith.constant 6 : i32
          %broadcast_in_dim3A_252 = vector.broadcast %broadcast_in_dim3A_251 : i32 to vector<16xi32>
          %lt3A_253 = arith.constant 0 : i32
          %lt3A_254 = vector.broadcast %lt3A_253 : i32 to vector<16xi32>
          %lt3A_255 = arith.cmpi slt, %broadcast_in_dim3A_252, %lt3A_254 : vector<16xi32>
          %add3A_256 = arith.constant 16 : i32
          %add3A_257 = vector.broadcast %add3A_256 : i32 to vector<16xi32>
          %add3A_258 = arith.addi %broadcast_in_dim3A_252, %add3A_257 : vector<16xi32>
          %select_n3A_259 = arith.select %lt3A_255, %add3A_258, %broadcast_in_dim3A_252 : vector<16xi1>, vector<16xi32>
          %broadcast_in_dim3A_260 = vector.shape_cast %select_n3A_259 : vector<16xi32> to vector<16x1xi32>
          %gather3A_261 = vector.shape_cast %broadcast_in_dim3A_260 : vector<16x1xi32> to vector<16xi32>
          %gather3A_262 = tpu.dynamic_gather %bitcast3A[%gather3A_261] in [0] : vector<16xf32>, vector<16xi32> -> vector<16xf32>
          %scan3A_263 = arith.constant 0 : i32
          %scan3A_264 = arith.constant 8 : i32
          %scan3A_265 = arith.addi %scan3A_263, %scan3A_264 : i32
          %scan3A_266 = arith.constant 1 : i32
          scf.for %scan3A_421 = %scan3A_263 to %scan3A_265 step %scan3A_266  : i32 {
            %mul3A_422 = arith.constant 16 : i32
            %mul3A_423 = arith.muli %scan3A_421, %mul3A_422 : i32
            %add3A_424 = arith.constant 0 : i32
            %add3A_425 = arith.addi %add3A_424, %mul3A_423 : i32
            %add3A_426 = arith.constant 6 : i32
            %add3A_427 = arith.addi %add3A_145, %add3A_426 : i32
            %get3A_428 = arith.index_cast %add3A_427 : i32 to index
            %get3A_429 = arith.index_cast %add3A_425 : i32 to index
            %get3A_430 = tpu.vector_load %arg13[%get3A_428, %get3A_429] {strides = array<i32>} : memref<128x128xf32, #tpu.memory_space<vmem>>, vector<16xf32>,
            %mul3A_431 = arith.mulf %get3A_430, %gather3A_262 : vector<16xf32>
            %add3A_432 = arith.constant 6 : i32
            %add3A_433 = arith.addi %add3A_145, %add3A_432 : i32
            %swap3A_434 = arith.index_cast %add3A_433 : i32 to index
            %swap3A_435 = arith.index_cast %add3A_425 : i32 to index
            %swap3A_436 = tpu.vector_load %arg13[%swap3A_434, %swap3A_435] {strides = array<i32>} : memref<128x128xf32, #tpu.memory_space<vmem>>, vector<16xf32>,
            tpu.vector_store %arg13[%swap3A_434, %swap3A_435], %mul3A_431 {strides = array<i32>} : memref<128x128xf32, #tpu.memory_space<vmem>>, vector<16xf32>,
          }
          %scan3A_267 = arith.constant 8 : i32
          %broadcast_in_dim3A_268 = arith.constant 7 : i32
          %broadcast_in_dim3A_269 = vector.broadcast %broadcast_in_dim3A_268 : i32 to vector<16xi32>
          %lt3A_270 = arith.constant 0 : i32
          %lt3A_271 = vector.broadcast %lt3A_270 : i32 to vector<16xi32>
          %lt3A_272 = arith.cmpi slt, %broadcast_in_dim3A_269, %lt3A_271 : vector<16xi32>
          %add3A_273 = arith.constant 16 : i32
          %add3A_274 = vector.broadcast %add3A_273 : i32 to vector<16xi32>
          %add3A_275 = arith.addi %broadcast_in_dim3A_269, %add3A_274 : vector<16xi32>
          %select_n3A_276 = arith.select %lt3A_272, %add3A_275, %broadcast_in_dim3A_269 : vector<16xi1>, vector<16xi32>
          %broadcast_in_dim3A_277 = vector.shape_cast %select_n3A_276 : vector<16xi32> to vector<16x1xi32>
          %gather3A_278 = vector.shape_cast %broadcast_in_dim3A_277 : vector<16x1xi32> to vector<16xi32>
          %gather3A_279 = tpu.dynamic_gather %bitcast3A[%gather3A_278] in [0] : vector<16xf32>, vector<16xi32> -> vector<16xf32>
          %scan3A_280 = arith.constant 0 : i32
          %scan3A_281 = arith.constant 8 : i32
          %scan3A_282 = arith.addi %scan3A_280, %scan3A_281 : i32
          %scan3A_283 = arith.constant 1 : i32
          scf.for %scan3A_421 = %scan3A_280 to %scan3A_282 step %scan3A_283  : i32 {
            %mul3A_422 = arith.constant 16 : i32
            %mul3A_423 = arith.muli %scan3A_421, %mul3A_422 : i32
            %add3A_424 = arith.constant 0 : i32
            %add3A_425 = arith.addi %add3A_424, %mul3A_423 : i32
            %add3A_426 = arith.constant 7 : i32
            %add3A_427 = arith.addi %add3A_145, %add3A_426 : i32
            %get3A_428 = arith.index_cast %add3A_427 : i32 to index
            %get3A_429 = arith.index_cast %add3A_425 : i32 to index
            %get3A_430 = tpu.vector_load %arg13[%get3A_428, %get3A_429] {strides = array<i32>} : memref<128x128xf32, #tpu.memory_space<vmem>>, vector<16xf32>,
            %mul3A_431 = arith.mulf %get3A_430, %gather3A_279 : vector<16xf32>
            %add3A_432 = arith.constant 7 : i32
            %add3A_433 = arith.addi %add3A_145, %add3A_432 : i32
            %swap3A_434 = arith.index_cast %add3A_433 : i32 to index
            %swap3A_435 = arith.index_cast %add3A_425 : i32 to index
            %swap3A_436 = tpu.vector_load %arg13[%swap3A_434, %swap3A_435] {strides = array<i32>} : memref<128x128xf32, #tpu.memory_space<vmem>>, vector<16xf32>,
            tpu.vector_store %arg13[%swap3A_434, %swap3A_435], %mul3A_431 {strides = array<i32>} : memref<128x128xf32, #tpu.memory_space<vmem>>, vector<16xf32>,
          }
          %scan3A_284 = arith.constant 8 : i32
          %broadcast_in_dim3A_285 = arith.constant 8 : i32
          %broadcast_in_dim3A_286 = vector.broadcast %broadcast_in_dim3A_285 : i32 to vector<16xi32>
          %lt3A_287 = arith.constant 0 : i32
          %lt3A_288 = vector.broadcast %lt3A_287 : i32 to vector<16xi32>
          %lt3A_289 = arith.cmpi slt, %broadcast_in_dim3A_286, %lt3A_288 : vector<16xi32>
          %add3A_290 = arith.constant 16 : i32
          %add3A_291 = vector.broadcast %add3A_290 : i32 to vector<16xi32>
          %add3A_292 = arith.addi %broadcast_in_dim3A_286, %add3A_291 : vector<16xi32>
          %select_n3A_293 = arith.select %lt3A_289, %add3A_292, %broadcast_in_dim3A_286 : vector<16xi1>, vector<16xi32>
          %broadcast_in_dim3A_294 = vector.shape_cast %select_n3A_293 : vector<16xi32> to vector<16x1xi32>
          %gather3A_295 = vector.shape_cast %broadcast_in_dim3A_294 : vector<16x1xi32> to vector<16xi32>
          %gather3A_296 = tpu.dynamic_gather %bitcast3A[%gather3A_295] in [0] : vector<16xf32>, vector<16xi32> -> vector<16xf32>
          %scan3A_297 = arith.constant 0 : i32
          %scan3A_298 = arith.constant 8 : i32
          %scan3A_299 = arith.addi %scan3A_297, %scan3A_298 : i32
          %scan3A_300 = arith.constant 1 : i32
          scf.for %scan3A_421 = %scan3A_297 to %scan3A_299 step %scan3A_300  : i32 {
            %mul3A_422 = arith.constant 16 : i32
            %mul3A_423 = arith.muli %scan3A_421, %mul3A_422 : i32
            %add3A_424 = arith.constant 0 : i32
            %add3A_425 = arith.addi %add3A_424, %mul3A_423 : i32
            %add3A_426 = arith.constant 8 : i32
            %add3A_427 = arith.addi %add3A_145, %add3A_426 : i32
            %get3A_428 = arith.index_cast %add3A_427 : i32 to index
            %get3A_429 = arith.index_cast %add3A_425 : i32 to index
            %get3A_430 = tpu.vector_load %arg13[%get3A_428, %get3A_429] {strides = array<i32>} : memref<128x128xf32, #tpu.memory_space<vmem>>, vector<16xf32>,
            %mul3A_431 = arith.mulf %get3A_430, %gather3A_296 : vector<16xf32>
            %add3A_432 = arith.constant 8 : i32
            %add3A_433 = arith.addi %add3A_145, %add3A_432 : i32
            %swap3A_434 = arith.index_cast %add3A_433 : i32 to index
            %swap3A_435 = arith.index_cast %add3A_425 : i32 to index
            %swap3A_436 = tpu.vector_load %arg13[%swap3A_434, %swap3A_435] {strides = array<i32>} : memref<128x128xf32, #tpu.memory_space<vmem>>, vector<16xf32>,
            tpu.vector_store %arg13[%swap3A_434, %swap3A_435], %mul3A_431 {strides = array<i32>} : memref<128x128xf32, #tpu.memory_space<vmem>>, vector<16xf32>,
          }
          %scan3A_301 = arith.constant 8 : i32
          %broadcast_in_dim3A_302 = arith.constant 9 : i32
          %broadcast_in_dim3A_303 = vector.broadcast %broadcast_in_dim3A_302 : i32 to vector<16xi32>
          %lt3A_304 = arith.constant 0 : i32
          %lt3A_305 = vector.broadcast %lt3A_304 : i32 to vector<16xi32>
          %lt3A_306 = arith.cmpi slt, %broadcast_in_dim3A_303, %lt3A_305 : vector<16xi32>
          %add3A_307 = arith.constant 16 : i32
          %add3A_308 = vector.broadcast %add3A_307 : i32 to vector<16xi32>
          %add3A_309 = arith.addi %broadcast_in_dim3A_303, %add3A_308 : vector<16xi32>
          %select_n3A_310 = arith.select %lt3A_306, %add3A_309, %broadcast_in_dim3A_303 : vector<16xi1>, vector<16xi32>
          %broadcast_in_dim3A_311 = vector.shape_cast %select_n3A_310 : vector<16xi32> to vector<16x1xi32>
          %gather3A_312 = vector.shape_cast %broadcast_in_dim3A_311 : vector<16x1xi32> to vector<16xi32>
          %gather3A_313 = tpu.dynamic_gather %bitcast3A[%gather3A_312] in [0] : vector<16xf32>, vector<16xi32> -> vector<16xf32>
          %scan3A_314 = arith.constant 0 : i32
          %scan3A_315 = arith.constant 8 : i32
          %scan3A_316 = arith.addi %scan3A_314, %scan3A_315 : i32
          %scan3A_317 = arith.constant 1 : i32
          scf.for %scan3A_421 = %scan3A_314 to %scan3A_316 step %scan3A_317  : i32 {
            %mul3A_422 = arith.constant 16 : i32
            %mul3A_423 = arith.muli %scan3A_421, %mul3A_422 : i32
            %add3A_424 = arith.constant 0 : i32
            %add3A_425 = arith.addi %add3A_424, %mul3A_423 : i32
            %add3A_426 = arith.constant 9 : i32
            %add3A_427 = arith.addi %add3A_145, %add3A_426 : i32
            %get3A_428 = arith.index_cast %add3A_427 : i32 to index
            %get3A_429 = arith.index_cast %add3A_425 : i32 to index
            %get3A_430 = tpu.vector_load %arg13[%get3A_428, %get3A_429] {strides = array<i32>} : memref<128x128xf32, #tpu.memory_space<vmem>>, vector<16xf32>,
            %mul3A_431 = arith.mulf %get3A_430, %gather3A_313 : vector<16xf32>
            %add3A_432 = arith.constant 9 : i32
            %add3A_433 = arith.addi %add3A_145, %add3A_432 : i32
            %swap3A_434 = arith.index_cast %add3A_433 : i32 to index
            %swap3A_435 = arith.index_cast %add3A_425 : i32 to index
            %swap3A_436 = tpu.vector_load %arg13[%swap3A_434, %swap3A_435] {strides = array<i32>} : memref<128x128xf32, #tpu.memory_space<vmem>>, vector<16xf32>,
            tpu.vector_store %arg13[%swap3A_434, %swap3A_435], %mul3A_431 {strides = array<i32>} : memref<128x128xf32, #tpu.memory_space<vmem>>, vector<16xf32>,
          }
          %scan3A_318 = arith.constant 8 : i32
          %broadcast_in_dim3A_319 = arith.constant 10 : i32
          %broadcast_in_dim3A_320 = vector.broadcast %broadcast_in_dim3A_319 : i32 to vector<16xi32>
          %lt3A_321 = arith.constant 0 : i32
          %lt3A_322 = vector.broadcast %lt3A_321 : i32 to vector<16xi32>
          %lt3A_323 = arith.cmpi slt, %broadcast_in_dim3A_320, %lt3A_322 : vector<16xi32>
          %add3A_324 = arith.constant 16 : i32
          %add3A_325 = vector.broadcast %add3A_324 : i32 to vector<16xi32>
          %add3A_326 = arith.addi %broadcast_in_dim3A_320, %add3A_325 : vector<16xi32>
          %select_n3A_327 = arith.select %lt3A_323, %add3A_326, %broadcast_in_dim3A_320 : vector<16xi1>, vector<16xi32>
          %broadcast_in_dim3A_328 = vector.shape_cast %select_n3A_327 : vector<16xi32> to vector<16x1xi32>
          %gather3A_329 = vector.shape_cast %broadcast_in_dim3A_328 : vector<16x1xi32> to vector<16xi32>
          %gather3A_330 = tpu.dynamic_gather %bitcast3A[%gather3A_329] in [0] : vector<16xf32>, vector<16xi32> -> vector<16xf32>
          %scan3A_331 = arith.constant 0 : i32
          %scan3A_332 = arith.constant 8 : i32
          %scan3A_333 = arith.addi %scan3A_331, %scan3A_332 : i32
          %scan3A_334 = arith.constant 1 : i32
          scf.for %scan3A_421 = %scan3A_331 to %scan3A_333 step %scan3A_334  : i32 {
            %mul3A_422 = arith.constant 16 : i32
            %mul3A_423 = arith.muli %scan3A_421, %mul3A_422 : i32
            %add3A_424 = arith.constant 0 : i32
            %add3A_425 = arith.addi %add3A_424, %mul3A_423 : i32
            %add3A_426 = arith.constant 10 : i32
            %add3A_427 = arith.addi %add3A_145, %add3A_426 : i32
            %get3A_428 = arith.index_cast %add3A_427 : i32 to index
            %get3A_429 = arith.index_cast %add3A_425 : i32 to index
            %get3A_430 = tpu.vector_load %arg13[%get3A_428, %get3A_429] {strides = array<i32>} : memref<128x128xf32, #tpu.memory_space<vmem>>, vector<16xf32>,
            %mul3A_431 = arith.mulf %get3A_430, %gather3A_330 : vector<16xf32>
            %add3A_432 = arith.constant 10 : i32
            %add3A_433 = arith.addi %add3A_145, %add3A_432 : i32
            %swap3A_434 = arith.index_cast %add3A_433 : i32 to index
            %swap3A_435 = arith.index_cast %add3A_425 : i32 to index
            %swap3A_436 = tpu.vector_load %arg13[%swap3A_434, %swap3A_435] {strides = array<i32>} : memref<128x128xf32, #tpu.memory_space<vmem>>, vector<16xf32>,
            tpu.vector_store %arg13[%swap3A_434, %swap3A_435], %mul3A_431 {strides = array<i32>} : memref<128x128xf32, #tpu.memory_space<vmem>>, vector<16xf32>,
          }
          %scan3A_335 = arith.constant 8 : i32
          %broadcast_in_dim3A_336 = arith.constant 11 : i32
          %broadcast_in_dim3A_337 = vector.broadcast %broadcast_in_dim3A_336 : i32 to vector<16xi32>
          %lt3A_338 = arith.constant 0 : i32
          %lt3A_339 = vector.broadcast %lt3A_338 : i32 to vector<16xi32>
          %lt3A_340 = arith.cmpi slt, %broadcast_in_dim3A_337, %lt3A_339 : vector<16xi32>
          %add3A_341 = arith.constant 16 : i32
          %add3A_342 = vector.broadcast %add3A_341 : i32 to vector<16xi32>
          %add3A_343 = arith.addi %broadcast_in_dim3A_337, %add3A_342 : vector<16xi32>
          %select_n3A_344 = arith.select %lt3A_340, %add3A_343, %broadcast_in_dim3A_337 : vector<16xi1>, vector<16xi32>
          %broadcast_in_dim3A_345 = vector.shape_cast %select_n3A_344 : vector<16xi32> to vector<16x1xi32>
          %gather3A_346 = vector.shape_cast %broadcast_in_dim3A_345 : vector<16x1xi32> to vector<16xi32>
          %gather3A_347 = tpu.dynamic_gather %bitcast3A[%gather3A_346] in [0] : vector<16xf32>, vector<16xi32> -> vector<16xf32>
          %scan3A_348 = arith.constant 0 : i32
          %scan3A_349 = arith.constant 8 : i32
          %scan3A_350 = arith.addi %scan3A_348, %scan3A_349 : i32
          %scan3A_351 = arith.constant 1 : i32
          scf.for %scan3A_421 = %scan3A_348 to %scan3A_350 step %scan3A_351  : i32 {
            %mul3A_422 = arith.constant 16 : i32
            %mul3A_423 = arith.muli %scan3A_421, %mul3A_422 : i32
            %add3A_424 = arith.constant 0 : i32
            %add3A_425 = arith.addi %add3A_424, %mul3A_423 : i32
            %add3A_426 = arith.constant 11 : i32
            %add3A_427 = arith.addi %add3A_145, %add3A_426 : i32
            %get3A_428 = arith.index_cast %add3A_427 : i32 to index
            %get3A_429 = arith.index_cast %add3A_425 : i32 to index
            %get3A_430 = tpu.vector_load %arg13[%get3A_428, %get3A_429] {strides = array<i32>} : memref<128x128xf32, #tpu.memory_space<vmem>>, vector<16xf32>,
            %mul3A_431 = arith.mulf %get3A_430, %gather3A_347 : vector<16xf32>
            %add3A_432 = arith.constant 11 : i32
            %add3A_433 = arith.addi %add3A_145, %add3A_432 : i32
            %swap3A_434 = arith.index_cast %add3A_433 : i32 to index
            %swap3A_435 = arith.index_cast %add3A_425 : i32 to index
            %swap3A_436 = tpu.vector_load %arg13[%swap3A_434, %swap3A_435] {strides = array<i32>} : memref<128x128xf32, #tpu.memory_space<vmem>>, vector<16xf32>,
            tpu.vector_store %arg13[%swap3A_434, %swap3A_435], %mul3A_431 {strides = array<i32>} : memref<128x128xf32, #tpu.memory_space<vmem>>, vector<16xf32>,
          }
          %scan3A_352 = arith.constant 8 : i32
          %broadcast_in_dim3A_353 = arith.constant 12 : i32
          %broadcast_in_dim3A_354 = vector.broadcast %broadcast_in_dim3A_353 : i32 to vector<16xi32>
          %lt3A_355 = arith.constant 0 : i32
          %lt3A_356 = vector.broadcast %lt3A_355 : i32 to vector<16xi32>
          %lt3A_357 = arith.cmpi slt, %broadcast_in_dim3A_354, %lt3A_356 : vector<16xi32>
          %add3A_358 = arith.constant 16 : i32
          %add3A_359 = vector.broadcast %add3A_358 : i32 to vector<16xi32>
          %add3A_360 = arith.addi %broadcast_in_dim3A_354, %add3A_359 : vector<16xi32>
          %select_n3A_361 = arith.select %lt3A_357, %add3A_360, %broadcast_in_dim3A_354 : vector<16xi1>, vector<16xi32>
          %broadcast_in_dim3A_362 = vector.shape_cast %select_n3A_361 : vector<16xi32> to vector<16x1xi32>
          %gather3A_363 = vector.shape_cast %broadcast_in_dim3A_362 : vector<16x1xi32> to vector<16xi32>
          %gather3A_364 = tpu.dynamic_gather %bitcast3A[%gather3A_363] in [0] : vector<16xf32>, vector<16xi32> -> vector<16xf32>
          %scan3A_365 = arith.constant 0 : i32
          %scan3A_366 = arith.constant 8 : i32
          %scan3A_367 = arith.addi %scan3A_365, %scan3A_366 : i32
          %scan3A_368 = arith.constant 1 : i32
          scf.for %scan3A_421 = %scan3A_365 to %scan3A_367 step %scan3A_368  : i32 {
            %mul3A_422 = arith.constant 16 : i32
            %mul3A_423 = arith.muli %scan3A_421, %mul3A_422 : i32
            %add3A_424 = arith.constant 0 : i32
            %add3A_425 = arith.addi %add3A_424, %mul3A_423 : i32
            %add3A_426 = arith.constant 12 : i32
            %add3A_427 = arith.addi %add3A_145, %add3A_426 : i32
            %get3A_428 = arith.index_cast %add3A_427 : i32 to index
            %get3A_429 = arith.index_cast %add3A_425 : i32 to index
            %get3A_430 = tpu.vector_load %arg13[%get3A_428, %get3A_429] {strides = array<i32>} : memref<128x128xf32, #tpu.memory_space<vmem>>, vector<16xf32>,
            %mul3A_431 = arith.mulf %get3A_430, %gather3A_364 : vector<16xf32>
            %add3A_432 = arith.constant 12 : i32
            %add3A_433 = arith.addi %add3A_145, %add3A_432 : i32
            %swap3A_434 = arith.index_cast %add3A_433 : i32 to index
            %swap3A_435 = arith.index_cast %add3A_425 : i32 to index
            %swap3A_436 = tpu.vector_load %arg13[%swap3A_434, %swap3A_435] {strides = array<i32>} : memref<128x128xf32, #tpu.memory_space<vmem>>, vector<16xf32>,
            tpu.vector_store %arg13[%swap3A_434, %swap3A_435], %mul3A_431 {strides = array<i32>} : memref<128x128xf32, #tpu.memory_space<vmem>>, vector<16xf32>,
          }
          %scan3A_369 = arith.constant 8 : i32
          %broadcast_in_dim3A_370 = arith.constant 13 : i32
          %broadcast_in_dim3A_371 = vector.broadcast %broadcast_in_dim3A_370 : i32 to vector<16xi32>
          %lt3A_372 = arith.constant 0 : i32
          %lt3A_373 = vector.broadcast %lt3A_372 : i32 to vector<16xi32>
          %lt3A_374 = arith.cmpi slt, %broadcast_in_dim3A_371, %lt3A_373 : vector<16xi32>
          %add3A_375 = arith.constant 16 : i32
          %add3A_376 = vector.broadcast %add3A_375 : i32 to vector<16xi32>
          %add3A_377 = arith.addi %broadcast_in_dim3A_371, %add3A_376 : vector<16xi32>
          %select_n3A_378 = arith.select %lt3A_374, %add3A_377, %broadcast_in_dim3A_371 : vector<16xi1>, vector<16xi32>
          %broadcast_in_dim3A_379 = vector.shape_cast %select_n3A_378 : vector<16xi32> to vector<16x1xi32>
          %gather3A_380 = vector.shape_cast %broadcast_in_dim3A_379 : vector<16x1xi32> to vector<16xi32>
          %gather3A_381 = tpu.dynamic_gather %bitcast3A[%gather3A_380] in [0] : vector<16xf32>, vector<16xi32> -> vector<16xf32>
          %scan3A_382 = arith.constant 0 : i32
          %scan3A_383 = arith.constant 8 : i32
          %scan3A_384 = arith.addi %scan3A_382, %scan3A_383 : i32
          %scan3A_385 = arith.constant 1 : i32
          scf.for %scan3A_421 = %scan3A_382 to %scan3A_384 step %scan3A_385  : i32 {
            %mul3A_422 = arith.constant 16 : i32
            %mul3A_423 = arith.muli %scan3A_421, %mul3A_422 : i32
            %add3A_424 = arith.constant 0 : i32
            %add3A_425 = arith.addi %add3A_424, %mul3A_423 : i32
            %add3A_426 = arith.constant 13 : i32
            %add3A_427 = arith.addi %add3A_145, %add3A_426 : i32
            %get3A_428 = arith.index_cast %add3A_427 : i32 to index
            %get3A_429 = arith.index_cast %add3A_425 : i32 to index
            %get3A_430 = tpu.vector_load %arg13[%get3A_428, %get3A_429] {strides = array<i32>} : memref<128x128xf32, #tpu.memory_space<vmem>>, vector<16xf32>,
            %mul3A_431 = arith.mulf %get3A_430, %gather3A_381 : vector<16xf32>
            %add3A_432 = arith.constant 13 : i32
            %add3A_433 = arith.addi %add3A_145, %add3A_432 : i32
            %swap3A_434 = arith.index_cast %add3A_433 : i32 to index
            %swap3A_435 = arith.index_cast %add3A_425 : i32 to index
            %swap3A_436 = tpu.vector_load %arg13[%swap3A_434, %swap3A_435] {strides = array<i32>} : memref<128x128xf32, #tpu.memory_space<vmem>>, vector<16xf32>,
            tpu.vector_store %arg13[%swap3A_434, %swap3A_435], %mul3A_431 {strides = array<i32>} : memref<128x128xf32, #tpu.memory_space<vmem>>, vector<16xf32>,
          }
          %scan3A_386 = arith.constant 8 : i32
          %broadcast_in_dim3A_387 = arith.constant 14 : i32
          %broadcast_in_dim3A_388 = vector.broadcast %broadcast_in_dim3A_387 : i32 to vector<16xi32>
          %lt3A_389 = arith.constant 0 : i32
          %lt3A_390 = vector.broadcast %lt3A_389 : i32 to vector<16xi32>
          %lt3A_391 = arith.cmpi slt, %broadcast_in_dim3A_388, %lt3A_390 : vector<16xi32>
          %add3A_392 = arith.constant 16 : i32
          %add3A_393 = vector.broadcast %add3A_392 : i32 to vector<16xi32>
          %add3A_394 = arith.addi %broadcast_in_dim3A_388, %add3A_393 : vector<16xi32>
          %select_n3A_395 = arith.select %lt3A_391, %add3A_394, %broadcast_in_dim3A_388 : vector<16xi1>, vector<16xi32>
          %broadcast_in_dim3A_396 = vector.shape_cast %select_n3A_395 : vector<16xi32> to vector<16x1xi32>
          %gather3A_397 = vector.shape_cast %broadcast_in_dim3A_396 : vector<16x1xi32> to vector<16xi32>
          %gather3A_398 = tpu.dynamic_gather %bitcast3A[%gather3A_397] in [0] : vector<16xf32>, vector<16xi32> -> vector<16xf32>
          %scan3A_399 = arith.constant 0 : i32
          %scan3A_400 = arith.constant 8 : i32
          %scan3A_401 = arith.addi %scan3A_399, %scan3A_400 : i32
          %scan3A_402 = arith.constant 1 : i32
          scf.for %scan3A_421 = %scan3A_399 to %scan3A_401 step %scan3A_402  : i32 {
            %mul3A_422 = arith.constant 16 : i32
            %mul3A_423 = arith.muli %scan3A_421, %mul3A_422 : i32
            %add3A_424 = arith.constant 0 : i32
            %add3A_425 = arith.addi %add3A_424, %mul3A_423 : i32
            %add3A_426 = arith.constant 14 : i32
            %add3A_427 = arith.addi %add3A_145, %add3A_426 : i32
            %get3A_428 = arith.index_cast %add3A_427 : i32 to index
            %get3A_429 = arith.index_cast %add3A_425 : i32 to index
            %get3A_430 = tpu.vector_load %arg13[%get3A_428, %get3A_429] {strides = array<i32>} : memref<128x128xf32, #tpu.memory_space<vmem>>, vector<16xf32>,
            %mul3A_431 = arith.mulf %get3A_430, %gather3A_398 : vector<16xf32>
            %add3A_432 = arith.constant 14 : i32
            %add3A_433 = arith.addi %add3A_145, %add3A_432 : i32
            %swap3A_434 = arith.index_cast %add3A_433 : i32 to index
            %swap3A_435 = arith.index_cast %add3A_425 : i32 to index
            %swap3A_436 = tpu.vector_load %arg13[%swap3A_434, %swap3A_435] {strides = array<i32>} : memref<128x128xf32, #tpu.memory_space<vmem>>, vector<16xf32>,
            tpu.vector_store %arg13[%swap3A_434, %swap3A_435], %mul3A_431 {strides = array<i32>} : memref<128x128xf32, #tpu.memory_space<vmem>>, vector<16xf32>,
          }
          %scan3A_403 = arith.constant 8 : i32
          %broadcast_in_dim3A_404 = arith.constant 15 : i32
          %broadcast_in_dim3A_405 = vector.broadcast %broadcast_in_dim3A_404 : i32 to vector<16xi32>
          %lt3A_406 = arith.constant 0 : i32
          %lt3A_407 = vector.broadcast %lt3A_406 : i32 to vector<16xi32>
          %lt3A_408 = arith.cmpi slt, %broadcast_in_dim3A_405, %lt3A_407 : vector<16xi32>
          %add3A_409 = arith.constant 16 : i32
          %add3A_410 = vector.broadcast %add3A_409 : i32 to vector<16xi32>
          %add3A_411 = arith.addi %broadcast_in_dim3A_405, %add3A_410 : vector<16xi32>
          %select_n3A_412 = arith.select %lt3A_408, %add3A_411, %broadcast_in_dim3A_405 : vector<16xi1>, vector<16xi32>
          %broadcast_in_dim3A_413 = vector.shape_cast %select_n3A_412 : vector<16xi32> to vector<16x1xi32>
          %gather3A_414 = vector.shape_cast %broadcast_in_dim3A_413 : vector<16x1xi32> to vector<16xi32>
          %gather3A_415 = tpu.dynamic_gather %bitcast3A[%gather3A_414] in [0] : vector<16xf32>, vector<16xi32> -> vector<16xf32>
          %scan3A_416 = arith.constant 0 : i32
          %scan3A_417 = arith.constant 8 : i32
          %scan3A_418 = arith.addi %scan3A_416, %scan3A_417 : i32
          %scan3A_419 = arith.constant 1 : i32
          scf.for %scan3A_421 = %scan3A_416 to %scan3A_418 step %scan3A_419  : i32 {
            %mul3A_422 = arith.constant 16 : i32
            %mul3A_423 = arith.muli %scan3A_421, %mul3A_422 : i32
            %add3A_424 = arith.constant 0 : i32
            %add3A_425 = arith.addi %add3A_424, %mul3A_423 : i32
            %add3A_426 = arith.constant 15 : i32
            %add3A_427 = arith.addi %add3A_145, %add3A_426 : i32
            %get3A_428 = arith.index_cast %add3A_427 : i32 to index
            %get3A_429 = arith.index_cast %add3A_425 : i32 to index
            %get3A_430 = tpu.vector_load %arg13[%get3A_428, %get3A_429] {strides = array<i32>} : memref<128x128xf32, #tpu.memory_space<vmem>>, vector<16xf32>,
            %mul3A_431 = arith.mulf %get3A_430, %gather3A_415 : vector<16xf32>
            %add3A_432 = arith.constant 15 : i32
            %add3A_433 = arith.addi %add3A_145, %add3A_432 : i32
            %swap3A_434 = arith.index_cast %add3A_433 : i32 to index
            %swap3A_435 = arith.index_cast %add3A_425 : i32 to index
            %swap3A_436 = tpu.vector_load %arg13[%swap3A_434, %swap3A_435] {strides = array<i32>} : memref<128x128xf32, #tpu.memory_space<vmem>>, vector<16xf32>,
            tpu.vector_store %arg13[%swap3A_434, %swap3A_435], %mul3A_431 {strides = array<i32>} : memref<128x128xf32, #tpu.memory_space<vmem>>, vector<16xf32>,
          }
          %scan3A_420 = arith.constant 8 : i32
        }
        %scan3A_138 = arith.constant 8 : i32
        %dma_start3A = arith.constant 0 : i32
        %dma_start3A_139 = arith.constant 0 : i32
        %dma_start3A_140 = tpu.memref_slice %arg15[%dma_start3A, %dma_start3A_139] : memref<10000x128xf32, #tpu.memory_space<vmem_shared>> -> memref<10000x128xf32, #tpu.memory_space<vmem_shared>>
        tpu.enqueue_indirect_dma source(%arg13 : memref<128x128xf32, #tpu.memory_space<vmem>>) target(%dma_start3A_140 : memref<10000x128xf32, #tpu.memory_space<vmem_shared>>) offsets(%arg12 : memref<128xi32, #tpu.memory_space<vmem>>) semaphore(%arg21 : memref<!tpu.dma_semaphore, #tpu.memory_space<semaphore_mem>>) {add = true}
      } else {
      }
      %add3A_120 = arith.constant 2 : i32
      %add3A_121 = arith.addi %add3A_101, %add3A_120 : i32
      %mul3A_122 = arith.constant 16 : i32
      %mul3A_123 = arith.muli %add3A_121, %mul3A_122 : i32
      %add3A_124 = arith.addi %arg1, %mul3A_123 : i32
      %lt3A_125 = arith.constant 1250 : i32
      %lt3A_126 = arith.cmpi slt, %add3A_124, %lt3A_125 : i32
      %convert_element_type3A_127 = arith.extui %lt3A_126 : i1 to i32
      %cond3A_128 = arith.constant 0 : i32
      %cond3A_129 = arith.cmpi ne, %convert_element_type3A_127, %cond3A_128 : i32
      scf.if %cond3A_129 {
        %add3A_130 = arith.constant 2 : i32
        %add3A_131 = arith.addi %add3A_101, %add3A_130 : i32
        %add3A_132 = arith.constant 0 : i32
        %add3A_133 = arith.addi %add3A_132, %arg1 : i32
        %mul3A_134 = arith.constant 16 : i32
        %mul3A_135 = arith.muli %add3A_131, %mul3A_134 : i32
        %add3A_136 = arith.addi %add3A_133, %mul3A_135 : i32
        %mul3A_137 = arith.constant 256 : i32
        %mul3A_138 = arith.muli %add3A_136, %mul3A_137 : i32
        %multiple_of3A_139 = tpu.assume_multiple %mul3A_138, 256 : i32
        %mul3A_140 = arith.constant 128 : i32
        %mul3A_141 = arith.muli %add3A_136, %mul3A_140 : i32
        %multiple_of3A_142 = tpu.assume_multiple %mul3A_141, 128 : i32
        %dma_start3A = tpu.memref_slice %arg3[%multiple_of3A_139] : memref<320000xi32, #tpu.memory_space<hbm>> -> memref<256xi32, #tpu.memory_space<hbm>>
        %dma_start3A_143 = tpu.memref_slice %arg3[%multiple_of3A_139] : memref<320000xi32, #tpu.memory_space<hbm>> -> memref<256xi32, #tpu.memory_space<hbm>>
        tpu.enqueue_dma source(%dma_start3A_143 : memref<256xi32, #tpu.memory_space<hbm>>) target(%arg10 : memref<256xi32, #tpu.memory_space<vmem>>) target_semaphore(%arg19 : memref<!tpu.dma_semaphore, #tpu.memory_space<semaphore_mem>>)
        %dma_start3A_144 = tpu.memref_slice %arg4[%multiple_of3A_142] : memref<160000xi32, #tpu.memory_space<hbm>> -> memref<128xi32, #tpu.memory_space<hbm>>
        %dma_start3A_145 = tpu.memref_slice %arg4[%multiple_of3A_142] : memref<160000xi32, #tpu.memory_space<hbm>> -> memref<128xi32, #tpu.memory_space<hbm>>
        tpu.enqueue_dma source(%dma_start3A_145 : memref<128xi32, #tpu.memory_space<hbm>>) target(%arg11 : memref<128xi32, #tpu.memory_space<vmem>>) target_semaphore(%arg19 : memref<!tpu.dma_semaphore, #tpu.memory_space<semaphore_mem>>)
      } else {
      }
    }
    %scan3A_40 = arith.constant 40 : i32
    %add3A_41 = arith.constant 0 : i32
    %add3A_42 = arith.addi %arg1, %add3A_41 : i32
    %lt3A_43 = arith.constant 1250 : i32
    %lt3A_44 = arith.cmpi slt, %add3A_42, %lt3A_43 : i32
    %convert_element_type3A_45 = arith.extui %lt3A_44 : i1 to i32
    %cond3A_46 = arith.constant 0 : i32
    %cond3A_47 = arith.cmpi ne, %convert_element_type3A_45, %cond3A_46 : i32
    scf.if %cond3A_47 {
      %dma_wait3A = arith.constant 0 : i32
      %dma_wait3A_61 = arith.constant 0 : i32
      %dma_wait3A_62 = tpu.memref_slice %arg15[%dma_wait3A, %dma_wait3A_61] : memref<10000x128xf32, #tpu.memory_space<vmem_shared>> -> memref<10000x128xf32, #tpu.memory_space<vmem_shared>>
      tpu.wait_indirect_dma semaphore(%arg20 : memref<!tpu.dma_semaphore, #tpu.memory_space<semaphore_mem>>) src(%arg9 : memref<128x128xf32, #tpu.memory_space<vmem>>) dst(%dma_wait3A_62 : memref<10000x128xf32, #tpu.memory_space<vmem_shared>>)
    } else {
    }
    %add3A_48 = arith.constant 16 : i32
    %add3A_49 = arith.addi %arg1, %add3A_48 : i32
    %lt3A_50 = arith.constant 1250 : i32
    %lt3A_51 = arith.cmpi slt, %add3A_49, %lt3A_50 : i32
    %convert_element_type3A_52 = arith.extui %lt3A_51 : i1 to i32
    %cond3A_53 = arith.constant 0 : i32
    %cond3A_54 = arith.cmpi ne, %convert_element_type3A_52, %cond3A_53 : i32
    scf.if %cond3A_54 {
      %dma_wait3A = arith.constant 0 : i32
      %dma_wait3A_61 = arith.constant 0 : i32
      %dma_wait3A_62 = tpu.memref_slice %arg15[%dma_wait3A, %dma_wait3A_61] : memref<10000x128xf32, #tpu.memory_space<vmem_shared>> -> memref<10000x128xf32, #tpu.memory_space<vmem_shared>>
      tpu.wait_indirect_dma semaphore(%arg21 : memref<!tpu.dma_semaphore, #tpu.memory_space<semaphore_mem>>) src(%arg13 : memref<128x128xf32, #tpu.memory_space<vmem>>) dst(%dma_wait3A_62 : memref<10000x128xf32, #tpu.memory_space<vmem_shared>>)
    } else {
    }
    %barrier3A_55 = arith.constant 0 : index
    tpu.barrier barrier_id(%barrier3A_55)
    "tpu.region"() ({
      %run_scoped3A = tpu.sem_alloc : memref<!tpu.dma_semaphore, #tpu.memory_space<semaphore_mem>>
      %dma_start3A = arith.constant 0 : i32
      %dma_start3A_61 = arith.constant 0 : i32
      %dma_start3A_62 = tpu.memref_slice %arg5[%arg0, %dma_start3A, %dma_start3A_61] : memref<2x10000x128xf32, #tpu.memory_space<hbm>> -> memref<1x10000x128xf32, #tpu.memory_space<hbm>>
      %dma_start3A_63 = tpu.memref_squeeze %dma_start3A_62 : memref<1x10000x128xf32, #tpu.memory_space<hbm>> -> memref<10000x128xf32, #tpu.memory_space<hbm>>
      %dma_start3A_64 = arith.constant 0 : i32
      %dma_start3A_65 = tpu.memref_slice %dma_start3A_63[%multiple_of3A, %dma_start3A_64] : memref<10000x128xf32, #tpu.memory_space<hbm>> -> memref<624x128xf32, #tpu.memory_space<hbm>>
      %dma_start3A_66 = arith.constant 0 : i32
      %dma_start3A_67 = tpu.memref_slice %arg15[%multiple_of3A, %dma_start3A_66] : memref<10000x128xf32, #tpu.memory_space<vmem_shared>> -> memref<624x128xf32, #tpu.memory_space<vmem_shared>>
      tpu.enqueue_dma source(%dma_start3A_67 : memref<624x128xf32, #tpu.memory_space<vmem_shared>>) target(%dma_start3A_65 : memref<624x128xf32, #tpu.memory_space<hbm>>) target_semaphore(%run_scoped3A : memref<!tpu.dma_semaphore, #tpu.memory_space<semaphore_mem>>)
      %dma_wait3A = arith.constant 0 : i32
      %dma_wait3A_68 = arith.constant 0 : i32
      %dma_wait3A_69 = tpu.memref_slice %arg5[%arg0, %dma_wait3A, %dma_wait3A_68] : memref<2x10000x128xf32, #tpu.memory_space<hbm>> -> memref<1x10000x128xf32, #tpu.memory_space<hbm>>
      %dma_wait3A_70 = tpu.memref_squeeze %dma_wait3A_69 : memref<1x10000x128xf32, #tpu.memory_space<hbm>> -> memref<10000x128xf32, #tpu.memory_space<hbm>>
      %dma_wait3A_71 = arith.constant 0 : i32
      %dma_wait3A_72 = tpu.memref_slice %dma_wait3A_70[%multiple_of3A, %dma_wait3A_71] : memref<10000x128xf32, #tpu.memory_space<hbm>> -> memref<624x128xf32, #tpu.memory_space<hbm>>
      %dma_wait3A_73 = arith.constant 0 : i32
      %dma_wait3A_74 = tpu.memref_slice %arg15[%multiple_of3A, %dma_wait3A_73] : memref<10000x128xf32, #tpu.memory_space<vmem_shared>> -> memref<624x128xf32, #tpu.memory_space<vmem_shared>>
      tpu.wait_dma2 semaphore(%run_scoped3A : memref<!tpu.dma_semaphore, #tpu.memory_space<semaphore_mem>>) src(%dma_wait3A_74 : memref<624x128xf32, #tpu.memory_space<vmem_shared>>) dst(%dma_wait3A_72 : memref<624x128xf32, #tpu.memory_space<hbm>>)
      tpu.yield
    }) : () -> ()
    %eq3A_56 = arith.constant 15 : i32
    %eq3A_57 = arith.cmpi eq, %arg1, %eq3A_56 : i32
    %convert_element_type3A_58 = arith.extui %eq3A_57 : i1 to i32
    %cond3A_59 = arith.constant 0 : i32
    %cond3A_60 = arith.cmpi ne, %convert_element_type3A_58, %cond3A_59 : i32
    scf.if %cond3A_60 {
      "tpu.region"() ({
        %run_scoped3A = tpu.sem_alloc : memref<!tpu.dma_semaphore, #tpu.memory_space<semaphore_mem>>
        %dma_start3A = arith.constant 0 : i32
        %dma_start3A_61 = arith.constant 0 : i32
        %dma_start3A_62 = tpu.memref_slice %arg5[%arg0, %dma_start3A, %dma_start3A_61] : memref<2x10000x128xf32, #tpu.memory_space<hbm>> -> memref<1x10000x128xf32, #tpu.memory_space<hbm>>
        %dma_start3A_63 = tpu.memref_squeeze %dma_start3A_62 : memref<1x10000x128xf32, #tpu.memory_space<hbm>> -> memref<10000x128xf32, #tpu.memory_space<hbm>>
        %dma_start3A_64 = arith.constant 9984 : i32
        %dma_start3A_65 = arith.constant 0 : i32
        %dma_start3A_66 = tpu.memref_slice %dma_start3A_63[%dma_start3A_64, %dma_start3A_65] : memref<10000x128xf32, #tpu.memory_space<hbm>> -> memref<16x128xf32, #tpu.memory_space<hbm>>
        %dma_start3A_67 = arith.constant 9984 : i32
        %dma_start3A_68 = arith.constant 0 : i32
        %dma_start3A_69 = tpu.memref_slice %arg15[%dma_start3A_67, %dma_start3A_68] : memref<10000x128xf32, #tpu.memory_space<vmem_shared>> -> memref<16x128xf32, #tpu.memory_space<vmem_shared>>
        tpu.enqueue_dma source(%dma_start3A_69 : memref<16x128xf32, #tpu.memory_space<vmem_shared>>) target(%dma_start3A_66 : memref<16x128xf32, #tpu.memory_space<hbm>>) target_semaphore(%run_scoped3A : memref<!tpu.dma_semaphore, #tpu.memory_space<semaphore_mem>>)
        %dma_wait3A = arith.constant 0 : i32
        %dma_wait3A_70 = arith.constant 0 : i32
        %dma_wait3A_71 = tpu.memref_slice %arg5[%arg0, %dma_wait3A, %dma_wait3A_70] : memref<2x10000x128xf32, #tpu.memory_space<hbm>> -> memref<1x10000x128xf32, #tpu.memory_space<hbm>>
        %dma_wait3A_72 = tpu.memref_squeeze %dma_wait3A_71 : memref<1x10000x128xf32, #tpu.memory_space<hbm>> -> memref<10000x128xf32, #tpu.memory_space<hbm>>
        %dma_wait3A_73 = arith.constant 9984 : i32
        %dma_wait3A_74 = arith.constant 0 : i32
        %dma_wait3A_75 = tpu.memref_slice %dma_wait3A_72[%dma_wait3A_73, %dma_wait3A_74] : memref<10000x128xf32, #tpu.memory_space<hbm>> -> memref<16x128xf32, #tpu.memory_space<hbm>>
        %dma_wait3A_76 = arith.constant 9984 : i32
        %dma_wait3A_77 = arith.constant 0 : i32
        %dma_wait3A_78 = tpu.memref_slice %arg15[%dma_wait3A_76, %dma_wait3A_77] : memref<10000x128xf32, #tpu.memory_space<vmem_shared>> -> memref<16x128xf32, #tpu.memory_space<vmem_shared>>
        tpu.wait_dma2 semaphore(%run_scoped3A : memref<!tpu.dma_semaphore, #tpu.memory_space<semaphore_mem>>) src(%dma_wait3A_78 : memref<16x128xf32, #tpu.memory_space<vmem_shared>>) dst(%dma_wait3A_75 : memref<16x128xf32, #tpu.memory_space<hbm>>)
        tpu.yield
      }) : () -> ()
    } else {
    }
    return
  }
}

module attributes {stable_mosaic.version = 14 : i64} {
  func.func @body(%arg0: i32, %arg1: memref<2x1000x128xf32, #tpu.memory_space<vmem>>, %arg2: memref<2x1x128xf32, #tpu.memory_space<vmem>>, %arg3: memref<256x128xf32, #tpu.memory_space<vmem>>, %arg4: memref<1000x128xf32, #tpu.memory_space<vmem>>) attributes {dimension_semantics = [#tpu.dimension_semantics<arbitrary>], iteration_bounds = array<i64: 10>, scalar_prefetch = 0 : i64, scratch_operands = 0 : i64, tpu.core_type = #tpu.core_type<tc>, window_params = [{transform_indices = @transform_0, window_bounds = array<i64: 2, 1000, 128>}, {pipeline_mode = #tpu.pipeline_mode<synchronous>, transform_indices = @transform_1, window_bounds = array<i64: 2, 1, 128>}, {pipeline_mode = #tpu.pipeline_mode<synchronous>, transform_indices = @transform_2, window_bounds = array<i64: 256, 128>}, {transform_indices = @transform_3, window_bounds = array<i64: 1000, 128>}]} {
    %get3A = arith.constant 0 : index
    %get3A_0 = arith.constant 0 : index
    %get3A_1 = arith.constant 0 : index
    %get3A_2 = vector.load %arg1[%get3A, %get3A_0, %get3A_1] : memref<2x1000x128xf32, #tpu.memory_space<vmem>>, vector<1x1000x128xf32>
    %get3A_3 = vector.shape_cast %get3A_2 : vector<1x1000x128xf32> to vector<1000x128xf32>
    %get3A_4 = arith.constant 0 : index
    %get3A_5 = arith.constant 0 : index
    %get3A_6 = arith.constant 0 : index
    %get3A_7 = vector.load %arg2[%get3A_4, %get3A_5, %get3A_6] : memref<2x1x128xf32, #tpu.memory_space<vmem>>, vector<1x1x128xf32>
    %get3A_8 = vector.shape_cast %get3A_7 : vector<1x1x128xf32> to vector<1x128xf32>
    %add3A = vector.broadcast %get3A_8 : vector<1x128xf32> to vector<1000x128xf32>
    %add3A_9 = arith.addf %get3A_3, %add3A : vector<1000x128xf32>
    %max3A = arith.constant 0.000000e+00 : f32
    %max3A_10 = vector.broadcast %max3A : f32 to vector<1000x128xf32>
    %max3A_11 = arith.maximumf %add3A_9, %max3A_10 : vector<1000x128xf32>
    %get3A_12 = arith.constant 1 : index
    %get3A_13 = arith.constant 0 : index
    %get3A_14 = arith.constant 0 : index
    %get3A_15 = vector.load %arg1[%get3A_12, %get3A_13, %get3A_14] : memref<2x1000x128xf32, #tpu.memory_space<vmem>>, vector<1x1000x128xf32>
    %get3A_16 = vector.shape_cast %get3A_15 : vector<1x1000x128xf32> to vector<1000x128xf32>
    %get3A_17 = arith.constant 1 : index
    %get3A_18 = arith.constant 0 : index
    %get3A_19 = arith.constant 0 : index
    %get3A_20 = vector.load %arg2[%get3A_17, %get3A_18, %get3A_19] : memref<2x1x128xf32, #tpu.memory_space<vmem>>, vector<1x1x128xf32>
    %get3A_21 = vector.shape_cast %get3A_20 : vector<1x1x128xf32> to vector<1x128xf32>
    %add3A_22 = vector.broadcast %get3A_21 : vector<1x128xf32> to vector<1000x128xf32>
    %add3A_23 = arith.addf %get3A_16, %add3A_22 : vector<1000x128xf32>
    %max3A_24 = arith.constant 0.000000e+00 : f32
    %max3A_25 = vector.broadcast %max3A_24 : f32 to vector<1000x128xf32>
    %max3A_26 = arith.maximumf %add3A_23, %max3A_25 : vector<1000x128xf32>
    %get3A_27 = arith.constant 0 : index
    %get3A_28 = arith.constant 0 : index
    %get3A_29 = vector.load %arg3[%get3A_27, %get3A_28] : memref<256x128xf32, #tpu.memory_space<vmem>>, vector<256x128xf32>
    %slice3A = vector.extract_strided_slice %get3A_29 {offsets = [0, 0], sizes = [128, 128], strides = [1, 1]} : vector<256x128xf32> to vector<128x128xf32>
    %dot_general3A = arith.constant dense<0.000000e+00> : vector<1000x128xf32>
    %dot_general3A_30 = tpu.matmul %max3A_11, %slice3A, %dot_general3A {dimension_numbers = #tpu.dot_dimension_numbers<[1], [0], [0], [1], [0, 0, 1, 1], [], []>, transpose_lhs_hint = false} : vector<1000x128xf32>, vector<128x128xf32>, vector<1000x128xf32> -> vector<1000x128xf32>
    %slice3A_31 = vector.extract_strided_slice %get3A_29 {offsets = [128, 0], sizes = [128, 128], strides = [1, 1]} : vector<256x128xf32> to vector<128x128xf32>
    %dot_general3A_32 = arith.constant dense<0.000000e+00> : vector<1000x128xf32>
    %dot_general3A_33 = tpu.matmul %max3A_26, %slice3A_31, %dot_general3A_32 {dimension_numbers = #tpu.dot_dimension_numbers<[1], [0], [0], [1], [0, 0, 1, 1], [], []>, transpose_lhs_hint = false} : vector<1000x128xf32>, vector<128x128xf32>, vector<1000x128xf32> -> vector<1000x128xf32>
    %add3A_34 = arith.addf %dot_general3A_30, %dot_general3A_33 : vector<1000x128xf32>
    %swap3A = arith.constant 0 : index
    %swap3A_35 = arith.constant 0 : index
    %swap3A_36 = vector.load %arg4[%swap3A, %swap3A_35] : memref<1000x128xf32, #tpu.memory_space<vmem>>, vector<1000x128xf32>
    tpu.vector_store %arg4[%swap3A, %swap3A_35], %add3A_34 {strides = array<i32>} : memref<1000x128xf32, #tpu.memory_space<vmem>>, vector<1000x128xf32>,
    return
  }
  func.func @transform_0(%arg0: i32) -> (i32, i32, i32) {
    %c0_i32 = arith.constant 0 : i32
    %c0_i32_0 = arith.constant 0 : i32
    %c0_i32_1 = arith.constant 0 : i32
    return %c0_i32, %arg0, %c0_i32_0 : i32, i32, i32
  }
  func.func @transform_1(%arg0: i32) -> (i32, i32, i32) {
    %c0_i32 = arith.constant 0 : i32
    %c0_i32_0 = arith.constant 0 : i32
    %c0_i32_1 = arith.constant 0 : i32
    %c0_i32_2 = arith.constant 0 : i32
    return %c0_i32, %c0_i32_0, %c0_i32_1 : i32, i32, i32
  }
  func.func @transform_2(%arg0: i32) -> (i32, i32) {
    %c0_i32 = arith.constant 0 : i32
    %c0_i32_0 = arith.constant 0 : i32
    %c0_i32_1 = arith.constant 0 : i32
    return %c0_i32, %c0_i32_0 : i32, i32
  }
  func.func @transform_3(%arg0: i32) -> (i32, i32) {
    %c0_i32 = arith.constant 0 : i32
    %c0_i32_0 = arith.constant 0 : i32
    return %arg0, %c0_i32 : i32, i32
  }
}

module attributes {stable_mosaic.version = 14 : i64} {
  func.func @body(%arg0: i32, %arg1: i32, %arg2: memref<1000x256xf32, #tpu.memory_space<vmem>>, %arg3: memref<256x128xf32, #tpu.memory_space<vmem>>, %arg4: memref<1x1000x128xf32, #tpu.memory_space<vmem>>) attributes {dimension_semantics = [#tpu.dimension_semantics<arbitrary>, #tpu.dimension_semantics<arbitrary>], iteration_bounds = array<i64: 2, 10>, scalar_prefetch = 0 : i64, scratch_operands = 0 : i64, tpu.core_type = #tpu.core_type<tc>, window_params = [{transform_indices = @transform_0, window_bounds = array<i64: 1000, 256>}, {transform_indices = @transform_1, window_bounds = array<i64: 256, 128>}, {transform_indices = @transform_2, window_bounds = array<i64: 1, 1000, 128>}]} {
    %get3A = arith.constant 0 : index
    %get3A_0 = arith.constant 0 : index
    %get3A_1 = vector.load %arg2[%get3A, %get3A_0] : memref<1000x256xf32, #tpu.memory_space<vmem>>, vector<1000x256xf32>
    %get3A_2 = arith.constant 0 : index
    %get3A_3 = arith.constant 0 : index
    %get3A_4 = vector.load %arg3[%get3A_2, %get3A_3] : memref<256x128xf32, #tpu.memory_space<vmem>>, vector<256x128xf32>
    %dot_general3A = arith.constant dense<0.000000e+00> : vector<1000x128xf32>
    %dot_general3A_5 = tpu.matmul %get3A_1, %get3A_4, %dot_general3A {dimension_numbers = #tpu.dot_dimension_numbers<[1], [0], [0], [1], [0, 0, 1, 1], [], []>, transpose_lhs_hint = false} : vector<1000x256xf32>, vector<256x128xf32>, vector<1000x128xf32> -> vector<1000x128xf32>
    %swap3A = arith.constant 0 : index
    %swap3A_6 = arith.constant 0 : index
    %swap3A_7 = arith.constant 0 : index
    %swap3A_8 = vector.load %arg4[%swap3A, %swap3A_6, %swap3A_7] : memref<1x1000x128xf32, #tpu.memory_space<vmem>>, vector<1x1000x128xf32>
    %swap3A_9 = vector.shape_cast %swap3A_8 : vector<1x1000x128xf32> to vector<1000x128xf32>
    %swap3A_10 = vector.shape_cast %dot_general3A_5 : vector<1000x128xf32> to vector<1x1000x128xf32>
    tpu.vector_store %arg4[%swap3A, %swap3A_6, %swap3A_7], %swap3A_10 {strides = array<i32>} : memref<1x1000x128xf32, #tpu.memory_space<vmem>>, vector<1x1000x128xf32>,
    return
  }
  func.func @transform_0(%arg0: i32, %arg1: i32) -> (i32, i32) {
    %c0_i32 = arith.constant 0 : i32
    %c0_i32_0 = arith.constant 0 : i32
    return %arg1, %c0_i32 : i32, i32
  }
  func.func @transform_1(%arg0: i32, %arg1: i32) -> (i32, i32) {
    %c0_i32 = arith.constant 0 : i32
    %c0_i32_0 = arith.constant 0 : i32
    return %c0_i32, %arg0 : i32, i32
  }
  func.func @transform_2(%arg0: i32, %arg1: i32) -> (i32, i32, i32) {
    %c0_i32 = arith.constant 0 : i32
    %c0_i32_0 = arith.constant 0 : i32
    return %arg0, %arg1, %c0_i32 : i32, i32, i32
  }
}

module attributes {stable_mosaic.version = 14 : i64} {
  func.func @body(%arg0: i32, %arg1: memref<2x1000x128xf32, #tpu.memory_space<vmem>>, %arg2: memref<1x128xf32, #tpu.memory_space<vmem>>, %arg3: memref<1000x128xf32, #tpu.memory_space<vmem>>) attributes {dimension_semantics = [#tpu.dimension_semantics<arbitrary>], iteration_bounds = array<i64: 10>, scalar_prefetch = 0 : i64, scratch_operands = 0 : i64, tpu.core_type = #tpu.core_type<tc>, window_params = [{transform_indices = @transform_0, window_bounds = array<i64: 2, 1000, 128>}, {pipeline_mode = #tpu.pipeline_mode<synchronous>, transform_indices = @transform_1, window_bounds = array<i64: 1, 128>}, {transform_indices = @transform_2, window_bounds = array<i64: 1000, 128>}]} {
    %get3A = arith.constant 0 : index
    %get3A_0 = arith.constant 0 : index
    %get3A_1 = arith.constant 0 : index
    %get3A_2 = vector.load %arg1[%get3A, %get3A_0, %get3A_1] : memref<2x1000x128xf32, #tpu.memory_space<vmem>>, vector<1x1000x128xf32>
    %get3A_3 = vector.shape_cast %get3A_2 : vector<1x1000x128xf32> to vector<1000x128xf32>
    %get3A_4 = arith.constant 1 : index
    %get3A_5 = arith.constant 0 : index
    %get3A_6 = arith.constant 0 : index
    %get3A_7 = vector.load %arg1[%get3A_4, %get3A_5, %get3A_6] : memref<2x1000x128xf32, #tpu.memory_space<vmem>>, vector<1x1000x128xf32>
    %get3A_8 = vector.shape_cast %get3A_7 : vector<1x1000x128xf32> to vector<1000x128xf32>
    %add3A = arith.addf %get3A_3, %get3A_8 : vector<1000x128xf32>
    %get3A_9 = arith.constant 0 : index
    %get3A_10 = arith.constant 0 : index
    %get3A_11 = vector.load %arg2[%get3A_9, %get3A_10] : memref<1x128xf32, #tpu.memory_space<vmem>>, vector<1x128xf32>
    %add3A_12 = vector.broadcast %get3A_11 : vector<1x128xf32> to vector<1000x128xf32>
    %add3A_13 = arith.addf %add3A, %add3A_12 : vector<1000x128xf32>
    %swap3A = arith.constant 0 : index
    %swap3A_14 = arith.constant 0 : index
    %swap3A_15 = vector.load %arg3[%swap3A, %swap3A_14] : memref<1000x128xf32, #tpu.memory_space<vmem>>, vector<1000x128xf32>
    tpu.vector_store %arg3[%swap3A, %swap3A_14], %add3A_13 {strides = array<i32>} : memref<1000x128xf32, #tpu.memory_space<vmem>>, vector<1000x128xf32>,
    return
  }
  func.func @transform_0(%arg0: i32) -> (i32, i32, i32) {
    %c0_i32 = arith.constant 0 : i32
    %c0_i32_0 = arith.constant 0 : i32
    %c0_i32_1 = arith.constant 0 : i32
    return %c0_i32, %arg0, %c0_i32_0 : i32, i32, i32
  }
  func.func @transform_1(%arg0: i32) -> (i32, i32) {
    %c0_i32 = arith.constant 0 : i32
    %c0_i32_0 = arith.constant 0 : i32
    %c0_i32_1 = arith.constant 0 : i32
    return %c0_i32, %c0_i32_0 : i32, i32
  }
  func.func @transform_2(%arg0: i32) -> (i32, i32) {
    %c0_i32 = arith.constant 0 : i32
    %c0_i32_0 = arith.constant 0 : i32
    return %arg0, %c0_i32 : i32, i32
  }
}

</mosaic_0001>

<sc_bundles>
// kernel: kernel.10.cloned.1.call-start
scs
__scs_entry_jumppad:
0x0: {  	(pc) =	sbr.rel $0x88, $3  }
0x1: {  	(tag) =	ssettag $0x0;
	lr =	simm.s32 $0x1  }
0x2: {  	[smem:$0x3F9A] =	sst lr;
	_ =	strace $0xD0000000  }
0x3: {  	_ = 	snop  }
0x4: {  	_ = 	snop  }
0x5: {  	_ = 	snop  }
0x6: {  	_ = 	snop  }
0x7: {  	_ = 	snop  }
__scs_overlays_trampoline_lowered:
0x8: {  	[smem:$0x3FA9] =	sst s0  }
0x9: {  	[smem:$0x3FAA] =	sst s1  }
0xa: {  	[smem:$0x3FAB] =	sst s2  }
0xb: {  	[smem:$0x3FAC] =	sst s3  }
0xc: {  	[smem:$0x3FAD] =	sst s4  }
0xd: {  	[smem:$0x3FAE] =	sst s5  }
0xe: {  	[smem:$0x3FAF] =	sst s6  }
0xf: {  	[smem:$0x3FB0] =	sst s7  }
0x10: {  	[smem:$0x3FB1] =	sst s8  }
0x11: {  	[smem:$0x3FB2] =	sst s9;
	s0 =	simm.s32 @!p0 $0x0  }
0x12: {  	s1 =	sld [smem:$0x3F98];
	s0 =	simm.s32 @p0 $0x1  }
0x13: {  	[smem:$0x3FB3] =	sst s0;
	s0 =	simm.s32 @!p1 $0x0  }
0x14: {  	s2 =	sld [smem:$0x3F97];
	s0 =	simm.s32 @p1 $0x1  }
0x15: {  	[smem:$0x3FB4] =	sst s0;
	s0 =	simm.s32 @!p2 $0x0  }
0x16: {  	s3 =	sld [smem:$0x3FDB];
	s0 =	simm.s32 @p2 $0x1  }
0x17: {  	s4 =	simm.s32 $0x1BF5;
	[smem:$0x3FB6] =	sst s0  }
0x18: {  	s0 =	sld [smem:$0x3F99];
	_ =	swait.ge [sflag:s4], $0x0  }
0x19: {  	s7 =	sld [smem:$0x3F9A]  }
0x1a: {  	s8 =	sadd.s32 $0xFFFFE003, lr  }
0x1b: {  	s9 =	sadd.s32 $0xFFFFFEF7, lr;
	s5 =	simm.s32 $0xFFFFFFFF;
	p2 =	slt.u32 s8, $0xFFFFF086  }
0x1c: {  	p1 =	slt.u32 s9, $0xF7A;
	s5 =	simm.s32 @!p2 $0x0  }
0x1d: {  	s5 =	simm.s32 @p1 $0x1;
	p0 =	seq.s32 s7, s2  }
0x1e: {  	s7 =	smul.u32 @!p0 $0xF7A, s2;
	p2 =	seq.s32 @!p0 s5, $0x0  }
0x1f: {  	s9 =	smul.u32 $0xF7A, s1;
	s8 =	simm.s32 @!p0 $0x1BF5;
	p2 =	por !p2, p0  }
0x20: {  	[sflag:s8] =	ssyncset.s32 @!p0 $0xFFFFF086;
	s6 =	sadd.s32 @!p0 s3, s7;
	s7 =	simm.s32 @!p0 $0x108  }
0x21: {  	s3 =	sadd.s32 s3, s9;
	s6 =	sadd.s32 @!p0 $0x88, s6;
	s7 =	simm.s32 @p2 $0x1082  }
0x22: {  	[simem:s7], [sflag:s8] =	dma.local @!p0 [hbm:s6], $0xF7A  }
0x23: {  	s9 =	sor.u32 $0xD0000000, s2;
	s6 =	simm.s32 $0x108;
	_ =	swait.ge @!p0 [sflag:s8], $0x0  }
0x24: {  	s3 =	sadd.s32 $0x88, s3;
	s6 =	simm.s32 @!p1 $0x1082;
	[sflag:s4] =	ssyncset.s32 $0xFFFFF086  }
0x25: {  	[simem:s6], [sflag:s4] =	dma.local [hbm:s3], $0xF7A  }
0x26: {  	[smem:$0x3F9A] =	sst s1;
	(tag) =	ssettag s2;
	_ =	strace s9  }
0x27: {  	s1 =	sld [smem:$0x3FAA]  }
0x28: {  	s2 =	sld [smem:$0x3FAB]  }
0x29: {  	s4 =	sld [smem:$0x3FAD]  }
0x2a: {  	p0 =	seq.s32 s5, $0x0;
	s5 =	sld [smem:$0x3FAE]  }
0x2b: {  	s6 =	sld [smem:$0x3FAF]  }
0x2c: {  	s7 =	sld [smem:$0x3FB0]  }
0x2d: {  	s3 =	simm.s32 $0x108;
	s8 =	sld [smem:$0x3FB1]  }
0x2e: {  	s3 =	simm.s32 @!p0 $0x1082;
	s9 =	sld [smem:$0x3FB2]  }
0x2f: {  	lr =	sadd.s32 s0, s3;
	s0 =	sld [smem:$0x3FA9]  }
0x30: {  	s3 =	sld [smem:$0x3FAC]  }
0x31: {  	[smem:$0x3FB5] =	sst s10  }
0x32: {  	s10 =	sld [smem:$0x3FB3];
	_ =	sdelay $0x3  }
0x33: {  	p0 =	seq.s32 s10, $0x1;
	s10 =	sld [smem:$0x3FB5];
	_ =	sdelay $0x3  }
0x34: {  	[smem:$0x3FB5] =	sst s10  }
0x35: {  	s10 =	sld [smem:$0x3FB4];
	_ =	sdelay $0x3  }
0x36: {  	p1 =	seq.s32 s10, $0x1;
	s10 =	sld [smem:$0x3FB5];
	_ =	sdelay $0x3  }
0x37: {  	[smem:$0x3FB5] =	sst s10  }
0x38: {  	s10 =	sld [smem:$0x3FB6]  }
0x39: {  	_ = 	snop;
	(pc) =	sbr.ind lr, $3  }
0x3a: {  	_ = 	snop  }
0x3b: {  	_ = 	snop  }
0x3c: {  	p2 =	seq.s32 s10, $0x1;
	s10 =	sld [smem:$0x3FB5]  }
0x3d: {  	_ =	shalt  }
0x3e: {  	_ =	shalt  }
0x3f: {  	_ =	shalt  }
0x40: {  	_ =	shalt  }
0x41: {  	_ =	shalt  }
0x42: {  	_ =	shalt  }
0x43: {  	_ =	shalt  }
0x44: {  	_ =	shalt  }
0x45: {  	_ =	shalt  }
0x46: {  	_ =	shalt  }
0x47: {  	_ =	shalt  }
0x48: {  	_ =	shalt  }
0x49: {  	_ =	shalt  }
0x4a: {  	_ =	shalt  }
0x4b: {  	_ =	shalt  }
0x4c: {  	_ =	shalt  }
0x4d: {  	_ =	shalt  }
0x4e: {  	_ =	shalt  }
0x4f: {  	_ =	shalt  }
0x50: {  	_ =	shalt  }
0x51: {  	_ =	shalt  }
0x52: {  	_ =	shalt  }
0x53: {  	_ =	shalt  }
0x54: {  	_ =	shalt  }
0x55: {  	_ =	shalt  }
0x56: {  	_ =	shalt  }
0x57: {  	_ =	shalt  }
0x58: {  	_ =	shalt  }
0x59: {  	_ =	shalt  }
0x5a: {  	_ =	shalt  }
0x5b: {  	_ =	shalt  }
0x5c: {  	_ =	shalt  }
0x5d: {  	_ =	shalt  }
0x5e: {  	_ =	shalt  }
0x5f: {  	_ =	shalt  }
0x60: {  	_ =	shalt  }
0x61: {  	_ =	shalt  }
0x62: {  	_ =	shalt  }
0x63: {  	_ =	shalt  }
0x64: {  	_ =	shalt  }
0x65: {  	_ =	shalt  }
0x66: {  	_ =	shalt  }
0x67: {  	_ =	shalt  }
0x68: {  	_ =	shalt  }
0x69: {  	_ =	shalt  }
0x6a: {  	_ =	shalt  }
0x6b: {  	_ =	shalt  }
0x6c: {  	_ =	shalt  }
0x6d: {  	_ =	shalt  }
0x6e: {  	_ =	shalt  }
0x6f: {  	_ =	shalt  }
0x70: {  	_ =	shalt  }
0x71: {  	_ =	shalt  }
0x72: {  	_ =	shalt  }
0x73: {  	_ =	shalt  }
0x74: {  	_ =	shalt  }
0x75: {  	_ =	shalt  }
0x76: {  	_ =	shalt  }
0x77: {  	_ =	shalt  }
0x78: {  	_ =	shalt  }
0x79: {  	_ =	shalt  }
0x7a: {  	_ =	shalt  }
0x7b: {  	_ =	shalt  }
0x7c: {  	_ =	shalt  }
0x7d: {  	_ =	shalt  }
0x7e: {  	_ =	shalt  }
0x7f: {  	_ =	shalt  }
0x80: {  	_ =	shalt  }
0x81: {  	_ =	shalt  }
0x82: {  	_ =	shalt  }
0x83: {  	_ =	shalt  }
0x84: {  	_ =	shalt  }
0x85: {  	_ =	shalt  }
0x86: {  	_ =	shalt  }
0x87: {  	_ =	shalt  }
.Lfunc_end0:
.L_simem_size_0:
called_computation.1_lowered:
.L_overlay_start_0:
0x88: {  	s2 =	sld [smem:$0x3FD9]  }
0x89: {  	s3 =	sld [smem:$0x3FFE];
	_ =	sdelay $0x1  }
0x8a: {  	s1 =	srdreg.scid  }
0x8b: {  	s0 =	sand.u32 $0x1, s1  }
0x8c: {  	s14 =	sshll.u32 s0, $0xA;
	s2 =	sadd.s32 s3, s2  }
0x8d: {  	s2 =	sadd.s32 s2, s14  }
0x8e: {  	[smem:$0x3FC1] =	sst s2  }
0x8f: {  	_ = 	snop  }
0x90: {  	s2 =	sld [smem:$0x3FD0];
	_ =	sdelay $0x2  }
0x91: {  	s15 =	simm.s32 $0xA;
	s4 =	simm.s32 $0x10  }
0x92: {  	[smem:s4], [sflag:s15] =	dma.local [hbm:s2], $0x1  }
0x93: {  	_ =	swait.eq [sflag:s15], $0x1  }
0x94: {  	[sflag:s15] =	ssyncset.done $0x0  }
0x95: {  	s16 =	sld [smem:$0x10];
	[sflag:s15] =	ssyncadd.s32 $0xFFFFFFFF  }
0x96: {  	s17 =	sld [smem:$0x11];
	(tm) =	ssettm $0x1  }
0x97: {  	s18 =	sld [smem:$0x3FFB];
	_ =	sdelay $0x3  }
0x98: {  	_ =	strace s18  }
0x99: {  	s4 =	sld [smem:$0x3FFC];
	_ =	sdelay $0x3  }
0x9a: {  	_ =	strace s4  }
0x9b: {  	s4 =	sld [smem:$0x3FFD];
	_ =	sdelay $0x3  }
0x9c: {  	_ =	strace s4  }
0x9d: {  	_ =	strace $0x8FFFFFFF  }
0x9e: {  	s19 =	sld [smem:$0x3FDB];
	_ =	sdelay $0x1  }
0x9f: {  	s5 =	simm.s32 $_scs_section_size  }
0xa0: {  	s6 =	simm.s32 $_size__tile_overlayer_lowered;
	s7 =	simm.s32 $_tile_overlayer_lowered  }
0xa1: {  	s22 =	simm.s32 $0x1BFF;
	s21 =	sshll.u32 s7, $0x1;
	s4 =	sadd.s32 s5, s19  }
0xa2: {  	s8 =	simm.s32 $0x0;
	s20 =	sshll.u32 s6, $0x1;
	s6 =	sadd.s32 s21, s4  }
0xa3: {  	[timem:s8], [sflag:s22] =	dma.local [hbm:s6], s20  }
0xa4: {  	_ =	swait.ge [sflag:s22], s20  }
0xa5: {  	s5 =	ssub.s32 $0x0, s20;
	[sflag:s22] =	ssyncset.done $0x0  }
0xa6: {  	[sflag:s22] =	ssyncadd.s32 s5;
	_ =	sdelay $0x1  }
0xa7: {  	s23 =	simm.s32 $0x1B8B  }
0xa8: {  	_ =	swait.ge [sflag:s23], $0x1  }
0xa9: {  	[sflag:s23] =	ssyncset.done $0x0  }
0xaa: {  	s25 =	simm.s32 $0x1B8E;
	s24 =	sld [smem:$0x3FFE];
	[sflag:s23] =	ssyncadd.s32 $0xFFFFFFFF  }
0xab: {  	s26 =	simm.s32 $execute0_lowered;
	[smem:$0x3FD2] =	sst s25  }
0xac: {  	s6 =	sshll.u32 s26, $0x1;
	_ =	strace $0x80000049;
	[dreg:$0x1] =	wrdreg $0xFFFFFFFF  }
0xad: {  	s28 =	simm.s32 $_size_execute0_lowered;
	s4 =	sadd.s32 s4, s6;
	[dreg:$0x0] =	wrdreg $0x0  }
0xae: {  	s6 =	sshll.u32 s28, $0x1;
	[dreg:$0x2] =	wrdreg s4  }
0xaf: {  	[dreg:$0x3] =	wrdreg s6  }
0xb0: {  	[dreg:$0x4] =	wrdreg $0xC0  }
0xb1: {  	_ =	task [dreg:s8], $0x5FFFF  }
0xb2: {  	[dreg:$0x1] =	wrdreg $0xFFFFFFFF  }
0xb3: {  	[dreg:$0x0] =	wrdreg $0x60  }
0xb4: {  	[dreg:$0x2] =	wrdreg s17  }
0xb5: {  	[dreg:$0x3] =	wrdreg s16  }
0xb6: {  	[dreg:$0x4] =	wrdreg s24  }
0xb7: {  	[dreg:$0x5] =	wrdreg $0xC4000  }
0xb8: {  	[dreg:$0x6] =	wrdreg $0x9  }
0xb9: {  	_ =	task.clear_ibuf [dreg:s8], $0x7FFFF;
	_ =	strace $0x90000049  }
0xba: {  	s29 =	simm.s32 $0x9;
	_ =	strace $0x8000004B  }
0xbb: {  	_ =	swait.ge [sflag:s29], $0x1  }
0xbc: {  	[sflag:s29] =	ssyncadd.s32 $0xFFFFFFFF  }
0xbd: {  	_ =	strace $0x9000004B  }
0xbe: {  	_ =	sfence  }
0xbf: {  	s30 =	sld [smem:$0x0];
	_ =	sdelay $0x2  }
0xc0: {  	s31 =	sshll.u32 s1, $0xD;
	s1 =	sshrl.u32 s1, $0x2  }
0xc1: {  	s3 =	sand.u32 $0x4000, s31;
	s1 =	sadd.s32 s1, s30  }
0xc2: {  	s0 =	sor.u32 s3, s0;
	s1 =	sshll.u32 s1, $0x11  }
0xc3: {  	s0 =	sor.u32 s1, s0  }
0xc4: {  	s0 =	sadd.s32 $0x8F2B, s0  }
0xc5: {  	[sflag:s0] =	ssyncadd.remote.s32 $0x1  }
0xc6: {  	_ =	sfence.sel $0xFFFF  }
0xc7: {  	[dreg:$0x0] =	wrdreg $0xFFFFFFFF;
	(pc) =	sbr.abs _section_cstart, $3  }
0xc8: {  	[dreg:$0x1] =	wrdreg $0xFFFFFFFF  }
0xc9: {  	_ =	task.clear_ibuf [dreg:s8], $0x2FFFF;
	_ =	strace $0x9FFFFFFF  }
0xca: {  	(tm) =	ssettm $0x7FFFFFFF  }
0xcb: {  	_ =	shalt  }
tec
execute0_lowered:
.L_overlay_start_1:
0x0: {  	(tag) =	ssettag $0x1  }
0x1: {  	s1 =	rddreg [dreg:$0x0]  }
0x2: {  	s2 =	rddreg [dreg:$0x1]  }
0x3: {  	s0 =	rddreg [dreg:$0x2];
	s4 =	srdreg.scid  }
0x4: {  	s3 =	rddreg [dreg:$0x3];
	s12 =	stileid.u32;
	s28 =	simm.s32 $0x80  }
0x5: {  	s29 =	simm.s32 $0x200;
	s30 =	simm.s32 $0x8400;
	s10 =	smul.u32 $0x4E000, s12  }
0x6: {  	s31 =	simm.s32 $0x7;
	s5 =	sand.u32 $0x1, s4;
	s26 =	smul.u32 $0x2700, s12  }
0x7: {  	s4 =	simm.s32 $0x0;
	s6 =	sadd.s32 $0x1200, s0;
	s7 =	smul.u32 $0x27100, s5  }
0x8: {  	[smem:$0x7FF] =	sst s4;
	s8 =	smul.u32 $0x271, s5;
	s5 =	ssub.s32 $0x2, s5  }
0x9: {  	p0 =	sne.s32 s12, $0xF;
	_ =	strace $0x8000004A;
	s16 =	sshrl.u32 s5, $0x1  }
0xa: {  	s20 =	sshrl.u32 s10, $0x2;
	s0 =	sadd.s32 s7, s0;
	s7 =	sadd.s32 s12, s8  }
0xb: {  	s5 =	ssub.s32 s5, s16;
	s10 =	sadd.s32 s20, s3;
	s9 =	sshll.u32 s7, $0x5  }
0xc: {  	s18 =	sshll.u32 s7, $0x4;
	s19 =	sadd.s32 $0x10, s7;
	s22 =	sadd.s32 $0x4000, s10  }
0xd: {  	s23 =	sadd.s32 $0x8000, s10;
	s24 =	sadd.s32 $0xC000, s10;
	[dreg:$0x9] =	wrdreg s22  }
0xe: {  	s25 =	sadd.s32 $0x10000, s10;
	s20 =	sadd.s32 $0x6200, s0;
	[dreg:$0xa] =	wrdreg s23  }
0xf: {  	s0 =	simm.s32 $0x1;
	s17 =	sadd.s32 s2, s9;
	[dreg:$0xb] =	wrdreg s24  }
0x10: {  	s8 =	sadd.s32 s6, s18;
	s11 =	sshll.u32 s19, $0x5;
	[dreg:$0xc] =	wrdreg s25  }
0x11: {  	s18 =	ssub.s32 $0x261, s12;
	s25 =	sadd.s32 s26, s20;
	s26 =	simm.s32 $0x3  }
0x12: {  	v0 =	vimm.f32 $0.0e+00;
	v1 =	vimm.s32 $0x0;
	s22 =	simm.s32 $0x180;
	s23 =	simm.s32 $0x2;
	s24 =	simm.s32 $0x4380  }
.Ltmp0:
0x13: {  	v2 =	vimm.s32 $0x1;
	v3 =	vimm.s32 $0x2;
	v4 =	vimm.s32 $0x3;
	s9 =	simm.s32 $0x6;
	[dreg:$0x5] =	wrdreg s17;
	(pc) =	sbr.rel .LBB2_1-.Ltmp0, $4  }
0x14: {  	v5 =	vimm.s32 $0x4;
	v6 =	vimm.s32 $0x5;
	v7 =	vimm.s32 $0x6;
	[dreg:$0x6] =	wrdreg s8;
	s8 =	sshll.u32 s19, $0x4;
	s21 =	sadd.s32 s2, s11  }
0x15: {  	v8 =	vimm.s32 $0x7;
	v9 =	vimm.s32 $0x8;
	v10 =	vimm.s32 $0x9;
	s17 =	sadd.s32 $0x138000, s3;
	s19 =	ssub.s32 $0x271, s12;
	s11 =	simm.s32 $0x0  }
0x16: {  	v11 =	vimm.s32 $0xA;
	v12 =	vimm.s32 $0xB;
	v13 =	vimm.s32 $0xC;
	[dreg:$0x7] =	wrdreg s21;
	s8 =	sadd.s32 s6, s8;
	s21 =	smax.u32 s5, $0x1  }
0x17: {  	v14 =	vimm.s32 $0xD;
	v15 =	vimm.s32 $0xE;
	v16 =	vimm.s32 $0xF;
	s5 =	simm.s32 $0x4400;
	[dreg:$0x8] =	wrdreg s8;
	s8 =	simm.s32 $0x5  }
.LBB2_11:
0x18: {  	_ =	swait.ge [sflag:s8], $0x4000  }
0x19: {  	[sflag:s8] =	ssyncset.done $0x0  }
0x1a: {  	[sflag:s8] =	ssyncadd.s32 $0xFFFFC000  }
0x1b: {  	_ =	swait.ge [sflag:s9], $0x4000  }
0x1c: {  	s12 =	stileid.u32;
	[sflag:s9] =	ssyncset.done $0x0  }
0x1d: {  	s12 =	sshll.u32 s12, $0x6;
	[sflag:s9] =	ssyncadd.s32 $0xFFFFC000  }
0x1e: {  	s13 =	sshrl.u32 s10, $0x3;
	s12 =	sor.u32 $0x1C07, s12;
	[bflag:$0x0] =	sbarrier.arrive $0xFFFF  }
0x1f: {  	[hbm:s25], [sflag:s12] =	dma.local [spmem:s13], $0x2700  }
0x20: {  	_ =	swait.ge [sflag:s31], $0x2700  }
0x21: {  	s14 =	sshrl.u32 @!p0 s17, $0x3;
	s11 =	sadd.s32 $0x1, s11;
	[sflag:s31] =	ssyncset.done $0x0  }
0x22: {  	p1 =	sne.s32 s11, s21;
	s13 =	sadd.s32 @!p0 $0x27000, s20;
	[sflag:s31] =	ssyncadd.s32 $0xFFFFD900  }
0x23: {  	[hbm:s13], [sflag:s12] =	dma.local @!p0 [spmem:s14], $0x100  }
.Ltmp1:
0x24: {  	_ = 	snop;
	(pc) =	sbr.rel @!p1 .LBB2_12-.Ltmp1, $4  }
0x25: {  	s12 =	simm.s32 @!p0 $0x7  }
0x26: {  	_ =	swait.ge @!p0 [sflag:s12], $0x100  }
0x27: {  	[sflag:s12] =	ssyncset.done @!p0 $0x0  }
0x28: {  	[sflag:s12] =	ssyncadd.s32 @!p0 $0xFFFFFF00  }
.LBB2_1:
0x29: {  	s12 =	rddreg [dreg:$0x5]  }
0x2a: {  	s16 =	rddreg [dreg:$0x6]  }
0x2b: {  	[tilespmem:s4], [sflag:$0x3] =	stream.linear.gather [hbm4b:s12+s4], $0x100, $0x38;
	[tilespmem:$0x1FC80] =	vst v63  }
0x2c: {  	s13 =	simm.s32 $0x100;
	s15 =	rddreg [dreg:$0x8]  }
0x2d: {  	[tilespmem:s13], [sflag:$0x3] =	stream.linear.gather [hbm4b:s16+s4], $0x80, $0x38;
	[tilespmem:$0x1FC80] =	vst v63  }
0x2e: {  	s14 =	simm.s32 $0x4200;
	s13 =	rddreg [dreg:$0x7]  }
0x2f: {  	[tilespmem:s14], [sflag:$0x4] =	stream.linear.gather [hbm4b:s13+s4], $0x100, $0x38;
	[tilespmem:$0x1FC80] =	vst v63  }
0x30: {  	s12 =	simm.s32 $0x0;
	s16 =	simm.s32 $0x4300;
	s13 =	simm.s32 $0x200  }
0x31: {  	[tilespmem:s16], [sflag:$0x4] =	stream.linear.gather [hbm4b:s15+s4], $0x80, $0x38;
	[tilespmem:$0x1FC80] =	vst v63  }
.LBB2_2:
0x32: {  	p1 =	sne.s32 s13, $0xFE00;
	[tilespmem:s12+$0x8470] =	vst v0  }
0x33: {  	[tilespmem:s12+$0x8400] =	vst v0  }
0x34: {  	[tilespmem:s12+$0x8410] =	vst v0  }
.Ltmp2:
0x35: {  	[tilespmem:s12+$0x8420] =	vst v0;
	(pc) =	sbr.rel @p1 .LBB2_2-.Ltmp2, $4  }
0x36: {  	[tilespmem:s12+$0x8430] =	vst v0  }
0x37: {  	[tilespmem:s12+$0x8440] =	vst v0  }
0x38: {  	[tilespmem:s12+$0x8450] =	vst v0  }
0x39: {  	[tilespmem:s12+$0x8460] =	vst v0;
	s12 =	sshra.s32 s13, $0x2;
	s13 =	sadd.s32 $0x200, s13  }
0x3a: {  	[tilespmem:s12+$0x8470] =	vst v0  }
0x3b: {  	[tilespmem:s12+$0x8400] =	vst v0  }
0x3c: {  	[tilespmem:s12+$0x8410] =	vst v0  }
0x3d: {  	[tilespmem:s12+$0x8420] =	vst v0  }
0x3e: {  	[tilespmem:s12+$0x8430] =	vst v0  }
0x3f: {  	[tilespmem:s12+$0x8440] =	vst v0  }
0x40: {  	[tilespmem:s12+$0x8450] =	vst v0  }
0x41: {  	[tilespmem:s12+$0x8460] =	vst v0  }
0x42: {  	_ =	swait.ge [sflag:s26], $0x100  }
0x43: {  	[sflag:s26] =	ssyncset.done $0x0  }
0x44: {  	[sflag:s26] =	ssyncadd.s32 $0xFFFFFF00  }
0x45: {  	_ =	swait.ge [sflag:s26], $0x80  }
0x46: {  	[sflag:s26] =	ssyncset.done $0x0  }
0x47: {  	[sflag:s26] =	ssyncadd.s32 $0xFFFFFF80  }
0x48: {  	[tilespmem:s29], [sflag:$0x1] =	stream.indirect.gather [hbm4b:s1+s28], $0x80, s4, s28, $0xb8;
	[tilespmem:$0x1FC80] =	vst v63  }
0x49: {  	_ = 	snop  }
0x4a: {  	[spmem:s10] =	stream.linear.scatter [tilespmem:s30], [sflag:$0x7], $0x4000, $0x38;
	[tilespmem:$0x1FC80] =	vst v63  }
0x4b: {  	_ =	swait.ge [sflag:s31], $0x4000  }
0x4c: {  	[sflag:s31] =	ssyncset.done $0x0  }
0x4d: {  	s13 =	rddreg [dreg:$0x9];
	[sflag:s31] =	ssyncadd.s32 $0xFFFFC000  }
0x4e: {  	[spmem:s13] =	stream.linear.scatter [tilespmem:s30], [sflag:$0x7], $0x4000, $0x38;
	[tilespmem:$0x1FC80] =	vst v63  }
0x4f: {  	_ =	swait.ge [sflag:s31], $0x4000  }
0x50: {  	[sflag:s31] =	ssyncset.done $0x0  }
0x51: {  	s14 =	rddreg [dreg:$0xa];
	[sflag:s31] =	ssyncadd.s32 $0xFFFFC000  }
0x52: {  	[spmem:s14] =	stream.linear.scatter [tilespmem:s30], [sflag:$0x7], $0x4000, $0x38;
	[tilespmem:$0x1FC80] =	vst v63  }
0x53: {  	_ =	swait.ge [sflag:s31], $0x4000  }
0x54: {  	[sflag:s31] =	ssyncset.done $0x0  }
0x55: {  	s15 =	rddreg [dreg:$0xb];
	[sflag:s31] =	ssyncadd.s32 $0xFFFFC000  }
0x56: {  	[spmem:s15] =	stream.linear.scatter [tilespmem:s30], [sflag:$0x7], $0x4000, $0x38;
	[tilespmem:$0x1FC80] =	vst v63  }
0x57: {  	_ =	swait.ge [sflag:s31], $0x4000  }
0x58: {  	[sflag:s31] =	ssyncset.done $0x0  }
0x59: {  	s16 =	rddreg [dreg:$0xc];
	[sflag:s31] =	ssyncadd.s32 $0xFFFFC000  }
0x5a: {  	[spmem:s16] =	stream.linear.scatter [tilespmem:s30], [sflag:$0x7], $0x3800, $0x38;
	[tilespmem:$0x1FC80] =	vst v63  }
0x5b: {  	_ =	swait.ge [sflag:s31], $0x3800  }
0x5c: {  	[sflag:s31] =	ssyncset.done $0x0  }
0x5d: {  	s12 =	simm.s32 @!p0 $0x8400;
	[sflag:s31] =	ssyncadd.s32 $0xFFFFC800  }
0x5e: {  	[spmem:s17] =	stream.linear.scatter @!p0 [tilespmem:s12], [sflag:$0x7], $0x800, $0x38;
	[tilespmem:$0x1FC80] =	vst v63  }
0x5f: {  	s12 =	simm.s32 @!p0 $0x7  }
.Ltmp3:
0x60: {  	_ =	swait.ge @!p0 [sflag:s12], $0x800;
	(pc) =	sbr.rel .LBB2_4-.Ltmp3, $4  }
0x61: {  	[sflag:s12] =	ssyncset.done @!p0 $0x0  }
0x62: {  	[sflag:s12] =	ssyncadd.s32 @!p0 $0xFFFFF800  }
0x63: {  	[bflag:$0x0] =	sbarrier.arrive $0xFFFF  }
0x64: {  	s12 =	simm.s32 $0x0  }
.LBB2_10:
0x65: {  	s13 =	sadd.s32 $0x30, s13  }
0x66: {  	p1 =	sge.u32 s13, s19  }
0x67: {  	s13 =	sadd.s32 @!p1 s7, s13  }
0x68: {  	s15 =	simm.s32 @!p1 $0x0;
	s14 =	sshll.u32 @!p1 s13, $0x5  }
0x69: {  	s16 =	simm.s32 @!p1 $0x4200;
	s13 =	sshll.u32 @!p1 s13, $0x4;
	s14 =	sadd.s32 @!p1 s2, s14  }
0x6a: {  	[tilespmem:s16], [sflag:$0x4] =	stream.linear.gather @!p1 [hbm4b:s14+s15], $0x100, $0x38;
	[tilespmem:$0x1FC80] =	vst v63  }
0x6b: {  	s12 =	sadd.s32 $0x1, s12;
	s13 =	sadd.s32 @!p1 s6, s13;
	s14 =	simm.s32 @!p1 $0x4300  }
0x6c: {  	[tilespmem:s14], [sflag:$0x4] =	stream.linear.gather @!p1 [hbm4b:s13+s15], $0x80, $0x38;
	[tilespmem:$0x1FC80] =	vst v63  }
0x6d: {  	p1 =	sne.s32 s12, $0x14  }
.Ltmp4:
0x6e: {  	_ = 	snop;
	(pc) =	sbr.rel @!p1 .LBB2_11-.Ltmp4, $1  }
0x6f: {  	_ =	sdelay $0x3  }
.LBB2_4:
0x70: {  	s13 =	sshll.u32 s12, $0x5  }
0x71: {  	p1 =	sge.u32 s13, s18  }
0x72: {  	p2 =	seq.s32 @!p1 s12, $0x0  }
0x73: {  	p2 =	por p2, p1  }
0x74: {  	s14 =	simm.s32 @!p2 $0x6  }
0x75: {  	_ =	swait.ge @!p2 [sflag:s14], $0x4000  }
0x76: {  	[sflag:s14] =	ssyncset.done @!p2 $0x0  }
0x77: {  	[sflag:s14] =	ssyncadd.s32 @!p2 $0xFFFFC000;
	s14 =	simm.s32 @!p1 $0x4  }
0x78: {  	_ =	swait.ge @!p1 [sflag:s14], $0x100  }
0x79: {  	[sflag:s14] =	ssyncset.done @!p1 $0x0  }
0x7a: {  	[sflag:s14] =	ssyncadd.s32 @!p1 $0xFFFFFF00  }
0x7b: {  	_ =	swait.ge @!p1 [sflag:s14], $0x80  }
0x7c: {  	s15 =	simm.s32 @!p1 $0x4200;
	[sflag:s14] =	ssyncset.done @!p1 $0x0  }
0x7d: {  	s16 =	simm.s32 @!p1 $0x4400;
	[sflag:s14] =	ssyncadd.s32 @!p1 $0xFFFFFF80;
	s14 =	simm.s32 @!p1 $0x80  }
0x7e: {  	[tilespmem:s16], [sflag:$0x2] =	stream.indirect.gather @!p1 [hbm4b:s1+s14], $0x80, s15, s14, $0xb8;
	[tilespmem:$0x1FC80] =	vst v63  }
0x7f: {  	_ =	swait.ge [sflag:s0], $0x4000  }
0x80: {  	[sflag:s0] =	ssyncset.done $0x0  }
0x81: {  	s14 =	simm.s32 $0x0;
	[sflag:s0] =	ssyncadd.s32 $0xFFFFC000  }
.LBB2_5:
0x82: {  	s15 =	sshll.u32 s14, $0x4  }
0x83: {  	v18 =	vld [tilespmem:s15+$0x100];
	_ =	sdelay $0x3  }
0x84: {  	s16 =	sshll.u32 s14, $0xB;
	v17 =	vld [tilespmem:s15+$0x80]  }
0x85: {  	s16 =	sand.u32 $0x3FFFF800, s16;
	[tilespmem:s15+$0x180] =	vst v18  }
0x86: {  	v18 =	vld [tilespmem:s16+$0x200]  }
0x87: {  	v19 =	vld [tilespmem:s16+$0x210]  }
0x88: {  	v20 =	vld [tilespmem:s16+$0x220]  }
0x89: {  	v21 =	vperm.xlane v17, v1;
	v22 =	vld [tilespmem:s16+$0x230]  }
0x8a: {  	v23 =	vld [tilespmem:s16+$0x240]  }
0x8b: {  	v24 =	vld [tilespmem:s16+$0x250];
	v18 =	vmul.f32 v18, v21  }
0x8c: {  	v25 =	vld [tilespmem:s16+$0x260];
	v19 =	vmul.f32 v19, v21  }
0x8d: {  	v38 =	vld [tilespmem:s16+$0x270];
	[tilespmem:s16+$0x200] =	vst v18;
	v18 =	vmul.f32 v20, v21  }
0x8e: {  	v39 =	vld [tilespmem:s16+$0x280];
	[tilespmem:s16+$0x210] =	vst v19;
	v19 =	vmul.f32 v22, v21  }
0x8f: {  	v40 =	vld [tilespmem:s16+$0x290];
	[tilespmem:s16+$0x220] =	vst v18;
	v18 =	vmul.f32 v23, v21  }
0x90: {  	v41 =	vld [tilespmem:s16+$0x2A0];
	[tilespmem:s16+$0x230] =	vst v19;
	v19 =	vmul.f32 v24, v21  }
0x91: {  	v42 =	vperm.xlane v17, v2;
	v26 =	vld [tilespmem:s16+$0x2B0];
	[tilespmem:s16+$0x240] =	vst v18;
	v18 =	vmul.f32 v25, v21  }
0x92: {  	v43 =	vld [tilespmem:s16+$0x2C0];
	[tilespmem:s16+$0x250] =	vst v19;
	v19 =	vmul.f32 v38, v21  }
0x93: {  	v44 =	vld [tilespmem:s16+$0x2D0];
	[tilespmem:s16+$0x260] =	vst v18;
	v18 =	vmul.f32 v39, v42  }
0x94: {  	v45 =	vld [tilespmem:s16+$0x2E0];
	[tilespmem:s16+$0x270] =	vst v19;
	v19 =	vmul.f32 v40, v42  }
0x95: {  	v46 =	vld [tilespmem:s16+$0x2F0];
	[tilespmem:s16+$0x280] =	vst v18;
	v18 =	vmul.f32 v41, v42  }
0x96: {  	v47 =	vld [tilespmem:s16+$0x300];
	[tilespmem:s16+$0x290] =	vst v19;
	v19 =	vmul.f32 v26, v42  }
0x97: {  	v48 =	vld [tilespmem:s16+$0x310];
	[tilespmem:s16+$0x2A0] =	vst v18;
	v18 =	vmul.f32 v43, v42  }
0x98: {  	v49 =	vld [tilespmem:s16+$0x320];
	[tilespmem:s16+$0x2B0] =	vst v19;
	v19 =	vmul.f32 v44, v42  }
0x99: {  	v50 =	vperm.xlane v17, v3;
	v51 =	vld [tilespmem:s16+$0x330];
	[tilespmem:s16+$0x2C0] =	vst v18;
	v18 =	vmul.f32 v45, v42  }
0x9a: {  	v52 =	vld [tilespmem:s16+$0x340];
	[tilespmem:s16+$0x2D0] =	vst v19;
	v19 =	vmul.f32 v46, v42  }
0x9b: {  	v53 =	vld [tilespmem:s16+$0x350];
	[tilespmem:s16+$0x2E0] =	vst v18;
	v18 =	vmul.f32 v47, v50  }
0x9c: {  	v54 =	vld [tilespmem:s16+$0x360];
	[tilespmem:s16+$0x2F0] =	vst v19;
	v19 =	vmul.f32 v48, v50  }
0x9d: {  	v55 =	vld [tilespmem:s16+$0x370];
	[tilespmem:s16+$0x300] =	vst v18;
	v18 =	vmul.f32 v49, v50  }
0x9e: {  	v56 =	vld [tilespmem:s16+$0x380];
	[tilespmem:s16+$0x310] =	vst v19;
	v19 =	vmul.f32 v51, v50  }
0x9f: {  	v57 =	vld [tilespmem:s16+$0x390];
	[tilespmem:s16+$0x320] =	vst v18;
	v18 =	vmul.f32 v52, v50  }
0xa0: {  	v58 =	vld [tilespmem:s16+$0x3A0];
	[tilespmem:s16+$0x330] =	vst v19;
	v19 =	vmul.f32 v53, v50  }
0xa1: {  	v59 =	vperm.xlane v17, v4;
	v60 =	vld [tilespmem:s16+$0x3B0];
	[tilespmem:s16+$0x340] =	vst v18;
	v18 =	vmul.f32 v54, v50  }
0xa2: {  	v61 =	vld [tilespmem:s16+$0x3C0];
	[tilespmem:s16+$0x350] =	vst v19;
	v19 =	vmul.f32 v55, v50  }
0xa3: {  	v62 =	vld [tilespmem:s16+$0x3D0];
	[tilespmem:s16+$0x360] =	vst v18;
	v18 =	vmul.f32 v56, v59  }
0xa4: {  	v63 =	vld [tilespmem:s16+$0x3E0];
	[tilespmem:s16+$0x370] =	vst v19;
	v19 =	vmul.f32 v57, v59  }
0xa5: {  	v28 =	vld [tilespmem:s16+$0x3F0];
	[tilespmem:s16+$0x380] =	vst v18;
	v18 =	vmul.f32 v58, v59  }
0xa6: {  	v29 =	vld [tilespmem:s16+$0x400];
	[tilespmem:s16+$0x390] =	vst v19;
	v19 =	vmul.f32 v60, v59  }
0xa7: {  	v30 =	vld [tilespmem:s16+$0x410];
	[tilespmem:s16+$0x3A0] =	vst v18;
	v18 =	vmul.f32 v61, v59  }
0xa8: {  	v31 =	vld [tilespmem:s16+$0x420];
	[tilespmem:s16+$0x3B0] =	vst v19;
	v19 =	vmul.f32 v62, v59  }
0xa9: {  	v32 =	vperm.xlane v17, v5;
	v33 =	vld [tilespmem:s16+$0x430];
	[tilespmem:s16+$0x3C0] =	vst v18;
	v18 =	vmul.f32 v63, v59  }
0xaa: {  	v34 =	vld [tilespmem:s16+$0x440];
	[tilespmem:s16+$0x3D0] =	vst v19;
	v19 =	vmul.f32 v28, v59  }
0xab: {  	v35 =	vld [tilespmem:s16+$0x450];
	[tilespmem:s16+$0x3E0] =	vst v18;
	v18 =	vmul.f32 v29, v32  }
0xac: {  	v36 =	vld [tilespmem:s16+$0x460];
	[tilespmem:s16+$0x3F0] =	vst v19;
	v19 =	vmul.f32 v30, v32  }
0xad: {  	v37 =	vld [tilespmem:s16+$0x470];
	[tilespmem:s16+$0x400] =	vst v18;
	v18 =	vmul.f32 v31, v32  }
0xae: {  	v38 =	vld [tilespmem:s16+$0x480];
	[tilespmem:s16+$0x410] =	vst v19;
	v19 =	vmul.f32 v33, v32  }
0xaf: {  	v39 =	vld [tilespmem:s16+$0x490];
	[tilespmem:s16+$0x420] =	vst v18;
	v18 =	vmul.f32 v34, v32  }
0xb0: {  	v40 =	vld [tilespmem:s16+$0x4A0];
	[tilespmem:s16+$0x430] =	vst v19;
	v19 =	vmul.f32 v35, v32  }
0xb1: {  	v41 =	vperm.xlane v17, v6;
	v42 =	vld [tilespmem:s16+$0x4B0];
	[tilespmem:s16+$0x440] =	vst v18;
	v18 =	vmul.f32 v36, v32  }
0xb2: {  	v43 =	vld [tilespmem:s16+$0x4C0];
	[tilespmem:s16+$0x450] =	vst v19;
	v19 =	vmul.f32 v37, v32  }
0xb3: {  	v44 =	vld [tilespmem:s16+$0x4D0];
	[tilespmem:s16+$0x460] =	vst v18;
	v18 =	vmul.f32 v38, v41  }
0xb4: {  	v45 =	vld [tilespmem:s16+$0x4E0];
	[tilespmem:s16+$0x470] =	vst v19;
	v19 =	vmul.f32 v39, v41  }
0xb5: {  	v46 =	vld [tilespmem:s16+$0x4F0];
	[tilespmem:s16+$0x480] =	vst v18;
	v18 =	vmul.f32 v40, v41  }
0xb6: {  	v47 =	vld [tilespmem:s16+$0x500];
	[tilespmem:s16+$0x490] =	vst v19;
	v19 =	vmul.f32 v42, v41  }
0xb7: {  	v48 =	vld [tilespmem:s16+$0x510];
	[tilespmem:s16+$0x4A0] =	vst v18;
	v18 =	vmul.f32 v43, v41  }
0xb8: {  	v49 =	vld [tilespmem:s16+$0x520];
	[tilespmem:s16+$0x4B0] =	vst v19;
	v19 =	vmul.f32 v44, v41  }
0xb9: {  	v51 =	vld [tilespmem:s16+$0x530];
	v50 =	vperm.xlane v17, v7;
	[tilespmem:s16+$0x4C0] =	vst v18;
	v18 =	vmul.f32 v45, v41  }
0xba: {  	v52 =	vld [tilespmem:s16+$0x540];
	[tilespmem:s16+$0x4D0] =	vst v19;
	v19 =	vmul.f32 v46, v41  }
0xbb: {  	v53 =	vld [tilespmem:s16+$0x550];
	[tilespmem:s16+$0x4E0] =	vst v18;
	v18 =	vmul.f32 v47, v50  }
0xbc: {  	v54 =	vld [tilespmem:s16+$0x560];
	[tilespmem:s16+$0x4F0] =	vst v19;
	v19 =	vmul.f32 v48, v50  }
0xbd: {  	v55 =	vld [tilespmem:s16+$0x570];
	[tilespmem:s16+$0x500] =	vst v18;
	v18 =	vmul.f32 v49, v50  }
0xbe: {  	v56 =	vld [tilespmem:s16+$0x580];
	[tilespmem:s16+$0x510] =	vst v19;
	v19 =	vmul.f32 v51, v50  }
0xbf: {  	v57 =	vld [tilespmem:s16+$0x590];
	[tilespmem:s16+$0x520] =	vst v18;
	v18 =	vmul.f32 v52, v50  }
0xc0: {  	v58 =	vld [tilespmem:s16+$0x5A0];
	[tilespmem:s16+$0x530] =	vst v19;
	v19 =	vmul.f32 v53, v50  }
0xc1: {  	v60 =	vld [tilespmem:s16+$0x5B0];
	v59 =	vperm.xlane v17, v8;
	[tilespmem:s16+$0x540] =	vst v18;
	v18 =	vmul.f32 v54, v50  }
0xc2: {  	v61 =	vld [tilespmem:s16+$0x5C0];
	[tilespmem:s16+$0x550] =	vst v19;
	v19 =	vmul.f32 v55, v50  }
0xc3: {  	v62 =	vld [tilespmem:s16+$0x5D0];
	[tilespmem:s16+$0x560] =	vst v18;
	v18 =	vmul.f32 v56, v59  }
0xc4: {  	v63 =	vld [tilespmem:s16+$0x5E0];
	[tilespmem:s16+$0x570] =	vst v19;
	v19 =	vmul.f32 v57, v59  }
0xc5: {  	v28 =	vld [tilespmem:s16+$0x5F0];
	[tilespmem:s16+$0x580] =	vst v18;
	v18 =	vmul.f32 v58, v59  }
0xc6: {  	v29 =	vld [tilespmem:s16+$0x600];
	[tilespmem:s16+$0x590] =	vst v19;
	v19 =	vmul.f32 v60, v59  }
0xc7: {  	v30 =	vld [tilespmem:s16+$0x610];
	[tilespmem:s16+$0x5A0] =	vst v18;
	v18 =	vmul.f32 v61, v59  }
0xc8: {  	v31 =	vld [tilespmem:s16+$0x620];
	[tilespmem:s16+$0x5B0] =	vst v19;
	v19 =	vmul.f32 v62, v59  }
0xc9: {  	v33 =	vld [tilespmem:s16+$0x630];
	v32 =	vperm.xlane v17, v9;
	[tilespmem:s16+$0x5C0] =	vst v18;
	v18 =	vmul.f32 v63, v59  }
0xca: {  	v34 =	vld [tilespmem:s16+$0x640];
	[tilespmem:s16+$0x5D0] =	vst v19;
	v19 =	vmul.f32 v28, v59  }
0xcb: {  	v35 =	vld [tilespmem:s16+$0x650];
	[tilespmem:s16+$0x5E0] =	vst v18;
	v18 =	vmul.f32 v29, v32  }
0xcc: {  	v36 =	vld [tilespmem:s16+$0x660];
	[tilespmem:s16+$0x5F0] =	vst v19;
	v19 =	vmul.f32 v30, v32  }
0xcd: {  	v37 =	vld [tilespmem:s16+$0x670];
	[tilespmem:s16+$0x600] =	vst v18;
	v18 =	vmul.f32 v31, v32  }
0xce: {  	v38 =	vld [tilespmem:s16+$0x680];
	[tilespmem:s16+$0x610] =	vst v19;
	v19 =	vmul.f32 v33, v32  }
0xcf: {  	v39 =	vld [tilespmem:s16+$0x690];
	[tilespmem:s16+$0x620] =	vst v18;
	v18 =	vmul.f32 v34, v32  }
0xd0: {  	v40 =	vld [tilespmem:s16+$0x6A0];
	[tilespmem:s16+$0x630] =	vst v19;
	v19 =	vmul.f32 v35, v32  }
0xd1: {  	v42 =	vld [tilespmem:s16+$0x6B0];
	v41 =	vperm.xlane v17, v10;
	[tilespmem:s16+$0x640] =	vst v18;
	v18 =	vmul.f32 v36, v32  }
0xd2: {  	v43 =	vld [tilespmem:s16+$0x6C0];
	[tilespmem:s16+$0x650] =	vst v19;
	v19 =	vmul.f32 v37, v32  }
0xd3: {  	v44 =	vld [tilespmem:s16+$0x6D0];
	[tilespmem:s16+$0x660] =	vst v18;
	v18 =	vmul.f32 v38, v41  }
0xd4: {  	v45 =	vld [tilespmem:s16+$0x6E0];
	[tilespmem:s16+$0x670] =	vst v19;
	v19 =	vmul.f32 v39, v41  }
0xd5: {  	v46 =	vld [tilespmem:s16+$0x6F0];
	[tilespmem:s16+$0x680] =	vst v18;
	v18 =	vmul.f32 v40, v41  }
0xd6: {  	v47 =	vld [tilespmem:s16+$0x700];
	[tilespmem:s16+$0x690] =	vst v19;
	v19 =	vmul.f32 v42, v41  }
0xd7: {  	v48 =	vld [tilespmem:s16+$0x710];
	[tilespmem:s16+$0x6A0] =	vst v18;
	v18 =	vmul.f32 v43, v41  }
0xd8: {  	v49 =	vld [tilespmem:s16+$0x720];
	[tilespmem:s16+$0x6B0] =	vst v19;
	v19 =	vmul.f32 v44, v41  }
0xd9: {  	v51 =	vld [tilespmem:s16+$0x730];
	v50 =	vperm.xlane v17, v11;
	[tilespmem:s16+$0x6C0] =	vst v18;
	v18 =	vmul.f32 v45, v41  }
0xda: {  	v52 =	vld [tilespmem:s16+$0x740];
	[tilespmem:s16+$0x6D0] =	vst v19;
	v19 =	vmul.f32 v46, v41  }
0xdb: {  	v53 =	vld [tilespmem:s16+$0x750];
	[tilespmem:s16+$0x6E0] =	vst v18;
	v18 =	vmul.f32 v47, v50  }
0xdc: {  	v54 =	vld [tilespmem:s16+$0x760];
	[tilespmem:s16+$0x6F0] =	vst v19;
	v19 =	vmul.f32 v48, v50  }
0xdd: {  	v55 =	vld [tilespmem:s16+$0x770];
	[tilespmem:s16+$0x700] =	vst v18;
	v18 =	vmul.f32 v49, v50  }
0xde: {  	v56 =	vld [tilespmem:s16+$0x780];
	[tilespmem:s16+$0x710] =	vst v19;
	v19 =	vmul.f32 v51, v50  }
0xdf: {  	v57 =	vld [tilespmem:s16+$0x790];
	[tilespmem:s16+$0x720] =	vst v18;
	v18 =	vmul.f32 v52, v50  }
0xe0: {  	v58 =	vld [tilespmem:s16+$0x7A0];
	[tilespmem:s16+$0x730] =	vst v19;
	v19 =	vmul.f32 v53, v50  }
0xe1: {  	v60 =	vld [tilespmem:s16+$0x7B0];
	v59 =	vperm.xlane v17, v12;
	[tilespmem:s16+$0x740] =	vst v18;
	v18 =	vmul.f32 v54, v50  }
0xe2: {  	v61 =	vld [tilespmem:s16+$0x7C0];
	[tilespmem:s16+$0x750] =	vst v19;
	v19 =	vmul.f32 v55, v50  }
0xe3: {  	v62 =	vld [tilespmem:s16+$0x7D0];
	[tilespmem:s16+$0x760] =	vst v18;
	v18 =	vmul.f32 v56, v59  }
0xe4: {  	v63 =	vld [tilespmem:s16+$0x7E0];
	[tilespmem:s16+$0x770] =	vst v19;
	v19 =	vmul.f32 v57, v59  }
0xe5: {  	v28 =	vld [tilespmem:s16+$0x7F0];
	[tilespmem:s16+$0x780] =	vst v18;
	v18 =	vmul.f32 v58, v59  }
0xe6: {  	v29 =	vld [tilespmem:s16+$0x800];
	[tilespmem:s16+$0x790] =	vst v19;
	v19 =	vmul.f32 v60, v59  }
0xe7: {  	v30 =	vld [tilespmem:s16+$0x810];
	[tilespmem:s16+$0x7A0] =	vst v18;
	v18 =	vmul.f32 v61, v59  }
0xe8: {  	v31 =	vld [tilespmem:s16+$0x820];
	[tilespmem:s16+$0x7B0] =	vst v19;
	v19 =	vmul.f32 v62, v59  }
0xe9: {  	v33 =	vld [tilespmem:s16+$0x830];
	v32 =	vperm.xlane v17, v13;
	[tilespmem:s16+$0x7C0] =	vst v18;
	v18 =	vmul.f32 v63, v59  }
0xea: {  	v34 =	vld [tilespmem:s16+$0x840];
	[tilespmem:s16+$0x7D0] =	vst v19;
	v19 =	vmul.f32 v28, v59  }
0xeb: {  	v35 =	vld [tilespmem:s16+$0x850];
	[tilespmem:s16+$0x7E0] =	vst v18;
	v18 =	vmul.f32 v29, v32  }
0xec: {  	v36 =	vld [tilespmem:s16+$0x860];
	[tilespmem:s16+$0x7F0] =	vst v19;
	v19 =	vmul.f32 v30, v32  }
0xed: {  	v37 =	vld [tilespmem:s16+$0x870];
	[tilespmem:s16+$0x800] =	vst v18;
	v18 =	vmul.f32 v31, v32  }
0xee: {  	v38 =	vld [tilespmem:s16+$0x880];
	[tilespmem:s16+$0x810] =	vst v19;
	v19 =	vmul.f32 v33, v32  }
0xef: {  	v39 =	vld [tilespmem:s16+$0x890];
	[tilespmem:s16+$0x820] =	vst v18;
	v18 =	vmul.f32 v34, v32  }
0xf0: {  	v40 =	vld [tilespmem:s16+$0x8A0];
	[tilespmem:s16+$0x830] =	vst v19;
	v19 =	vmul.f32 v35, v32  }
0xf1: {  	v42 =	vld [tilespmem:s16+$0x8B0];
	v41 =	vperm.xlane v17, v14;
	[tilespmem:s16+$0x840] =	vst v18;
	v18 =	vmul.f32 v36, v32  }
0xf2: {  	v43 =	vld [tilespmem:s16+$0x8C0];
	[tilespmem:s16+$0x850] =	vst v19;
	v19 =	vmul.f32 v37, v32  }
0xf3: {  	v44 =	vld [tilespmem:s16+$0x8D0];
	[tilespmem:s16+$0x860] =	vst v18;
	v18 =	vmul.f32 v38, v41  }
0xf4: {  	v45 =	vld [tilespmem:s16+$0x8E0];
	[tilespmem:s16+$0x870] =	vst v19;
	v19 =	vmul.f32 v39, v41  }
0xf5: {  	v46 =	vld [tilespmem:s16+$0x8F0];
	[tilespmem:s16+$0x880] =	vst v18;
	v18 =	vmul.f32 v40, v41  }
0xf6: {  	v47 =	vld [tilespmem:s16+$0x900];
	[tilespmem:s16+$0x890] =	vst v19;
	v19 =	vmul.f32 v42, v41  }
0xf7: {  	v48 =	vld [tilespmem:s16+$0x910];
	[tilespmem:s16+$0x8A0] =	vst v18;
	v18 =	vmul.f32 v43, v41  }
0xf8: {  	v49 =	vld [tilespmem:s16+$0x920];
	[tilespmem:s16+$0x8B0] =	vst v19;
	v19 =	vmul.f32 v44, v41  }
0xf9: {  	v51 =	vld [tilespmem:s16+$0x930];
	v50 =	vperm.xlane v17, v15;
	[tilespmem:s16+$0x8C0] =	vst v18;
	v18 =	vmul.f32 v45, v41  }
0xfa: {  	v52 =	vld [tilespmem:s16+$0x940];
	[tilespmem:s16+$0x8D0] =	vst v19;
	v19 =	vmul.f32 v46, v41  }
0xfb: {  	v53 =	vld [tilespmem:s16+$0x950];
	[tilespmem:s16+$0x8E0] =	vst v18;
	v18 =	vmul.f32 v47, v50  }
0xfc: {  	v54 =	vld [tilespmem:s16+$0x960];
	[tilespmem:s16+$0x8F0] =	vst v19;
	v19 =	vmul.f32 v48, v50  }
0xfd: {  	v55 =	vld [tilespmem:s16+$0x970];
	[tilespmem:s16+$0x900] =	vst v18;
	v18 =	vmul.f32 v49, v50  }
0xfe: {  	v56 =	vld [tilespmem:s16+$0x980];
	[tilespmem:s16+$0x910] =	vst v19;
	v19 =	vmul.f32 v51, v50  }
0xff: {  	v57 =	vld [tilespmem:s16+$0x990];
	[tilespmem:s16+$0x920] =	vst v18;
	v18 =	vmul.f32 v52, v50  }
0x100: {  	v58 =	vld [tilespmem:s16+$0x9A0];
	[tilespmem:s16+$0x930] =	vst v19;
	v19 =	vmul.f32 v53, v50  }
0x101: {  	v17 =	vperm.xlane v17, v16;
	v59 =	vld [tilespmem:s16+$0x9B0];
	[tilespmem:s16+$0x940] =	vst v18;
	v18 =	vmul.f32 v54, v50  }
0x102: {  	v60 =	vld [tilespmem:s16+$0x9C0];
	[tilespmem:s16+$0x950] =	vst v19;
	v19 =	vmul.f32 v55, v50  }
0x103: {  	v61 =	vld [tilespmem:s16+$0x9D0];
	[tilespmem:s16+$0x960] =	vst v18;
	v18 =	vmul.f32 v56, v17  }
0x104: {  	v62 =	vld [tilespmem:s16+$0x9E0];
	[tilespmem:s16+$0x970] =	vst v19;
	v19 =	vmul.f32 v57, v17  }
0x105: {  	v63 =	vld [tilespmem:s16+$0x9F0];
	[tilespmem:s16+$0x980] =	vst v18;
	v18 =	vmul.f32 v58, v17  }
0x106: {  	[tilespmem:s16+$0x990] =	vst v19;
	v19 =	vmul.f32 v59, v17  }
0x107: {  	p2 =	sne.s32 s14, $0x7;
	[tilespmem:s16+$0x9A0] =	vst v18;
	v18 =	vmul.f32 v60, v17  }
.Ltmp5:
0x108: {  	[tilespmem:s16+$0x9B0] =	vst v19;
	v19 =	vmul.f32 v61, v17;
	(pc) =	sbr.rel @p2 .LBB2_5-.Ltmp5, $4  }
0x109: {  	[tilespmem:s16+$0x9C0] =	vst v18;
	v18 =	vmul.f32 v62, v17  }
0x10a: {  	[tilespmem:s16+$0x9D0] =	vst v19;
	v17 =	vmul.f32 v63, v17  }
0x10b: {  	[tilespmem:s16+$0x9E0] =	vst v18  }
0x10c: {  	s14 =	sadd.s32 $0x1, s14;
	[tilespmem:s16+$0x9F0] =	vst v17  }
0x10d: {  	[spmem:s3] =	stream.indirect.scatter.add.f32 [tilespmem:s29], [sflag:$0x5], $0x80, s22, s28, $0xb8;
	[tilespmem:$0x1FC80] =	vst v63  }
0x10e: {  	s14 =	sadd.s32 $0x20, s13  }
0x10f: {  	p2 =	sge.u32 s14, s19  }
0x110: {  	s14 =	sadd.s32 @!p2 s7, s14  }
0x111: {  	s15 =	sshll.u32 @!p2 s14, $0x5  }
0x112: {  	s16 =	simm.s32 @!p2 $0x0;
	s14 =	sshll.u32 @!p2 s14, $0x4;
	s15 =	sadd.s32 @!p2 s2, s15  }
0x113: {  	[tilespmem:s16], [sflag:$0x3] =	stream.linear.gather @!p2 [hbm4b:s15+s16], $0x100, $0x38;
	[tilespmem:$0x1FC80] =	vst v63  }
0x114: {  	s14 =	sadd.s32 @!p2 s6, s14;
	s15 =	simm.s32 @!p2 $0x100  }
0x115: {  	[tilespmem:s15], [sflag:$0x3] =	stream.linear.gather @!p2 [hbm4b:s14+s16], $0x80, $0x38;
	[tilespmem:$0x1FC80] =	vst v63  }
0x116: {  	s14 =	simm.s32 @!p2 $0x5  }
0x117: {  	_ =	swait.ge @!p2 [sflag:s14], $0x4000  }
0x118: {  	[sflag:s14] =	ssyncset.done @!p2 $0x0  }
0x119: {  	[sflag:s14] =	ssyncadd.s32 @!p2 $0xFFFFC000;
	s14 =	simm.s32 @!p2 $0x3  }
0x11a: {  	_ =	swait.ge @!p2 [sflag:s14], $0x100  }
0x11b: {  	[sflag:s14] =	ssyncset.done @!p2 $0x0  }
.Ltmp6:
0x11c: {  	[sflag:s14] =	ssyncadd.s32 @!p2 $0xFFFFFF00;
	(pc) =	sbr.rel @p1 .LBB2_10-.Ltmp6, $4  }
0x11d: {  	_ =	swait.ge @!p2 [sflag:s14], $0x80  }
0x11e: {  	[sflag:s14] =	ssyncset.done @!p2 $0x0  }
0x11f: {  	s15 =	simm.s32 @!p2 $0x200;
	[sflag:s14] =	ssyncadd.s32 @!p2 $0xFFFFFF80;
	s14 =	simm.s32 @!p2 $0x80  }
0x120: {  	[tilespmem:s15], [sflag:$0x1] =	stream.indirect.gather @!p2 [hbm4b:s1+s14], $0x80, s16, s14, $0xb8;
	[tilespmem:$0x1FC80] =	vst v63  }
0x121: {  	_ =	swait.ge [sflag:s23], $0x4000  }
0x122: {  	[sflag:s23] =	ssyncset.done $0x0  }
0x123: {  	s14 =	simm.s32 $0x0;
	[sflag:s23] =	ssyncadd.s32 $0xFFFFC000  }
.LBB2_8:
0x124: {  	s15 =	sshll.u32 s14, $0x4  }
0x125: {  	v18 =	vld [tilespmem:s15+$0x4300];
	_ =	sdelay $0x3  }
0x126: {  	s16 =	sshll.u32 s14, $0xB;
	v17 =	vld [tilespmem:s15+$0x4280]  }
0x127: {  	s16 =	sand.u32 $0x3FFFF800, s16;
	[tilespmem:s15+$0x4380] =	vst v18  }
0x128: {  	v18 =	vld [tilespmem:s16+$0x4400]  }
0x129: {  	v19 =	vld [tilespmem:s16+$0x4410]  }
0x12a: {  	v20 =	vld [tilespmem:s16+$0x4420]  }
0x12b: {  	v21 =	vperm.xlane v17, v1;
	v22 =	vld [tilespmem:s16+$0x4430]  }
0x12c: {  	v23 =	vld [tilespmem:s16+$0x4440]  }
0x12d: {  	v24 =	vld [tilespmem:s16+$0x4450];
	v18 =	vmul.f32 v18, v21  }
0x12e: {  	v25 =	vld [tilespmem:s16+$0x4460];
	v19 =	vmul.f32 v19, v21  }
0x12f: {  	v38 =	vld [tilespmem:s16+$0x4470];
	[tilespmem:s16+$0x4400] =	vst v18;
	v18 =	vmul.f32 v20, v21  }
0x130: {  	v39 =	vld [tilespmem:s16+$0x4480];
	[tilespmem:s16+$0x4410] =	vst v19;
	v19 =	vmul.f32 v22, v21  }
0x131: {  	v40 =	vld [tilespmem:s16+$0x4490];
	[tilespmem:s16+$0x4420] =	vst v18;
	v18 =	vmul.f32 v23, v21  }
0x132: {  	v41 =	vld [tilespmem:s16+$0x44A0];
	[tilespmem:s16+$0x4430] =	vst v19;
	v19 =	vmul.f32 v24, v21  }
0x133: {  	v42 =	vperm.xlane v17, v2;
	v26 =	vld [tilespmem:s16+$0x44B0];
	[tilespmem:s16+$0x4440] =	vst v18;
	v18 =	vmul.f32 v25, v21  }
0x134: {  	v43 =	vld [tilespmem:s16+$0x44C0];
	[tilespmem:s16+$0x4450] =	vst v19;
	v19 =	vmul.f32 v38, v21  }
0x135: {  	v44 =	vld [tilespmem:s16+$0x44D0];
	[tilespmem:s16+$0x4460] =	vst v18;
	v18 =	vmul.f32 v39, v42  }
0x136: {  	v45 =	vld [tilespmem:s16+$0x44E0];
	[tilespmem:s16+$0x4470] =	vst v19;
	v19 =	vmul.f32 v40, v42  }
0x137: {  	v46 =	vld [tilespmem:s16+$0x44F0];
	[tilespmem:s16+$0x4480] =	vst v18;
	v18 =	vmul.f32 v41, v42  }
0x138: {  	v47 =	vld [tilespmem:s16+$0x4500];
	[tilespmem:s16+$0x4490] =	vst v19;
	v19 =	vmul.f32 v26, v42  }
0x139: {  	v48 =	vld [tilespmem:s16+$0x4510];
	[tilespmem:s16+$0x44A0] =	vst v18;
	v18 =	vmul.f32 v43, v42  }
0x13a: {  	v49 =	vld [tilespmem:s16+$0x4520];
	[tilespmem:s16+$0x44B0] =	vst v19;
	v19 =	vmul.f32 v44, v42  }
0x13b: {  	v50 =	vperm.xlane v17, v3;
	v51 =	vld [tilespmem:s16+$0x4530];
	[tilespmem:s16+$0x44C0] =	vst v18;
	v18 =	vmul.f32 v45, v42  }
0x13c: {  	v52 =	vld [tilespmem:s16+$0x4540];
	[tilespmem:s16+$0x44D0] =	vst v19;
	v19 =	vmul.f32 v46, v42  }
0x13d: {  	v53 =	vld [tilespmem:s16+$0x4550];
	[tilespmem:s16+$0x44E0] =	vst v18;
	v18 =	vmul.f32 v47, v50  }
0x13e: {  	v54 =	vld [tilespmem:s16+$0x4560];
	[tilespmem:s16+$0x44F0] =	vst v19;
	v19 =	vmul.f32 v48, v50  }
0x13f: {  	v55 =	vld [tilespmem:s16+$0x4570];
	[tilespmem:s16+$0x4500] =	vst v18;
	v18 =	vmul.f32 v49, v50  }
0x140: {  	v56 =	vld [tilespmem:s16+$0x4580];
	[tilespmem:s16+$0x4510] =	vst v19;
	v19 =	vmul.f32 v51, v50  }
0x141: {  	v57 =	vld [tilespmem:s16+$0x4590];
	[tilespmem:s16+$0x4520] =	vst v18;
	v18 =	vmul.f32 v52, v50  }
0x142: {  	v58 =	vld [tilespmem:s16+$0x45A0];
	[tilespmem:s16+$0x4530] =	vst v19;
	v19 =	vmul.f32 v53, v50  }
0x143: {  	v59 =	vperm.xlane v17, v4;
	v60 =	vld [tilespmem:s16+$0x45B0];
	[tilespmem:s16+$0x4540] =	vst v18;
	v18 =	vmul.f32 v54, v50  }
0x144: {  	v61 =	vld [tilespmem:s16+$0x45C0];
	[tilespmem:s16+$0x4550] =	vst v19;
	v19 =	vmul.f32 v55, v50  }
0x145: {  	v62 =	vld [tilespmem:s16+$0x45D0];
	[tilespmem:s16+$0x4560] =	vst v18;
	v18 =	vmul.f32 v56, v59  }
0x146: {  	v63 =	vld [tilespmem:s16+$0x45E0];
	[tilespmem:s16+$0x4570] =	vst v19;
	v19 =	vmul.f32 v57, v59  }
0x147: {  	v28 =	vld [tilespmem:s16+$0x45F0];
	[tilespmem:s16+$0x4580] =	vst v18;
	v18 =	vmul.f32 v58, v59  }
0x148: {  	v29 =	vld [tilespmem:s16+$0x4600];
	[tilespmem:s16+$0x4590] =	vst v19;
	v19 =	vmul.f32 v60, v59  }
0x149: {  	v30 =	vld [tilespmem:s16+$0x4610];
	[tilespmem:s16+$0x45A0] =	vst v18;
	v18 =	vmul.f32 v61, v59  }
0x14a: {  	v31 =	vld [tilespmem:s16+$0x4620];
	[tilespmem:s16+$0x45B0] =	vst v19;
	v19 =	vmul.f32 v62, v59  }
0x14b: {  	v32 =	vperm.xlane v17, v5;
	v33 =	vld [tilespmem:s16+$0x4630];
	[tilespmem:s16+$0x45C0] =	vst v18;
	v18 =	vmul.f32 v63, v59  }
0x14c: {  	v34 =	vld [tilespmem:s16+$0x4640];
	[tilespmem:s16+$0x45D0] =	vst v19;
	v19 =	vmul.f32 v28, v59  }
0x14d: {  	v35 =	vld [tilespmem:s16+$0x4650];
	[tilespmem:s16+$0x45E0] =	vst v18;
	v18 =	vmul.f32 v29, v32  }
0x14e: {  	v36 =	vld [tilespmem:s16+$0x4660];
	[tilespmem:s16+$0x45F0] =	vst v19;
	v19 =	vmul.f32 v30, v32  }
0x14f: {  	v37 =	vld [tilespmem:s16+$0x4670];
	[tilespmem:s16+$0x4600] =	vst v18;
	v18 =	vmul.f32 v31, v32  }
0x150: {  	v38 =	vld [tilespmem:s16+$0x4680];
	[tilespmem:s16+$0x4610] =	vst v19;
	v19 =	vmul.f32 v33, v32  }
0x151: {  	v39 =	vld [tilespmem:s16+$0x4690];
	[tilespmem:s16+$0x4620] =	vst v18;
	v18 =	vmul.f32 v34, v32  }
0x152: {  	v40 =	vld [tilespmem:s16+$0x46A0];
	[tilespmem:s16+$0x4630] =	vst v19;
	v19 =	vmul.f32 v35, v32  }
0x153: {  	v41 =	vperm.xlane v17, v6;
	v42 =	vld [tilespmem:s16+$0x46B0];
	[tilespmem:s16+$0x4640] =	vst v18;
	v18 =	vmul.f32 v36, v32  }
0x154: {  	v43 =	vld [tilespmem:s16+$0x46C0];
	[tilespmem:s16+$0x4650] =	vst v19;
	v19 =	vmul.f32 v37, v32  }
0x155: {  	v44 =	vld [tilespmem:s16+$0x46D0];
	[tilespmem:s16+$0x4660] =	vst v18;
	v18 =	vmul.f32 v38, v41  }
0x156: {  	v45 =	vld [tilespmem:s16+$0x46E0];
	[tilespmem:s16+$0x4670] =	vst v19;
	v19 =	vmul.f32 v39, v41  }
0x157: {  	v46 =	vld [tilespmem:s16+$0x46F0];
	[tilespmem:s16+$0x4680] =	vst v18;
	v18 =	vmul.f32 v40, v41  }
0x158: {  	v47 =	vld [tilespmem:s16+$0x4700];
	[tilespmem:s16+$0x4690] =	vst v19;
	v19 =	vmul.f32 v42, v41  }
0x159: {  	v48 =	vld [tilespmem:s16+$0x4710];
	[tilespmem:s16+$0x46A0] =	vst v18;
	v18 =	vmul.f32 v43, v41  }
0x15a: {  	v49 =	vld [tilespmem:s16+$0x4720];
	[tilespmem:s16+$0x46B0] =	vst v19;
	v19 =	vmul.f32 v44, v41  }
0x15b: {  	v51 =	vld [tilespmem:s16+$0x4730];
	v50 =	vperm.xlane v17, v7;
	[tilespmem:s16+$0x46C0] =	vst v18;
	v18 =	vmul.f32 v45, v41  }
0x15c: {  	v52 =	vld [tilespmem:s16+$0x4740];
	[tilespmem:s16+$0x46D0] =	vst v19;
	v19 =	vmul.f32 v46, v41  }
0x15d: {  	v53 =	vld [tilespmem:s16+$0x4750];
	[tilespmem:s16+$0x46E0] =	vst v18;
	v18 =	vmul.f32 v47, v50  }
0x15e: {  	v54 =	vld [tilespmem:s16+$0x4760];
	[tilespmem:s16+$0x46F0] =	vst v19;
	v19 =	vmul.f32 v48, v50  }
0x15f: {  	v55 =	vld [tilespmem:s16+$0x4770];
	[tilespmem:s16+$0x4700] =	vst v18;
	v18 =	vmul.f32 v49, v50  }
0x160: {  	v56 =	vld [tilespmem:s16+$0x4780];
	[tilespmem:s16+$0x4710] =	vst v19;
	v19 =	vmul.f32 v51, v50  }
0x161: {  	v57 =	vld [tilespmem:s16+$0x4790];
	[tilespmem:s16+$0x4720] =	vst v18;
	v18 =	vmul.f32 v52, v50  }
0x162: {  	v58 =	vld [tilespmem:s16+$0x47A0];
	[tilespmem:s16+$0x4730] =	vst v19;
	v19 =	vmul.f32 v53, v50  }
0x163: {  	v60 =	vld [tilespmem:s16+$0x47B0];
	v59 =	vperm.xlane v17, v8;
	[tilespmem:s16+$0x4740] =	vst v18;
	v18 =	vmul.f32 v54, v50  }
0x164: {  	v61 =	vld [tilespmem:s16+$0x47C0];
	[tilespmem:s16+$0x4750] =	vst v19;
	v19 =	vmul.f32 v55, v50  }
0x165: {  	v62 =	vld [tilespmem:s16+$0x47D0];
	[tilespmem:s16+$0x4760] =	vst v18;
	v18 =	vmul.f32 v56, v59  }
0x166: {  	v63 =	vld [tilespmem:s16+$0x47E0];
	[tilespmem:s16+$0x4770] =	vst v19;
	v19 =	vmul.f32 v57, v59  }
0x167: {  	v28 =	vld [tilespmem:s16+$0x47F0];
	[tilespmem:s16+$0x4780] =	vst v18;
	v18 =	vmul.f32 v58, v59  }
0x168: {  	v29 =	vld [tilespmem:s16+$0x4800];
	[tilespmem:s16+$0x4790] =	vst v19;
	v19 =	vmul.f32 v60, v59  }
0x169: {  	v30 =	vld [tilespmem:s16+$0x4810];
	[tilespmem:s16+$0x47A0] =	vst v18;
	v18 =	vmul.f32 v61, v59  }
0x16a: {  	v31 =	vld [tilespmem:s16+$0x4820];
	[tilespmem:s16+$0x47B0] =	vst v19;
	v19 =	vmul.f32 v62, v59  }
0x16b: {  	v33 =	vld [tilespmem:s16+$0x4830];
	v32 =	vperm.xlane v17, v9;
	[tilespmem:s16+$0x47C0] =	vst v18;
	v18 =	vmul.f32 v63, v59  }
0x16c: {  	v34 =	vld [tilespmem:s16+$0x4840];
	[tilespmem:s16+$0x47D0] =	vst v19;
	v19 =	vmul.f32 v28, v59  }
0x16d: {  	v35 =	vld [tilespmem:s16+$0x4850];
	[tilespmem:s16+$0x47E0] =	vst v18;
	v18 =	vmul.f32 v29, v32  }
0x16e: {  	v36 =	vld [tilespmem:s16+$0x4860];
	[tilespmem:s16+$0x47F0] =	vst v19;
	v19 =	vmul.f32 v30, v32  }
0x16f: {  	v37 =	vld [tilespmem:s16+$0x4870];
	[tilespmem:s16+$0x4800] =	vst v18;
	v18 =	vmul.f32 v31, v32  }
0x170: {  	v38 =	vld [tilespmem:s16+$0x4880];
	[tilespmem:s16+$0x4810] =	vst v19;
	v19 =	vmul.f32 v33, v32  }
0x171: {  	v39 =	vld [tilespmem:s16+$0x4890];
	[tilespmem:s16+$0x4820] =	vst v18;
	v18 =	vmul.f32 v34, v32  }
0x172: {  	v40 =	vld [tilespmem:s16+$0x48A0];
	[tilespmem:s16+$0x4830] =	vst v19;
	v19 =	vmul.f32 v35, v32  }
0x173: {  	v42 =	vld [tilespmem:s16+$0x48B0];
	v41 =	vperm.xlane v17, v10;
	[tilespmem:s16+$0x4840] =	vst v18;
	v18 =	vmul.f32 v36, v32  }
0x174: {  	v43 =	vld [tilespmem:s16+$0x48C0];
	[tilespmem:s16+$0x4850] =	vst v19;
	v19 =	vmul.f32 v37, v32  }
0x175: {  	v44 =	vld [tilespmem:s16+$0x48D0];
	[tilespmem:s16+$0x4860] =	vst v18;
	v18 =	vmul.f32 v38, v41  }
0x176: {  	v45 =	vld [tilespmem:s16+$0x48E0];
	[tilespmem:s16+$0x4870] =	vst v19;
	v19 =	vmul.f32 v39, v41  }
0x177: {  	v46 =	vld [tilespmem:s16+$0x48F0];
	[tilespmem:s16+$0x4880] =	vst v18;
	v18 =	vmul.f32 v40, v41  }
0x178: {  	v47 =	vld [tilespmem:s16+$0x4900];
	[tilespmem:s16+$0x4890] =	vst v19;
	v19 =	vmul.f32 v42, v41  }
0x179: {  	v48 =	vld [tilespmem:s16+$0x4910];
	[tilespmem:s16+$0x48A0] =	vst v18;
	v18 =	vmul.f32 v43, v41  }
0x17a: {  	v49 =	vld [tilespmem:s16+$0x4920];
	[tilespmem:s16+$0x48B0] =	vst v19;
	v19 =	vmul.f32 v44, v41  }
0x17b: {  	v51 =	vld [tilespmem:s16+$0x4930];
	v50 =	vperm.xlane v17, v11;
	[tilespmem:s16+$0x48C0] =	vst v18;
	v18 =	vmul.f32 v45, v41  }
0x17c: {  	v52 =	vld [tilespmem:s16+$0x4940];
	[tilespmem:s16+$0x48D0] =	vst v19;
	v19 =	vmul.f32 v46, v41  }
0x17d: {  	v53 =	vld [tilespmem:s16+$0x4950];
	[tilespmem:s16+$0x48E0] =	vst v18;
	v18 =	vmul.f32 v47, v50  }
0x17e: {  	v54 =	vld [tilespmem:s16+$0x4960];
	[tilespmem:s16+$0x48F0] =	vst v19;
	v19 =	vmul.f32 v48, v50  }
0x17f: {  	v55 =	vld [tilespmem:s16+$0x4970];
	[tilespmem:s16+$0x4900] =	vst v18;
	v18 =	vmul.f32 v49, v50  }
0x180: {  	v56 =	vld [tilespmem:s16+$0x4980];
	[tilespmem:s16+$0x4910] =	vst v19;
	v19 =	vmul.f32 v51, v50  }
0x181: {  	v57 =	vld [tilespmem:s16+$0x4990];
	[tilespmem:s16+$0x4920] =	vst v18;
	v18 =	vmul.f32 v52, v50  }
0x182: {  	v58 =	vld [tilespmem:s16+$0x49A0];
	[tilespmem:s16+$0x4930] =	vst v19;
	v19 =	vmul.f32 v53, v50  }
0x183: {  	v60 =	vld [tilespmem:s16+$0x49B0];
	v59 =	vperm.xlane v17, v12;
	[tilespmem:s16+$0x4940] =	vst v18;
	v18 =	vmul.f32 v54, v50  }
0x184: {  	v61 =	vld [tilespmem:s16+$0x49C0];
	[tilespmem:s16+$0x4950] =	vst v19;
	v19 =	vmul.f32 v55, v50  }
0x185: {  	v62 =	vld [tilespmem:s16+$0x49D0];
	[tilespmem:s16+$0x4960] =	vst v18;
	v18 =	vmul.f32 v56, v59  }
0x186: {  	v63 =	vld [tilespmem:s16+$0x49E0];
	[tilespmem:s16+$0x4970] =	vst v19;
	v19 =	vmul.f32 v57, v59  }
0x187: {  	v28 =	vld [tilespmem:s16+$0x49F0];
	[tilespmem:s16+$0x4980] =	vst v18;
	v18 =	vmul.f32 v58, v59  }
0x188: {  	v29 =	vld [tilespmem:s16+$0x4A00];
	[tilespmem:s16+$0x4990] =	vst v19;
	v19 =	vmul.f32 v60, v59  }
0x189: {  	v30 =	vld [tilespmem:s16+$0x4A10];
	[tilespmem:s16+$0x49A0] =	vst v18;
	v18 =	vmul.f32 v61, v59  }
0x18a: {  	v31 =	vld [tilespmem:s16+$0x4A20];
	[tilespmem:s16+$0x49B0] =	vst v19;
	v19 =	vmul.f32 v62, v59  }
0x18b: {  	v33 =	vld [tilespmem:s16+$0x4A30];
	v32 =	vperm.xlane v17, v13;
	[tilespmem:s16+$0x49C0] =	vst v18;
	v18 =	vmul.f32 v63, v59  }
0x18c: {  	v34 =	vld [tilespmem:s16+$0x4A40];
	[tilespmem:s16+$0x49D0] =	vst v19;
	v19 =	vmul.f32 v28, v59  }
0x18d: {  	v35 =	vld [tilespmem:s16+$0x4A50];
	[tilespmem:s16+$0x49E0] =	vst v18;
	v18 =	vmul.f32 v29, v32  }
0x18e: {  	v36 =	vld [tilespmem:s16+$0x4A60];
	[tilespmem:s16+$0x49F0] =	vst v19;
	v19 =	vmul.f32 v30, v32  }
0x18f: {  	v37 =	vld [tilespmem:s16+$0x4A70];
	[tilespmem:s16+$0x4A00] =	vst v18;
	v18 =	vmul.f32 v31, v32  }
0x190: {  	v38 =	vld [tilespmem:s16+$0x4A80];
	[tilespmem:s16+$0x4A10] =	vst v19;
	v19 =	vmul.f32 v33, v32  }
0x191: {  	v39 =	vld [tilespmem:s16+$0x4A90];
	[tilespmem:s16+$0x4A20] =	vst v18;
	v18 =	vmul.f32 v34, v32  }
0x192: {  	v40 =	vld [tilespmem:s16+$0x4AA0];
	[tilespmem:s16+$0x4A30] =	vst v19;
	v19 =	vmul.f32 v35, v32  }
0x193: {  	v42 =	vld [tilespmem:s16+$0x4AB0];
	v41 =	vperm.xlane v17, v14;
	[tilespmem:s16+$0x4A40] =	vst v18;
	v18 =	vmul.f32 v36, v32  }
0x194: {  	v43 =	vld [tilespmem:s16+$0x4AC0];
	[tilespmem:s16+$0x4A50] =	vst v19;
	v19 =	vmul.f32 v37, v32  }
0x195: {  	v44 =	vld [tilespmem:s16+$0x4AD0];
	[tilespmem:s16+$0x4A60] =	vst v18;
	v18 =	vmul.f32 v38, v41  }
0x196: {  	v45 =	vld [tilespmem:s16+$0x4AE0];
	[tilespmem:s16+$0x4A70] =	vst v19;
	v19 =	vmul.f32 v39, v41  }
0x197: {  	v46 =	vld [tilespmem:s16+$0x4AF0];
	[tilespmem:s16+$0x4A80] =	vst v18;
	v18 =	vmul.f32 v40, v41  }
0x198: {  	v47 =	vld [tilespmem:s16+$0x4B00];
	[tilespmem:s16+$0x4A90] =	vst v19;
	v19 =	vmul.f32 v42, v41  }
0x199: {  	v48 =	vld [tilespmem:s16+$0x4B10];
	[tilespmem:s16+$0x4AA0] =	vst v18;
	v18 =	vmul.f32 v43, v41  }
0x19a: {  	v49 =	vld [tilespmem:s16+$0x4B20];
	[tilespmem:s16+$0x4AB0] =	vst v19;
	v19 =	vmul.f32 v44, v41  }
0x19b: {  	v51 =	vld [tilespmem:s16+$0x4B30];
	v50 =	vperm.xlane v17, v15;
	[tilespmem:s16+$0x4AC0] =	vst v18;
	v18 =	vmul.f32 v45, v41  }
0x19c: {  	v52 =	vld [tilespmem:s16+$0x4B40];
	[tilespmem:s16+$0x4AD0] =	vst v19;
	v19 =	vmul.f32 v46, v41  }
0x19d: {  	v53 =	vld [tilespmem:s16+$0x4B50];
	[tilespmem:s16+$0x4AE0] =	vst v18;
	v18 =	vmul.f32 v47, v50  }
0x19e: {  	v54 =	vld [tilespmem:s16+$0x4B60];
	[tilespmem:s16+$0x4AF0] =	vst v19;
	v19 =	vmul.f32 v48, v50  }
0x19f: {  	v55 =	vld [tilespmem:s16+$0x4B70];
	[tilespmem:s16+$0x4B00] =	vst v18;
	v18 =	vmul.f32 v49, v50  }
0x1a0: {  	v56 =	vld [tilespmem:s16+$0x4B80];
	[tilespmem:s16+$0x4B10] =	vst v19;
	v19 =	vmul.f32 v51, v50  }
0x1a1: {  	v57 =	vld [tilespmem:s16+$0x4B90];
	[tilespmem:s16+$0x4B20] =	vst v18;
	v18 =	vmul.f32 v52, v50  }
0x1a2: {  	v58 =	vld [tilespmem:s16+$0x4BA0];
	[tilespmem:s16+$0x4B30] =	vst v19;
	v19 =	vmul.f32 v53, v50  }
0x1a3: {  	v17 =	vperm.xlane v17, v16;
	v59 =	vld [tilespmem:s16+$0x4BB0];
	[tilespmem:s16+$0x4B40] =	vst v18;
	v18 =	vmul.f32 v54, v50  }
0x1a4: {  	v60 =	vld [tilespmem:s16+$0x4BC0];
	[tilespmem:s16+$0x4B50] =	vst v19;
	v19 =	vmul.f32 v55, v50  }
0x1a5: {  	v61 =	vld [tilespmem:s16+$0x4BD0];
	[tilespmem:s16+$0x4B60] =	vst v18;
	v18 =	vmul.f32 v56, v17  }
0x1a6: {  	v62 =	vld [tilespmem:s16+$0x4BE0];
	[tilespmem:s16+$0x4B70] =	vst v19;
	v19 =	vmul.f32 v57, v17  }
0x1a7: {  	v63 =	vld [tilespmem:s16+$0x4BF0];
	[tilespmem:s16+$0x4B80] =	vst v18;
	v18 =	vmul.f32 v58, v17  }
0x1a8: {  	[tilespmem:s16+$0x4B90] =	vst v19;
	v19 =	vmul.f32 v59, v17  }
0x1a9: {  	p1 =	sne.s32 s14, $0x7;
	[tilespmem:s16+$0x4BA0] =	vst v18;
	v18 =	vmul.f32 v60, v17  }
.Ltmp7:
0x1aa: {  	[tilespmem:s16+$0x4BB0] =	vst v19;
	v19 =	vmul.f32 v61, v17;
	(pc) =	sbr.rel @p1 .LBB2_8-.Ltmp7, $4  }
0x1ab: {  	[tilespmem:s16+$0x4BC0] =	vst v18;
	v18 =	vmul.f32 v62, v17  }
0x1ac: {  	[tilespmem:s16+$0x4BD0] =	vst v19;
	v17 =	vmul.f32 v63, v17  }
0x1ad: {  	[tilespmem:s16+$0x4BE0] =	vst v18  }
0x1ae: {  	s14 =	sadd.s32 $0x1, s14;
	[tilespmem:s16+$0x4BF0] =	vst v17  }
.Ltmp8:
0x1af: {  	(pc) =	sbr.rel .LBB2_10-.Ltmp8, $2  }
0x1b0: {  	_ =	sdelay $0x2  }
0x1b1: {  	[spmem:s3] =	stream.indirect.scatter.add.f32 [tilespmem:s5], [sflag:$0x6], $0x80, s24, s28, $0xb8;
	[tilespmem:$0x1FC80] =	vst v63  }
.LBB2_12:
0x1b2: {  	_ =	sfence.sel $0x180000  }
0x1b3: {  	[bflag:$0x0] =	sbarrier.arrive $0xFFFF  }
0x1b4: {  	_ =	strace $0x9000004A  }
0x1b5: {  	s0 =	stileid.u32;
	[bflag:$0x2] =	sbarrier.arrive $0xFFFF  }
0x1b6: {  	p0 =	sne.s32 s0, $0x0;
	s0 =	rddreg [dreg:$0x4]  }
0x1b7: {  	s0 =	sadd.s32 @!p0 $0x100000, s0  }
0x1b8: {  	[sflag:s0] =	ssyncadd.tile.s32 @!p0 $0x1;
	_ =	shalt  }
.Lfunc_end2:
_tile_overlayer_lowered:
.L_overlay_start_2:
0x1b9: {  	(tag) =	ssettag $0x2  }
0x1ba: {  	s0 =	rddreg [dreg:$0x0];
	s2 =	stileid.u32  }
0x1bb: {  	s1 =	rddreg [dreg:$0x1];
	p0 =	sne.s32 s2, $0x0  }
0x1bc: {  	s3 =	rddreg [dreg:$0x2];
	[bflag:$0x3] =	sbarrier.arrive $0xFFFF;
	s2 =	simm.s32 @!p0 $0x1C07  }
0x1bd: {  	[timem:s3], [sflag:s2] =	dma.local @!p0 [hbm:s0], s1  }
0x1be: {  	s0 =	simm.s32 @!p0 $0x7  }
0x1bf: {  	_ =	swait.ge @!p0 [sflag:s0], s1  }
0x1c0: {  	s1 =	ssub.s32 @!p0 $0x0, s1;
	[sflag:s0] =	ssyncset.done @!p0 $0x0  }
0x1c1: {  	[sflag:s0] =	ssyncadd.s32 @!p0 s1  }
0x1c2: {  	[bflag:$0x3] =	sbarrier.arrive $0xFFFF  }
0x1c3: {  	_ =	shalt  }

// kernel: kernel.7.cloned.1.call-start
scs
__scs_entry_jumppad:
0x0: {  	(pc) =	sbr.rel $0x88, $3  }
0x1: {  	(tag) =	ssettag $0x0;
	lr =	simm.s32 $0x1  }
0x2: {  	[smem:$0x3F9A] =	sst lr;
	_ =	strace $0xD0000000  }
0x3: {  	_ = 	snop  }
0x4: {  	_ = 	snop  }
0x5: {  	_ = 	snop  }
0x6: {  	_ = 	snop  }
0x7: {  	_ = 	snop  }
__scs_overlays_trampoline_lowered:
0x8: {  	[smem:$0x3FA9] =	sst s0  }
0x9: {  	[smem:$0x3FAA] =	sst s1  }
0xa: {  	[smem:$0x3FAB] =	sst s2  }
0xb: {  	[smem:$0x3FAC] =	sst s3  }
0xc: {  	[smem:$0x3FAD] =	sst s4  }
0xd: {  	[smem:$0x3FAE] =	sst s5  }
0xe: {  	[smem:$0x3FAF] =	sst s6  }
0xf: {  	[smem:$0x3FB0] =	sst s7  }
0x10: {  	[smem:$0x3FB1] =	sst s8  }
0x11: {  	[smem:$0x3FB2] =	sst s9;
	s0 =	simm.s32 @!p0 $0x0  }
0x12: {  	s1 =	sld [smem:$0x3F98];
	s0 =	simm.s32 @p0 $0x1  }
0x13: {  	[smem:$0x3FB3] =	sst s0;
	s0 =	simm.s32 @!p1 $0x0  }
0x14: {  	s2 =	sld [smem:$0x3F97];
	s0 =	simm.s32 @p1 $0x1  }
0x15: {  	[smem:$0x3FB4] =	sst s0;
	s0 =	simm.s32 @!p2 $0x0  }
0x16: {  	s3 =	sld [smem:$0x3FDB];
	s0 =	simm.s32 @p2 $0x1  }
0x17: {  	s4 =	simm.s32 $0x1BF5;
	[smem:$0x3FB6] =	sst s0  }
0x18: {  	s0 =	sld [smem:$0x3F99];
	_ =	swait.ge [sflag:s4], $0x0  }
0x19: {  	s7 =	sld [smem:$0x3F9A]  }
0x1a: {  	s8 =	sadd.s32 $0xFFFFE003, lr  }
0x1b: {  	s9 =	sadd.s32 $0xFFFFFEF7, lr;
	s5 =	simm.s32 $0xFFFFFFFF;
	p2 =	slt.u32 s8, $0xFFFFF086  }
0x1c: {  	p1 =	slt.u32 s9, $0xF7A;
	s5 =	simm.s32 @!p2 $0x0  }
0x1d: {  	s5 =	simm.s32 @p1 $0x1;
	p0 =	seq.s32 s7, s2  }
0x1e: {  	s7 =	smul.u32 @!p0 $0xF7A, s2;
	p2 =	seq.s32 @!p0 s5, $0x0  }
0x1f: {  	s9 =	smul.u32 $0xF7A, s1;
	s8 =	simm.s32 @!p0 $0x1BF5;
	p2 =	por !p2, p0  }
0x20: {  	[sflag:s8] =	ssyncset.s32 @!p0 $0xFFFFF086;
	s6 =	sadd.s32 @!p0 s3, s7;
	s7 =	simm.s32 @!p0 $0x108  }
0x21: {  	s3 =	sadd.s32 s3, s9;
	s6 =	sadd.s32 @!p0 $0x88, s6;
	s7 =	simm.s32 @p2 $0x1082  }
0x22: {  	[simem:s7], [sflag:s8] =	dma.local @!p0 [hbm:s6], $0xF7A  }
0x23: {  	s9 =	sor.u32 $0xD0000000, s2;
	s6 =	simm.s32 $0x108;
	_ =	swait.ge @!p0 [sflag:s8], $0x0  }
0x24: {  	s3 =	sadd.s32 $0x88, s3;
	s6 =	simm.s32 @!p1 $0x1082;
	[sflag:s4] =	ssyncset.s32 $0xFFFFF086  }
0x25: {  	[simem:s6], [sflag:s4] =	dma.local [hbm:s3], $0xF7A  }
0x26: {  	[smem:$0x3F9A] =	sst s1;
	(tag) =	ssettag s2;
	_ =	strace s9  }
0x27: {  	s1 =	sld [smem:$0x3FAA]  }
0x28: {  	s2 =	sld [smem:$0x3FAB]  }
0x29: {  	s4 =	sld [smem:$0x3FAD]  }
0x2a: {  	p0 =	seq.s32 s5, $0x0;
	s5 =	sld [smem:$0x3FAE]  }
0x2b: {  	s6 =	sld [smem:$0x3FAF]  }
0x2c: {  	s7 =	sld [smem:$0x3FB0]  }
0x2d: {  	s3 =	simm.s32 $0x108;
	s8 =	sld [smem:$0x3FB1]  }
0x2e: {  	s3 =	simm.s32 @!p0 $0x1082;
	s9 =	sld [smem:$0x3FB2]  }
0x2f: {  	lr =	sadd.s32 s0, s3;
	s0 =	sld [smem:$0x3FA9]  }
0x30: {  	s3 =	sld [smem:$0x3FAC]  }
0x31: {  	[smem:$0x3FB5] =	sst s10  }
0x32: {  	s10 =	sld [smem:$0x3FB3];
	_ =	sdelay $0x3  }
0x33: {  	p0 =	seq.s32 s10, $0x1;
	s10 =	sld [smem:$0x3FB5];
	_ =	sdelay $0x3  }
0x34: {  	[smem:$0x3FB5] =	sst s10  }
0x35: {  	s10 =	sld [smem:$0x3FB4];
	_ =	sdelay $0x3  }
0x36: {  	p1 =	seq.s32 s10, $0x1;
	s10 =	sld [smem:$0x3FB5];
	_ =	sdelay $0x3  }
0x37: {  	[smem:$0x3FB5] =	sst s10  }
0x38: {  	s10 =	sld [smem:$0x3FB6]  }
0x39: {  	_ = 	snop;
	(pc) =	sbr.ind lr, $3  }
0x3a: {  	_ = 	snop  }
0x3b: {  	_ = 	snop  }
0x3c: {  	p2 =	seq.s32 s10, $0x1;
	s10 =	sld [smem:$0x3FB5]  }
0x3d: {  	_ =	shalt  }
0x3e: {  	_ =	shalt  }
0x3f: {  	_ =	shalt  }
0x40: {  	_ =	shalt  }
0x41: {  	_ =	shalt  }
0x42: {  	_ =	shalt  }
0x43: {  	_ =	shalt  }
0x44: {  	_ =	shalt  }
0x45: {  	_ =	shalt  }
0x46: {  	_ =	shalt  }
0x47: {  	_ =	shalt  }
0x48: {  	_ =	shalt  }
0x49: {  	_ =	shalt  }
0x4a: {  	_ =	shalt  }
0x4b: {  	_ =	shalt  }
0x4c: {  	_ =	shalt  }
0x4d: {  	_ =	shalt  }
0x4e: {  	_ =	shalt  }
0x4f: {  	_ =	shalt  }
0x50: {  	_ =	shalt  }
0x51: {  	_ =	shalt  }
0x52: {  	_ =	shalt  }
0x53: {  	_ =	shalt  }
0x54: {  	_ =	shalt  }
0x55: {  	_ =	shalt  }
0x56: {  	_ =	shalt  }
0x57: {  	_ =	shalt  }
0x58: {  	_ =	shalt  }
0x59: {  	_ =	shalt  }
0x5a: {  	_ =	shalt  }
0x5b: {  	_ =	shalt  }
0x5c: {  	_ =	shalt  }
0x5d: {  	_ =	shalt  }
0x5e: {  	_ =	shalt  }
0x5f: {  	_ =	shalt  }
0x60: {  	_ =	shalt  }
0x61: {  	_ =	shalt  }
0x62: {  	_ =	shalt  }
0x63: {  	_ =	shalt  }
0x64: {  	_ =	shalt  }
0x65: {  	_ =	shalt  }
0x66: {  	_ =	shalt  }
0x67: {  	_ =	shalt  }
0x68: {  	_ =	shalt  }
0x69: {  	_ =	shalt  }
0x6a: {  	_ =	shalt  }
0x6b: {  	_ =	shalt  }
0x6c: {  	_ =	shalt  }
0x6d: {  	_ =	shalt  }
0x6e: {  	_ =	shalt  }
0x6f: {  	_ =	shalt  }
0x70: {  	_ =	shalt  }
0x71: {  	_ =	shalt  }
0x72: {  	_ =	shalt  }
0x73: {  	_ =	shalt  }
0x74: {  	_ =	shalt  }
0x75: {  	_ =	shalt  }
0x76: {  	_ =	shalt  }
0x77: {  	_ =	shalt  }
0x78: {  	_ =	shalt  }
0x79: {  	_ =	shalt  }
0x7a: {  	_ =	shalt  }
0x7b: {  	_ =	shalt  }
0x7c: {  	_ =	shalt  }
0x7d: {  	_ =	shalt  }
0x7e: {  	_ =	shalt  }
0x7f: {  	_ =	shalt  }
0x80: {  	_ =	shalt  }
0x81: {  	_ =	shalt  }
0x82: {  	_ =	shalt  }
0x83: {  	_ =	shalt  }
0x84: {  	_ =	shalt  }
0x85: {  	_ =	shalt  }
0x86: {  	_ =	shalt  }
0x87: {  	_ =	shalt  }
.Lfunc_end0:
.L_simem_size_0:
called_computation_lowered:
.L_overlay_start_0:
0x88: {  	s2 =	sld [smem:$0x3FD9]  }
0x89: {  	s3 =	sld [smem:$0x3FFE];
	_ =	sdelay $0x1  }
0x8a: {  	s1 =	srdreg.scid  }
0x8b: {  	s0 =	sand.u32 $0x1, s1  }
0x8c: {  	s14 =	sshll.u32 s0, $0xA;
	s2 =	sadd.s32 s3, s2  }
0x8d: {  	s2 =	sadd.s32 s2, s14  }
0x8e: {  	[smem:$0x3FC1] =	sst s2  }
0x8f: {  	_ = 	snop  }
0x90: {  	s2 =	sld [smem:$0x3FD0];
	_ =	sdelay $0x2  }
0x91: {  	s15 =	simm.s32 $0xA;
	s4 =	simm.s32 $0x10  }
0x92: {  	[smem:s4], [sflag:s15] =	dma.local [hbm:s2], $0x1  }
0x93: {  	_ =	swait.eq [sflag:s15], $0x1  }
0x94: {  	[sflag:s15] =	ssyncset.done $0x0  }
0x95: {  	[sflag:s15] =	ssyncadd.s32 $0xFFFFFFFF  }
0x96: {  	s16 =	sld [smem:$0x10];
	(tm) =	ssettm $0x1  }
0x97: {  	s17 =	sld [smem:$0x3FFB];
	_ =	sdelay $0x3  }
0x98: {  	_ =	strace s17  }
0x99: {  	s3 =	sld [smem:$0x3FFC];
	_ =	sdelay $0x3  }
0x9a: {  	_ =	strace s3  }
0x9b: {  	s3 =	sld [smem:$0x3FFD];
	_ =	sdelay $0x3  }
0x9c: {  	_ =	strace s3  }
0x9d: {  	_ =	strace $0x8FFFFFFF  }
0x9e: {  	s18 =	sld [smem:$0x3FDB];
	_ =	sdelay $0x1  }
0x9f: {  	s19 =	simm.s32 $_scs_section_size  }
0xa0: {  	s5 =	simm.s32 $_size__tile_overlayer_lowered;
	s6 =	simm.s32 $_tile_overlayer_lowered  }
0xa1: {  	s22 =	simm.s32 $0x1BFF;
	s21 =	sshll.u32 s6, $0x1;
	s3 =	sadd.s32 s19, s18  }
0xa2: {  	s7 =	simm.s32 $0x0;
	s20 =	sshll.u32 s5, $0x1;
	s5 =	sadd.s32 s21, s3  }
0xa3: {  	[timem:s7], [sflag:s22] =	dma.local [hbm:s5], s20  }
0xa4: {  	_ =	swait.ge [sflag:s22], s20  }
0xa5: {  	s4 =	ssub.s32 $0x0, s20;
	[sflag:s22] =	ssyncset.done $0x0  }
0xa6: {  	[sflag:s22] =	ssyncadd.s32 s4;
	_ =	sdelay $0x1  }
0xa7: {  	s23 =	simm.s32 $0x1B8B  }
0xa8: {  	_ =	swait.ge [sflag:s23], $0x1  }
0xa9: {  	[sflag:s23] =	ssyncset.done $0x0  }
0xaa: {  	s25 =	simm.s32 $0x1B8E;
	s24 =	sld [smem:$0x3FFE];
	[sflag:s23] =	ssyncadd.s32 $0xFFFFFFFF  }
0xab: {  	s26 =	simm.s32 $execute0_lowered;
	[smem:$0x3FD2] =	sst s25  }
0xac: {  	s5 =	sshll.u32 s26, $0x1;
	_ =	strace $0x80000046;
	[dreg:$0x1] =	wrdreg $0xFFFFFFFF  }
0xad: {  	s28 =	simm.s32 $_size_execute0_lowered;
	s3 =	sadd.s32 s3, s5;
	[dreg:$0x0] =	wrdreg $0x0  }
0xae: {  	s5 =	sshll.u32 s28, $0x1;
	[dreg:$0x2] =	wrdreg s3  }
0xaf: {  	[dreg:$0x3] =	wrdreg s5  }
0xb0: {  	[dreg:$0x4] =	wrdreg $0xC0  }
0xb1: {  	_ =	task [dreg:s7], $0x5FFFF  }
0xb2: {  	[dreg:$0x1] =	wrdreg $0xFFFFFFFF  }
0xb3: {  	[dreg:$0x0] =	wrdreg $0x60  }
0xb4: {  	[dreg:$0x2] =	wrdreg s24  }
0xb5: {  	[dreg:$0x3] =	wrdreg s16  }
0xb6: {  	[dreg:$0x4] =	wrdreg $0xC4000  }
0xb7: {  	[dreg:$0x5] =	wrdreg $0x9  }
0xb8: {  	_ =	task.clear_ibuf [dreg:s7], $0x6FFFF;
	_ =	strace $0x90000046  }
0xb9: {  	s29 =	simm.s32 $0x9;
	_ =	strace $0x80000048  }
0xba: {  	_ =	swait.ge [sflag:s29], $0x1  }
0xbb: {  	[sflag:s29] =	ssyncadd.s32 $0xFFFFFFFF  }
0xbc: {  	_ =	strace $0x90000048  }
0xbd: {  	_ =	sfence  }
0xbe: {  	s30 =	sld [smem:$0x0];
	_ =	sdelay $0x2  }
0xbf: {  	s31 =	sshll.u32 s1, $0xD;
	s1 =	sshrl.u32 s1, $0x2  }
0xc0: {  	s3 =	sand.u32 $0x4000, s31;
	s1 =	sadd.s32 s1, s30  }
0xc1: {  	s0 =	sor.u32 s3, s0;
	s1 =	sshll.u32 s1, $0x11  }
0xc2: {  	s0 =	sor.u32 s1, s0  }
0xc3: {  	s0 =	sadd.s32 $0x8F2B, s0  }
0xc4: {  	[sflag:s0] =	ssyncadd.remote.s32 $0x1  }
0xc5: {  	_ =	sfence.sel $0xFFFF  }
0xc6: {  	[dreg:$0x0] =	wrdreg $0xFFFFFFFF;
	(pc) =	sbr.abs _section_cstart, $3  }
0xc7: {  	[dreg:$0x1] =	wrdreg $0xFFFFFFFF  }
0xc8: {  	_ =	task.clear_ibuf [dreg:s7], $0x2FFFF;
	_ =	strace $0x9FFFFFFF  }
0xc9: {  	(tm) =	ssettm $0x7FFFFFFF  }
tec
execute0_lowered:
.L_overlay_start_1:
0x0: {  	(tag) =	ssettag $0x1  }
0x1: {  	s0 =	rddreg [dreg:$0x0]  }
0x2: {  	s1 =	rddreg [dreg:$0x1]  }
0x3: {  	s2 =	rddreg [dreg:$0x2]  }
0x4: {  	s3 =	simm.s32 $0x0;
	s4 =	srdreg.scid;
	s12 =	stileid.u32  }
0x5: {  	s28 =	simm.s32 $0x3;
	s29 =	simm.s32 $0x80;
	s30 =	simm.s32 $0x200  }
0x6: {  	s31 =	simm.s32 $0x8400;
	[smem:$0x7FF] =	sst s3;
	s4 =	sand.u32 $0x1, s4  }
0x7: {  	s5 =	sadd.s32 $0x6200, s0;
	s6 =	sadd.s32 $0x1200, s0;
	s16 =	sshll.u32 s12, $0x5  }
0x8: {  	s17 =	sshll.u32 s12, $0x4;
	s10 =	sor.u32 $0x10, s12;
	s11 =	smul.u32 $0x4E000, s12  }
0x9: {  	s26 =	smul.u32 $0x2700, s12;
	p0 =	sne.s32 s12, $0xF;
	_ =	strace $0x80000047  }
0xa: {  	s7 =	smul.u32 $0x27100, s4;
	s8 =	ssub.s32 $0x2, s4;
	s18 =	sadd.s32 s6, s17  }
0xb: {  	s19 =	sshll.u32 s10, $0x5;
	s20 =	sshll.u32 s10, $0x4;
	s4 =	smul.u32 $0x2710, s4  }
0xc: {  	s17 =	ssub.s32 $0x4D2, s12;
	s10 =	simm.s32 $0x0;
	s9 =	sshrl.u32 s8, $0x1  }
0xd: {  	[dreg:$0x5] =	wrdreg s18;
	s21 =	sshrl.u32 s11, $0x2;
	s18 =	ssub.s32 $0x4E2, s12  }
0xe: {  	s0 =	sadd.s32 s7, s0;
	s15 =	ssub.s32 s8, s9;
	s8 =	sadd.s32 s1, s16  }
0xf: {  	s11 =	sadd.s32 s21, s2;
	s16 =	sadd.s32 $0x138000, s2;
	v0 =	vmov s4;
	s4 =	simm.s32 $0x4380  }
0x10: {  	s9 =	simm.s32 $0x6;
	[dreg:$0x4] =	wrdreg s8;
	s8 =	sadd.s32 s1, s19  }
0x11: {  	s22 =	sadd.s32 $0x4000, s11;
	s23 =	sadd.s32 $0x8000, s11;
	[dreg:$0x6] =	wrdreg s8  }
0x12: {  	s24 =	sadd.s32 $0xC000, s11;
	s25 =	sadd.s32 $0x10000, s11;
	[dreg:$0x8] =	wrdreg s22  }
0x13: {  	v1 =	vimm.f32 $0.0e+00;
	v2 =	vimm.s32 $0x0;
	s19 =	sor.u32 $0x20, s12;
	s21 =	sadd.s32 $0x54400, s0;
	[dreg:$0x9] =	wrdreg s23  }
.Ltmp0:
0x14: {  	v3 =	vimm.s32 $0x1;
	v4 =	vimm.s32 $0x2;
	v5 =	vimm.s32 $0x3;
	s7 =	smax.u32 s15, $0x1;
	[dreg:$0xa] =	wrdreg s24;
	(pc) =	sbr.rel .LBB2_1-.Ltmp0, $4  }
0x15: {  	v6 =	vimm.s32 $0x4;
	v7 =	vimm.s32 $0x5;
	v8 =	vimm.s32 $0x6;
	s0 =	simm.s32 $0x7;
	s8 =	sadd.s32 s6, s20;
	[dreg:$0xb] =	wrdreg s25  }
0x16: {  	v9 =	vimm.s32 $0x7;
	v10 =	vimm.s32 $0x8;
	v11 =	vimm.s32 $0x9;
	s20 =	sor.u32 $0x30, s12;
	[dreg:$0xc] =	wrdreg s7;
	s25 =	sadd.s32 s26, s21  }
0x17: {  	v12 =	vimm.s32 $0xA;
	v13 =	vimm.s32 $0xB;
	v14 =	vimm.s32 $0xC;
	s23 =	simm.s32 $0x1;
	s24 =	simm.s32 $0x180;
	s26 =	simm.s32 $0x2  }
0x18: {  	v15 =	vimm.s32 $0xD;
	v16 =	vimm.s32 $0xE;
	v17 =	vimm.s32 $0xF;
	s7 =	simm.s32 $0x4400;
	[dreg:$0x7] =	wrdreg s8;
	s8 =	simm.s32 $0x5  }
.LBB2_13:
0x19: {  	_ =	swait.ge [sflag:s8], $0x4000  }
0x1a: {  	[sflag:s8] =	ssyncset.done $0x0  }
0x1b: {  	[sflag:s8] =	ssyncadd.s32 $0xFFFFC000  }
0x1c: {  	_ =	swait.ge [sflag:s9], $0x4000  }
0x1d: {  	s12 =	stileid.u32;
	[sflag:s9] =	ssyncset.done $0x0  }
0x1e: {  	s12 =	sshll.u32 s12, $0x6;
	[sflag:s9] =	ssyncadd.s32 $0xFFFFC000  }
0x1f: {  	s13 =	sshrl.u32 s11, $0x3;
	s12 =	sor.u32 $0x1C07, s12;
	[bflag:$0x0] =	sbarrier.arrive $0xFFFF  }
0x20: {  	[hbm:s25], [sflag:s12] =	dma.local [spmem:s13], $0x2700  }
0x21: {  	_ =	swait.ge [sflag:s0], $0x2700  }
0x22: {  	[sflag:s0] =	ssyncset.done $0x0  }
0x23: {  	s14 =	sshrl.u32 @!p0 s16, $0x3;
	s13 =	sadd.s32 @!p0 $0x27000, s21;
	[sflag:s0] =	ssyncadd.s32 $0xFFFFD900  }
0x24: {  	[hbm:s13], [sflag:s12] =	dma.local @!p0 [spmem:s14], $0x100  }
0x25: {  	s12 =	simm.s32 @!p0 $0x7  }
0x26: {  	_ =	swait.ge @!p0 [sflag:s12], $0x100  }
0x27: {  	s10 =	sadd.s32 $0x1, s10;
	s22 =	rddreg [dreg:$0xc]  }
0x28: {  	p1 =	sne.s32 s10, s22  }
.Ltmp1:
0x29: {  	_ = 	snop;
	(pc) =	sbr.rel @!p1 .LBB2_14-.Ltmp1, $3  }
0x2a: {  	_ =	sdelay $0x1  }
0x2b: {  	[sflag:s12] =	ssyncset.done @!p0 $0x0  }
0x2c: {  	[sflag:s12] =	ssyncadd.s32 @!p0 $0xFFFFFF00  }
.LBB2_1:
0x2d: {  	s12 =	rddreg [dreg:$0x4]  }
0x2e: {  	s22 =	rddreg [dreg:$0x5]  }
0x2f: {  	[tilespmem:s3], [sflag:$0x3] =	stream.linear.gather [hbm4b:s12+s3], $0x100, $0x38;
	[tilespmem:$0x1FC80] =	vst v63  }
0x30: {  	s13 =	simm.s32 $0x100;
	s15 =	rddreg [dreg:$0x7]  }
0x31: {  	[tilespmem:s13], [sflag:$0x3] =	stream.linear.gather [hbm4b:s22+s3], $0x80, $0x38;
	[tilespmem:$0x1FC80] =	vst v63  }
0x32: {  	s14 =	simm.s32 $0x4200;
	s13 =	rddreg [dreg:$0x6]  }
0x33: {  	[tilespmem:s14], [sflag:$0x4] =	stream.linear.gather [hbm4b:s13+s3], $0x100, $0x38;
	[tilespmem:$0x1FC80] =	vst v63  }
0x34: {  	s12 =	simm.s32 $0x0;
	s22 =	simm.s32 $0x4300;
	s13 =	simm.s32 $0x200  }
0x35: {  	[tilespmem:s22], [sflag:$0x4] =	stream.linear.gather [hbm4b:s15+s3], $0x80, $0x38;
	[tilespmem:$0x1FC80] =	vst v63  }
.LBB2_2:
0x36: {  	p1 =	sne.s32 s13, $0xFE00;
	[tilespmem:s12+$0x8470] =	vst v1  }
0x37: {  	[tilespmem:s12+$0x8400] =	vst v1  }
0x38: {  	[tilespmem:s12+$0x8410] =	vst v1  }
.Ltmp2:
0x39: {  	[tilespmem:s12+$0x8420] =	vst v1;
	(pc) =	sbr.rel @p1 .LBB2_2-.Ltmp2, $4  }
0x3a: {  	[tilespmem:s12+$0x8430] =	vst v1  }
0x3b: {  	[tilespmem:s12+$0x8440] =	vst v1  }
0x3c: {  	[tilespmem:s12+$0x8450] =	vst v1  }
0x3d: {  	[tilespmem:s12+$0x8460] =	vst v1;
	s12 =	sshra.s32 s13, $0x2;
	s13 =	sadd.s32 $0x200, s13  }
0x3e: {  	[tilespmem:s12+$0x8470] =	vst v1  }
0x3f: {  	[tilespmem:s12+$0x8400] =	vst v1  }
0x40: {  	[tilespmem:s12+$0x8410] =	vst v1  }
0x41: {  	[tilespmem:s12+$0x8420] =	vst v1  }
0x42: {  	[tilespmem:s12+$0x8430] =	vst v1  }
0x43: {  	[tilespmem:s12+$0x8440] =	vst v1  }
0x44: {  	[tilespmem:s12+$0x8450] =	vst v1  }
0x45: {  	[tilespmem:s12+$0x8460] =	vst v1  }
0x46: {  	_ =	swait.ge [sflag:s28], $0x100  }
0x47: {  	[sflag:s28] =	ssyncset.done $0x0  }
0x48: {  	[sflag:s28] =	ssyncadd.s32 $0xFFFFFF00  }
0x49: {  	_ =	swait.ge [sflag:s28], $0x80  }
0x4a: {  	[sflag:s28] =	ssyncset.done $0x0  }
0x4b: {  	[sflag:s28] =	ssyncadd.s32 $0xFFFFFF80  }
0x4c: {  	v18 =	vld [tilespmem:$0x0]  }
0x4d: {  	v19 =	vld [tilespmem:$0x10]  }
0x4e: {  	v20 =	vld [tilespmem:$0x20]  }
0x4f: {  	v21 =	vld [tilespmem:$0x30]  }
0x50: {  	v22 =	vld [tilespmem:$0x40]  }
0x51: {  	v23 =	vld [tilespmem:$0x50];
	v18 =	vadd.s32 v0, v18  }
0x52: {  	[tilespmem:$0x0] =	vst v18;
	v18 =	vadd.s32 v0, v19;
	v19 =	vld [tilespmem:$0x60]  }
0x53: {  	v63 =	vld [tilespmem:$0x70];
	[tilespmem:$0x10] =	vst v18;
	v18 =	vadd.s32 v0, v20  }
0x54: {  	[tilespmem:$0x20] =	vst v18;
	v18 =	vadd.s32 v0, v21  }
0x55: {  	[tilespmem:$0x30] =	vst v18;
	v18 =	vadd.s32 v0, v22  }
0x56: {  	[tilespmem:$0x40] =	vst v18;
	v18 =	vadd.s32 v0, v23  }
0x57: {  	[tilespmem:$0x50] =	vst v18;
	v18 =	vadd.s32 v0, v19  }
0x58: {  	[tilespmem:$0x60] =	vst v18;
	v18 =	vadd.s32 v0, v63  }
0x59: {  	[tilespmem:$0x70] =	vst v18  }
0x5a: {  	[tilespmem:s30], [sflag:$0x1] =	stream.indirect.gather [hbm4b:s5+s29], $0x80, s3, s29, $0xb8;
	[tilespmem:$0x1FC80] =	vst v63  }
0x5b: {  	_ = 	snop  }
0x5c: {  	[spmem:s11] =	stream.linear.scatter [tilespmem:s31], [sflag:$0x7], $0x4000, $0x38;
	[tilespmem:$0x1FC80] =	vst v63  }
0x5d: {  	_ =	swait.ge [sflag:s0], $0x4000  }
0x5e: {  	[sflag:s0] =	ssyncset.done $0x0  }
0x5f: {  	s13 =	rddreg [dreg:$0x8];
	[sflag:s0] =	ssyncadd.s32 $0xFFFFC000  }
0x60: {  	[spmem:s13] =	stream.linear.scatter [tilespmem:s31], [sflag:$0x7], $0x4000, $0x38;
	[tilespmem:$0x1FC80] =	vst v63  }
0x61: {  	_ =	swait.ge [sflag:s0], $0x4000  }
0x62: {  	[sflag:s0] =	ssyncset.done $0x0  }
0x63: {  	s14 =	rddreg [dreg:$0x9];
	[sflag:s0] =	ssyncadd.s32 $0xFFFFC000  }
0x64: {  	[spmem:s14] =	stream.linear.scatter [tilespmem:s31], [sflag:$0x7], $0x4000, $0x38;
	[tilespmem:$0x1FC80] =	vst v63  }
0x65: {  	_ =	swait.ge [sflag:s0], $0x4000  }
0x66: {  	[sflag:s0] =	ssyncset.done $0x0  }
0x67: {  	s15 =	rddreg [dreg:$0xa];
	[sflag:s0] =	ssyncadd.s32 $0xFFFFC000  }
0x68: {  	[spmem:s15] =	stream.linear.scatter [tilespmem:s31], [sflag:$0x7], $0x4000, $0x38;
	[tilespmem:$0x1FC80] =	vst v63  }
0x69: {  	_ =	swait.ge [sflag:s0], $0x4000  }
0x6a: {  	[sflag:s0] =	ssyncset.done $0x0  }
0x6b: {  	s22 =	rddreg [dreg:$0xb];
	[sflag:s0] =	ssyncadd.s32 $0xFFFFC000  }
0x6c: {  	[spmem:s22] =	stream.linear.scatter [tilespmem:s31], [sflag:$0x7], $0x3800, $0x38;
	[tilespmem:$0x1FC80] =	vst v63  }
0x6d: {  	_ =	swait.ge [sflag:s0], $0x3800  }
0x6e: {  	[sflag:s0] =	ssyncset.done $0x0  }
0x6f: {  	s12 =	simm.s32 @!p0 $0x8400;
	[sflag:s0] =	ssyncadd.s32 $0xFFFFC800  }
0x70: {  	[spmem:s16] =	stream.linear.scatter @!p0 [tilespmem:s12], [sflag:$0x7], $0x800, $0x38;
	[tilespmem:$0x1FC80] =	vst v63  }
0x71: {  	s12 =	simm.s32 @!p0 $0x7  }
.Ltmp3:
0x72: {  	_ =	swait.ge @!p0 [sflag:s12], $0x800;
	(pc) =	sbr.rel .LBB2_4-.Ltmp3, $4  }
0x73: {  	[sflag:s12] =	ssyncset.done @!p0 $0x0  }
0x74: {  	[sflag:s12] =	ssyncadd.s32 @!p0 $0xFFFFF800  }
0x75: {  	[bflag:$0x0] =	sbarrier.arrive $0xFFFF  }
0x76: {  	s12 =	simm.s32 $0x0  }
.LBB2_12:
0x77: {  	s13 =	sadd.s32 s20, s13  }
0x78: {  	p1 =	sgt.u32 s13, $0x4E1  }
0x79: {  	s14 =	sshll.u32 @!p1 s13, $0x5;
	s15 =	simm.s32 @!p1 $0x0  }
0x7a: {  	s22 =	simm.s32 @!p1 $0x4200;
	s13 =	sshll.u32 @!p1 s13, $0x4;
	s14 =	sadd.s32 @!p1 s1, s14  }
0x7b: {  	[tilespmem:s22], [sflag:$0x4] =	stream.linear.gather @!p1 [hbm4b:s14+s15], $0x100, $0x38;
	[tilespmem:$0x1FC80] =	vst v63  }
0x7c: {  	s12 =	sadd.s32 $0x1, s12;
	s13 =	sadd.s32 @!p1 s6, s13;
	s14 =	simm.s32 @!p1 $0x4300  }
0x7d: {  	[tilespmem:s14], [sflag:$0x4] =	stream.linear.gather @!p1 [hbm4b:s13+s15], $0x80, $0x38;
	[tilespmem:$0x1FC80] =	vst v63  }
0x7e: {  	p1 =	sne.s32 s12, $0x28  }
.Ltmp4:
0x7f: {  	_ = 	snop;
	(pc) =	sbr.rel @!p1 .LBB2_13-.Ltmp4, $1  }
0x80: {  	_ =	sdelay $0x3  }
.LBB2_4:
0x81: {  	s13 =	sshll.u32 s12, $0x5  }
0x82: {  	p1 =	sge.u32 s13, s17  }
0x83: {  	p2 =	seq.s32 @!p1 s12, $0x0  }
0x84: {  	p2 =	por p2, p1  }
0x85: {  	s14 =	simm.s32 @!p2 $0x6  }
0x86: {  	_ =	swait.ge @!p2 [sflag:s14], $0x4000  }
0x87: {  	[sflag:s14] =	ssyncset.done @!p2 $0x0  }
0x88: {  	[sflag:s14] =	ssyncadd.s32 @!p2 $0xFFFFC000;
	s14 =	simm.s32 @!p1 $0x4  }
0x89: {  	_ =	swait.ge @!p1 [sflag:s14], $0x100  }
0x8a: {  	[sflag:s14] =	ssyncset.done @!p1 $0x0  }
0x8b: {  	[sflag:s14] =	ssyncadd.s32 @!p1 $0xFFFFFF00  }
0x8c: {  	_ =	swait.ge @!p1 [sflag:s14], $0x80  }
0x8d: {  	[sflag:s14] =	ssyncset.done @!p1 $0x0  }
0x8e: {  	[sflag:s14] =	ssyncadd.s32 @!p1 $0xFFFFFF80  }
0x8f: {  	v18 =	vld @!p1 [tilespmem:$0x4200]  }
0x90: {  	v19 =	vld @!p1 [tilespmem:$0x4210]  }
0x91: {  	v20 =	vld @!p1 [tilespmem:$0x4220]  }
0x92: {  	v21 =	vld @!p1 [tilespmem:$0x4230]  }
0x93: {  	v22 =	vld @!p1 [tilespmem:$0x4240]  }
0x94: {  	v23 =	vld @!p1 [tilespmem:$0x4250];
	v18 =	vadd.s32 @!p1 v0, v18  }
0x95: {  	[tilespmem:$0x4200] =	vst @!p1 v18;
	v18 =	vadd.s32 @!p1 v0, v19;
	v19 =	vld @!p1 [tilespmem:$0x4260]  }
0x96: {  	[tilespmem:$0x4210] =	vst @!p1 v18;
	v18 =	vadd.s32 @!p1 v0, v20;
	v20 =	vld @!p1 [tilespmem:$0x4270]  }
0x97: {  	[tilespmem:$0x4220] =	vst @!p1 v18;
	v18 =	vadd.s32 @!p1 v0, v21  }
0x98: {  	p2 =	sge.u32 s13, s18;
	[tilespmem:$0x4230] =	vst @!p1 v18;
	v18 =	vadd.s32 @!p1 v0, v22  }
.Ltmp5:
0x99: {  	[tilespmem:$0x4240] =	vst @!p1 v18;
	v18 =	vadd.s32 @!p1 v0, v23;
	(pc) =	sbr.rel @p2 .LBB2_8-.Ltmp5, $4  }
0x9a: {  	[tilespmem:$0x4250] =	vst @!p1 v18;
	v18 =	vadd.s32 @!p1 v0, v19  }
0x9b: {  	[tilespmem:$0x4260] =	vst @!p1 v18;
	v18 =	vadd.s32 @!p1 v0, v20  }
0x9c: {  	s15 =	simm.s32 @!p1 $0x4200;
	s22 =	simm.s32 @!p1 $0x4400;
	s14 =	simm.s32 @!p1 $0x80;
	[tilespmem:$0x4270] =	vst @!p1 v18  }
0x9d: {  	[tilespmem:s22], [sflag:$0x2] =	stream.indirect.gather @!p1 [hbm4b:s5+s14], $0x80, s15, s14, $0xb8;
	[tilespmem:$0x1FC80] =	vst v63  }
0x9e: {  	_ =	swait.ge [sflag:s23], $0x4000  }
0x9f: {  	[sflag:s23] =	ssyncset.done $0x0  }
0xa0: {  	s14 =	simm.s32 $0x0;
	[sflag:s23] =	ssyncadd.s32 $0xFFFFC000  }
.LBB2_6:
0xa1: {  	s15 =	sshll.u32 s14, $0x4  }
0xa2: {  	v19 =	vld [tilespmem:s15+$0x100];
	_ =	sdelay $0x3  }
0xa3: {  	s22 =	sshll.u32 s14, $0xB;
	v18 =	vld [tilespmem:s15+$0x80]  }
0xa4: {  	s22 =	sand.u32 $0x3FFFF800, s22;
	[tilespmem:s15+$0x180] =	vst v19  }
0xa5: {  	v19 =	vld [tilespmem:s22+$0x200]  }
0xa6: {  	v20 =	vld [tilespmem:s22+$0x210]  }
0xa7: {  	v21 =	vld [tilespmem:s22+$0x220]  }
0xa8: {  	v22 =	vperm.xlane v18, v2;
	v23 =	vld [tilespmem:s22+$0x230]  }
0xa9: {  	v24 =	vld [tilespmem:s22+$0x240]  }
0xaa: {  	v25 =	vld [tilespmem:s22+$0x250];
	v19 =	vmul.f32 v19, v22  }
0xab: {  	v26 =	vld [tilespmem:s22+$0x260];
	v20 =	vmul.f32 v20, v22  }
0xac: {  	v43 =	vld [tilespmem:s22+$0x270];
	[tilespmem:s22+$0x200] =	vst v19;
	v19 =	vmul.f32 v21, v22  }
0xad: {  	v45 =	vld [tilespmem:s22+$0x280];
	v44 =	vmul.f32 v23, v22;
	[tilespmem:s22+$0x210] =	vst v20  }
0xae: {  	v46 =	vld [tilespmem:s22+$0x290];
	[tilespmem:s22+$0x220] =	vst v19;
	v19 =	vmul.f32 v24, v22  }
0xaf: {  	v48 =	vld [tilespmem:s22+$0x2A0];
	v47 =	vmul.f32 v25, v22;
	[tilespmem:s22+$0x230] =	vst v44  }
0xb0: {  	v49 =	vperm.xlane v18, v3;
	v27 =	vld [tilespmem:s22+$0x2B0];
	[tilespmem:s22+$0x240] =	vst v19;
	v19 =	vmul.f32 v26, v22  }
0xb1: {  	v51 =	vld [tilespmem:s22+$0x2C0];
	v50 =	vmul.f32 v43, v22;
	[tilespmem:s22+$0x250] =	vst v47  }
0xb2: {  	v52 =	vld [tilespmem:s22+$0x2D0];
	[tilespmem:s22+$0x260] =	vst v19;
	v19 =	vmul.f32 v45, v49  }
0xb3: {  	v54 =	vld [tilespmem:s22+$0x2E0];
	v53 =	vmul.f32 v46, v49;
	[tilespmem:s22+$0x270] =	vst v50  }
0xb4: {  	v55 =	vld [tilespmem:s22+$0x2F0];
	[tilespmem:s22+$0x280] =	vst v19;
	v19 =	vmul.f32 v48, v49  }
0xb5: {  	v57 =	vld [tilespmem:s22+$0x300];
	v56 =	vmul.f32 v27, v49;
	[tilespmem:s22+$0x290] =	vst v53  }
0xb6: {  	v58 =	vld [tilespmem:s22+$0x310];
	[tilespmem:s22+$0x2A0] =	vst v19;
	v19 =	vmul.f32 v51, v49  }
0xb7: {  	v60 =	vld [tilespmem:s22+$0x320];
	v59 =	vmul.f32 v52, v49;
	[tilespmem:s22+$0x2B0] =	vst v56  }
0xb8: {  	v61 =	vperm.xlane v18, v4;
	v62 =	vld [tilespmem:s22+$0x330];
	[tilespmem:s22+$0x2C0] =	vst v19;
	v19 =	vmul.f32 v54, v49  }
0xb9: {  	v28 =	vld [tilespmem:s22+$0x340];
	v63 =	vmul.f32 v55, v49;
	[tilespmem:s22+$0x2D0] =	vst v59  }
0xba: {  	v29 =	vld [tilespmem:s22+$0x350];
	[tilespmem:s22+$0x2E0] =	vst v19;
	v19 =	vmul.f32 v57, v61  }
0xbb: {  	v31 =	vld [tilespmem:s22+$0x360];
	v30 =	vmul.f32 v58, v61;
	[tilespmem:s22+$0x2F0] =	vst v63  }
0xbc: {  	v32 =	vld [tilespmem:s22+$0x370];
	[tilespmem:s22+$0x300] =	vst v19;
	v19 =	vmul.f32 v60, v61  }
0xbd: {  	v34 =	vld [tilespmem:s22+$0x380];
	v33 =	vmul.f32 v62, v61;
	[tilespmem:s22+$0x310] =	vst v30  }
0xbe: {  	v35 =	vld [tilespmem:s22+$0x390];
	[tilespmem:s22+$0x320] =	vst v19;
	v19 =	vmul.f32 v28, v61  }
0xbf: {  	v37 =	vld [tilespmem:s22+$0x3A0];
	v36 =	vmul.f32 v29, v61;
	[tilespmem:s22+$0x330] =	vst v33  }
0xc0: {  	v38 =	vperm.xlane v18, v5;
	v39 =	vld [tilespmem:s22+$0x3B0];
	[tilespmem:s22+$0x340] =	vst v19;
	v19 =	vmul.f32 v31, v61  }
0xc1: {  	v41 =	vld [tilespmem:s22+$0x3C0];
	v40 =	vmul.f32 v32, v61;
	[tilespmem:s22+$0x350] =	vst v36  }
0xc2: {  	v45 =	vld [tilespmem:s22+$0x3F0];
	[tilespmem:s22+$0x360] =	vst v19;
	v19 =	vmul.f32 v34, v38  }
0xc3: {  	v43 =	vmul.f32 v35, v38;
	[tilespmem:s22+$0x370] =	vst v40;
	v44 =	vld [tilespmem:s22+$0x3E0]  }
0xc4: {  	v42 =	vld [tilespmem:s22+$0x3D0];
	[tilespmem:s22+$0x380] =	vst v19;
	v19 =	vmul.f32 v37, v38  }
0xc5: {  	v46 =	vmul.f32 v39, v38;
	[tilespmem:s22+$0x390] =	vst v43;
	v47 =	vld [tilespmem:s22+$0x400]  }
0xc6: {  	v52 =	vld [tilespmem:s22+$0x430];
	[tilespmem:s22+$0x3A0] =	vst v19;
	v19 =	vmul.f32 v41, v38  }
0xc7: {  	[tilespmem:s22+$0x3B0] =	vst v46;
	v50 =	vld [tilespmem:s22+$0x420];
	v53 =	vmul.f32 v45, v38  }
0xc8: {  	v55 =	vld [tilespmem:s22+$0x450];
	v51 =	vperm.xlane v18, v6;
	[tilespmem:s22+$0x3C0] =	vst v19;
	v19 =	vmul.f32 v44, v38  }
0xc9: {  	v49 =	vmul.f32 v42, v38;
	v54 =	vld [tilespmem:s22+$0x440];
	[tilespmem:s22+$0x3F0] =	vst v53  }
0xca: {  	v58 =	vld [tilespmem:s22+$0x470];
	[tilespmem:s22+$0x3E0] =	vst v19;
	v19 =	vmul.f32 v47, v51  }
0xcb: {  	v59 =	vmul.f32 v52, v51;
	[tilespmem:s22+$0x3D0] =	vst v49;
	v57 =	vld [tilespmem:s22+$0x460]  }
0xcc: {  	v48 =	vld [tilespmem:s22+$0x410];
	[tilespmem:s22+$0x400] =	vst v19;
	v19 =	vmul.f32 v50, v51  }
0xcd: {  	v62 =	vmul.f32 v55, v51;
	[tilespmem:s22+$0x430] =	vst v59;
	v60 =	vld [tilespmem:s22+$0x480]  }
0xce: {  	v40 =	vld [tilespmem:s22+$0x510];
	[tilespmem:s22+$0x420] =	vst v19;
	v19 =	vmul.f32 v54, v51  }
0xcf: {  	v63 =	vld [tilespmem:s22+$0x4A0];
	v32 =	vmul.f32 v58, v51;
	[tilespmem:s22+$0x450] =	vst v62  }
0xd0: {  	v30 =	vperm.xlane v18, v7;
	v61 =	vld [tilespmem:s22+$0x490];
	[tilespmem:s22+$0x440] =	vst v19;
	v19 =	vmul.f32 v57, v51  }
0xd1: {  	v33 =	vld [tilespmem:s22+$0x4C0];
	v43 =	vperm.xlane v18, v8;
	v56 =	vmul.f32 v48, v51;
	[tilespmem:s22+$0x470] =	vst v32  }
0xd2: {  	v53 =	vld [tilespmem:s22+$0x590];
	[tilespmem:s22+$0x460] =	vst v19;
	v19 =	vmul.f32 v60, v30  }
0xd3: {  	v36 =	vld [tilespmem:s22+$0x4E0];
	v48 =	vmul.f32 v40, v43;
	[tilespmem:s22+$0x410] =	vst v56  }
0xd4: {  	v31 =	vld [tilespmem:s22+$0x4B0];
	[tilespmem:s22+$0x480] =	vst v19;
	v19 =	vmul.f32 v63, v30  }
0xd5: {  	v39 =	vld [tilespmem:s22+$0x500];
	[tilespmem:s22+$0x510] =	vst v48;
	v56 =	vperm.xlane v18, v9;
	v35 =	vmul.f32 v61, v30  }
0xd6: {  	v34 =	vld [tilespmem:s22+$0x4D0];
	[tilespmem:s22+$0x4A0] =	vst v19;
	v19 =	vmul.f32 v33, v30  }
0xd7: {  	v42 =	vld [tilespmem:s22+$0x520];
	v61 =	vmul.f32 v53, v56;
	[tilespmem:s22+$0x490] =	vst v35  }
0xd8: {  	v37 =	vld [tilespmem:s22+$0x4F0];
	[tilespmem:s22+$0x4C0] =	vst v19;
	v19 =	vmul.f32 v36, v30  }
0xd9: {  	v46 =	vld [tilespmem:s22+$0x540];
	[tilespmem:s22+$0x590] =	vst v61;
	v38 =	vmul.f32 v31, v30  }
0xda: {  	v47 =	vld [tilespmem:s22+$0x550];
	[tilespmem:s22+$0x4E0] =	vst v19;
	v19 =	vmul.f32 v39, v43  }
0xdb: {  	v49 =	vld [tilespmem:s22+$0x560];
	v41 =	vmul.f32 v34, v30;
	[tilespmem:s22+$0x4B0] =	vst v38  }
0xdc: {  	v38 =	vld [tilespmem:s22+$0x650];
	[tilespmem:s22+$0x500] =	vst v19;
	v19 =	vmul.f32 v42, v43  }
0xdd: {  	v52 =	vld [tilespmem:s22+$0x580];
	[tilespmem:s22+$0x4D0] =	vst v41;
	v45 =	vmul.f32 v37, v30  }
0xde: {  	v44 =	vld [tilespmem:s22+$0x530];
	[tilespmem:s22+$0x520] =	vst v19;
	v19 =	vmul.f32 v46, v43  }
0xdf: {  	v55 =	vld [tilespmem:s22+$0x5A0];
	v34 =	vperm.xlane v18, v10;
	[tilespmem:s22+$0x4F0] =	vst v45;
	v54 =	vmul.f32 v47, v43  }
0xe0: {  	v50 =	vld [tilespmem:s22+$0x570];
	[tilespmem:s22+$0x540] =	vst v19;
	v19 =	vmul.f32 v49, v43  }
0xe1: {  	v59 =	vld [tilespmem:s22+$0x5C0];
	v45 =	vmul.f32 v38, v34;
	[tilespmem:s22+$0x550] =	vst v54  }
0xe2: {  	v57 =	vld [tilespmem:s22+$0x5B0];
	[tilespmem:s22+$0x560] =	vst v19;
	v19 =	vmul.f32 v52, v56  }
0xe3: {  	v62 =	vld [tilespmem:s22+$0x5E0];
	v51 =	vmul.f32 v44, v43;
	[tilespmem:s22+$0x650] =	vst v45  }
0xe4: {  	v60 =	vld [tilespmem:s22+$0x5D0];
	[tilespmem:s22+$0x580] =	vst v19;
	v19 =	vmul.f32 v55, v56  }
0xe5: {  	v58 =	vmul.f32 v50, v43;
	[tilespmem:s22+$0x530] =	vst v51;
	v30 =	vld [tilespmem:s22+$0x600]  }
0xe6: {  	v51 =	vld [tilespmem:s22+$0x6D0];
	[tilespmem:s22+$0x5A0] =	vst v19;
	v19 =	vmul.f32 v59, v56  }
0xe7: {  	[tilespmem:s22+$0x570] =	vst v58;
	v29 =	vmul.f32 v57, v56;
	v33 =	vld [tilespmem:s22+$0x620]  }
0xe8: {  	v63 =	vld [tilespmem:s22+$0x5F0];
	[tilespmem:s22+$0x5C0] =	vst v19;
	v19 =	vmul.f32 v62, v56  }
0xe9: {  	v37 =	vld [tilespmem:s22+$0x640];
	v47 =	vperm.xlane v18, v11;
	[tilespmem:s22+$0x5B0] =	vst v29;
	v32 =	vmul.f32 v60, v56  }
0xea: {  	v61 =	vld [tilespmem:s22+$0x730];
	[tilespmem:s22+$0x5E0] =	vst v19;
	v19 =	vmul.f32 v30, v34  }
0xeb: {  	v40 =	vld [tilespmem:s22+$0x660];
	v58 =	vmul.f32 v51, v47;
	[tilespmem:s22+$0x5D0] =	vst v32  }
0xec: {  	v31 =	vld [tilespmem:s22+$0x610];
	[tilespmem:s22+$0x600] =	vst v19;
	v19 =	vmul.f32 v33, v34  }
0xed: {  	v60 =	vperm.xlane v18, v12;
	v36 =	vmul.f32 v63, v56;
	[tilespmem:s22+$0x6D0] =	vst v58;
	v43 =	vld [tilespmem:s22+$0x680]  }
0xee: {  	v57 =	vld [tilespmem:s22+$0x710];
	[tilespmem:s22+$0x620] =	vst v19;
	v19 =	vmul.f32 v37, v34  }
0xef: {  	v32 =	vmul.f32 v61, v60;
	[tilespmem:s22+$0x5F0] =	vst v36;
	v46 =	vld [tilespmem:s22+$0x6A0]  }
0xf0: {  	v35 =	vld [tilespmem:s22+$0x630];
	[tilespmem:s22+$0x640] =	vst v19;
	v19 =	vmul.f32 v40, v34  }
0xf1: {  	v50 =	vld [tilespmem:s22+$0x6C0];
	v39 =	vmul.f32 v31, v34;
	[tilespmem:s22+$0x730] =	vst v32  }
0xf2: {  	v28 =	vld [tilespmem:s22+$0x750];
	[tilespmem:s22+$0x660] =	vst v19;
	v19 =	vmul.f32 v43, v47  }
0xf3: {  	v53 =	vld [tilespmem:s22+$0x6E0];
	v29 =	vmul.f32 v57, v60;
	[tilespmem:s22+$0x610] =	vst v39  }
0xf4: {  	v31 =	vld [tilespmem:s22+$0x770];
	[tilespmem:s22+$0x680] =	vst v19;
	v19 =	vmul.f32 v46, v47  }
0xf5: {  	v42 =	vmul.f32 v35, v34;
	[tilespmem:s22+$0x710] =	vst v29;
	v56 =	vld [tilespmem:s22+$0x700]  }
0xf6: {  	v41 =	vld [tilespmem:s22+$0x670];
	[tilespmem:s22+$0x6A0] =	vst v19;
	v19 =	vmul.f32 v50, v47  }
0xf7: {  	v35 =	vmul.f32 v28, v60;
	[tilespmem:s22+$0x630] =	vst v42;
	v59 =	vld [tilespmem:s22+$0x720]  }
0xf8: {  	v44 =	vld [tilespmem:s22+$0x690];
	[tilespmem:s22+$0x6C0] =	vst v19;
	v19 =	vmul.f32 v53, v47  }
0xf9: {  	v63 =	vld [tilespmem:s22+$0x740];
	[tilespmem:s22+$0x750] =	vst v35;
	v39 =	vmul.f32 v31, v60  }
0xfa: {  	v48 =	vld [tilespmem:s22+$0x6B0];
	[tilespmem:s22+$0x6E0] =	vst v19;
	v19 =	vmul.f32 v56, v60  }
0xfb: {  	v49 =	vmul.f32 v41, v34;
	[tilespmem:s22+$0x770] =	vst v39;
	v30 =	vld [tilespmem:s22+$0x760]  }
0xfc: {  	v54 =	vld [tilespmem:s22+$0x6F0];
	[tilespmem:s22+$0x700] =	vst v19;
	v19 =	vmul.f32 v59, v60  }
0xfd: {  	[tilespmem:s22+$0x670] =	vst v49;
	v52 =	vmul.f32 v44, v47;
	v33 =	vld [tilespmem:s22+$0x780]  }
0xfe: {  	v38 =	vld [tilespmem:s22+$0x7B0];
	[tilespmem:s22+$0x720] =	vst v19;
	v19 =	vmul.f32 v63, v60  }
0xff: {  	v36 =	vld [tilespmem:s22+$0x7A0];
	[tilespmem:s22+$0x690] =	vst v52;
	v55 =	vmul.f32 v48, v47  }
0x100: {  	v41 =	vld [tilespmem:s22+$0x7D0];
	v37 =	vperm.xlane v18, v13;
	[tilespmem:s22+$0x740] =	vst v19;
	v19 =	vmul.f32 v30, v60  }
0x101: {  	[tilespmem:s22+$0x6B0] =	vst v55;
	v62 =	vmul.f32 v54, v47;
	v40 =	vld [tilespmem:s22+$0x7C0]  }
0x102: {  	v44 =	vld [tilespmem:s22+$0x7F0];
	[tilespmem:s22+$0x760] =	vst v19;
	v19 =	vmul.f32 v33, v37  }
0x103: {  	[tilespmem:s22+$0x6F0] =	vst v62;
	v45 =	vmul.f32 v38, v37;
	v43 =	vld [tilespmem:s22+$0x7E0]  }
0x104: {  	v34 =	vld [tilespmem:s22+$0x790];
	[tilespmem:s22+$0x780] =	vst v19;
	v19 =	vmul.f32 v36, v37  }
0x105: {  	v48 =	vmul.f32 v41, v37;
	[tilespmem:s22+$0x7B0] =	vst v45;
	v46 =	vld [tilespmem:s22+$0x800]  }
0x106: {  	v51 =	vld [tilespmem:s22+$0x830];
	[tilespmem:s22+$0x7A0] =	vst v19;
	v19 =	vmul.f32 v40, v37  }
0x107: {  	v49 =	vld [tilespmem:s22+$0x820];
	v52 =	vmul.f32 v44, v37;
	[tilespmem:s22+$0x7D0] =	vst v48  }
0x108: {  	v54 =	vld [tilespmem:s22+$0x850];
	v50 =	vperm.xlane v18, v14;
	[tilespmem:s22+$0x7C0] =	vst v19;
	v19 =	vmul.f32 v43, v37  }
0x109: {  	[tilespmem:s22+$0x7F0] =	vst v52;
	v42 =	vmul.f32 v34, v37;
	v53 =	vld [tilespmem:s22+$0x840]  }
0x10a: {  	v57 =	vld [tilespmem:s22+$0x870];
	[tilespmem:s22+$0x7E0] =	vst v19;
	v19 =	vmul.f32 v46, v50  }
0x10b: {  	[tilespmem:s22+$0x790] =	vst v42;
	v58 =	vmul.f32 v51, v50;
	v56 =	vld [tilespmem:s22+$0x860]  }
0x10c: {  	v47 =	vld [tilespmem:s22+$0x810];
	[tilespmem:s22+$0x800] =	vst v19;
	v19 =	vmul.f32 v49, v50  }
0x10d: {  	v61 =	vmul.f32 v54, v50;
	[tilespmem:s22+$0x830] =	vst v58;
	v59 =	vld [tilespmem:s22+$0x880]  }
0x10e: {  	v39 =	vld [tilespmem:s22+$0x910];
	[tilespmem:s22+$0x820] =	vst v19;
	v19 =	vmul.f32 v53, v50  }
0x10f: {  	v62 =	vld [tilespmem:s22+$0x8A0];
	v31 =	vmul.f32 v57, v50;
	[tilespmem:s22+$0x850] =	vst v61  }
0x110: {  	v63 =	vperm.xlane v18, v15;
	v60 =	vld [tilespmem:s22+$0x890];
	[tilespmem:s22+$0x840] =	vst v19;
	v19 =	vmul.f32 v56, v50  }
0x111: {  	v32 =	vld [tilespmem:s22+$0x8C0];
	v42 =	vperm.xlane v18, v16;
	[tilespmem:s22+$0x870] =	vst v31;
	v55 =	vmul.f32 v47, v50  }
0x112: {  	v33 =	vld [tilespmem:s22+$0x8D0];
	[tilespmem:s22+$0x860] =	vst v19;
	v19 =	vmul.f32 v59, v63  }
0x113: {  	v35 =	vld [tilespmem:s22+$0x8E0];
	v47 =	vmul.f32 v39, v42;
	[tilespmem:s22+$0x810] =	vst v55  }
0x114: {  	v30 =	vld [tilespmem:s22+$0x8B0];
	[tilespmem:s22+$0x880] =	vst v19;
	v19 =	vmul.f32 v62, v63  }
0x115: {  	v38 =	vld [tilespmem:s22+$0x900];
	[tilespmem:s22+$0x910] =	vst v47;
	v34 =	vmul.f32 v60, v63  }
0x116: {  	v36 =	vld [tilespmem:s22+$0x8F0];
	[tilespmem:s22+$0x8A0] =	vst v19;
	v19 =	vmul.f32 v32, v63  }
0x117: {  	v41 =	vld [tilespmem:s22+$0x920];
	[tilespmem:s22+$0x890] =	vst v34;
	v40 =	vmul.f32 v33, v63  }
0x118: {  	v46 =	vld [tilespmem:s22+$0x950];
	[tilespmem:s22+$0x8C0] =	vst v19;
	v19 =	vmul.f32 v35, v63  }
0x119: {  	v45 =	vld [tilespmem:s22+$0x940];
	v37 =	vmul.f32 v30, v63;
	[tilespmem:s22+$0x8D0] =	vst v40  }
0x11a: {  	v43 =	vld [tilespmem:s22+$0x930];
	[tilespmem:s22+$0x8E0] =	vst v19;
	v19 =	vmul.f32 v38, v42  }
0x11b: {  	v48 =	vld [tilespmem:s22+$0x960];
	v44 =	vmul.f32 v36, v63;
	[tilespmem:s22+$0x8B0] =	vst v37  }
0x11c: {  	v49 =	vld [tilespmem:s22+$0x970];
	[tilespmem:s22+$0x900] =	vst v19;
	v19 =	vmul.f32 v41, v42  }
0x11d: {  	v51 =	vld [tilespmem:s22+$0x980];
	[tilespmem:s22+$0x8F0] =	vst v44;
	v53 =	vmul.f32 v46, v42  }
0x11e: {  	v52 =	vld [tilespmem:s22+$0x990];
	[tilespmem:s22+$0x920] =	vst v19;
	v19 =	vmul.f32 v45, v42  }
0x11f: {  	v54 =	vld [tilespmem:s22+$0x9A0];
	v50 =	vmul.f32 v43, v42;
	[tilespmem:s22+$0x950] =	vst v53  }
0x120: {  	v18 =	vperm.xlane v18, v17;
	v55 =	vld [tilespmem:s22+$0x9B0];
	[tilespmem:s22+$0x940] =	vst v19;
	v19 =	vmul.f32 v48, v42  }
0x121: {  	v57 =	vld [tilespmem:s22+$0x9C0];
	v56 =	vmul.f32 v49, v42;
	[tilespmem:s22+$0x930] =	vst v50  }
0x122: {  	v58 =	vld [tilespmem:s22+$0x9D0];
	[tilespmem:s22+$0x960] =	vst v19;
	v19 =	vmul.f32 v51, v18  }
0x123: {  	v60 =	vld [tilespmem:s22+$0x9E0];
	v59 =	vmul.f32 v52, v18;
	[tilespmem:s22+$0x970] =	vst v56  }
0x124: {  	v61 =	vld [tilespmem:s22+$0x9F0];
	[tilespmem:s22+$0x980] =	vst v19;
	v19 =	vmul.f32 v54, v18  }
0x125: {  	[tilespmem:s22+$0x990] =	vst v59;
	v62 =	vmul.f32 v55, v18  }
0x126: {  	p2 =	sne.s32 s14, $0x7;
	[tilespmem:s22+$0x9A0] =	vst v19;
	v19 =	vmul.f32 v57, v18  }
.Ltmp6:
0x127: {  	[tilespmem:s22+$0x9B0] =	vst v62;
	v63 =	vmul.f32 v58, v18;
	(pc) =	sbr.rel @p2 .LBB2_6-.Ltmp6, $4  }
0x128: {  	[tilespmem:s22+$0x9C0] =	vst v19;
	v19 =	vmul.f32 v60, v18  }
0x129: {  	[tilespmem:s22+$0x9D0] =	vst v63;
	v18 =	vmul.f32 v61, v18  }
0x12a: {  	[tilespmem:s22+$0x9E0] =	vst v19  }
0x12b: {  	s14 =	sadd.s32 $0x1, s14;
	[tilespmem:s22+$0x9F0] =	vst v18  }
0x12c: {  	[spmem:s2] =	stream.indirect.scatter.add.f32 [tilespmem:s30], [sflag:$0x5], $0x80, s24, s29, $0xb8;
	[tilespmem:$0x1FC80] =	vst v63  }
.LBB2_8:
0x12d: {  	s14 =	sadd.s32 s19, s13  }
0x12e: {  	p2 =	sgt.u32 s14, $0x4E1  }
0x12f: {  	s15 =	sshll.u32 @!p2 s14, $0x5  }
0x130: {  	s22 =	simm.s32 @!p2 $0x0;
	s14 =	sshll.u32 @!p2 s14, $0x4;
	s15 =	sadd.s32 @!p2 s1, s15  }
0x131: {  	[tilespmem:s22], [sflag:$0x3] =	stream.linear.gather @!p2 [hbm4b:s15+s22], $0x100, $0x38;
	[tilespmem:$0x1FC80] =	vst v63  }
0x132: {  	s14 =	sadd.s32 @!p2 s6, s14;
	s15 =	simm.s32 @!p2 $0x100  }
0x133: {  	[tilespmem:s15], [sflag:$0x3] =	stream.linear.gather @!p2 [hbm4b:s14+s22], $0x80, $0x38;
	[tilespmem:$0x1FC80] =	vst v63  }
0x134: {  	s14 =	simm.s32 @!p2 $0x5  }
0x135: {  	_ =	swait.ge @!p2 [sflag:s14], $0x4000  }
0x136: {  	[sflag:s14] =	ssyncset.done @!p2 $0x0  }
0x137: {  	[sflag:s14] =	ssyncadd.s32 @!p2 $0xFFFFC000;
	s14 =	simm.s32 @!p2 $0x3  }
0x138: {  	_ =	swait.ge @!p2 [sflag:s14], $0x100  }
0x139: {  	[sflag:s14] =	ssyncset.done @!p2 $0x0  }
0x13a: {  	[sflag:s14] =	ssyncadd.s32 @!p2 $0xFFFFFF00  }
0x13b: {  	_ =	swait.ge @!p2 [sflag:s14], $0x80  }
0x13c: {  	[sflag:s14] =	ssyncset.done @!p2 $0x0  }
0x13d: {  	[sflag:s14] =	ssyncadd.s32 @!p2 $0xFFFFFF80  }
0x13e: {  	v18 =	vld @!p2 [tilespmem:$0x0]  }
0x13f: {  	v19 =	vld @!p2 [tilespmem:$0x10]  }
0x140: {  	v20 =	vld @!p2 [tilespmem:$0x20]  }
0x141: {  	v21 =	vld @!p2 [tilespmem:$0x30]  }
0x142: {  	v22 =	vld @!p2 [tilespmem:$0x40]  }
0x143: {  	v23 =	vld @!p2 [tilespmem:$0x50];
	v18 =	vadd.s32 @!p2 v0, v18  }
0x144: {  	[tilespmem:$0x0] =	vst @!p2 v18;
	v18 =	vadd.s32 @!p2 v0, v19;
	v19 =	vld @!p2 [tilespmem:$0x60]  }
0x145: {  	[tilespmem:$0x10] =	vst @!p2 v18;
	v18 =	vadd.s32 @!p2 v0, v20;
	v20 =	vld @!p2 [tilespmem:$0x70]  }
0x146: {  	[tilespmem:$0x20] =	vst @!p2 v18;
	v18 =	vadd.s32 @!p2 v0, v21  }
0x147: {  	[tilespmem:$0x30] =	vst @!p2 v18;
	v18 =	vadd.s32 @!p2 v0, v22  }
.Ltmp7:
0x148: {  	[tilespmem:$0x40] =	vst @!p2 v18;
	v18 =	vadd.s32 @!p2 v0, v23;
	(pc) =	sbr.rel @p1 .LBB2_12-.Ltmp7, $4  }
0x149: {  	[tilespmem:$0x50] =	vst @!p2 v18;
	v18 =	vadd.s32 @!p2 v0, v19  }
0x14a: {  	[tilespmem:$0x60] =	vst @!p2 v18;
	v18 =	vadd.s32 @!p2 v0, v20  }
0x14b: {  	s15 =	simm.s32 @!p2 $0x200;
	s14 =	simm.s32 @!p2 $0x80;
	[tilespmem:$0x70] =	vst @!p2 v18  }
0x14c: {  	[tilespmem:s15], [sflag:$0x1] =	stream.indirect.gather @!p2 [hbm4b:s5+s14], $0x80, s22, s14, $0xb8;
	[tilespmem:$0x1FC80] =	vst v63  }
0x14d: {  	_ =	swait.ge [sflag:s26], $0x4000  }
0x14e: {  	[sflag:s26] =	ssyncset.done $0x0  }
0x14f: {  	s14 =	simm.s32 $0x0;
	[sflag:s26] =	ssyncadd.s32 $0xFFFFC000  }
.LBB2_10:
0x150: {  	s15 =	sshll.u32 s14, $0x4  }
0x151: {  	v19 =	vld [tilespmem:s15+$0x4300];
	_ =	sdelay $0x3  }
0x152: {  	s22 =	sshll.u32 s14, $0xB;
	v18 =	vld [tilespmem:s15+$0x4280]  }
0x153: {  	s22 =	sand.u32 $0x3FFFF800, s22;
	[tilespmem:s15+$0x4380] =	vst v19  }
0x154: {  	v19 =	vld [tilespmem:s22+$0x4400]  }
0x155: {  	v20 =	vld [tilespmem:s22+$0x4410]  }
0x156: {  	v21 =	vld [tilespmem:s22+$0x4420]  }
0x157: {  	v22 =	vperm.xlane v18, v2;
	v23 =	vld [tilespmem:s22+$0x4430]  }
0x158: {  	v24 =	vld [tilespmem:s22+$0x4440]  }
0x159: {  	v25 =	vld [tilespmem:s22+$0x4450];
	v19 =	vmul.f32 v19, v22  }
0x15a: {  	v26 =	vld [tilespmem:s22+$0x4460];
	v20 =	vmul.f32 v20, v22  }
0x15b: {  	v43 =	vld [tilespmem:s22+$0x4470];
	[tilespmem:s22+$0x4400] =	vst v19;
	v19 =	vmul.f32 v21, v22  }
0x15c: {  	v45 =	vld [tilespmem:s22+$0x4480];
	v44 =	vmul.f32 v23, v22;
	[tilespmem:s22+$0x4410] =	vst v20  }
0x15d: {  	v46 =	vld [tilespmem:s22+$0x4490];
	[tilespmem:s22+$0x4420] =	vst v19;
	v19 =	vmul.f32 v24, v22  }
0x15e: {  	v48 =	vld [tilespmem:s22+$0x44A0];
	v47 =	vmul.f32 v25, v22;
	[tilespmem:s22+$0x4430] =	vst v44  }
0x15f: {  	v49 =	vperm.xlane v18, v3;
	v27 =	vld [tilespmem:s22+$0x44B0];
	[tilespmem:s22+$0x4440] =	vst v19;
	v19 =	vmul.f32 v26, v22  }
0x160: {  	v51 =	vld [tilespmem:s22+$0x44C0];
	v50 =	vmul.f32 v43, v22;
	[tilespmem:s22+$0x4450] =	vst v47  }
0x161: {  	v52 =	vld [tilespmem:s22+$0x44D0];
	[tilespmem:s22+$0x4460] =	vst v19;
	v19 =	vmul.f32 v45, v49  }
0x162: {  	v54 =	vld [tilespmem:s22+$0x44E0];
	v53 =	vmul.f32 v46, v49;
	[tilespmem:s22+$0x4470] =	vst v50  }
0x163: {  	v55 =	vld [tilespmem:s22+$0x44F0];
	[tilespmem:s22+$0x4480] =	vst v19;
	v19 =	vmul.f32 v48, v49  }
0x164: {  	v57 =	vld [tilespmem:s22+$0x4500];
	v56 =	vmul.f32 v27, v49;
	[tilespmem:s22+$0x4490] =	vst v53  }
0x165: {  	v58 =	vld [tilespmem:s22+$0x4510];
	[tilespmem:s22+$0x44A0] =	vst v19;
	v19 =	vmul.f32 v51, v49  }
0x166: {  	v60 =	vld [tilespmem:s22+$0x4520];
	v59 =	vmul.f32 v52, v49;
	[tilespmem:s22+$0x44B0] =	vst v56  }
0x167: {  	v61 =	vperm.xlane v18, v4;
	v62 =	vld [tilespmem:s22+$0x4530];
	[tilespmem:s22+$0x44C0] =	vst v19;
	v19 =	vmul.f32 v54, v49  }
0x168: {  	v28 =	vld [tilespmem:s22+$0x4540];
	v63 =	vmul.f32 v55, v49;
	[tilespmem:s22+$0x44D0] =	vst v59  }
0x169: {  	v29 =	vld [tilespmem:s22+$0x4550];
	[tilespmem:s22+$0x44E0] =	vst v19;
	v19 =	vmul.f32 v57, v61  }
0x16a: {  	v31 =	vld [tilespmem:s22+$0x4560];
	v30 =	vmul.f32 v58, v61;
	[tilespmem:s22+$0x44F0] =	vst v63  }
0x16b: {  	v32 =	vld [tilespmem:s22+$0x4570];
	[tilespmem:s22+$0x4500] =	vst v19;
	v19 =	vmul.f32 v60, v61  }
0x16c: {  	v34 =	vld [tilespmem:s22+$0x4580];
	v33 =	vmul.f32 v62, v61;
	[tilespmem:s22+$0x4510] =	vst v30  }
0x16d: {  	v35 =	vld [tilespmem:s22+$0x4590];
	[tilespmem:s22+$0x4520] =	vst v19;
	v19 =	vmul.f32 v28, v61  }
0x16e: {  	v37 =	vld [tilespmem:s22+$0x45A0];
	v36 =	vmul.f32 v29, v61;
	[tilespmem:s22+$0x4530] =	vst v33  }
0x16f: {  	v38 =	vperm.xlane v18, v5;
	v39 =	vld [tilespmem:s22+$0x45B0];
	[tilespmem:s22+$0x4540] =	vst v19;
	v19 =	vmul.f32 v31, v61  }
0x170: {  	v41 =	vld [tilespmem:s22+$0x45C0];
	v40 =	vmul.f32 v32, v61;
	[tilespmem:s22+$0x4550] =	vst v36  }
0x171: {  	v45 =	vld [tilespmem:s22+$0x45F0];
	[tilespmem:s22+$0x4560] =	vst v19;
	v19 =	vmul.f32 v34, v38  }
0x172: {  	v43 =	vmul.f32 v35, v38;
	[tilespmem:s22+$0x4570] =	vst v40;
	v44 =	vld [tilespmem:s22+$0x45E0]  }
0x173: {  	v42 =	vld [tilespmem:s22+$0x45D0];
	[tilespmem:s22+$0x4580] =	vst v19;
	v19 =	vmul.f32 v37, v38  }
0x174: {  	v46 =	vmul.f32 v39, v38;
	[tilespmem:s22+$0x4590] =	vst v43;
	v47 =	vld [tilespmem:s22+$0x4600]  }
0x175: {  	v52 =	vld [tilespmem:s22+$0x4630];
	[tilespmem:s22+$0x45A0] =	vst v19;
	v19 =	vmul.f32 v41, v38  }
0x176: {  	[tilespmem:s22+$0x45B0] =	vst v46;
	v50 =	vld [tilespmem:s22+$0x4620];
	v53 =	vmul.f32 v45, v38  }
0x177: {  	v55 =	vld [tilespmem:s22+$0x4650];
	v51 =	vperm.xlane v18, v6;
	[tilespmem:s22+$0x45C0] =	vst v19;
	v19 =	vmul.f32 v44, v38  }
0x178: {  	v49 =	vmul.f32 v42, v38;
	v54 =	vld [tilespmem:s22+$0x4640];
	[tilespmem:s22+$0x45F0] =	vst v53  }
0x179: {  	v58 =	vld [tilespmem:s22+$0x4670];
	[tilespmem:s22+$0x45E0] =	vst v19;
	v19 =	vmul.f32 v47, v51  }
0x17a: {  	v59 =	vmul.f32 v52, v51;
	[tilespmem:s22+$0x45D0] =	vst v49;
	v57 =	vld [tilespmem:s22+$0x4660]  }
0x17b: {  	v48 =	vld [tilespmem:s22+$0x4610];
	[tilespmem:s22+$0x4600] =	vst v19;
	v19 =	vmul.f32 v50, v51  }
0x17c: {  	v62 =	vmul.f32 v55, v51;
	[tilespmem:s22+$0x4630] =	vst v59;
	v60 =	vld [tilespmem:s22+$0x4680]  }
0x17d: {  	v40 =	vld [tilespmem:s22+$0x4710];
	[tilespmem:s22+$0x4620] =	vst v19;
	v19 =	vmul.f32 v54, v51  }
0x17e: {  	v63 =	vld [tilespmem:s22+$0x46A0];
	v32 =	vmul.f32 v58, v51;
	[tilespmem:s22+$0x4650] =	vst v62  }
0x17f: {  	v30 =	vperm.xlane v18, v7;
	v61 =	vld [tilespmem:s22+$0x4690];
	[tilespmem:s22+$0x4640] =	vst v19;
	v19 =	vmul.f32 v57, v51  }
0x180: {  	v33 =	vld [tilespmem:s22+$0x46C0];
	v43 =	vperm.xlane v18, v8;
	v56 =	vmul.f32 v48, v51;
	[tilespmem:s22+$0x4670] =	vst v32  }
0x181: {  	v53 =	vld [tilespmem:s22+$0x4790];
	[tilespmem:s22+$0x4660] =	vst v19;
	v19 =	vmul.f32 v60, v30  }
0x182: {  	v36 =	vld [tilespmem:s22+$0x46E0];
	v48 =	vmul.f32 v40, v43;
	[tilespmem:s22+$0x4610] =	vst v56  }
0x183: {  	v31 =	vld [tilespmem:s22+$0x46B0];
	[tilespmem:s22+$0x4680] =	vst v19;
	v19 =	vmul.f32 v63, v30  }
0x184: {  	v39 =	vld [tilespmem:s22+$0x4700];
	[tilespmem:s22+$0x4710] =	vst v48;
	v56 =	vperm.xlane v18, v9;
	v35 =	vmul.f32 v61, v30  }
0x185: {  	v34 =	vld [tilespmem:s22+$0x46D0];
	[tilespmem:s22+$0x46A0] =	vst v19;
	v19 =	vmul.f32 v33, v30  }
0x186: {  	v42 =	vld [tilespmem:s22+$0x4720];
	v61 =	vmul.f32 v53, v56;
	[tilespmem:s22+$0x4690] =	vst v35  }
0x187: {  	v37 =	vld [tilespmem:s22+$0x46F0];
	[tilespmem:s22+$0x46C0] =	vst v19;
	v19 =	vmul.f32 v36, v30  }
0x188: {  	v46 =	vld [tilespmem:s22+$0x4740];
	[tilespmem:s22+$0x4790] =	vst v61;
	v38 =	vmul.f32 v31, v30  }
0x189: {  	v47 =	vld [tilespmem:s22+$0x4750];
	[tilespmem:s22+$0x46E0] =	vst v19;
	v19 =	vmul.f32 v39, v43  }
0x18a: {  	v49 =	vld [tilespmem:s22+$0x4760];
	v41 =	vmul.f32 v34, v30;
	[tilespmem:s22+$0x46B0] =	vst v38  }
0x18b: {  	v38 =	vld [tilespmem:s22+$0x4850];
	[tilespmem:s22+$0x4700] =	vst v19;
	v19 =	vmul.f32 v42, v43  }
0x18c: {  	v52 =	vld [tilespmem:s22+$0x4780];
	[tilespmem:s22+$0x46D0] =	vst v41;
	v45 =	vmul.f32 v37, v30  }
0x18d: {  	v44 =	vld [tilespmem:s22+$0x4730];
	[tilespmem:s22+$0x4720] =	vst v19;
	v19 =	vmul.f32 v46, v43  }
0x18e: {  	v55 =	vld [tilespmem:s22+$0x47A0];
	v34 =	vperm.xlane v18, v10;
	[tilespmem:s22+$0x46F0] =	vst v45;
	v54 =	vmul.f32 v47, v43  }
0x18f: {  	v50 =	vld [tilespmem:s22+$0x4770];
	[tilespmem:s22+$0x4740] =	vst v19;
	v19 =	vmul.f32 v49, v43  }
0x190: {  	v59 =	vld [tilespmem:s22+$0x47C0];
	v45 =	vmul.f32 v38, v34;
	[tilespmem:s22+$0x4750] =	vst v54  }
0x191: {  	v57 =	vld [tilespmem:s22+$0x47B0];
	[tilespmem:s22+$0x4760] =	vst v19;
	v19 =	vmul.f32 v52, v56  }
0x192: {  	v62 =	vld [tilespmem:s22+$0x47E0];
	v51 =	vmul.f32 v44, v43;
	[tilespmem:s22+$0x4850] =	vst v45  }
0x193: {  	v60 =	vld [tilespmem:s22+$0x47D0];
	[tilespmem:s22+$0x4780] =	vst v19;
	v19 =	vmul.f32 v55, v56  }
0x194: {  	v58 =	vmul.f32 v50, v43;
	[tilespmem:s22+$0x4730] =	vst v51;
	v30 =	vld [tilespmem:s22+$0x4800]  }
0x195: {  	v51 =	vld [tilespmem:s22+$0x48D0];
	[tilespmem:s22+$0x47A0] =	vst v19;
	v19 =	vmul.f32 v59, v56  }
0x196: {  	[tilespmem:s22+$0x4770] =	vst v58;
	v29 =	vmul.f32 v57, v56;
	v33 =	vld [tilespmem:s22+$0x4820]  }
0x197: {  	v63 =	vld [tilespmem:s22+$0x47F0];
	[tilespmem:s22+$0x47C0] =	vst v19;
	v19 =	vmul.f32 v62, v56  }
0x198: {  	v37 =	vld [tilespmem:s22+$0x4840];
	v47 =	vperm.xlane v18, v11;
	[tilespmem:s22+$0x47B0] =	vst v29;
	v32 =	vmul.f32 v60, v56  }
0x199: {  	v61 =	vld [tilespmem:s22+$0x4930];
	[tilespmem:s22+$0x47E0] =	vst v19;
	v19 =	vmul.f32 v30, v34  }
0x19a: {  	v40 =	vld [tilespmem:s22+$0x4860];
	v58 =	vmul.f32 v51, v47;
	[tilespmem:s22+$0x47D0] =	vst v32  }
0x19b: {  	v31 =	vld [tilespmem:s22+$0x4810];
	[tilespmem:s22+$0x4800] =	vst v19;
	v19 =	vmul.f32 v33, v34  }
0x19c: {  	v60 =	vperm.xlane v18, v12;
	v36 =	vmul.f32 v63, v56;
	[tilespmem:s22+$0x48D0] =	vst v58;
	v43 =	vld [tilespmem:s22+$0x4880]  }
0x19d: {  	v57 =	vld [tilespmem:s22+$0x4910];
	[tilespmem:s22+$0x4820] =	vst v19;
	v19 =	vmul.f32 v37, v34  }
0x19e: {  	v32 =	vmul.f32 v61, v60;
	[tilespmem:s22+$0x47F0] =	vst v36;
	v46 =	vld [tilespmem:s22+$0x48A0]  }
0x19f: {  	v35 =	vld [tilespmem:s22+$0x4830];
	[tilespmem:s22+$0x4840] =	vst v19;
	v19 =	vmul.f32 v40, v34  }
0x1a0: {  	v50 =	vld [tilespmem:s22+$0x48C0];
	v39 =	vmul.f32 v31, v34;
	[tilespmem:s22+$0x4930] =	vst v32  }
0x1a1: {  	v28 =	vld [tilespmem:s22+$0x4950];
	[tilespmem:s22+$0x4860] =	vst v19;
	v19 =	vmul.f32 v43, v47  }
0x1a2: {  	v53 =	vld [tilespmem:s22+$0x48E0];
	v29 =	vmul.f32 v57, v60;
	[tilespmem:s22+$0x4810] =	vst v39  }
0x1a3: {  	v31 =	vld [tilespmem:s22+$0x4970];
	[tilespmem:s22+$0x4880] =	vst v19;
	v19 =	vmul.f32 v46, v47  }
0x1a4: {  	v42 =	vmul.f32 v35, v34;
	[tilespmem:s22+$0x4910] =	vst v29;
	v56 =	vld [tilespmem:s22+$0x4900]  }
0x1a5: {  	v41 =	vld [tilespmem:s22+$0x4870];
	[tilespmem:s22+$0x48A0] =	vst v19;
	v19 =	vmul.f32 v50, v47  }
0x1a6: {  	v35 =	vmul.f32 v28, v60;
	[tilespmem:s22+$0x4830] =	vst v42;
	v59 =	vld [tilespmem:s22+$0x4920]  }
0x1a7: {  	v44 =	vld [tilespmem:s22+$0x4890];
	[tilespmem:s22+$0x48C0] =	vst v19;
	v19 =	vmul.f32 v53, v47  }
0x1a8: {  	v63 =	vld [tilespmem:s22+$0x4940];
	[tilespmem:s22+$0x4950] =	vst v35;
	v39 =	vmul.f32 v31, v60  }
0x1a9: {  	v48 =	vld [tilespmem:s22+$0x48B0];
	[tilespmem:s22+$0x48E0] =	vst v19;
	v19 =	vmul.f32 v56, v60  }
0x1aa: {  	v49 =	vmul.f32 v41, v34;
	[tilespmem:s22+$0x4970] =	vst v39;
	v30 =	vld [tilespmem:s22+$0x4960]  }
0x1ab: {  	v54 =	vld [tilespmem:s22+$0x48F0];
	[tilespmem:s22+$0x4900] =	vst v19;
	v19 =	vmul.f32 v59, v60  }
0x1ac: {  	[tilespmem:s22+$0x4870] =	vst v49;
	v52 =	vmul.f32 v44, v47;
	v33 =	vld [tilespmem:s22+$0x4980]  }
0x1ad: {  	v38 =	vld [tilespmem:s22+$0x49B0];
	[tilespmem:s22+$0x4920] =	vst v19;
	v19 =	vmul.f32 v63, v60  }
0x1ae: {  	v36 =	vld [tilespmem:s22+$0x49A0];
	[tilespmem:s22+$0x4890] =	vst v52;
	v55 =	vmul.f32 v48, v47  }
0x1af: {  	v41 =	vld [tilespmem:s22+$0x49D0];
	v37 =	vperm.xlane v18, v13;
	[tilespmem:s22+$0x4940] =	vst v19;
	v19 =	vmul.f32 v30, v60  }
0x1b0: {  	[tilespmem:s22+$0x48B0] =	vst v55;
	v62 =	vmul.f32 v54, v47;
	v40 =	vld [tilespmem:s22+$0x49C0]  }
0x1b1: {  	v44 =	vld [tilespmem:s22+$0x49F0];
	[tilespmem:s22+$0x4960] =	vst v19;
	v19 =	vmul.f32 v33, v37  }
0x1b2: {  	[tilespmem:s22+$0x48F0] =	vst v62;
	v45 =	vmul.f32 v38, v37;
	v43 =	vld [tilespmem:s22+$0x49E0]  }
0x1b3: {  	v34 =	vld [tilespmem:s22+$0x4990];
	[tilespmem:s22+$0x4980] =	vst v19;
	v19 =	vmul.f32 v36, v37  }
0x1b4: {  	v48 =	vmul.f32 v41, v37;
	[tilespmem:s22+$0x49B0] =	vst v45;
	v46 =	vld [tilespmem:s22+$0x4A00]  }
0x1b5: {  	v51 =	vld [tilespmem:s22+$0x4A30];
	[tilespmem:s22+$0x49A0] =	vst v19;
	v19 =	vmul.f32 v40, v37  }
0x1b6: {  	v49 =	vld [tilespmem:s22+$0x4A20];
	v52 =	vmul.f32 v44, v37;
	[tilespmem:s22+$0x49D0] =	vst v48  }
0x1b7: {  	v54 =	vld [tilespmem:s22+$0x4A50];
	v50 =	vperm.xlane v18, v14;
	[tilespmem:s22+$0x49C0] =	vst v19;
	v19 =	vmul.f32 v43, v37  }
0x1b8: {  	[tilespmem:s22+$0x49F0] =	vst v52;
	v42 =	vmul.f32 v34, v37;
	v53 =	vld [tilespmem:s22+$0x4A40]  }
0x1b9: {  	v57 =	vld [tilespmem:s22+$0x4A70];
	[tilespmem:s22+$0x49E0] =	vst v19;
	v19 =	vmul.f32 v46, v50  }
0x1ba: {  	[tilespmem:s22+$0x4990] =	vst v42;
	v58 =	vmul.f32 v51, v50;
	v56 =	vld [tilespmem:s22+$0x4A60]  }
0x1bb: {  	v47 =	vld [tilespmem:s22+$0x4A10];
	[tilespmem:s22+$0x4A00] =	vst v19;
	v19 =	vmul.f32 v49, v50  }
0x1bc: {  	v61 =	vmul.f32 v54, v50;
	[tilespmem:s22+$0x4A30] =	vst v58;
	v59 =	vld [tilespmem:s22+$0x4A80]  }
0x1bd: {  	v39 =	vld [tilespmem:s22+$0x4B10];
	[tilespmem:s22+$0x4A20] =	vst v19;
	v19 =	vmul.f32 v53, v50  }
0x1be: {  	v62 =	vld [tilespmem:s22+$0x4AA0];
	v31 =	vmul.f32 v57, v50;
	[tilespmem:s22+$0x4A50] =	vst v61  }
0x1bf: {  	v63 =	vperm.xlane v18, v15;
	v60 =	vld [tilespmem:s22+$0x4A90];
	[tilespmem:s22+$0x4A40] =	vst v19;
	v19 =	vmul.f32 v56, v50  }
0x1c0: {  	v32 =	vld [tilespmem:s22+$0x4AC0];
	v42 =	vperm.xlane v18, v16;
	[tilespmem:s22+$0x4A70] =	vst v31;
	v55 =	vmul.f32 v47, v50  }
0x1c1: {  	v33 =	vld [tilespmem:s22+$0x4AD0];
	[tilespmem:s22+$0x4A60] =	vst v19;
	v19 =	vmul.f32 v59, v63  }
0x1c2: {  	v35 =	vld [tilespmem:s22+$0x4AE0];
	v47 =	vmul.f32 v39, v42;
	[tilespmem:s22+$0x4A10] =	vst v55  }
0x1c3: {  	v30 =	vld [tilespmem:s22+$0x4AB0];
	[tilespmem:s22+$0x4A80] =	vst v19;
	v19 =	vmul.f32 v62, v63  }
0x1c4: {  	v38 =	vld [tilespmem:s22+$0x4B00];
	[tilespmem:s22+$0x4B10] =	vst v47;
	v34 =	vmul.f32 v60, v63  }
0x1c5: {  	v36 =	vld [tilespmem:s22+$0x4AF0];
	[tilespmem:s22+$0x4AA0] =	vst v19;
	v19 =	vmul.f32 v32, v63  }
0x1c6: {  	v41 =	vld [tilespmem:s22+$0x4B20];
	[tilespmem:s22+$0x4A90] =	vst v34;
	v40 =	vmul.f32 v33, v63  }
0x1c7: {  	v46 =	vld [tilespmem:s22+$0x4B50];
	[tilespmem:s22+$0x4AC0] =	vst v19;
	v19 =	vmul.f32 v35, v63  }
0x1c8: {  	v45 =	vld [tilespmem:s22+$0x4B40];
	v37 =	vmul.f32 v30, v63;
	[tilespmem:s22+$0x4AD0] =	vst v40  }
0x1c9: {  	v43 =	vld [tilespmem:s22+$0x4B30];
	[tilespmem:s22+$0x4AE0] =	vst v19;
	v19 =	vmul.f32 v38, v42  }
0x1ca: {  	v48 =	vld [tilespmem:s22+$0x4B60];
	v44 =	vmul.f32 v36, v63;
	[tilespmem:s22+$0x4AB0] =	vst v37  }
0x1cb: {  	v49 =	vld [tilespmem:s22+$0x4B70];
	[tilespmem:s22+$0x4B00] =	vst v19;
	v19 =	vmul.f32 v41, v42  }
0x1cc: {  	v51 =	vld [tilespmem:s22+$0x4B80];
	[tilespmem:s22+$0x4AF0] =	vst v44;
	v53 =	vmul.f32 v46, v42  }
0x1cd: {  	v52 =	vld [tilespmem:s22+$0x4B90];
	[tilespmem:s22+$0x4B20] =	vst v19;
	v19 =	vmul.f32 v45, v42  }
0x1ce: {  	v54 =	vld [tilespmem:s22+$0x4BA0];
	v50 =	vmul.f32 v43, v42;
	[tilespmem:s22+$0x4B50] =	vst v53  }
0x1cf: {  	v18 =	vperm.xlane v18, v17;
	v55 =	vld [tilespmem:s22+$0x4BB0];
	[tilespmem:s22+$0x4B40] =	vst v19;
	v19 =	vmul.f32 v48, v42  }
0x1d0: {  	v57 =	vld [tilespmem:s22+$0x4BC0];
	v56 =	vmul.f32 v49, v42;
	[tilespmem:s22+$0x4B30] =	vst v50  }
0x1d1: {  	v58 =	vld [tilespmem:s22+$0x4BD0];
	[tilespmem:s22+$0x4B60] =	vst v19;
	v19 =	vmul.f32 v51, v18  }
0x1d2: {  	v60 =	vld [tilespmem:s22+$0x4BE0];
	v59 =	vmul.f32 v52, v18;
	[tilespmem:s22+$0x4B70] =	vst v56  }
0x1d3: {  	v61 =	vld [tilespmem:s22+$0x4BF0];
	[tilespmem:s22+$0x4B80] =	vst v19;
	v19 =	vmul.f32 v54, v18  }
0x1d4: {  	[tilespmem:s22+$0x4B90] =	vst v59;
	v62 =	vmul.f32 v55, v18  }
0x1d5: {  	p1 =	sne.s32 s14, $0x7;
	[tilespmem:s22+$0x4BA0] =	vst v19;
	v19 =	vmul.f32 v57, v18  }
.Ltmp8:
0x1d6: {  	[tilespmem:s22+$0x4BB0] =	vst v62;
	v63 =	vmul.f32 v58, v18;
	(pc) =	sbr.rel @p1 .LBB2_10-.Ltmp8, $4  }
0x1d7: {  	[tilespmem:s22+$0x4BC0] =	vst v19;
	v19 =	vmul.f32 v60, v18  }
0x1d8: {  	[tilespmem:s22+$0x4BD0] =	vst v63;
	v18 =	vmul.f32 v61, v18  }
0x1d9: {  	[tilespmem:s22+$0x4BE0] =	vst v19  }
0x1da: {  	s14 =	sadd.s32 $0x1, s14;
	[tilespmem:s22+$0x4BF0] =	vst v18  }
.Ltmp9:
0x1db: {  	(pc) =	sbr.rel .LBB2_12-.Ltmp9, $2  }
0x1dc: {  	_ =	sdelay $0x2  }
0x1dd: {  	[spmem:s2] =	stream.indirect.scatter.add.f32 [tilespmem:s7], [sflag:$0x6], $0x80, s4, s29, $0xb8;
	[tilespmem:$0x1FC80] =	vst v63  }
.LBB2_14:
0x1de: {  	_ =	sfence.sel $0x180000  }
0x1df: {  	[bflag:$0x0] =	sbarrier.arrive $0xFFFF  }
0x1e0: {  	_ =	strace $0x90000047  }
0x1e1: {  	s0 =	stileid.u32;
	[bflag:$0x2] =	sbarrier.arrive $0xFFFF  }
0x1e2: {  	p0 =	sne.s32 s0, $0x0;
	s0 =	rddreg [dreg:$0x3]  }
0x1e3: {  	s0 =	sadd.s32 @!p0 $0x100000, s0  }
0x1e4: {  	[sflag:s0] =	ssyncadd.tile.s32 @!p0 $0x1;
	_ =	shalt  }
.Lfunc_end2:
_tile_overlayer_lowered:
.L_overlay_start_2:
0x1e5: {  	(tag) =	ssettag $0x2  }
0x1e6: {  	s0 =	rddreg [dreg:$0x0];
	s2 =	stileid.u32  }
0x1e7: {  	s1 =	rddreg [dreg:$0x1];
	p0 =	sne.s32 s2, $0x0  }
0x1e8: {  	s3 =	rddreg [dreg:$0x2];
	[bflag:$0x3] =	sbarrier.arrive $0xFFFF;
	s2 =	simm.s32 @!p0 $0x1C07  }
0x1e9: {  	[timem:s3], [sflag:s2] =	dma.local @!p0 [hbm:s0], s1  }
0x1ea: {  	s0 =	simm.s32 @!p0 $0x7  }
0x1eb: {  	_ =	swait.ge @!p0 [sflag:s0], s1  }
0x1ec: {  	s1 =	ssub.s32 @!p0 $0x0, s1;
	[sflag:s0] =	ssyncset.done @!p0 $0x0  }
0x1ed: {  	[sflag:s0] =	ssyncadd.s32 @!p0 s1  }
0x1ee: {  	[bflag:$0x3] =	sbarrier.arrive $0xFFFF  }
0x1ef: {  	_ =	shalt  }

</sc_bundles>
